<compile_context>
chip_gen: v7x
topology: tpu7x:2x2x1
jax: 0.10.2.dev20260603
libtpu: 0.0.44.dev20260713+nightly
codegen_flags: <defaults>
</compile_context>

<pallas_src>
import functools

import jax
import jax.numpy as jnp
from jax import lax
from jax.experimental import pallas as pl
from jax.experimental.pallas import tpu as pltpu
from jax.experimental.pallas import tpu_sc as plsc

_KEYS = (
    (1832780943, 270669613),
    (64467757, 2916123636),
    (2465931498, 255383827),
    (3134548294, 894150801),
)
_THRESH = (2516583, 1677722, 3355444, 838861)

_ROTS = ((13, 15, 26, 6), (17, 29, 16, 24))


def _threefry_bits(cnt_u32, k0, k1):
    ks0 = jnp.uint32(k0)
    ks1 = jnp.uint32(k1)
    ks2 = jnp.uint32((k0 ^ k1 ^ 0x1BD11BDA) & 0xFFFFFFFF)
    ks = (ks0, ks1, ks2)
    x0 = jnp.full_like(cnt_u32, ks0)
    x1 = cnt_u32 + ks1
    for i in range(5):
        rots = _ROTS[i % 2]
        for r in rots:
            x0 = x0 + x1
            x1 = (x1 << jnp.uint32(r)) | (x1 >> jnp.uint32(32 - r))
            x1 = x1 ^ x0
        x0 = x0 + ks[(i + 1) % 3]
        x1 = x1 + ks[(i + 2) % 3] + jnp.uint32(i + 1)
    return x0 ^ x1


def _masks_for(cnt_u32):
    out = []
    for (k0, k1), t in zip(_KEYS, _THRESH):
        bits = _threefry_bits(cnt_u32, k0, k1)
        mant = jnp.right_shift(bits, jnp.uint32(9)).astype(jnp.int32)
        out.append(mant < t)
    return out



def _attrs_kernel(S, L, uid_ref, ts_ref, et_ref,
                  muid_ref, mts_ref, met_ref,
                  m0_ref, m1_ref, m2_ref, m3_ref):
    b = pl.program_id(0)
    shape = (S, L)
    s_io = jax.lax.broadcasted_iota(jnp.int32, shape, 0)
    l_io = jax.lax.broadcasted_iota(jnp.int32, shape, 1)
    j = b * (S * L) + s_io * L + l_io
    m_uid, m_exe, m_ts, m_et = _masks_for(j.astype(jnp.uint32))

    blk = S * L
    uid = uid_ref[...].reshape(shape)
    ts = ts_ref[...].reshape(shape)
    et = et_ref[...].reshape(shape)
    muid_ref[...] = jnp.where(m_uid, 0, uid).reshape(blk)
    mts_ref[...] = jnp.where(m_ts, jnp.float32(0), ts).reshape(blk)
    met_ref[...] = jnp.where(m_et, 0, et).reshape(blk)
    m0_ref[...] = m_uid.reshape(blk)
    m1_ref[...] = m_exe.reshape(blk)
    m2_ref[...] = m_ts.reshape(blk)
    m3_ref[...] = m_et.reshape(blk)



_EXE_K0, _EXE_K1 = _KEYS[1]
_EXE_T = _THRESH[1]


def _sc_factor_vreg(row0):
    cnt = (row0 + lax.broadcasted_iota(jnp.int32, (16,), 0)).astype(jnp.uint32)
    bits = _threefry_bits(cnt, _EXE_K0, _EXE_K1)
    mant = jnp.right_shift(bits, jnp.uint32(9)).astype(jnp.int32)
    return jnp.where(mant < _EXE_T, jnp.float32(0), jnp.float32(1))


def _splat_lane(fvec, r):
    idx = jnp.full((16,), 0, jnp.int32) + r
    return lax.gather(
        fvec, idx[:, None],
        lax.GatherDimensionNumbers(
            offset_dims=(), collapsed_slice_dims=(0,),
            start_index_map=(0,)),
        (1,), mode=lax.GatherScatterMode.PROMISE_IN_BOUNDS)


def _make_sc_exe(n, d, n_workers):
    CH = 192
    full, tail = divmod(n, CH)
    base_c, extra = divmod(full, n_workers)
    assert tail % 16 == 0

    mesh = plsc.VectorSubcoreMesh(core_axis_name="c", subcore_axis_name="s")

    @functools.partial(
        pl.kernel, mesh=mesh,
        out_type=jax.ShapeDtypeStruct((n, d), jnp.float32),
        scratch_types=[
            pltpu.VMEM((CH, d), jnp.float32),
            pltpu.VMEM((CH, d), jnp.float32),
            pltpu.VMEM((CH, d), jnp.float32),
            pltpu.VMEM((CH, d), jnp.float32),
            pltpu.SemaphoreType.DMA,
            pltpu.SemaphoreType.DMA,
            pltpu.SemaphoreType.DMA,
            pltpu.SemaphoreType.DMA,
        ],
    )
    def sc_exe(exe_hbm, out_hbm, ib0, ib1, ob0, ob1, si0, si1, so0, so1):
        c = lax.axis_index("c")
        s = lax.axis_index("s")
        wid = s * jnp.int32(2) + c
        ibufs, obufs = (ib0, ib1), (ob0, ob1)
        isems, osems = (si0, si1), (so0, so1)
        nch_w = base_c + jnp.where(wid < extra, 1, 0)

        def row0_of(g):
            return pl.multiple_of((wid + g * n_workers) * CH, CH)

        def compute_rows(ib, ob, row0, nrows):
            def grp_body(v, cc):
                fvec = _sc_factor_vreg(row0 + 16 * v)

                @plsc.parallel_loop(0, 16, unroll=4)
                def _(r):
                    fac = _splat_lane(fvec, r)
                    row = 16 * v + r
                    for c8 in range(d // 16):
                        sl = pl.ds(c8 * 16, 16)
                        ob[row, sl] = ib[row, sl] * fac

                return cc

            lax.fori_loop(0, nrows // 16, grp_body, jnp.int32(0))

        @pl.when(nch_w > 0)
        def _():
            pltpu.async_copy(exe_hbm.at[pl.ds(row0_of(0), CH)], ib0, si0)

        def chunk_body(g, carry):
            for slot in (0, 1):
                @pl.when(g % 2 == slot)
                def _():
                    @pl.when(g + 1 < nch_w)
                    def _():
                        pltpu.async_copy(
                            exe_hbm.at[pl.ds(row0_of(g + 1), CH)],
                            ibufs[1 - slot], isems[1 - slot])
                    pltpu.make_async_copy(
                        exe_hbm.at[pl.ds(0, CH)], ibufs[slot],
                        isems[slot]).wait()

                    @pl.when(g >= 2)
                    def _():
                        pltpu.make_async_copy(
                            obufs[slot], out_hbm.at[pl.ds(0, CH)],
                            osems[slot]).wait()
                    compute_rows(ibufs[slot], obufs[slot], row0_of(g), CH)
                    pltpu.async_copy(
                        obufs[slot], out_hbm.at[pl.ds(row0_of(g), CH)],
                        osems[slot])
            return carry

        lax.fori_loop(0, nch_w, chunk_body, jnp.int32(0))

        for slot in (0, 1):
            @pl.when((nch_w > slot) & (((nch_w - 1 - slot) % 2) == 0))
            def _():
                pltpu.make_async_copy(
                    ob0, out_hbm.at[pl.ds(0, CH)], so0).wait()

            @pl.when((nch_w > slot) & (((nch_w - 1 - slot) % 2) == 1))
            def _():
                pltpu.make_async_copy(
                    ob1, out_hbm.at[pl.ds(0, CH)], so1).wait()

        if tail:
            @pl.when(wid == 0)
            def _():
                row0 = full * CH
                pltpu.sync_copy(exe_hbm.at[pl.ds(row0, tail)],
                                ib0.at[pl.ds(0, tail)])
                compute_rows(ib0, ob0, row0, tail)
                pltpu.sync_copy(ob0.at[pl.ds(0, tail)],
                                out_hbm.at[pl.ds(row0, tail)])

    return sc_exe


def kernel(uid, exe_path, timestamp, edge_type):
    n, d = exe_path.shape
    S, L = 8, 1024
    blk = S * L
    G = -(-n // blk)

    blk1 = pl.BlockSpec((blk,), lambda b: (b,))
    stage_a = pl.pallas_call(
        functools.partial(_attrs_kernel, S, L),
        grid=(G,),
        in_specs=[blk1, blk1, blk1],
        out_specs=[blk1] * 7,
        out_shape=[
            jax.ShapeDtypeStruct((n,), uid.dtype),
            jax.ShapeDtypeStruct((n,), timestamp.dtype),
            jax.ShapeDtypeStruct((n,), edge_type.dtype),
            jax.ShapeDtypeStruct((n,), jnp.bool_),
            jax.ShapeDtypeStruct((n,), jnp.bool_),
            jax.ShapeDtypeStruct((n,), jnp.bool_),
            jax.ShapeDtypeStruct((n,), jnp.bool_),
        ],
        compiler_params=pltpu.CompilerParams(
            dimension_semantics=("arbitrary",)),
    )
    (muid, mts, met, m_uid, m_exe, m_ts, m_et) = stage_a(
        uid, timestamp, edge_type)

    mexe = _make_sc_exe(n, d, 32)(exe_path)

    return muid, mexe, mts, met, m_uid, m_exe, m_ts, m_et

# --- scband reference (transcript-rebuilt; emitter-appended) ---
"""Pipeline reference for scband-attribute-type-masking-60498909331617 (READ-ONLY COPY).

The authoritative reference and input builder live on the scoring server;
editing this copy changes nothing except your own understanding.
"""

import jax, jax.numpy as jnp
import numpy as np

# rates per attribute type, mirroring AttributeTypeMasking.__init__ defaults
# uid -> IDENTITY (0.3), exe_path -> PATH (0.2), timestamp -> TEMPORAL (0.4), edge_type -> else branch (0.1)
_RATES = (('uid', 0.3), ('exe_path', 0.2), ('timestamp', 0.4), ('edge_type', 0.1))


def _make_masks(n):
    # deterministic stand-in for torch.rand(n_nodes) < rate
    base = jax.random.key(42)
    masks = {}
    for i, (name, rate) in enumerate(_RATES):
        u = jax.random.uniform(jax.random.fold_in(base, i), (n,), dtype=jnp.float32)
        masks[name] = u < rate
    return masks


def setup_inputs(seed: int = 0) -> dict:
    key = jax.random.key(seed)
    k1, k2, k3, k4 = jax.random.split(key, 4)
    n = 100000
    d = 128
    uid = jax.random.randint(k1, (n,), 0, 65536).astype(jnp.int64)
    exe_path = jax.random.normal(k2, (n, d), dtype=jnp.float32)
    timestamp = jax.random.uniform(k3, (n,), dtype=jnp.float32)
    edge_type = jax.random.randint(k4, (n,), 0, 64).astype(jnp.int64)
    return {'uid': uid, 'exe_path': exe_path, 'timestamp': timestamp, 'edge_type': edge_type}


def reference(uid, exe_path, timestamp, edge_type):
    n = uid.shape[0]
    masks = _make_masks(n)
    # masked[mask] = 0 (scatter-overwrite); integer attrs -> 0, float attrs -> 0.0
    masked_uid = jnp.where(masks['uid'], jnp.zeros((), dtype=uid.dtype), uid)
    masked_exe_path = jnp.where(masks['exe_path'][:, None], jnp.zeros((), dtype=exe_path.dtype), exe_path)
    masked_timestamp = jnp.where(masks['timestamp'], jnp.zeros((), dtype=timestamp.dtype), timestamp)
    masked_edge_type = jnp.where(masks['edge_type'], jnp.zeros((), dtype=edge_type.dtype), edge_type)
    return (masked_uid, masked_exe_path, masked_timestamp, masked_edge_type,
            masks['uid'], masks['exe_path'], masks['timestamp'], masks['edge_type'])

if __name__ == "__main__":
    import jax
    _d = setup_inputs()
    print(jax.jit(kernel)(*tuple(_d.values())))

</pallas_src>

<mosaic_0001>
#map = affine_map<(d0, d1) -> (0, 0)>
module attributes {stable_mosaic.version = 14 : i64} {
  func.func @sc_exe(%arg0: i32, %arg1: i32, %arg2: memref<100000x128xf32, #tpu.memory_space<hbm>>, %arg3: memref<100000x128xf32, #tpu.memory_space<hbm>>, %arg4: memref<192x128xf32, #tpu.memory_space<vmem>>, %arg5: memref<192x128xf32, #tpu.memory_space<vmem>>, %arg6: memref<192x128xf32, #tpu.memory_space<vmem>>, %arg7: memref<192x128xf32, #tpu.memory_space<vmem>>, %arg8: memref<!tpu.dma_semaphore, #tpu.memory_space<semaphore_mem>>, %arg9: memref<!tpu.dma_semaphore, #tpu.memory_space<semaphore_mem>>, %arg10: memref<!tpu.dma_semaphore, #tpu.memory_space<semaphore_mem>>, %arg11: memref<!tpu.dma_semaphore, #tpu.memory_space<semaphore_mem>>) attributes {dimension_semantics = [#tpu.dimension_semantics<core_parallel>, #tpu.dimension_semantics<subcore_parallel>], iteration_bounds = array<i64: 2, 16>, scalar_prefetch = 0 : i64, scratch_operands = 8 : i64, tpu.core_type = #tpu.core_type<sc_vector_subcore>, window_params = [{transform_indices = #map}, {transform_indices = #map}]} {
    %mul3A = arith.constant 2 : i32
    %mul3A_0 = arith.muli %arg1, %mul3A : i32
    %add3A = arith.addi %mul3A_0, %arg0 : i32
    %lt3A = arith.constant 8 : i32
    %lt3A_1 = arith.cmpi slt, %add3A, %lt3A : i32
    %jit3A = arith.constant 1 : i32
    %jit3A_2 = arith.constant 0 : i32
    %select_n3A = arith.select %lt3A_1, %jit3A, %jit3A_2 : i32
    %add3A_3 = arith.constant 16 : i32
    %add3A_4 = arith.addi %add3A_3, %select_n3A : i32
    %gt3A = arith.constant 0 : i32
    %gt3A_5 = arith.cmpi sgt, %add3A_4, %gt3A : i32
    %convert_element_type3A = arith.extui %gt3A_5 : i1 to i32
    %cond3A = arith.constant 0 : i32
    %cond3A_6 = arith.cmpi ne, %convert_element_type3A, %cond3A : i32
    scf.if %cond3A_6 {
      %add3A_128 = arith.constant 0 : i32
      %add3A_129 = arith.addi %add3A, %add3A_128 : i32
      %mul3A_130 = arith.constant 192 : i32
      %mul3A_131 = arith.muli %add3A_129, %mul3A_130 : i32
      %multiple_of3A = tpu.assume_multiple %mul3A_131, 192 : i32
      %dma_start3A = arith.constant 0 : i32
      %dma_start3A_132 = tpu.memref_slice %arg2[%multiple_of3A, %dma_start3A] : memref<100000x128xf32, #tpu.memory_space<hbm>> -> memref<192x128xf32, #tpu.memory_space<hbm>>
      %dma_start3A_133 = arith.constant 0 : i32
      %dma_start3A_134 = tpu.memref_slice %arg2[%multiple_of3A, %dma_start3A_133] : memref<100000x128xf32, #tpu.memory_space<hbm>> -> memref<192x128xf32, #tpu.memory_space<hbm>>
      tpu.enqueue_dma source(%dma_start3A_134 : memref<192x128xf32, #tpu.memory_space<hbm>>) target(%arg4 : memref<192x128xf32, #tpu.memory_space<vmem>>) target_semaphore(%arg8 : memref<!tpu.dma_semaphore, #tpu.memory_space<semaphore_mem>>)
    } else {
    }
    %while3A = arith.constant 0 : i32
    %while3A_7 = arith.constant 0 : i32
    %while3A_8 = arith.subi %add3A_4, %while3A_7 : i32
    %while3A_9 = arith.addi %while3A_7, %while3A_8 : i32
    %while3A_10 = arith.constant 1 : i32
    %while3A_11 = arith.divsi %while3A_8, %while3A_10 : i32
    %while3A_12 = arith.muli %while3A_11, %while3A_10 : i32
    %while3A_13 = arith.addi %while3A_7, %while3A_12 : i32
    %while3A_14 = arith.constant 1 : i32
    scf.for %while3A_128 = %while3A_7 to %while3A_13 step %while3A_14  : i32 {
      %jit3A_129 = arith.constant 2 : i32
      %eq3A_130 = arith.constant 0 : i32
      %eq3A_131 = arith.cmpi eq, %jit3A_129, %eq3A_130 : i32
      %jit3A_132 = arith.constant 1 : i32
      %select_n3A_133 = arith.select %eq3A_131, %jit3A_132, %jit3A_129 : i32
      %rem3A_134 = arith.remsi %while3A_128, %select_n3A_133 : i32
      %ne3A_135 = arith.constant 0 : i32
      %ne3A_136 = arith.cmpi ne, %rem3A_134, %ne3A_135 : i32
      %lt3A_137 = arith.constant 0 : i32
      %lt3A_138 = arith.cmpi slt, %rem3A_134, %lt3A_137 : i32
      %lt3A_139 = arith.constant 0 : i32
      %lt3A_140 = arith.cmpi slt, %select_n3A_133, %lt3A_139 : i32
      %ne3A_141 = arith.xori %lt3A_138, %lt3A_140 : i1
      %and3A_142 = arith.andi %ne3A_141, %ne3A_136 : i1
      %add3A_143 = arith.addi %rem3A_134, %select_n3A_133 : i32
      %select_n3A_144 = arith.select %and3A_142, %add3A_143, %rem3A_134 : i32
      %eq3A_145 = arith.constant 0 : i32
      %eq3A_146 = arith.cmpi eq, %select_n3A_144, %eq3A_145 : i32
      %convert_element_type3A_147 = arith.extui %eq3A_146 : i1 to i32
      %cond3A_148 = arith.constant 0 : i32
      %cond3A_149 = arith.cmpi ne, %convert_element_type3A_147, %cond3A_148 : i32
      scf.if %cond3A_149 {
        %add3A_171 = arith.constant 1 : i32
        %add3A_172 = arith.addi %while3A_128, %add3A_171 : i32
        %lt3A_173 = arith.cmpi slt, %add3A_172, %add3A_4 : i32
        %convert_element_type3A_174 = arith.extui %lt3A_173 : i1 to i32
        %cond3A_175 = arith.constant 0 : i32
        %cond3A_176 = arith.cmpi ne, %convert_element_type3A_174, %cond3A_175 : i32
        scf.if %cond3A_176 {
          %add3A_205 = arith.constant 1 : i32
          %add3A_206 = arith.addi %while3A_128, %add3A_205 : i32
          %mul3A_207 = arith.constant 32 : i32
          %mul3A_208 = arith.muli %add3A_206, %mul3A_207 : i32
          %add3A_209 = arith.addi %add3A, %mul3A_208 : i32
          %mul3A_210 = arith.constant 192 : i32
          %mul3A_211 = arith.muli %add3A_209, %mul3A_210 : i32
          %multiple_of3A_212 = tpu.assume_multiple %mul3A_211, 192 : i32
          %dma_start3A_213 = arith.constant 0 : i32
          %dma_start3A_214 = tpu.memref_slice %arg2[%multiple_of3A_212, %dma_start3A_213] : memref<100000x128xf32, #tpu.memory_space<hbm>> -> memref<192x128xf32, #tpu.memory_space<hbm>>
          %dma_start3A_215 = arith.constant 0 : i32
          %dma_start3A_216 = tpu.memref_slice %arg2[%multiple_of3A_212, %dma_start3A_215] : memref<100000x128xf32, #tpu.memory_space<hbm>> -> memref<192x128xf32, #tpu.memory_space<hbm>>
          tpu.enqueue_dma source(%dma_start3A_216 : memref<192x128xf32, #tpu.memory_space<hbm>>) target(%arg5 : memref<192x128xf32, #tpu.memory_space<vmem>>) target_semaphore(%arg9 : memref<!tpu.dma_semaphore, #tpu.memory_space<semaphore_mem>>)
        } else {
        }
        %dma_wait3A = arith.constant 0 : i32
        %dma_wait3A_177 = arith.constant 0 : i32
        %dma_wait3A_178 = tpu.memref_slice %arg2[%dma_wait3A, %dma_wait3A_177] : memref<100000x128xf32, #tpu.memory_space<hbm>> -> memref<192x128xf32, #tpu.memory_space<hbm>>
        %dma_wait3A_179 = arith.constant 0 : i32
        %dma_wait3A_180 = arith.constant 0 : i32
        %dma_wait3A_181 = tpu.memref_slice %arg2[%dma_wait3A_179, %dma_wait3A_180] : memref<100000x128xf32, #tpu.memory_space<hbm>> -> memref<192x128xf32, #tpu.memory_space<hbm>>
        tpu.wait_dma2 semaphore(%arg8 : memref<!tpu.dma_semaphore, #tpu.memory_space<semaphore_mem>>) src(%dma_wait3A_181 : memref<192x128xf32, #tpu.memory_space<hbm>>) dst(%arg4 : memref<192x128xf32, #tpu.memory_space<vmem>>)
        %ge3A = arith.constant 2 : i32
        %ge3A_182 = arith.cmpi sge, %while3A_128, %ge3A : i32
        %convert_element_type3A_183 = arith.extui %ge3A_182 : i1 to i32
        %cond3A_184 = arith.constant 0 : i32
        %cond3A_185 = arith.cmpi ne, %convert_element_type3A_183, %cond3A_184 : i32
        scf.if %cond3A_185 {
          %dma_wait3A_205 = arith.constant 0 : i32
          %dma_wait3A_206 = arith.constant 0 : i32
          %dma_wait3A_207 = tpu.memref_slice %arg3[%dma_wait3A_205, %dma_wait3A_206] : memref<100000x128xf32, #tpu.memory_space<hbm>> -> memref<192x128xf32, #tpu.memory_space<hbm>>
          %dma_wait3A_208 = arith.constant 0 : i32
          %dma_wait3A_209 = arith.constant 0 : i32
          %dma_wait3A_210 = tpu.memref_slice %arg3[%dma_wait3A_208, %dma_wait3A_209] : memref<100000x128xf32, #tpu.memory_space<hbm>> -> memref<192x128xf32, #tpu.memory_space<hbm>>
          tpu.wait_dma2 semaphore(%arg10 : memref<!tpu.dma_semaphore, #tpu.memory_space<semaphore_mem>>) src(%arg6 : memref<192x128xf32, #tpu.memory_space<vmem>>) dst(%dma_wait3A_210 : memref<192x128xf32, #tpu.memory_space<hbm>>)
        } else {
        }
        %mul3A_186 = arith.constant 32 : i32
        %mul3A_187 = arith.muli %while3A_128, %mul3A_186 : i32
        %add3A_188 = arith.addi %add3A, %mul3A_187 : i32
        %mul3A_189 = arith.constant 192 : i32
        %mul3A_190 = arith.muli %add3A_188, %mul3A_189 : i32
        %multiple_of3A = tpu.assume_multiple %mul3A_190, 192 : i32
        %scan3A = arith.constant 0 : i32
        %scan3A_191 = arith.constant 0 : i32
        %scan3A_192 = arith.constant 12 : i32
        %scan3A_193 = arith.addi %scan3A_191, %scan3A_192 : i32
        %scan3A_194 = arith.constant 1 : i32
        scf.for %scan3A_205 = %scan3A_191 to %scan3A_193 step %scan3A_194  : i32 {
          %mul3A_206 = arith.constant 16 : i32
          %mul3A_207 = arith.muli %mul3A_206, %scan3A_205 : i32
          %add3A_208 = arith.addi %multiple_of3A, %mul3A_207 : i32
          %iota3A = tpu.iota {dimensions = array<i32: 0>} : vector<16xi32>
          %add3A_209 = vector.broadcast %add3A_208 : i32 to vector<16xi32>
          %add3A_210 = arith.addi %add3A_209, %iota3A : vector<16xi32>
          %broadcast_in_dim3A = arith.constant 64467757 : i32
          %broadcast_in_dim3A_211 = vector.broadcast %broadcast_in_dim3A : i32 to vector<16xi32>
          %add3A_212 = arith.constant -1378843660 : i32
          %add3A_213 = vector.broadcast %add3A_212 : i32 to vector<16xi32>
          %add3A_214 = arith.addi %add3A_210, %add3A_213 : vector<16xi32>
          %add3A_215 = arith.addi %broadcast_in_dim3A_211, %add3A_214 : vector<16xi32>
          %shift_left3A = arith.constant 13 : i32
          %shift_left3A_216 = vector.broadcast %shift_left3A : i32 to vector<16xi32>
          %shift_left3A_217 = arith.shli %add3A_214, %shift_left3A_216 : vector<16xi32>
          %shift_right_logical3A = arith.constant 19 : i32
          %shift_right_logical3A_218 = vector.broadcast %shift_right_logical3A : i32 to vector<16xi32>
          %shift_right_logical3A_219 = arith.shrui %add3A_214, %shift_right_logical3A_218 : vector<16xi32>
          %or3A = arith.ori %shift_left3A_217, %shift_right_logical3A_219 : vector<16xi32>
          %xor3A = arith.xori %or3A, %add3A_215 : vector<16xi32>
          %add3A_220 = arith.addi %add3A_215, %xor3A : vector<16xi32>
          %shift_left3A_221 = arith.constant 15 : i32
          %shift_left3A_222 = vector.broadcast %shift_left3A_221 : i32 to vector<16xi32>
          %shift_left3A_223 = arith.shli %xor3A, %shift_left3A_222 : vector<16xi32>
          %shift_right_logical3A_224 = arith.constant 17 : i32
          %shift_right_logical3A_225 = vector.broadcast %shift_right_logical3A_224 : i32 to vector<16xi32>
          %shift_right_logical3A_226 = arith.shrui %xor3A, %shift_right_logical3A_225 : vector<16xi32>
          %or3A_227 = arith.ori %shift_left3A_223, %shift_right_logical3A_226 : vector<16xi32>
          %xor3A_228 = arith.xori %or3A_227, %add3A_220 : vector<16xi32>
          %add3A_229 = arith.addi %add3A_220, %xor3A_228 : vector<16xi32>
          %shift_left3A_230 = arith.constant 26 : i32
          %shift_left3A_231 = vector.broadcast %shift_left3A_230 : i32 to vector<16xi32>
          %shift_left3A_232 = arith.shli %xor3A_228, %shift_left3A_231 : vector<16xi32>
          %shift_right_logical3A_233 = arith.constant 6 : i32
          %shift_right_logical3A_234 = vector.broadcast %shift_right_logical3A_233 : i32 to vector<16xi32>
          %shift_right_logical3A_235 = arith.shrui %xor3A_228, %shift_right_logical3A_234 : vector<16xi32>
          %or3A_236 = arith.ori %shift_left3A_232, %shift_right_logical3A_235 : vector<16xi32>
          %xor3A_237 = arith.xori %or3A_236, %add3A_229 : vector<16xi32>
          %add3A_238 = arith.addi %add3A_229, %xor3A_237 : vector<16xi32>
          %shift_left3A_239 = arith.constant 6 : i32
          %shift_left3A_240 = vector.broadcast %shift_left3A_239 : i32 to vector<16xi32>
          %shift_left3A_241 = arith.shli %xor3A_237, %shift_left3A_240 : vector<16xi32>
          %shift_right_logical3A_242 = arith.constant 26 : i32
          %shift_right_logical3A_243 = vector.broadcast %shift_right_logical3A_242 : i32 to vector<16xi32>
          %shift_right_logical3A_244 = arith.shrui %xor3A_237, %shift_right_logical3A_243 : vector<16xi32>
          %or3A_245 = arith.ori %shift_left3A_241, %shift_right_logical3A_244 : vector<16xi32>
          %xor3A_246 = arith.xori %or3A_245, %add3A_238 : vector<16xi32>
          %add3A_247 = arith.constant -1378843660 : i32
          %add3A_248 = vector.broadcast %add3A_247 : i32 to vector<16xi32>
          %add3A_249 = arith.addi %add3A_238, %add3A_248 : vector<16xi32>
          %add3A_250 = arith.constant -1244255485 : i32
          %add3A_251 = vector.broadcast %add3A_250 : i32 to vector<16xi32>
          %add3A_252 = arith.addi %xor3A_246, %add3A_251 : vector<16xi32>
          %add3A_253 = arith.constant 1 : i32
          %add3A_254 = vector.broadcast %add3A_253 : i32 to vector<16xi32>
          %add3A_255 = arith.addi %add3A_252, %add3A_254 : vector<16xi32>
          %add3A_256 = arith.addi %add3A_249, %add3A_255 : vector<16xi32>
          %shift_left3A_257 = arith.constant 17 : i32
          %shift_left3A_258 = vector.broadcast %shift_left3A_257 : i32 to vector<16xi32>
          %shift_left3A_259 = arith.shli %add3A_255, %shift_left3A_258 : vector<16xi32>
          %shift_right_logical3A_260 = arith.constant 15 : i32
          %shift_right_logical3A_261 = vector.broadcast %shift_right_logical3A_260 : i32 to vector<16xi32>
          %shift_right_logical3A_262 = arith.shrui %add3A_255, %shift_right_logical3A_261 : vector<16xi32>
          %or3A_263 = arith.ori %shift_left3A_259, %shift_right_logical3A_262 : vector<16xi32>
          %xor3A_264 = arith.xori %or3A_263, %add3A_256 : vector<16xi32>
          %add3A_265 = arith.addi %add3A_256, %xor3A_264 : vector<16xi32>
          %shift_left3A_266 = arith.constant 29 : i32
          %shift_left3A_267 = vector.broadcast %shift_left3A_266 : i32 to vector<16xi32>
          %shift_left3A_268 = arith.shli %xor3A_264, %shift_left3A_267 : vector<16xi32>
          %shift_right_logical3A_269 = arith.constant 3 : i32
          %shift_right_logical3A_270 = vector.broadcast %shift_right_logical3A_269 : i32 to vector<16xi32>
          %shift_right_logical3A_271 = arith.shrui %xor3A_264, %shift_right_logical3A_270 : vector<16xi32>
          %or3A_272 = arith.ori %shift_left3A_268, %shift_right_logical3A_271 : vector<16xi32>
          %xor3A_273 = arith.xori %or3A_272, %add3A_265 : vector<16xi32>
          %add3A_274 = arith.addi %add3A_265, %xor3A_273 : vector<16xi32>
          %shift_left3A_275 = arith.constant 16 : i32
          %shift_left3A_276 = vector.broadcast %shift_left3A_275 : i32 to vector<16xi32>
          %shift_left3A_277 = arith.shli %xor3A_273, %shift_left3A_276 : vector<16xi32>
          %shift_right_logical3A_278 = arith.constant 16 : i32
          %shift_right_logical3A_279 = vector.broadcast %shift_right_logical3A_278 : i32 to vector<16xi32>
          %shift_right_logical3A_280 = arith.shrui %xor3A_273, %shift_right_logical3A_279 : vector<16xi32>
          %or3A_281 = arith.ori %shift_left3A_277, %shift_right_logical3A_280 : vector<16xi32>
          %xor3A_282 = arith.xori %or3A_281, %add3A_274 : vector<16xi32>
          %add3A_283 = arith.addi %add3A_274, %xor3A_282 : vector<16xi32>
          %shift_left3A_284 = arith.constant 24 : i32
          %shift_left3A_285 = vector.broadcast %shift_left3A_284 : i32 to vector<16xi32>
          %shift_left3A_286 = arith.shli %xor3A_282, %shift_left3A_285 : vector<16xi32>
          %shift_right_logical3A_287 = arith.constant 8 : i32
          %shift_right_logical3A_288 = vector.broadcast %shift_right_logical3A_287 : i32 to vector<16xi32>
          %shift_right_logical3A_289 = arith.shrui %xor3A_282, %shift_right_logical3A_288 : vector<16xi32>
          %or3A_290 = arith.ori %shift_left3A_286, %shift_right_logical3A_289 : vector<16xi32>
          %xor3A_291 = arith.xori %or3A_290, %add3A_283 : vector<16xi32>
          %add3A_292 = arith.constant -1244255485 : i32
          %add3A_293 = vector.broadcast %add3A_292 : i32 to vector<16xi32>
          %add3A_294 = arith.addi %add3A_283, %add3A_293 : vector<16xi32>
          %add3A_295 = arith.constant 64467757 : i32
          %add3A_296 = vector.broadcast %add3A_295 : i32 to vector<16xi32>
          %add3A_297 = arith.addi %xor3A_291, %add3A_296 : vector<16xi32>
          %add3A_298 = arith.constant 2 : i32
          %add3A_299 = vector.broadcast %add3A_298 : i32 to vector<16xi32>
          %add3A_300 = arith.addi %add3A_297, %add3A_299 : vector<16xi32>
          %add3A_301 = arith.addi %add3A_294, %add3A_300 : vector<16xi32>
          %shift_left3A_302 = arith.constant 13 : i32
          %shift_left3A_303 = vector.broadcast %shift_left3A_302 : i32 to vector<16xi32>
          %shift_left3A_304 = arith.shli %add3A_300, %shift_left3A_303 : vector<16xi32>
          %shift_right_logical3A_305 = arith.constant 19 : i32
          %shift_right_logical3A_306 = vector.broadcast %shift_right_logical3A_305 : i32 to vector<16xi32>
          %shift_right_logical3A_307 = arith.shrui %add3A_300, %shift_right_logical3A_306 : vector<16xi32>
          %or3A_308 = arith.ori %shift_left3A_304, %shift_right_logical3A_307 : vector<16xi32>
          %xor3A_309 = arith.xori %or3A_308, %add3A_301 : vector<16xi32>
          %add3A_310 = arith.addi %add3A_301, %xor3A_309 : vector<16xi32>
          %shift_left3A_311 = arith.constant 15 : i32
          %shift_left3A_312 = vector.broadcast %shift_left3A_311 : i32 to vector<16xi32>
          %shift_left3A_313 = arith.shli %xor3A_309, %shift_left3A_312 : vector<16xi32>
          %shift_right_logical3A_314 = arith.constant 17 : i32
          %shift_right_logical3A_315 = vector.broadcast %shift_right_logical3A_314 : i32 to vector<16xi32>
          %shift_right_logical3A_316 = arith.shrui %xor3A_309, %shift_right_logical3A_315 : vector<16xi32>
          %or3A_317 = arith.ori %shift_left3A_313, %shift_right_logical3A_316 : vector<16xi32>
          %xor3A_318 = arith.xori %or3A_317, %add3A_310 : vector<16xi32>
          %add3A_319 = arith.addi %add3A_310, %xor3A_318 : vector<16xi32>
          %shift_left3A_320 = arith.constant 26 : i32
          %shift_left3A_321 = vector.broadcast %shift_left3A_320 : i32 to vector<16xi32>
          %shift_left3A_322 = arith.shli %xor3A_318, %shift_left3A_321 : vector<16xi32>
          %shift_right_logical3A_323 = arith.constant 6 : i32
          %shift_right_logical3A_324 = vector.broadcast %shift_right_logical3A_323 : i32 to vector<16xi32>
          %shift_right_logical3A_325 = arith.shrui %xor3A_318, %shift_right_logical3A_324 : vector<16xi32>
          %or3A_326 = arith.ori %shift_left3A_322, %shift_right_logical3A_325 : vector<16xi32>
          %xor3A_327 = arith.xori %or3A_326, %add3A_319 : vector<16xi32>
          %add3A_328 = arith.addi %add3A_319, %xor3A_327 : vector<16xi32>
          %shift_left3A_329 = arith.constant 6 : i32
          %shift_left3A_330 = vector.broadcast %shift_left3A_329 : i32 to vector<16xi32>
          %shift_left3A_331 = arith.shli %xor3A_327, %shift_left3A_330 : vector<16xi32>
          %shift_right_logical3A_332 = arith.constant 26 : i32
          %shift_right_logical3A_333 = vector.broadcast %shift_right_logical3A_332 : i32 to vector<16xi32>
          %shift_right_logical3A_334 = arith.shrui %xor3A_327, %shift_right_logical3A_333 : vector<16xi32>
          %or3A_335 = arith.ori %shift_left3A_331, %shift_right_logical3A_334 : vector<16xi32>
          %xor3A_336 = arith.xori %or3A_335, %add3A_328 : vector<16xi32>
          %add3A_337 = arith.constant 64467757 : i32
          %add3A_338 = vector.broadcast %add3A_337 : i32 to vector<16xi32>
          %add3A_339 = arith.addi %add3A_328, %add3A_338 : vector<16xi32>
          %add3A_340 = arith.constant -1378843660 : i32
          %add3A_341 = vector.broadcast %add3A_340 : i32 to vector<16xi32>
          %add3A_342 = arith.addi %xor3A_336, %add3A_341 : vector<16xi32>
          %add3A_343 = arith.constant 3 : i32
          %add3A_344 = vector.broadcast %add3A_343 : i32 to vector<16xi32>
          %add3A_345 = arith.addi %add3A_342, %add3A_344 : vector<16xi32>
          %add3A_346 = arith.addi %add3A_339, %add3A_345 : vector<16xi32>
          %shift_left3A_347 = arith.constant 17 : i32
          %shift_left3A_348 = vector.broadcast %shift_left3A_347 : i32 to vector<16xi32>
          %shift_left3A_349 = arith.shli %add3A_345, %shift_left3A_348 : vector<16xi32>
          %shift_right_logical3A_350 = arith.constant 15 : i32
          %shift_right_logical3A_351 = vector.broadcast %shift_right_logical3A_350 : i32 to vector<16xi32>
          %shift_right_logical3A_352 = arith.shrui %add3A_345, %shift_right_logical3A_351 : vector<16xi32>
          %or3A_353 = arith.ori %shift_left3A_349, %shift_right_logical3A_352 : vector<16xi32>
          %xor3A_354 = arith.xori %or3A_353, %add3A_346 : vector<16xi32>
          %add3A_355 = arith.addi %add3A_346, %xor3A_354 : vector<16xi32>
          %shift_left3A_356 = arith.constant 29 : i32
          %shift_left3A_357 = vector.broadcast %shift_left3A_356 : i32 to vector<16xi32>
          %shift_left3A_358 = arith.shli %xor3A_354, %shift_left3A_357 : vector<16xi32>
          %shift_right_logical3A_359 = arith.constant 3 : i32
          %shift_right_logical3A_360 = vector.broadcast %shift_right_logical3A_359 : i32 to vector<16xi32>
          %shift_right_logical3A_361 = arith.shrui %xor3A_354, %shift_right_logical3A_360 : vector<16xi32>
          %or3A_362 = arith.ori %shift_left3A_358, %shift_right_logical3A_361 : vector<16xi32>
          %xor3A_363 = arith.xori %or3A_362, %add3A_355 : vector<16xi32>
          %add3A_364 = arith.addi %add3A_355, %xor3A_363 : vector<16xi32>
          %shift_left3A_365 = arith.constant 16 : i32
          %shift_left3A_366 = vector.broadcast %shift_left3A_365 : i32 to vector<16xi32>
          %shift_left3A_367 = arith.shli %xor3A_363, %shift_left3A_366 : vector<16xi32>
          %shift_right_logical3A_368 = arith.constant 16 : i32
          %shift_right_logical3A_369 = vector.broadcast %shift_right_logical3A_368 : i32 to vector<16xi32>
          %shift_right_logical3A_370 = arith.shrui %xor3A_363, %shift_right_logical3A_369 : vector<16xi32>
          %or3A_371 = arith.ori %shift_left3A_367, %shift_right_logical3A_370 : vector<16xi32>
          %xor3A_372 = arith.xori %or3A_371, %add3A_364 : vector<16xi32>
          %add3A_373 = arith.addi %add3A_364, %xor3A_372 : vector<16xi32>
          %shift_left3A_374 = arith.constant 24 : i32
          %shift_left3A_375 = vector.broadcast %shift_left3A_374 : i32 to vector<16xi32>
          %shift_left3A_376 = arith.shli %xor3A_372, %shift_left3A_375 : vector<16xi32>
          %shift_right_logical3A_377 = arith.constant 8 : i32
          %shift_right_logical3A_378 = vector.broadcast %shift_right_logical3A_377 : i32 to vector<16xi32>
          %shift_right_logical3A_379 = arith.shrui %xor3A_372, %shift_right_logical3A_378 : vector<16xi32>
          %or3A_380 = arith.ori %shift_left3A_376, %shift_right_logical3A_379 : vector<16xi32>
          %xor3A_381 = arith.xori %or3A_380, %add3A_373 : vector<16xi32>
          %add3A_382 = arith.constant -1378843660 : i32
          %add3A_383 = vector.broadcast %add3A_382 : i32 to vector<16xi32>
          %add3A_384 = arith.addi %add3A_373, %add3A_383 : vector<16xi32>
          %add3A_385 = arith.constant -1244255485 : i32
          %add3A_386 = vector.broadcast %add3A_385 : i32 to vector<16xi32>
          %add3A_387 = arith.addi %xor3A_381, %add3A_386 : vector<16xi32>
          %add3A_388 = arith.constant 4 : i32
          %add3A_389 = vector.broadcast %add3A_388 : i32 to vector<16xi32>
          %add3A_390 = arith.addi %add3A_387, %add3A_389 : vector<16xi32>
          %add3A_391 = arith.addi %add3A_384, %add3A_390 : vector<16xi32>
          %shift_left3A_392 = arith.constant 13 : i32
          %shift_left3A_393 = vector.broadcast %shift_left3A_392 : i32 to vector<16xi32>
          %shift_left3A_394 = arith.shli %add3A_390, %shift_left3A_393 : vector<16xi32>
          %shift_right_logical3A_395 = arith.constant 19 : i32
          %shift_right_logical3A_396 = vector.broadcast %shift_right_logical3A_395 : i32 to vector<16xi32>
          %shift_right_logical3A_397 = arith.shrui %add3A_390, %shift_right_logical3A_396 : vector<16xi32>
          %or3A_398 = arith.ori %shift_left3A_394, %shift_right_logical3A_397 : vector<16xi32>
          %xor3A_399 = arith.xori %or3A_398, %add3A_391 : vector<16xi32>
          %add3A_400 = arith.addi %add3A_391, %xor3A_399 : vector<16xi32>
          %shift_left3A_401 = arith.constant 15 : i32
          %shift_left3A_402 = vector.broadcast %shift_left3A_401 : i32 to vector<16xi32>
          %shift_left3A_403 = arith.shli %xor3A_399, %shift_left3A_402 : vector<16xi32>
          %shift_right_logical3A_404 = arith.constant 17 : i32
          %shift_right_logical3A_405 = vector.broadcast %shift_right_logical3A_404 : i32 to vector<16xi32>
          %shift_right_logical3A_406 = arith.shrui %xor3A_399, %shift_right_logical3A_405 : vector<16xi32>
          %or3A_407 = arith.ori %shift_left3A_403, %shift_right_logical3A_406 : vector<16xi32>
          %xor3A_408 = arith.xori %or3A_407, %add3A_400 : vector<16xi32>
          %add3A_409 = arith.addi %add3A_400, %xor3A_408 : vector<16xi32>
          %shift_left3A_410 = arith.constant 26 : i32
          %shift_left3A_411 = vector.broadcast %shift_left3A_410 : i32 to vector<16xi32>
          %shift_left3A_412 = arith.shli %xor3A_408, %shift_left3A_411 : vector<16xi32>
          %shift_right_logical3A_413 = arith.constant 6 : i32
          %shift_right_logical3A_414 = vector.broadcast %shift_right_logical3A_413 : i32 to vector<16xi32>
          %shift_right_logical3A_415 = arith.shrui %xor3A_408, %shift_right_logical3A_414 : vector<16xi32>
          %or3A_416 = arith.ori %shift_left3A_412, %shift_right_logical3A_415 : vector<16xi32>
          %xor3A_417 = arith.xori %or3A_416, %add3A_409 : vector<16xi32>
          %add3A_418 = arith.addi %add3A_409, %xor3A_417 : vector<16xi32>
          %shift_left3A_419 = arith.constant 6 : i32
          %shift_left3A_420 = vector.broadcast %shift_left3A_419 : i32 to vector<16xi32>
          %shift_left3A_421 = arith.shli %xor3A_417, %shift_left3A_420 : vector<16xi32>
          %shift_right_logical3A_422 = arith.constant 26 : i32
          %shift_right_logical3A_423 = vector.broadcast %shift_right_logical3A_422 : i32 to vector<16xi32>
          %shift_right_logical3A_424 = arith.shrui %xor3A_417, %shift_right_logical3A_423 : vector<16xi32>
          %or3A_425 = arith.ori %shift_left3A_421, %shift_right_logical3A_424 : vector<16xi32>
          %xor3A_426 = arith.xori %or3A_425, %add3A_418 : vector<16xi32>
          %add3A_427 = arith.constant -1244255485 : i32
          %add3A_428 = vector.broadcast %add3A_427 : i32 to vector<16xi32>
          %add3A_429 = arith.addi %add3A_418, %add3A_428 : vector<16xi32>
          %add3A_430 = arith.constant 64467757 : i32
          %add3A_431 = vector.broadcast %add3A_430 : i32 to vector<16xi32>
          %add3A_432 = arith.addi %xor3A_426, %add3A_431 : vector<16xi32>
          %add3A_433 = arith.constant 5 : i32
          %add3A_434 = vector.broadcast %add3A_433 : i32 to vector<16xi32>
          %add3A_435 = arith.addi %add3A_432, %add3A_434 : vector<16xi32>
          %xor3A_436 = arith.xori %add3A_429, %add3A_435 : vector<16xi32>
          %shift_right_logical3A_437 = arith.constant 9 : i32
          %shift_right_logical3A_438 = vector.broadcast %shift_right_logical3A_437 : i32 to vector<16xi32>
          %shift_right_logical3A_439 = arith.shrui %xor3A_436, %shift_right_logical3A_438 : vector<16xi32>
          %lt3A_440 = arith.constant 1677722 : i32
          %lt3A_441 = vector.broadcast %lt3A_440 : i32 to vector<16xi32>
          %lt3A_442 = arith.cmpi slt, %shift_right_logical3A_439, %lt3A_441 : vector<16xi32>
          %jit3A_443 = arith.constant 0.000000e+00 : f32
          %jit3A_444 = arith.constant 1.000000e+00 : f32
          %broadcast_in_dim3A_445 = vector.broadcast %jit3A_443 : f32 to vector<16xf32>
          %broadcast_in_dim3A_446 = vector.broadcast %jit3A_444 : f32 to vector<16xf32>
          %select_n3A_447 = arith.select %lt3A_442, %broadcast_in_dim3A_445, %broadcast_in_dim3A_446 : vector<16xi1>, vector<16xf32>
          %parallel_loop3A = arith.constant 0 : i32
          %parallel_loop3A_448 = arith.constant 16 : i32
          %parallel_loop3A_449 = arith.constant 1 : i32
          scf.for %parallel_loop3A_450 = %parallel_loop3A to %parallel_loop3A_448 step %parallel_loop3A_449  : i32 {
            %parallel_loop3A_451 = arith.constant 0 : i32
            %parallel_loop3A_452 = vector.broadcast %parallel_loop3A_451 : i32 to vector<16xi32>
            %parallel_loop3A_453 = vector.broadcast %parallel_loop3A_450 : i32 to vector<16xi32>
            %parallel_loop3A_454 = arith.addi %parallel_loop3A_452, %parallel_loop3A_453 : vector<16xi32>
            %parallel_loop3A_455 = vector.shape_cast %parallel_loop3A_454 : vector<16xi32> to vector<16x1xi32>
            %parallel_loop3A_456 = vector.shape_cast %parallel_loop3A_455 : vector<16x1xi32> to vector<16xi32>
            %parallel_loop3A_457 = tpu.dynamic_gather %select_n3A_447[%parallel_loop3A_456] in [0] : vector<16xf32>, vector<16xi32> -> vector<16xf32>
            %parallel_loop3A_458 = arith.constant 16 : i32
            %parallel_loop3A_459 = arith.muli %parallel_loop3A_458, %scan3A_205 : i32
            %parallel_loop3A_460 = arith.addi %parallel_loop3A_459, %parallel_loop3A_450 : i32
            %parallel_loop3A_461 = arith.index_cast %parallel_loop3A_460 : i32 to index
            %parallel_loop3A_462 = arith.constant 0 : index
            %parallel_loop3A_463 = tpu.vector_load %arg4[%parallel_loop3A_461, %parallel_loop3A_462] {strides = array<i32>} : memref<192x128xf32, #tpu.memory_space<vmem>>, vector<1x16xf32>,
            %parallel_loop3A_464 = vector.shape_cast %parallel_loop3A_463 : vector<1x16xf32> to vector<16xf32>
            %parallel_loop3A_465 = arith.mulf %parallel_loop3A_464, %parallel_loop3A_457 : vector<16xf32>
            %parallel_loop3A_466 = arith.index_cast %parallel_loop3A_460 : i32 to index
            %parallel_loop3A_467 = arith.constant 0 : index
            %parallel_loop3A_468 = tpu.vector_load %arg6[%parallel_loop3A_466, %parallel_loop3A_467] {strides = array<i32>} : memref<192x128xf32, #tpu.memory_space<vmem>>, vector<1x16xf32>,
            %parallel_loop3A_469 = vector.shape_cast %parallel_loop3A_468 : vector<1x16xf32> to vector<16xf32>
            %parallel_loop3A_470 = vector.shape_cast %parallel_loop3A_465 : vector<16xf32> to vector<1x16xf32>
            tpu.vector_store %arg6[%parallel_loop3A_466, %parallel_loop3A_467], %parallel_loop3A_470 {strides = array<i32>} : memref<192x128xf32, #tpu.memory_space<vmem>>, vector<1x16xf32>,
            %parallel_loop3A_471 = arith.index_cast %parallel_loop3A_460 : i32 to index
            %parallel_loop3A_472 = arith.constant 16 : index
            %parallel_loop3A_473 = tpu.vector_load %arg4[%parallel_loop3A_471, %parallel_loop3A_472] {strides = array<i32>} : memref<192x128xf32, #tpu.memory_space<vmem>>, vector<1x16xf32>,
            %parallel_loop3A_474 = vector.shape_cast %parallel_loop3A_473 : vector<1x16xf32> to vector<16xf32>
            %parallel_loop3A_475 = arith.mulf %parallel_loop3A_474, %parallel_loop3A_457 : vector<16xf32>
            %parallel_loop3A_476 = arith.index_cast %parallel_loop3A_460 : i32 to index
            %parallel_loop3A_477 = arith.constant 16 : index
            %parallel_loop3A_478 = tpu.vector_load %arg6[%parallel_loop3A_476, %parallel_loop3A_477] {strides = array<i32>} : memref<192x128xf32, #tpu.memory_space<vmem>>, vector<1x16xf32>,
            %parallel_loop3A_479 = vector.shape_cast %parallel_loop3A_478 : vector<1x16xf32> to vector<16xf32>
            %parallel_loop3A_480 = vector.shape_cast %parallel_loop3A_475 : vector<16xf32> to vector<1x16xf32>
            tpu.vector_store %arg6[%parallel_loop3A_476, %parallel_loop3A_477], %parallel_loop3A_480 {strides = array<i32>} : memref<192x128xf32, #tpu.memory_space<vmem>>, vector<1x16xf32>,
            %parallel_loop3A_481 = arith.index_cast %parallel_loop3A_460 : i32 to index
            %parallel_loop3A_482 = arith.constant 32 : index
            %parallel_loop3A_483 = tpu.vector_load %arg4[%parallel_loop3A_481, %parallel_loop3A_482] {strides = array<i32>} : memref<192x128xf32, #tpu.memory_space<vmem>>, vector<1x16xf32>,
            %parallel_loop3A_484 = vector.shape_cast %parallel_loop3A_483 : vector<1x16xf32> to vector<16xf32>
            %parallel_loop3A_485 = arith.mulf %parallel_loop3A_484, %parallel_loop3A_457 : vector<16xf32>
            %parallel_loop3A_486 = arith.index_cast %parallel_loop3A_460 : i32 to index
            %parallel_loop3A_487 = arith.constant 32 : index
            %parallel_loop3A_488 = tpu.vector_load %arg6[%parallel_loop3A_486, %parallel_loop3A_487] {strides = array<i32>} : memref<192x128xf32, #tpu.memory_space<vmem>>, vector<1x16xf32>,
            %parallel_loop3A_489 = vector.shape_cast %parallel_loop3A_488 : vector<1x16xf32> to vector<16xf32>
            %parallel_loop3A_490 = vector.shape_cast %parallel_loop3A_485 : vector<16xf32> to vector<1x16xf32>
            tpu.vector_store %arg6[%parallel_loop3A_486, %parallel_loop3A_487], %parallel_loop3A_490 {strides = array<i32>} : memref<192x128xf32, #tpu.memory_space<vmem>>, vector<1x16xf32>,
            %parallel_loop3A_491 = arith.index_cast %parallel_loop3A_460 : i32 to index
            %parallel_loop3A_492 = arith.constant 48 : index
            %parallel_loop3A_493 = tpu.vector_load %arg4[%parallel_loop3A_491, %parallel_loop3A_492] {strides = array<i32>} : memref<192x128xf32, #tpu.memory_space<vmem>>, vector<1x16xf32>,
            %parallel_loop3A_494 = vector.shape_cast %parallel_loop3A_493 : vector<1x16xf32> to vector<16xf32>
            %parallel_loop3A_495 = arith.mulf %parallel_loop3A_494, %parallel_loop3A_457 : vector<16xf32>
            %parallel_loop3A_496 = arith.index_cast %parallel_loop3A_460 : i32 to index
            %parallel_loop3A_497 = arith.constant 48 : index
            %parallel_loop3A_498 = tpu.vector_load %arg6[%parallel_loop3A_496, %parallel_loop3A_497] {strides = array<i32>} : memref<192x128xf32, #tpu.memory_space<vmem>>, vector<1x16xf32>,
            %parallel_loop3A_499 = vector.shape_cast %parallel_loop3A_498 : vector<1x16xf32> to vector<16xf32>
            %parallel_loop3A_500 = vector.shape_cast %parallel_loop3A_495 : vector<16xf32> to vector<1x16xf32>
            tpu.vector_store %arg6[%parallel_loop3A_496, %parallel_loop3A_497], %parallel_loop3A_500 {strides = array<i32>} : memref<192x128xf32, #tpu.memory_space<vmem>>, vector<1x16xf32>,
            %parallel_loop3A_501 = arith.index_cast %parallel_loop3A_460 : i32 to index
            %parallel_loop3A_502 = arith.constant 64 : index
            %parallel_loop3A_503 = tpu.vector_load %arg4[%parallel_loop3A_501, %parallel_loop3A_502] {strides = array<i32>} : memref<192x128xf32, #tpu.memory_space<vmem>>, vector<1x16xf32>,
            %parallel_loop3A_504 = vector.shape_cast %parallel_loop3A_503 : vector<1x16xf32> to vector<16xf32>
            %parallel_loop3A_505 = arith.mulf %parallel_loop3A_504, %parallel_loop3A_457 : vector<16xf32>
            %parallel_loop3A_506 = arith.index_cast %parallel_loop3A_460 : i32 to index
            %parallel_loop3A_507 = arith.constant 64 : index
            %parallel_loop3A_508 = tpu.vector_load %arg6[%parallel_loop3A_506, %parallel_loop3A_507] {strides = array<i32>} : memref<192x128xf32, #tpu.memory_space<vmem>>, vector<1x16xf32>,
            %parallel_loop3A_509 = vector.shape_cast %parallel_loop3A_508 : vector<1x16xf32> to vector<16xf32>
            %parallel_loop3A_510 = vector.shape_cast %parallel_loop3A_505 : vector<16xf32> to vector<1x16xf32>
            tpu.vector_store %arg6[%parallel_loop3A_506, %parallel_loop3A_507], %parallel_loop3A_510 {strides = array<i32>} : memref<192x128xf32, #tpu.memory_space<vmem>>, vector<1x16xf32>,
            %parallel_loop3A_511 = arith.index_cast %parallel_loop3A_460 : i32 to index
            %parallel_loop3A_512 = arith.constant 80 : index
            %parallel_loop3A_513 = tpu.vector_load %arg4[%parallel_loop3A_511, %parallel_loop3A_512] {strides = array<i32>} : memref<192x128xf32, #tpu.memory_space<vmem>>, vector<1x16xf32>,
            %parallel_loop3A_514 = vector.shape_cast %parallel_loop3A_513 : vector<1x16xf32> to vector<16xf32>
            %parallel_loop3A_515 = arith.mulf %parallel_loop3A_514, %parallel_loop3A_457 : vector<16xf32>
            %parallel_loop3A_516 = arith.index_cast %parallel_loop3A_460 : i32 to index
            %parallel_loop3A_517 = arith.constant 80 : index
            %parallel_loop3A_518 = tpu.vector_load %arg6[%parallel_loop3A_516, %parallel_loop3A_517] {strides = array<i32>} : memref<192x128xf32, #tpu.memory_space<vmem>>, vector<1x16xf32>,
            %parallel_loop3A_519 = vector.shape_cast %parallel_loop3A_518 : vector<1x16xf32> to vector<16xf32>
            %parallel_loop3A_520 = vector.shape_cast %parallel_loop3A_515 : vector<16xf32> to vector<1x16xf32>
            tpu.vector_store %arg6[%parallel_loop3A_516, %parallel_loop3A_517], %parallel_loop3A_520 {strides = array<i32>} : memref<192x128xf32, #tpu.memory_space<vmem>>, vector<1x16xf32>,
            %parallel_loop3A_521 = arith.index_cast %parallel_loop3A_460 : i32 to index
            %parallel_loop3A_522 = arith.constant 96 : index
            %parallel_loop3A_523 = tpu.vector_load %arg4[%parallel_loop3A_521, %parallel_loop3A_522] {strides = array<i32>} : memref<192x128xf32, #tpu.memory_space<vmem>>, vector<1x16xf32>,
            %parallel_loop3A_524 = vector.shape_cast %parallel_loop3A_523 : vector<1x16xf32> to vector<16xf32>
            %parallel_loop3A_525 = arith.mulf %parallel_loop3A_524, %parallel_loop3A_457 : vector<16xf32>
            %parallel_loop3A_526 = arith.index_cast %parallel_loop3A_460 : i32 to index
            %parallel_loop3A_527 = arith.constant 96 : index
            %parallel_loop3A_528 = tpu.vector_load %arg6[%parallel_loop3A_526, %parallel_loop3A_527] {strides = array<i32>} : memref<192x128xf32, #tpu.memory_space<vmem>>, vector<1x16xf32>,
            %parallel_loop3A_529 = vector.shape_cast %parallel_loop3A_528 : vector<1x16xf32> to vector<16xf32>
            %parallel_loop3A_530 = vector.shape_cast %parallel_loop3A_525 : vector<16xf32> to vector<1x16xf32>
            tpu.vector_store %arg6[%parallel_loop3A_526, %parallel_loop3A_527], %parallel_loop3A_530 {strides = array<i32>} : memref<192x128xf32, #tpu.memory_space<vmem>>, vector<1x16xf32>,
            %parallel_loop3A_531 = arith.index_cast %parallel_loop3A_460 : i32 to index
            %parallel_loop3A_532 = arith.constant 112 : index
            %parallel_loop3A_533 = tpu.vector_load %arg4[%parallel_loop3A_531, %parallel_loop3A_532] {strides = array<i32>} : memref<192x128xf32, #tpu.memory_space<vmem>>, vector<1x16xf32>,
            %parallel_loop3A_534 = vector.shape_cast %parallel_loop3A_533 : vector<1x16xf32> to vector<16xf32>
            %parallel_loop3A_535 = arith.mulf %parallel_loop3A_534, %parallel_loop3A_457 : vector<16xf32>
            %parallel_loop3A_536 = arith.index_cast %parallel_loop3A_460 : i32 to index
            %parallel_loop3A_537 = arith.constant 112 : index
            %parallel_loop3A_538 = tpu.vector_load %arg6[%parallel_loop3A_536, %parallel_loop3A_537] {strides = array<i32>} : memref<192x128xf32, #tpu.memory_space<vmem>>, vector<1x16xf32>,
            %parallel_loop3A_539 = vector.shape_cast %parallel_loop3A_538 : vector<1x16xf32> to vector<16xf32>
            %parallel_loop3A_540 = vector.shape_cast %parallel_loop3A_535 : vector<16xf32> to vector<1x16xf32>
            tpu.vector_store %arg6[%parallel_loop3A_536, %parallel_loop3A_537], %parallel_loop3A_540 {strides = array<i32>} : memref<192x128xf32, #tpu.memory_space<vmem>>, vector<1x16xf32>,
          } {sc.loop_unroll_factor = 4 : i64, sc.parallel_access}
        }
        %scan3A_195 = arith.constant 12 : i32
        %mul3A_196 = arith.constant 32 : i32
        %mul3A_197 = arith.muli %while3A_128, %mul3A_196 : i32
        %add3A_198 = arith.addi %add3A, %mul3A_197 : i32
        %mul3A_199 = arith.constant 192 : i32
        %mul3A_200 = arith.muli %add3A_198, %mul3A_199 : i32
        %multiple_of3A_201 = tpu.assume_multiple %mul3A_200, 192 : i32
        %dma_start3A = arith.constant 0 : i32
        %dma_start3A_202 = tpu.memref_slice %arg3[%multiple_of3A_201, %dma_start3A] : memref<100000x128xf32, #tpu.memory_space<hbm>> -> memref<192x128xf32, #tpu.memory_space<hbm>>
        %dma_start3A_203 = arith.constant 0 : i32
        %dma_start3A_204 = tpu.memref_slice %arg3[%multiple_of3A_201, %dma_start3A_203] : memref<100000x128xf32, #tpu.memory_space<hbm>> -> memref<192x128xf32, #tpu.memory_space<hbm>>
        tpu.enqueue_dma source(%arg6 : memref<192x128xf32, #tpu.memory_space<vmem>>) target(%dma_start3A_204 : memref<192x128xf32, #tpu.memory_space<hbm>>) target_semaphore(%arg10 : memref<!tpu.dma_semaphore, #tpu.memory_space<semaphore_mem>>)
      } else {
      }
      %jit3A_150 = arith.constant 2 : i32
      %eq3A_151 = arith.constant 0 : i32
      %eq3A_152 = arith.cmpi eq, %jit3A_150, %eq3A_151 : i32
      %jit3A_153 = arith.constant 1 : i32
      %select_n3A_154 = arith.select %eq3A_152, %jit3A_153, %jit3A_150 : i32
      %rem3A_155 = arith.remsi %while3A_128, %select_n3A_154 : i32
      %ne3A_156 = arith.constant 0 : i32
      %ne3A_157 = arith.cmpi ne, %rem3A_155, %ne3A_156 : i32
      %lt3A_158 = arith.constant 0 : i32
      %lt3A_159 = arith.cmpi slt, %rem3A_155, %lt3A_158 : i32
      %lt3A_160 = arith.constant 0 : i32
      %lt3A_161 = arith.cmpi slt, %select_n3A_154, %lt3A_160 : i32
      %ne3A_162 = arith.xori %lt3A_159, %lt3A_161 : i1
      %and3A_163 = arith.andi %ne3A_162, %ne3A_157 : i1
      %add3A_164 = arith.addi %rem3A_155, %select_n3A_154 : i32
      %select_n3A_165 = arith.select %and3A_163, %add3A_164, %rem3A_155 : i32
      %eq3A_166 = arith.constant 1 : i32
      %eq3A_167 = arith.cmpi eq, %select_n3A_165, %eq3A_166 : i32
      %convert_element_type3A_168 = arith.extui %eq3A_167 : i1 to i32
      %cond3A_169 = arith.constant 0 : i32
      %cond3A_170 = arith.cmpi ne, %convert_element_type3A_168, %cond3A_169 : i32
      scf.if %cond3A_170 {
        %add3A_171 = arith.constant 1 : i32
        %add3A_172 = arith.addi %while3A_128, %add3A_171 : i32
        %lt3A_173 = arith.cmpi slt, %add3A_172, %add3A_4 : i32
        %convert_element_type3A_174 = arith.extui %lt3A_173 : i1 to i32
        %cond3A_175 = arith.constant 0 : i32
        %cond3A_176 = arith.cmpi ne, %convert_element_type3A_174, %cond3A_175 : i32
        scf.if %cond3A_176 {
          %add3A_205 = arith.constant 1 : i32
          %add3A_206 = arith.addi %while3A_128, %add3A_205 : i32
          %mul3A_207 = arith.constant 32 : i32
          %mul3A_208 = arith.muli %add3A_206, %mul3A_207 : i32
          %add3A_209 = arith.addi %add3A, %mul3A_208 : i32
          %mul3A_210 = arith.constant 192 : i32
          %mul3A_211 = arith.muli %add3A_209, %mul3A_210 : i32
          %multiple_of3A_212 = tpu.assume_multiple %mul3A_211, 192 : i32
          %dma_start3A_213 = arith.constant 0 : i32
          %dma_start3A_214 = tpu.memref_slice %arg2[%multiple_of3A_212, %dma_start3A_213] : memref<100000x128xf32, #tpu.memory_space<hbm>> -> memref<192x128xf32, #tpu.memory_space<hbm>>
          %dma_start3A_215 = arith.constant 0 : i32
          %dma_start3A_216 = tpu.memref_slice %arg2[%multiple_of3A_212, %dma_start3A_215] : memref<100000x128xf32, #tpu.memory_space<hbm>> -> memref<192x128xf32, #tpu.memory_space<hbm>>
          tpu.enqueue_dma source(%dma_start3A_216 : memref<192x128xf32, #tpu.memory_space<hbm>>) target(%arg4 : memref<192x128xf32, #tpu.memory_space<vmem>>) target_semaphore(%arg8 : memref<!tpu.dma_semaphore, #tpu.memory_space<semaphore_mem>>)
        } else {
        }
        %dma_wait3A = arith.constant 0 : i32
        %dma_wait3A_177 = arith.constant 0 : i32
        %dma_wait3A_178 = tpu.memref_slice %arg2[%dma_wait3A, %dma_wait3A_177] : memref<100000x128xf32, #tpu.memory_space<hbm>> -> memref<192x128xf32, #tpu.memory_space<hbm>>
        %dma_wait3A_179 = arith.constant 0 : i32
        %dma_wait3A_180 = arith.constant 0 : i32
        %dma_wait3A_181 = tpu.memref_slice %arg2[%dma_wait3A_179, %dma_wait3A_180] : memref<100000x128xf32, #tpu.memory_space<hbm>> -> memref<192x128xf32, #tpu.memory_space<hbm>>
        tpu.wait_dma2 semaphore(%arg9 : memref<!tpu.dma_semaphore, #tpu.memory_space<semaphore_mem>>) src(%dma_wait3A_181 : memref<192x128xf32, #tpu.memory_space<hbm>>) dst(%arg5 : memref<192x128xf32, #tpu.memory_space<vmem>>)
        %ge3A = arith.constant 2 : i32
        %ge3A_182 = arith.cmpi sge, %while3A_128, %ge3A : i32
        %convert_element_type3A_183 = arith.extui %ge3A_182 : i1 to i32
        %cond3A_184 = arith.constant 0 : i32
        %cond3A_185 = arith.cmpi ne, %convert_element_type3A_183, %cond3A_184 : i32
        scf.if %cond3A_185 {
          %dma_wait3A_205 = arith.constant 0 : i32
          %dma_wait3A_206 = arith.constant 0 : i32
          %dma_wait3A_207 = tpu.memref_slice %arg3[%dma_wait3A_205, %dma_wait3A_206] : memref<100000x128xf32, #tpu.memory_space<hbm>> -> memref<192x128xf32, #tpu.memory_space<hbm>>
          %dma_wait3A_208 = arith.constant 0 : i32
          %dma_wait3A_209 = arith.constant 0 : i32
          %dma_wait3A_210 = tpu.memref_slice %arg3[%dma_wait3A_208, %dma_wait3A_209] : memref<100000x128xf32, #tpu.memory_space<hbm>> -> memref<192x128xf32, #tpu.memory_space<hbm>>
          tpu.wait_dma2 semaphore(%arg11 : memref<!tpu.dma_semaphore, #tpu.memory_space<semaphore_mem>>) src(%arg7 : memref<192x128xf32, #tpu.memory_space<vmem>>) dst(%dma_wait3A_210 : memref<192x128xf32, #tpu.memory_space<hbm>>)
        } else {
        }
        %mul3A_186 = arith.constant 32 : i32
        %mul3A_187 = arith.muli %while3A_128, %mul3A_186 : i32
        %add3A_188 = arith.addi %add3A, %mul3A_187 : i32
        %mul3A_189 = arith.constant 192 : i32
        %mul3A_190 = arith.muli %add3A_188, %mul3A_189 : i32
        %multiple_of3A = tpu.assume_multiple %mul3A_190, 192 : i32
        %scan3A = arith.constant 0 : i32
        %scan3A_191 = arith.constant 0 : i32
        %scan3A_192 = arith.constant 12 : i32
        %scan3A_193 = arith.addi %scan3A_191, %scan3A_192 : i32
        %scan3A_194 = arith.constant 1 : i32
        scf.for %scan3A_205 = %scan3A_191 to %scan3A_193 step %scan3A_194  : i32 {
          %mul3A_206 = arith.constant 16 : i32
          %mul3A_207 = arith.muli %mul3A_206, %scan3A_205 : i32
          %add3A_208 = arith.addi %multiple_of3A, %mul3A_207 : i32
          %iota3A = tpu.iota {dimensions = array<i32: 0>} : vector<16xi32>
          %add3A_209 = vector.broadcast %add3A_208 : i32 to vector<16xi32>
          %add3A_210 = arith.addi %add3A_209, %iota3A : vector<16xi32>
          %broadcast_in_dim3A = arith.constant 64467757 : i32
          %broadcast_in_dim3A_211 = vector.broadcast %broadcast_in_dim3A : i32 to vector<16xi32>
          %add3A_212 = arith.constant -1378843660 : i32
          %add3A_213 = vector.broadcast %add3A_212 : i32 to vector<16xi32>
          %add3A_214 = arith.addi %add3A_210, %add3A_213 : vector<16xi32>
          %add3A_215 = arith.addi %broadcast_in_dim3A_211, %add3A_214 : vector<16xi32>
          %shift_left3A = arith.constant 13 : i32
          %shift_left3A_216 = vector.broadcast %shift_left3A : i32 to vector<16xi32>
          %shift_left3A_217 = arith.shli %add3A_214, %shift_left3A_216 : vector<16xi32>
          %shift_right_logical3A = arith.constant 19 : i32
          %shift_right_logical3A_218 = vector.broadcast %shift_right_logical3A : i32 to vector<16xi32>
          %shift_right_logical3A_219 = arith.shrui %add3A_214, %shift_right_logical3A_218 : vector<16xi32>
          %or3A = arith.ori %shift_left3A_217, %shift_right_logical3A_219 : vector<16xi32>
          %xor3A = arith.xori %or3A, %add3A_215 : vector<16xi32>
          %add3A_220 = arith.addi %add3A_215, %xor3A : vector<16xi32>
          %shift_left3A_221 = arith.constant 15 : i32
          %shift_left3A_222 = vector.broadcast %shift_left3A_221 : i32 to vector<16xi32>
          %shift_left3A_223 = arith.shli %xor3A, %shift_left3A_222 : vector<16xi32>
          %shift_right_logical3A_224 = arith.constant 17 : i32
          %shift_right_logical3A_225 = vector.broadcast %shift_right_logical3A_224 : i32 to vector<16xi32>
          %shift_right_logical3A_226 = arith.shrui %xor3A, %shift_right_logical3A_225 : vector<16xi32>
          %or3A_227 = arith.ori %shift_left3A_223, %shift_right_logical3A_226 : vector<16xi32>
          %xor3A_228 = arith.xori %or3A_227, %add3A_220 : vector<16xi32>
          %add3A_229 = arith.addi %add3A_220, %xor3A_228 : vector<16xi32>
          %shift_left3A_230 = arith.constant 26 : i32
          %shift_left3A_231 = vector.broadcast %shift_left3A_230 : i32 to vector<16xi32>
          %shift_left3A_232 = arith.shli %xor3A_228, %shift_left3A_231 : vector<16xi32>
          %shift_right_logical3A_233 = arith.constant 6 : i32
          %shift_right_logical3A_234 = vector.broadcast %shift_right_logical3A_233 : i32 to vector<16xi32>
          %shift_right_logical3A_235 = arith.shrui %xor3A_228, %shift_right_logical3A_234 : vector<16xi32>
          %or3A_236 = arith.ori %shift_left3A_232, %shift_right_logical3A_235 : vector<16xi32>
          %xor3A_237 = arith.xori %or3A_236, %add3A_229 : vector<16xi32>
          %add3A_238 = arith.addi %add3A_229, %xor3A_237 : vector<16xi32>
          %shift_left3A_239 = arith.constant 6 : i32
          %shift_left3A_240 = vector.broadcast %shift_left3A_239 : i32 to vector<16xi32>
          %shift_left3A_241 = arith.shli %xor3A_237, %shift_left3A_240 : vector<16xi32>
          %shift_right_logical3A_242 = arith.constant 26 : i32
          %shift_right_logical3A_243 = vector.broadcast %shift_right_logical3A_242 : i32 to vector<16xi32>
          %shift_right_logical3A_244 = arith.shrui %xor3A_237, %shift_right_logical3A_243 : vector<16xi32>
          %or3A_245 = arith.ori %shift_left3A_241, %shift_right_logical3A_244 : vector<16xi32>
          %xor3A_246 = arith.xori %or3A_245, %add3A_238 : vector<16xi32>
          %add3A_247 = arith.constant -1378843660 : i32
          %add3A_248 = vector.broadcast %add3A_247 : i32 to vector<16xi32>
          %add3A_249 = arith.addi %add3A_238, %add3A_248 : vector<16xi32>
          %add3A_250 = arith.constant -1244255485 : i32
          %add3A_251 = vector.broadcast %add3A_250 : i32 to vector<16xi32>
          %add3A_252 = arith.addi %xor3A_246, %add3A_251 : vector<16xi32>
          %add3A_253 = arith.constant 1 : i32
          %add3A_254 = vector.broadcast %add3A_253 : i32 to vector<16xi32>
          %add3A_255 = arith.addi %add3A_252, %add3A_254 : vector<16xi32>
          %add3A_256 = arith.addi %add3A_249, %add3A_255 : vector<16xi32>
          %shift_left3A_257 = arith.constant 17 : i32
          %shift_left3A_258 = vector.broadcast %shift_left3A_257 : i32 to vector<16xi32>
          %shift_left3A_259 = arith.shli %add3A_255, %shift_left3A_258 : vector<16xi32>
          %shift_right_logical3A_260 = arith.constant 15 : i32
          %shift_right_logical3A_261 = vector.broadcast %shift_right_logical3A_260 : i32 to vector<16xi32>
          %shift_right_logical3A_262 = arith.shrui %add3A_255, %shift_right_logical3A_261 : vector<16xi32>
          %or3A_263 = arith.ori %shift_left3A_259, %shift_right_logical3A_262 : vector<16xi32>
          %xor3A_264 = arith.xori %or3A_263, %add3A_256 : vector<16xi32>
          %add3A_265 = arith.addi %add3A_256, %xor3A_264 : vector<16xi32>
          %shift_left3A_266 = arith.constant 29 : i32
          %shift_left3A_267 = vector.broadcast %shift_left3A_266 : i32 to vector<16xi32>
          %shift_left3A_268 = arith.shli %xor3A_264, %shift_left3A_267 : vector<16xi32>
          %shift_right_logical3A_269 = arith.constant 3 : i32
          %shift_right_logical3A_270 = vector.broadcast %shift_right_logical3A_269 : i32 to vector<16xi32>
          %shift_right_logical3A_271 = arith.shrui %xor3A_264, %shift_right_logical3A_270 : vector<16xi32>
          %or3A_272 = arith.ori %shift_left3A_268, %shift_right_logical3A_271 : vector<16xi32>
          %xor3A_273 = arith.xori %or3A_272, %add3A_265 : vector<16xi32>
          %add3A_274 = arith.addi %add3A_265, %xor3A_273 : vector<16xi32>
          %shift_left3A_275 = arith.constant 16 : i32
          %shift_left3A_276 = vector.broadcast %shift_left3A_275 : i32 to vector<16xi32>
          %shift_left3A_277 = arith.shli %xor3A_273, %shift_left3A_276 : vector<16xi32>
          %shift_right_logical3A_278 = arith.constant 16 : i32
          %shift_right_logical3A_279 = vector.broadcast %shift_right_logical3A_278 : i32 to vector<16xi32>
          %shift_right_logical3A_280 = arith.shrui %xor3A_273, %shift_right_logical3A_279 : vector<16xi32>
          %or3A_281 = arith.ori %shift_left3A_277, %shift_right_logical3A_280 : vector<16xi32>
          %xor3A_282 = arith.xori %or3A_281, %add3A_274 : vector<16xi32>
          %add3A_283 = arith.addi %add3A_274, %xor3A_282 : vector<16xi32>
          %shift_left3A_284 = arith.constant 24 : i32
          %shift_left3A_285 = vector.broadcast %shift_left3A_284 : i32 to vector<16xi32>
          %shift_left3A_286 = arith.shli %xor3A_282, %shift_left3A_285 : vector<16xi32>
          %shift_right_logical3A_287 = arith.constant 8 : i32
          %shift_right_logical3A_288 = vector.broadcast %shift_right_logical3A_287 : i32 to vector<16xi32>
          %shift_right_logical3A_289 = arith.shrui %xor3A_282, %shift_right_logical3A_288 : vector<16xi32>
          %or3A_290 = arith.ori %shift_left3A_286, %shift_right_logical3A_289 : vector<16xi32>
          %xor3A_291 = arith.xori %or3A_290, %add3A_283 : vector<16xi32>
          %add3A_292 = arith.constant -1244255485 : i32
          %add3A_293 = vector.broadcast %add3A_292 : i32 to vector<16xi32>
          %add3A_294 = arith.addi %add3A_283, %add3A_293 : vector<16xi32>
          %add3A_295 = arith.constant 64467757 : i32
          %add3A_296 = vector.broadcast %add3A_295 : i32 to vector<16xi32>
          %add3A_297 = arith.addi %xor3A_291, %add3A_296 : vector<16xi32>
          %add3A_298 = arith.constant 2 : i32
          %add3A_299 = vector.broadcast %add3A_298 : i32 to vector<16xi32>
          %add3A_300 = arith.addi %add3A_297, %add3A_299 : vector<16xi32>
          %add3A_301 = arith.addi %add3A_294, %add3A_300 : vector<16xi32>
          %shift_left3A_302 = arith.constant 13 : i32
          %shift_left3A_303 = vector.broadcast %shift_left3A_302 : i32 to vector<16xi32>
          %shift_left3A_304 = arith.shli %add3A_300, %shift_left3A_303 : vector<16xi32>
          %shift_right_logical3A_305 = arith.constant 19 : i32
          %shift_right_logical3A_306 = vector.broadcast %shift_right_logical3A_305 : i32 to vector<16xi32>
          %shift_right_logical3A_307 = arith.shrui %add3A_300, %shift_right_logical3A_306 : vector<16xi32>
          %or3A_308 = arith.ori %shift_left3A_304, %shift_right_logical3A_307 : vector<16xi32>
          %xor3A_309 = arith.xori %or3A_308, %add3A_301 : vector<16xi32>
          %add3A_310 = arith.addi %add3A_301, %xor3A_309 : vector<16xi32>
          %shift_left3A_311 = arith.constant 15 : i32
          %shift_left3A_312 = vector.broadcast %shift_left3A_311 : i32 to vector<16xi32>
          %shift_left3A_313 = arith.shli %xor3A_309, %shift_left3A_312 : vector<16xi32>
          %shift_right_logical3A_314 = arith.constant 17 : i32
          %shift_right_logical3A_315 = vector.broadcast %shift_right_logical3A_314 : i32 to vector<16xi32>
          %shift_right_logical3A_316 = arith.shrui %xor3A_309, %shift_right_logical3A_315 : vector<16xi32>
          %or3A_317 = arith.ori %shift_left3A_313, %shift_right_logical3A_316 : vector<16xi32>
          %xor3A_318 = arith.xori %or3A_317, %add3A_310 : vector<16xi32>
          %add3A_319 = arith.addi %add3A_310, %xor3A_318 : vector<16xi32>
          %shift_left3A_320 = arith.constant 26 : i32
          %shift_left3A_321 = vector.broadcast %shift_left3A_320 : i32 to vector<16xi32>
          %shift_left3A_322 = arith.shli %xor3A_318, %shift_left3A_321 : vector<16xi32>
          %shift_right_logical3A_323 = arith.constant 6 : i32
          %shift_right_logical3A_324 = vector.broadcast %shift_right_logical3A_323 : i32 to vector<16xi32>
          %shift_right_logical3A_325 = arith.shrui %xor3A_318, %shift_right_logical3A_324 : vector<16xi32>
          %or3A_326 = arith.ori %shift_left3A_322, %shift_right_logical3A_325 : vector<16xi32>
          %xor3A_327 = arith.xori %or3A_326, %add3A_319 : vector<16xi32>
          %add3A_328 = arith.addi %add3A_319, %xor3A_327 : vector<16xi32>
          %shift_left3A_329 = arith.constant 6 : i32
          %shift_left3A_330 = vector.broadcast %shift_left3A_329 : i32 to vector<16xi32>
          %shift_left3A_331 = arith.shli %xor3A_327, %shift_left3A_330 : vector<16xi32>
          %shift_right_logical3A_332 = arith.constant 26 : i32
          %shift_right_logical3A_333 = vector.broadcast %shift_right_logical3A_332 : i32 to vector<16xi32>
          %shift_right_logical3A_334 = arith.shrui %xor3A_327, %shift_right_logical3A_333 : vector<16xi32>
          %or3A_335 = arith.ori %shift_left3A_331, %shift_right_logical3A_334 : vector<16xi32>
          %xor3A_336 = arith.xori %or3A_335, %add3A_328 : vector<16xi32>
          %add3A_337 = arith.constant 64467757 : i32
          %add3A_338 = vector.broadcast %add3A_337 : i32 to vector<16xi32>
          %add3A_339 = arith.addi %add3A_328, %add3A_338 : vector<16xi32>
          %add3A_340 = arith.constant -1378843660 : i32
          %add3A_341 = vector.broadcast %add3A_340 : i32 to vector<16xi32>
          %add3A_342 = arith.addi %xor3A_336, %add3A_341 : vector<16xi32>
          %add3A_343 = arith.constant 3 : i32
          %add3A_344 = vector.broadcast %add3A_343 : i32 to vector<16xi32>
          %add3A_345 = arith.addi %add3A_342, %add3A_344 : vector<16xi32>
          %add3A_346 = arith.addi %add3A_339, %add3A_345 : vector<16xi32>
          %shift_left3A_347 = arith.constant 17 : i32
          %shift_left3A_348 = vector.broadcast %shift_left3A_347 : i32 to vector<16xi32>
          %shift_left3A_349 = arith.shli %add3A_345, %shift_left3A_348 : vector<16xi32>
          %shift_right_logical3A_350 = arith.constant 15 : i32
          %shift_right_logical3A_351 = vector.broadcast %shift_right_logical3A_350 : i32 to vector<16xi32>
          %shift_right_logical3A_352 = arith.shrui %add3A_345, %shift_right_logical3A_351 : vector<16xi32>
          %or3A_353 = arith.ori %shift_left3A_349, %shift_right_logical3A_352 : vector<16xi32>
          %xor3A_354 = arith.xori %or3A_353, %add3A_346 : vector<16xi32>
          %add3A_355 = arith.addi %add3A_346, %xor3A_354 : vector<16xi32>
          %shift_left3A_356 = arith.constant 29 : i32
          %shift_left3A_357 = vector.broadcast %shift_left3A_356 : i32 to vector<16xi32>
          %shift_left3A_358 = arith.shli %xor3A_354, %shift_left3A_357 : vector<16xi32>
          %shift_right_logical3A_359 = arith.constant 3 : i32
          %shift_right_logical3A_360 = vector.broadcast %shift_right_logical3A_359 : i32 to vector<16xi32>
          %shift_right_logical3A_361 = arith.shrui %xor3A_354, %shift_right_logical3A_360 : vector<16xi32>
          %or3A_362 = arith.ori %shift_left3A_358, %shift_right_logical3A_361 : vector<16xi32>
          %xor3A_363 = arith.xori %or3A_362, %add3A_355 : vector<16xi32>
          %add3A_364 = arith.addi %add3A_355, %xor3A_363 : vector<16xi32>
          %shift_left3A_365 = arith.constant 16 : i32
          %shift_left3A_366 = vector.broadcast %shift_left3A_365 : i32 to vector<16xi32>
          %shift_left3A_367 = arith.shli %xor3A_363, %shift_left3A_366 : vector<16xi32>
          %shift_right_logical3A_368 = arith.constant 16 : i32
          %shift_right_logical3A_369 = vector.broadcast %shift_right_logical3A_368 : i32 to vector<16xi32>
          %shift_right_logical3A_370 = arith.shrui %xor3A_363, %shift_right_logical3A_369 : vector<16xi32>
          %or3A_371 = arith.ori %shift_left3A_367, %shift_right_logical3A_370 : vector<16xi32>
          %xor3A_372 = arith.xori %or3A_371, %add3A_364 : vector<16xi32>
          %add3A_373 = arith.addi %add3A_364, %xor3A_372 : vector<16xi32>
          %shift_left3A_374 = arith.constant 24 : i32
          %shift_left3A_375 = vector.broadcast %shift_left3A_374 : i32 to vector<16xi32>
          %shift_left3A_376 = arith.shli %xor3A_372, %shift_left3A_375 : vector<16xi32>
          %shift_right_logical3A_377 = arith.constant 8 : i32
          %shift_right_logical3A_378 = vector.broadcast %shift_right_logical3A_377 : i32 to vector<16xi32>
          %shift_right_logical3A_379 = arith.shrui %xor3A_372, %shift_right_logical3A_378 : vector<16xi32>
          %or3A_380 = arith.ori %shift_left3A_376, %shift_right_logical3A_379 : vector<16xi32>
          %xor3A_381 = arith.xori %or3A_380, %add3A_373 : vector<16xi32>
          %add3A_382 = arith.constant -1378843660 : i32
          %add3A_383 = vector.broadcast %add3A_382 : i32 to vector<16xi32>
          %add3A_384 = arith.addi %add3A_373, %add3A_383 : vector<16xi32>
          %add3A_385 = arith.constant -1244255485 : i32
          %add3A_386 = vector.broadcast %add3A_385 : i32 to vector<16xi32>
          %add3A_387 = arith.addi %xor3A_381, %add3A_386 : vector<16xi32>
          %add3A_388 = arith.constant 4 : i32
          %add3A_389 = vector.broadcast %add3A_388 : i32 to vector<16xi32>
          %add3A_390 = arith.addi %add3A_387, %add3A_389 : vector<16xi32>
          %add3A_391 = arith.addi %add3A_384, %add3A_390 : vector<16xi32>
          %shift_left3A_392 = arith.constant 13 : i32
          %shift_left3A_393 = vector.broadcast %shift_left3A_392 : i32 to vector<16xi32>
          %shift_left3A_394 = arith.shli %add3A_390, %shift_left3A_393 : vector<16xi32>
          %shift_right_logical3A_395 = arith.constant 19 : i32
          %shift_right_logical3A_396 = vector.broadcast %shift_right_logical3A_395 : i32 to vector<16xi32>
          %shift_right_logical3A_397 = arith.shrui %add3A_390, %shift_right_logical3A_396 : vector<16xi32>
          %or3A_398 = arith.ori %shift_left3A_394, %shift_right_logical3A_397 : vector<16xi32>
          %xor3A_399 = arith.xori %or3A_398, %add3A_391 : vector<16xi32>
          %add3A_400 = arith.addi %add3A_391, %xor3A_399 : vector<16xi32>
          %shift_left3A_401 = arith.constant 15 : i32
          %shift_left3A_402 = vector.broadcast %shift_left3A_401 : i32 to vector<16xi32>
          %shift_left3A_403 = arith.shli %xor3A_399, %shift_left3A_402 : vector<16xi32>
          %shift_right_logical3A_404 = arith.constant 17 : i32
          %shift_right_logical3A_405 = vector.broadcast %shift_right_logical3A_404 : i32 to vector<16xi32>
          %shift_right_logical3A_406 = arith.shrui %xor3A_399, %shift_right_logical3A_405 : vector<16xi32>
          %or3A_407 = arith.ori %shift_left3A_403, %shift_right_logical3A_406 : vector<16xi32>
          %xor3A_408 = arith.xori %or3A_407, %add3A_400 : vector<16xi32>
          %add3A_409 = arith.addi %add3A_400, %xor3A_408 : vector<16xi32>
          %shift_left3A_410 = arith.constant 26 : i32
          %shift_left3A_411 = vector.broadcast %shift_left3A_410 : i32 to vector<16xi32>
          %shift_left3A_412 = arith.shli %xor3A_408, %shift_left3A_411 : vector<16xi32>
          %shift_right_logical3A_413 = arith.constant 6 : i32
          %shift_right_logical3A_414 = vector.broadcast %shift_right_logical3A_413 : i32 to vector<16xi32>
          %shift_right_logical3A_415 = arith.shrui %xor3A_408, %shift_right_logical3A_414 : vector<16xi32>
          %or3A_416 = arith.ori %shift_left3A_412, %shift_right_logical3A_415 : vector<16xi32>
          %xor3A_417 = arith.xori %or3A_416, %add3A_409 : vector<16xi32>
          %add3A_418 = arith.addi %add3A_409, %xor3A_417 : vector<16xi32>
          %shift_left3A_419 = arith.constant 6 : i32
          %shift_left3A_420 = vector.broadcast %shift_left3A_419 : i32 to vector<16xi32>
          %shift_left3A_421 = arith.shli %xor3A_417, %shift_left3A_420 : vector<16xi32>
          %shift_right_logical3A_422 = arith.constant 26 : i32
          %shift_right_logical3A_423 = vector.broadcast %shift_right_logical3A_422 : i32 to vector<16xi32>
          %shift_right_logical3A_424 = arith.shrui %xor3A_417, %shift_right_logical3A_423 : vector<16xi32>
          %or3A_425 = arith.ori %shift_left3A_421, %shift_right_logical3A_424 : vector<16xi32>
          %xor3A_426 = arith.xori %or3A_425, %add3A_418 : vector<16xi32>
          %add3A_427 = arith.constant -1244255485 : i32
          %add3A_428 = vector.broadcast %add3A_427 : i32 to vector<16xi32>
          %add3A_429 = arith.addi %add3A_418, %add3A_428 : vector<16xi32>
          %add3A_430 = arith.constant 64467757 : i32
          %add3A_431 = vector.broadcast %add3A_430 : i32 to vector<16xi32>
          %add3A_432 = arith.addi %xor3A_426, %add3A_431 : vector<16xi32>
          %add3A_433 = arith.constant 5 : i32
          %add3A_434 = vector.broadcast %add3A_433 : i32 to vector<16xi32>
          %add3A_435 = arith.addi %add3A_432, %add3A_434 : vector<16xi32>
          %xor3A_436 = arith.xori %add3A_429, %add3A_435 : vector<16xi32>
          %shift_right_logical3A_437 = arith.constant 9 : i32
          %shift_right_logical3A_438 = vector.broadcast %shift_right_logical3A_437 : i32 to vector<16xi32>
          %shift_right_logical3A_439 = arith.shrui %xor3A_436, %shift_right_logical3A_438 : vector<16xi32>
          %lt3A_440 = arith.constant 1677722 : i32
          %lt3A_441 = vector.broadcast %lt3A_440 : i32 to vector<16xi32>
          %lt3A_442 = arith.cmpi slt, %shift_right_logical3A_439, %lt3A_441 : vector<16xi32>
          %jit3A_443 = arith.constant 0.000000e+00 : f32
          %jit3A_444 = arith.constant 1.000000e+00 : f32
          %broadcast_in_dim3A_445 = vector.broadcast %jit3A_443 : f32 to vector<16xf32>
          %broadcast_in_dim3A_446 = vector.broadcast %jit3A_444 : f32 to vector<16xf32>
          %select_n3A_447 = arith.select %lt3A_442, %broadcast_in_dim3A_445, %broadcast_in_dim3A_446 : vector<16xi1>, vector<16xf32>
          %parallel_loop3A = arith.constant 0 : i32
          %parallel_loop3A_448 = arith.constant 16 : i32
          %parallel_loop3A_449 = arith.constant 1 : i32
          scf.for %parallel_loop3A_450 = %parallel_loop3A to %parallel_loop3A_448 step %parallel_loop3A_449  : i32 {
            %parallel_loop3A_451 = arith.constant 0 : i32
            %parallel_loop3A_452 = vector.broadcast %parallel_loop3A_451 : i32 to vector<16xi32>
            %parallel_loop3A_453 = vector.broadcast %parallel_loop3A_450 : i32 to vector<16xi32>
            %parallel_loop3A_454 = arith.addi %parallel_loop3A_452, %parallel_loop3A_453 : vector<16xi32>
            %parallel_loop3A_455 = vector.shape_cast %parallel_loop3A_454 : vector<16xi32> to vector<16x1xi32>
            %parallel_loop3A_456 = vector.shape_cast %parallel_loop3A_455 : vector<16x1xi32> to vector<16xi32>
            %parallel_loop3A_457 = tpu.dynamic_gather %select_n3A_447[%parallel_loop3A_456] in [0] : vector<16xf32>, vector<16xi32> -> vector<16xf32>
            %parallel_loop3A_458 = arith.constant 16 : i32
            %parallel_loop3A_459 = arith.muli %parallel_loop3A_458, %scan3A_205 : i32
            %parallel_loop3A_460 = arith.addi %parallel_loop3A_459, %parallel_loop3A_450 : i32
            %parallel_loop3A_461 = arith.index_cast %parallel_loop3A_460 : i32 to index
            %parallel_loop3A_462 = arith.constant 0 : index
            %parallel_loop3A_463 = tpu.vector_load %arg5[%parallel_loop3A_461, %parallel_loop3A_462] {strides = array<i32>} : memref<192x128xf32, #tpu.memory_space<vmem>>, vector<1x16xf32>,
            %parallel_loop3A_464 = vector.shape_cast %parallel_loop3A_463 : vector<1x16xf32> to vector<16xf32>
            %parallel_loop3A_465 = arith.mulf %parallel_loop3A_464, %parallel_loop3A_457 : vector<16xf32>
            %parallel_loop3A_466 = arith.index_cast %parallel_loop3A_460 : i32 to index
            %parallel_loop3A_467 = arith.constant 0 : index
            %parallel_loop3A_468 = tpu.vector_load %arg7[%parallel_loop3A_466, %parallel_loop3A_467] {strides = array<i32>} : memref<192x128xf32, #tpu.memory_space<vmem>>, vector<1x16xf32>,
            %parallel_loop3A_469 = vector.shape_cast %parallel_loop3A_468 : vector<1x16xf32> to vector<16xf32>
            %parallel_loop3A_470 = vector.shape_cast %parallel_loop3A_465 : vector<16xf32> to vector<1x16xf32>
            tpu.vector_store %arg7[%parallel_loop3A_466, %parallel_loop3A_467], %parallel_loop3A_470 {strides = array<i32>} : memref<192x128xf32, #tpu.memory_space<vmem>>, vector<1x16xf32>,
            %parallel_loop3A_471 = arith.index_cast %parallel_loop3A_460 : i32 to index
            %parallel_loop3A_472 = arith.constant 16 : index
            %parallel_loop3A_473 = tpu.vector_load %arg5[%parallel_loop3A_471, %parallel_loop3A_472] {strides = array<i32>} : memref<192x128xf32, #tpu.memory_space<vmem>>, vector<1x16xf32>,
            %parallel_loop3A_474 = vector.shape_cast %parallel_loop3A_473 : vector<1x16xf32> to vector<16xf32>
            %parallel_loop3A_475 = arith.mulf %parallel_loop3A_474, %parallel_loop3A_457 : vector<16xf32>
            %parallel_loop3A_476 = arith.index_cast %parallel_loop3A_460 : i32 to index
            %parallel_loop3A_477 = arith.constant 16 : index
            %parallel_loop3A_478 = tpu.vector_load %arg7[%parallel_loop3A_476, %parallel_loop3A_477] {strides = array<i32>} : memref<192x128xf32, #tpu.memory_space<vmem>>, vector<1x16xf32>,
            %parallel_loop3A_479 = vector.shape_cast %parallel_loop3A_478 : vector<1x16xf32> to vector<16xf32>
            %parallel_loop3A_480 = vector.shape_cast %parallel_loop3A_475 : vector<16xf32> to vector<1x16xf32>
            tpu.vector_store %arg7[%parallel_loop3A_476, %parallel_loop3A_477], %parallel_loop3A_480 {strides = array<i32>} : memref<192x128xf32, #tpu.memory_space<vmem>>, vector<1x16xf32>,
            %parallel_loop3A_481 = arith.index_cast %parallel_loop3A_460 : i32 to index
            %parallel_loop3A_482 = arith.constant 32 : index
            %parallel_loop3A_483 = tpu.vector_load %arg5[%parallel_loop3A_481, %parallel_loop3A_482] {strides = array<i32>} : memref<192x128xf32, #tpu.memory_space<vmem>>, vector<1x16xf32>,
            %parallel_loop3A_484 = vector.shape_cast %parallel_loop3A_483 : vector<1x16xf32> to vector<16xf32>
            %parallel_loop3A_485 = arith.mulf %parallel_loop3A_484, %parallel_loop3A_457 : vector<16xf32>
            %parallel_loop3A_486 = arith.index_cast %parallel_loop3A_460 : i32 to index
            %parallel_loop3A_487 = arith.constant 32 : index
            %parallel_loop3A_488 = tpu.vector_load %arg7[%parallel_loop3A_486, %parallel_loop3A_487] {strides = array<i32>} : memref<192x128xf32, #tpu.memory_space<vmem>>, vector<1x16xf32>,
            %parallel_loop3A_489 = vector.shape_cast %parallel_loop3A_488 : vector<1x16xf32> to vector<16xf32>
            %parallel_loop3A_490 = vector.shape_cast %parallel_loop3A_485 : vector<16xf32> to vector<1x16xf32>
            tpu.vector_store %arg7[%parallel_loop3A_486, %parallel_loop3A_487], %parallel_loop3A_490 {strides = array<i32>} : memref<192x128xf32, #tpu.memory_space<vmem>>, vector<1x16xf32>,
            %parallel_loop3A_491 = arith.index_cast %parallel_loop3A_460 : i32 to index
            %parallel_loop3A_492 = arith.constant 48 : index
            %parallel_loop3A_493 = tpu.vector_load %arg5[%parallel_loop3A_491, %parallel_loop3A_492] {strides = array<i32>} : memref<192x128xf32, #tpu.memory_space<vmem>>, vector<1x16xf32>,
            %parallel_loop3A_494 = vector.shape_cast %parallel_loop3A_493 : vector<1x16xf32> to vector<16xf32>
            %parallel_loop3A_495 = arith.mulf %parallel_loop3A_494, %parallel_loop3A_457 : vector<16xf32>
            %parallel_loop3A_496 = arith.index_cast %parallel_loop3A_460 : i32 to index
            %parallel_loop3A_497 = arith.constant 48 : index
            %parallel_loop3A_498 = tpu.vector_load %arg7[%parallel_loop3A_496, %parallel_loop3A_497] {strides = array<i32>} : memref<192x128xf32, #tpu.memory_space<vmem>>, vector<1x16xf32>,
            %parallel_loop3A_499 = vector.shape_cast %parallel_loop3A_498 : vector<1x16xf32> to vector<16xf32>
            %parallel_loop3A_500 = vector.shape_cast %parallel_loop3A_495 : vector<16xf32> to vector<1x16xf32>
            tpu.vector_store %arg7[%parallel_loop3A_496, %parallel_loop3A_497], %parallel_loop3A_500 {strides = array<i32>} : memref<192x128xf32, #tpu.memory_space<vmem>>, vector<1x16xf32>,
            %parallel_loop3A_501 = arith.index_cast %parallel_loop3A_460 : i32 to index
            %parallel_loop3A_502 = arith.constant 64 : index
            %parallel_loop3A_503 = tpu.vector_load %arg5[%parallel_loop3A_501, %parallel_loop3A_502] {strides = array<i32>} : memref<192x128xf32, #tpu.memory_space<vmem>>, vector<1x16xf32>,
            %parallel_loop3A_504 = vector.shape_cast %parallel_loop3A_503 : vector<1x16xf32> to vector<16xf32>
            %parallel_loop3A_505 = arith.mulf %parallel_loop3A_504, %parallel_loop3A_457 : vector<16xf32>
            %parallel_loop3A_506 = arith.index_cast %parallel_loop3A_460 : i32 to index
            %parallel_loop3A_507 = arith.constant 64 : index
            %parallel_loop3A_508 = tpu.vector_load %arg7[%parallel_loop3A_506, %parallel_loop3A_507] {strides = array<i32>} : memref<192x128xf32, #tpu.memory_space<vmem>>, vector<1x16xf32>,
            %parallel_loop3A_509 = vector.shape_cast %parallel_loop3A_508 : vector<1x16xf32> to vector<16xf32>
            %parallel_loop3A_510 = vector.shape_cast %parallel_loop3A_505 : vector<16xf32> to vector<1x16xf32>
            tpu.vector_store %arg7[%parallel_loop3A_506, %parallel_loop3A_507], %parallel_loop3A_510 {strides = array<i32>} : memref<192x128xf32, #tpu.memory_space<vmem>>, vector<1x16xf32>,
            %parallel_loop3A_511 = arith.index_cast %parallel_loop3A_460 : i32 to index
            %parallel_loop3A_512 = arith.constant 80 : index
            %parallel_loop3A_513 = tpu.vector_load %arg5[%parallel_loop3A_511, %parallel_loop3A_512] {strides = array<i32>} : memref<192x128xf32, #tpu.memory_space<vmem>>, vector<1x16xf32>,
            %parallel_loop3A_514 = vector.shape_cast %parallel_loop3A_513 : vector<1x16xf32> to vector<16xf32>
            %parallel_loop3A_515 = arith.mulf %parallel_loop3A_514, %parallel_loop3A_457 : vector<16xf32>
            %parallel_loop3A_516 = arith.index_cast %parallel_loop3A_460 : i32 to index
            %parallel_loop3A_517 = arith.constant 80 : index
            %parallel_loop3A_518 = tpu.vector_load %arg7[%parallel_loop3A_516, %parallel_loop3A_517] {strides = array<i32>} : memref<192x128xf32, #tpu.memory_space<vmem>>, vector<1x16xf32>,
            %parallel_loop3A_519 = vector.shape_cast %parallel_loop3A_518 : vector<1x16xf32> to vector<16xf32>
            %parallel_loop3A_520 = vector.shape_cast %parallel_loop3A_515 : vector<16xf32> to vector<1x16xf32>
            tpu.vector_store %arg7[%parallel_loop3A_516, %parallel_loop3A_517], %parallel_loop3A_520 {strides = array<i32>} : memref<192x128xf32, #tpu.memory_space<vmem>>, vector<1x16xf32>,
            %parallel_loop3A_521 = arith.index_cast %parallel_loop3A_460 : i32 to index
            %parallel_loop3A_522 = arith.constant 96 : index
            %parallel_loop3A_523 = tpu.vector_load %arg5[%parallel_loop3A_521, %parallel_loop3A_522] {strides = array<i32>} : memref<192x128xf32, #tpu.memory_space<vmem>>, vector<1x16xf32>,
            %parallel_loop3A_524 = vector.shape_cast %parallel_loop3A_523 : vector<1x16xf32> to vector<16xf32>
            %parallel_loop3A_525 = arith.mulf %parallel_loop3A_524, %parallel_loop3A_457 : vector<16xf32>
            %parallel_loop3A_526 = arith.index_cast %parallel_loop3A_460 : i32 to index
            %parallel_loop3A_527 = arith.constant 96 : index
            %parallel_loop3A_528 = tpu.vector_load %arg7[%parallel_loop3A_526, %parallel_loop3A_527] {strides = array<i32>} : memref<192x128xf32, #tpu.memory_space<vmem>>, vector<1x16xf32>,
            %parallel_loop3A_529 = vector.shape_cast %parallel_loop3A_528 : vector<1x16xf32> to vector<16xf32>
            %parallel_loop3A_530 = vector.shape_cast %parallel_loop3A_525 : vector<16xf32> to vector<1x16xf32>
            tpu.vector_store %arg7[%parallel_loop3A_526, %parallel_loop3A_527], %parallel_loop3A_530 {strides = array<i32>} : memref<192x128xf32, #tpu.memory_space<vmem>>, vector<1x16xf32>,
            %parallel_loop3A_531 = arith.index_cast %parallel_loop3A_460 : i32 to index
            %parallel_loop3A_532 = arith.constant 112 : index
            %parallel_loop3A_533 = tpu.vector_load %arg5[%parallel_loop3A_531, %parallel_loop3A_532] {strides = array<i32>} : memref<192x128xf32, #tpu.memory_space<vmem>>, vector<1x16xf32>,
            %parallel_loop3A_534 = vector.shape_cast %parallel_loop3A_533 : vector<1x16xf32> to vector<16xf32>
            %parallel_loop3A_535 = arith.mulf %parallel_loop3A_534, %parallel_loop3A_457 : vector<16xf32>
            %parallel_loop3A_536 = arith.index_cast %parallel_loop3A_460 : i32 to index
            %parallel_loop3A_537 = arith.constant 112 : index
            %parallel_loop3A_538 = tpu.vector_load %arg7[%parallel_loop3A_536, %parallel_loop3A_537] {strides = array<i32>} : memref<192x128xf32, #tpu.memory_space<vmem>>, vector<1x16xf32>,
            %parallel_loop3A_539 = vector.shape_cast %parallel_loop3A_538 : vector<1x16xf32> to vector<16xf32>
            %parallel_loop3A_540 = vector.shape_cast %parallel_loop3A_535 : vector<16xf32> to vector<1x16xf32>
            tpu.vector_store %arg7[%parallel_loop3A_536, %parallel_loop3A_537], %parallel_loop3A_540 {strides = array<i32>} : memref<192x128xf32, #tpu.memory_space<vmem>>, vector<1x16xf32>,
          } {sc.loop_unroll_factor = 4 : i64, sc.parallel_access}
        }
        %scan3A_195 = arith.constant 12 : i32
        %mul3A_196 = arith.constant 32 : i32
        %mul3A_197 = arith.muli %while3A_128, %mul3A_196 : i32
        %add3A_198 = arith.addi %add3A, %mul3A_197 : i32
        %mul3A_199 = arith.constant 192 : i32
        %mul3A_200 = arith.muli %add3A_198, %mul3A_199 : i32
        %multiple_of3A_201 = tpu.assume_multiple %mul3A_200, 192 : i32
        %dma_start3A = arith.constant 0 : i32
        %dma_start3A_202 = tpu.memref_slice %arg3[%multiple_of3A_201, %dma_start3A] : memref<100000x128xf32, #tpu.memory_space<hbm>> -> memref<192x128xf32, #tpu.memory_space<hbm>>
        %dma_start3A_203 = arith.constant 0 : i32
        %dma_start3A_204 = tpu.memref_slice %arg3[%multiple_of3A_201, %dma_start3A_203] : memref<100000x128xf32, #tpu.memory_space<hbm>> -> memref<192x128xf32, #tpu.memory_space<hbm>>
        tpu.enqueue_dma source(%arg7 : memref<192x128xf32, #tpu.memory_space<vmem>>) target(%dma_start3A_204 : memref<192x128xf32, #tpu.memory_space<hbm>>) target_semaphore(%arg11 : memref<!tpu.dma_semaphore, #tpu.memory_space<semaphore_mem>>)
      } else {
      }
    }
    %while3A_15 = arith.constant 1 : i32
    scf.for %while3A_128 = %while3A_13 to %while3A_9 step %while3A_15  : i32 {
      %jit3A_129 = arith.constant 2 : i32
      %eq3A_130 = arith.constant 0 : i32
      %eq3A_131 = arith.cmpi eq, %jit3A_129, %eq3A_130 : i32
      %jit3A_132 = arith.constant 1 : i32
      %select_n3A_133 = arith.select %eq3A_131, %jit3A_132, %jit3A_129 : i32
      %rem3A_134 = arith.remsi %while3A_128, %select_n3A_133 : i32
      %ne3A_135 = arith.constant 0 : i32
      %ne3A_136 = arith.cmpi ne, %rem3A_134, %ne3A_135 : i32
      %lt3A_137 = arith.constant 0 : i32
      %lt3A_138 = arith.cmpi slt, %rem3A_134, %lt3A_137 : i32
      %lt3A_139 = arith.constant 0 : i32
      %lt3A_140 = arith.cmpi slt, %select_n3A_133, %lt3A_139 : i32
      %ne3A_141 = arith.xori %lt3A_138, %lt3A_140 : i1
      %and3A_142 = arith.andi %ne3A_141, %ne3A_136 : i1
      %add3A_143 = arith.addi %rem3A_134, %select_n3A_133 : i32
      %select_n3A_144 = arith.select %and3A_142, %add3A_143, %rem3A_134 : i32
      %eq3A_145 = arith.constant 0 : i32
      %eq3A_146 = arith.cmpi eq, %select_n3A_144, %eq3A_145 : i32
      %convert_element_type3A_147 = arith.extui %eq3A_146 : i1 to i32
      %cond3A_148 = arith.constant 0 : i32
      %cond3A_149 = arith.cmpi ne, %convert_element_type3A_147, %cond3A_148 : i32
      scf.if %cond3A_149 {
        %add3A_171 = arith.constant 1 : i32
        %add3A_172 = arith.addi %while3A_128, %add3A_171 : i32
        %lt3A_173 = arith.cmpi slt, %add3A_172, %add3A_4 : i32
        %convert_element_type3A_174 = arith.extui %lt3A_173 : i1 to i32
        %cond3A_175 = arith.constant 0 : i32
        %cond3A_176 = arith.cmpi ne, %convert_element_type3A_174, %cond3A_175 : i32
        scf.if %cond3A_176 {
          %add3A_205 = arith.constant 1 : i32
          %add3A_206 = arith.addi %while3A_128, %add3A_205 : i32
          %mul3A_207 = arith.constant 32 : i32
          %mul3A_208 = arith.muli %add3A_206, %mul3A_207 : i32
          %add3A_209 = arith.addi %add3A, %mul3A_208 : i32
          %mul3A_210 = arith.constant 192 : i32
          %mul3A_211 = arith.muli %add3A_209, %mul3A_210 : i32
          %multiple_of3A_212 = tpu.assume_multiple %mul3A_211, 192 : i32
          %dma_start3A_213 = arith.constant 0 : i32
          %dma_start3A_214 = tpu.memref_slice %arg2[%multiple_of3A_212, %dma_start3A_213] : memref<100000x128xf32, #tpu.memory_space<hbm>> -> memref<192x128xf32, #tpu.memory_space<hbm>>
          %dma_start3A_215 = arith.constant 0 : i32
          %dma_start3A_216 = tpu.memref_slice %arg2[%multiple_of3A_212, %dma_start3A_215] : memref<100000x128xf32, #tpu.memory_space<hbm>> -> memref<192x128xf32, #tpu.memory_space<hbm>>
          tpu.enqueue_dma source(%dma_start3A_216 : memref<192x128xf32, #tpu.memory_space<hbm>>) target(%arg5 : memref<192x128xf32, #tpu.memory_space<vmem>>) target_semaphore(%arg9 : memref<!tpu.dma_semaphore, #tpu.memory_space<semaphore_mem>>)
        } else {
        }
        %dma_wait3A = arith.constant 0 : i32
        %dma_wait3A_177 = arith.constant 0 : i32
        %dma_wait3A_178 = tpu.memref_slice %arg2[%dma_wait3A, %dma_wait3A_177] : memref<100000x128xf32, #tpu.memory_space<hbm>> -> memref<192x128xf32, #tpu.memory_space<hbm>>
        %dma_wait3A_179 = arith.constant 0 : i32
        %dma_wait3A_180 = arith.constant 0 : i32
        %dma_wait3A_181 = tpu.memref_slice %arg2[%dma_wait3A_179, %dma_wait3A_180] : memref<100000x128xf32, #tpu.memory_space<hbm>> -> memref<192x128xf32, #tpu.memory_space<hbm>>
        tpu.wait_dma2 semaphore(%arg8 : memref<!tpu.dma_semaphore, #tpu.memory_space<semaphore_mem>>) src(%dma_wait3A_181 : memref<192x128xf32, #tpu.memory_space<hbm>>) dst(%arg4 : memref<192x128xf32, #tpu.memory_space<vmem>>)
        %ge3A = arith.constant 2 : i32
        %ge3A_182 = arith.cmpi sge, %while3A_128, %ge3A : i32
        %convert_element_type3A_183 = arith.extui %ge3A_182 : i1 to i32
        %cond3A_184 = arith.constant 0 : i32
        %cond3A_185 = arith.cmpi ne, %convert_element_type3A_183, %cond3A_184 : i32
        scf.if %cond3A_185 {
          %dma_wait3A_205 = arith.constant 0 : i32
          %dma_wait3A_206 = arith.constant 0 : i32
          %dma_wait3A_207 = tpu.memref_slice %arg3[%dma_wait3A_205, %dma_wait3A_206] : memref<100000x128xf32, #tpu.memory_space<hbm>> -> memref<192x128xf32, #tpu.memory_space<hbm>>
          %dma_wait3A_208 = arith.constant 0 : i32
          %dma_wait3A_209 = arith.constant 0 : i32
          %dma_wait3A_210 = tpu.memref_slice %arg3[%dma_wait3A_208, %dma_wait3A_209] : memref<100000x128xf32, #tpu.memory_space<hbm>> -> memref<192x128xf32, #tpu.memory_space<hbm>>
          tpu.wait_dma2 semaphore(%arg10 : memref<!tpu.dma_semaphore, #tpu.memory_space<semaphore_mem>>) src(%arg6 : memref<192x128xf32, #tpu.memory_space<vmem>>) dst(%dma_wait3A_210 : memref<192x128xf32, #tpu.memory_space<hbm>>)
        } else {
        }
        %mul3A_186 = arith.constant 32 : i32
        %mul3A_187 = arith.muli %while3A_128, %mul3A_186 : i32
        %add3A_188 = arith.addi %add3A, %mul3A_187 : i32
        %mul3A_189 = arith.constant 192 : i32
        %mul3A_190 = arith.muli %add3A_188, %mul3A_189 : i32
        %multiple_of3A = tpu.assume_multiple %mul3A_190, 192 : i32
        %scan3A = arith.constant 0 : i32
        %scan3A_191 = arith.constant 0 : i32
        %scan3A_192 = arith.constant 12 : i32
        %scan3A_193 = arith.addi %scan3A_191, %scan3A_192 : i32
        %scan3A_194 = arith.constant 1 : i32
        scf.for %scan3A_205 = %scan3A_191 to %scan3A_193 step %scan3A_194  : i32 {
          %mul3A_206 = arith.constant 16 : i32
          %mul3A_207 = arith.muli %mul3A_206, %scan3A_205 : i32
          %add3A_208 = arith.addi %multiple_of3A, %mul3A_207 : i32
          %iota3A = tpu.iota {dimensions = array<i32: 0>} : vector<16xi32>
          %add3A_209 = vector.broadcast %add3A_208 : i32 to vector<16xi32>
          %add3A_210 = arith.addi %add3A_209, %iota3A : vector<16xi32>
          %broadcast_in_dim3A = arith.constant 64467757 : i32
          %broadcast_in_dim3A_211 = vector.broadcast %broadcast_in_dim3A : i32 to vector<16xi32>
          %add3A_212 = arith.constant -1378843660 : i32
          %add3A_213 = vector.broadcast %add3A_212 : i32 to vector<16xi32>
          %add3A_214 = arith.addi %add3A_210, %add3A_213 : vector<16xi32>
          %add3A_215 = arith.addi %broadcast_in_dim3A_211, %add3A_214 : vector<16xi32>
          %shift_left3A = arith.constant 13 : i32
          %shift_left3A_216 = vector.broadcast %shift_left3A : i32 to vector<16xi32>
          %shift_left3A_217 = arith.shli %add3A_214, %shift_left3A_216 : vector<16xi32>
          %shift_right_logical3A = arith.constant 19 : i32
          %shift_right_logical3A_218 = vector.broadcast %shift_right_logical3A : i32 to vector<16xi32>
          %shift_right_logical3A_219 = arith.shrui %add3A_214, %shift_right_logical3A_218 : vector<16xi32>
          %or3A = arith.ori %shift_left3A_217, %shift_right_logical3A_219 : vector<16xi32>
          %xor3A = arith.xori %or3A, %add3A_215 : vector<16xi32>
          %add3A_220 = arith.addi %add3A_215, %xor3A : vector<16xi32>
          %shift_left3A_221 = arith.constant 15 : i32
          %shift_left3A_222 = vector.broadcast %shift_left3A_221 : i32 to vector<16xi32>
          %shift_left3A_223 = arith.shli %xor3A, %shift_left3A_222 : vector<16xi32>
          %shift_right_logical3A_224 = arith.constant 17 : i32
          %shift_right_logical3A_225 = vector.broadcast %shift_right_logical3A_224 : i32 to vector<16xi32>
          %shift_right_logical3A_226 = arith.shrui %xor3A, %shift_right_logical3A_225 : vector<16xi32>
          %or3A_227 = arith.ori %shift_left3A_223, %shift_right_logical3A_226 : vector<16xi32>
          %xor3A_228 = arith.xori %or3A_227, %add3A_220 : vector<16xi32>
          %add3A_229 = arith.addi %add3A_220, %xor3A_228 : vector<16xi32>
          %shift_left3A_230 = arith.constant 26 : i32
          %shift_left3A_231 = vector.broadcast %shift_left3A_230 : i32 to vector<16xi32>
          %shift_left3A_232 = arith.shli %xor3A_228, %shift_left3A_231 : vector<16xi32>
          %shift_right_logical3A_233 = arith.constant 6 : i32
          %shift_right_logical3A_234 = vector.broadcast %shift_right_logical3A_233 : i32 to vector<16xi32>
          %shift_right_logical3A_235 = arith.shrui %xor3A_228, %shift_right_logical3A_234 : vector<16xi32>
          %or3A_236 = arith.ori %shift_left3A_232, %shift_right_logical3A_235 : vector<16xi32>
          %xor3A_237 = arith.xori %or3A_236, %add3A_229 : vector<16xi32>
          %add3A_238 = arith.addi %add3A_229, %xor3A_237 : vector<16xi32>
          %shift_left3A_239 = arith.constant 6 : i32
          %shift_left3A_240 = vector.broadcast %shift_left3A_239 : i32 to vector<16xi32>
          %shift_left3A_241 = arith.shli %xor3A_237, %shift_left3A_240 : vector<16xi32>
          %shift_right_logical3A_242 = arith.constant 26 : i32
          %shift_right_logical3A_243 = vector.broadcast %shift_right_logical3A_242 : i32 to vector<16xi32>
          %shift_right_logical3A_244 = arith.shrui %xor3A_237, %shift_right_logical3A_243 : vector<16xi32>
          %or3A_245 = arith.ori %shift_left3A_241, %shift_right_logical3A_244 : vector<16xi32>
          %xor3A_246 = arith.xori %or3A_245, %add3A_238 : vector<16xi32>
          %add3A_247 = arith.constant -1378843660 : i32
          %add3A_248 = vector.broadcast %add3A_247 : i32 to vector<16xi32>
          %add3A_249 = arith.addi %add3A_238, %add3A_248 : vector<16xi32>
          %add3A_250 = arith.constant -1244255485 : i32
          %add3A_251 = vector.broadcast %add3A_250 : i32 to vector<16xi32>
          %add3A_252 = arith.addi %xor3A_246, %add3A_251 : vector<16xi32>
          %add3A_253 = arith.constant 1 : i32
          %add3A_254 = vector.broadcast %add3A_253 : i32 to vector<16xi32>
          %add3A_255 = arith.addi %add3A_252, %add3A_254 : vector<16xi32>
          %add3A_256 = arith.addi %add3A_249, %add3A_255 : vector<16xi32>
          %shift_left3A_257 = arith.constant 17 : i32
          %shift_left3A_258 = vector.broadcast %shift_left3A_257 : i32 to vector<16xi32>
          %shift_left3A_259 = arith.shli %add3A_255, %shift_left3A_258 : vector<16xi32>
          %shift_right_logical3A_260 = arith.constant 15 : i32
          %shift_right_logical3A_261 = vector.broadcast %shift_right_logical3A_260 : i32 to vector<16xi32>
          %shift_right_logical3A_262 = arith.shrui %add3A_255, %shift_right_logical3A_261 : vector<16xi32>
          %or3A_263 = arith.ori %shift_left3A_259, %shift_right_logical3A_262 : vector<16xi32>
          %xor3A_264 = arith.xori %or3A_263, %add3A_256 : vector<16xi32>
          %add3A_265 = arith.addi %add3A_256, %xor3A_264 : vector<16xi32>
          %shift_left3A_266 = arith.constant 29 : i32
          %shift_left3A_267 = vector.broadcast %shift_left3A_266 : i32 to vector<16xi32>
          %shift_left3A_268 = arith.shli %xor3A_264, %shift_left3A_267 : vector<16xi32>
          %shift_right_logical3A_269 = arith.constant 3 : i32
          %shift_right_logical3A_270 = vector.broadcast %shift_right_logical3A_269 : i32 to vector<16xi32>
          %shift_right_logical3A_271 = arith.shrui %xor3A_264, %shift_right_logical3A_270 : vector<16xi32>
          %or3A_272 = arith.ori %shift_left3A_268, %shift_right_logical3A_271 : vector<16xi32>
          %xor3A_273 = arith.xori %or3A_272, %add3A_265 : vector<16xi32>
          %add3A_274 = arith.addi %add3A_265, %xor3A_273 : vector<16xi32>
          %shift_left3A_275 = arith.constant 16 : i32
          %shift_left3A_276 = vector.broadcast %shift_left3A_275 : i32 to vector<16xi32>
          %shift_left3A_277 = arith.shli %xor3A_273, %shift_left3A_276 : vector<16xi32>
          %shift_right_logical3A_278 = arith.constant 16 : i32
          %shift_right_logical3A_279 = vector.broadcast %shift_right_logical3A_278 : i32 to vector<16xi32>
          %shift_right_logical3A_280 = arith.shrui %xor3A_273, %shift_right_logical3A_279 : vector<16xi32>
          %or3A_281 = arith.ori %shift_left3A_277, %shift_right_logical3A_280 : vector<16xi32>
          %xor3A_282 = arith.xori %or3A_281, %add3A_274 : vector<16xi32>
          %add3A_283 = arith.addi %add3A_274, %xor3A_282 : vector<16xi32>
          %shift_left3A_284 = arith.constant 24 : i32
          %shift_left3A_285 = vector.broadcast %shift_left3A_284 : i32 to vector<16xi32>
          %shift_left3A_286 = arith.shli %xor3A_282, %shift_left3A_285 : vector<16xi32>
          %shift_right_logical3A_287 = arith.constant 8 : i32
          %shift_right_logical3A_288 = vector.broadcast %shift_right_logical3A_287 : i32 to vector<16xi32>
          %shift_right_logical3A_289 = arith.shrui %xor3A_282, %shift_right_logical3A_288 : vector<16xi32>
          %or3A_290 = arith.ori %shift_left3A_286, %shift_right_logical3A_289 : vector<16xi32>
          %xor3A_291 = arith.xori %or3A_290, %add3A_283 : vector<16xi32>
          %add3A_292 = arith.constant -1244255485 : i32
          %add3A_293 = vector.broadcast %add3A_292 : i32 to vector<16xi32>
          %add3A_294 = arith.addi %add3A_283, %add3A_293 : vector<16xi32>
          %add3A_295 = arith.constant 64467757 : i32
          %add3A_296 = vector.broadcast %add3A_295 : i32 to vector<16xi32>
          %add3A_297 = arith.addi %xor3A_291, %add3A_296 : vector<16xi32>
          %add3A_298 = arith.constant 2 : i32
          %add3A_299 = vector.broadcast %add3A_298 : i32 to vector<16xi32>
          %add3A_300 = arith.addi %add3A_297, %add3A_299 : vector<16xi32>
          %add3A_301 = arith.addi %add3A_294, %add3A_300 : vector<16xi32>
          %shift_left3A_302 = arith.constant 13 : i32
          %shift_left3A_303 = vector.broadcast %shift_left3A_302 : i32 to vector<16xi32>
          %shift_left3A_304 = arith.shli %add3A_300, %shift_left3A_303 : vector<16xi32>
          %shift_right_logical3A_305 = arith.constant 19 : i32
          %shift_right_logical3A_306 = vector.broadcast %shift_right_logical3A_305 : i32 to vector<16xi32>
          %shift_right_logical3A_307 = arith.shrui %add3A_300, %shift_right_logical3A_306 : vector<16xi32>
          %or3A_308 = arith.ori %shift_left3A_304, %shift_right_logical3A_307 : vector<16xi32>
          %xor3A_309 = arith.xori %or3A_308, %add3A_301 : vector<16xi32>
          %add3A_310 = arith.addi %add3A_301, %xor3A_309 : vector<16xi32>
          %shift_left3A_311 = arith.constant 15 : i32
          %shift_left3A_312 = vector.broadcast %shift_left3A_311 : i32 to vector<16xi32>
          %shift_left3A_313 = arith.shli %xor3A_309, %shift_left3A_312 : vector<16xi32>
          %shift_right_logical3A_314 = arith.constant 17 : i32
          %shift_right_logical3A_315 = vector.broadcast %shift_right_logical3A_314 : i32 to vector<16xi32>
          %shift_right_logical3A_316 = arith.shrui %xor3A_309, %shift_right_logical3A_315 : vector<16xi32>
          %or3A_317 = arith.ori %shift_left3A_313, %shift_right_logical3A_316 : vector<16xi32>
          %xor3A_318 = arith.xori %or3A_317, %add3A_310 : vector<16xi32>
          %add3A_319 = arith.addi %add3A_310, %xor3A_318 : vector<16xi32>
          %shift_left3A_320 = arith.constant 26 : i32
          %shift_left3A_321 = vector.broadcast %shift_left3A_320 : i32 to vector<16xi32>
          %shift_left3A_322 = arith.shli %xor3A_318, %shift_left3A_321 : vector<16xi32>
          %shift_right_logical3A_323 = arith.constant 6 : i32
          %shift_right_logical3A_324 = vector.broadcast %shift_right_logical3A_323 : i32 to vector<16xi32>
          %shift_right_logical3A_325 = arith.shrui %xor3A_318, %shift_right_logical3A_324 : vector<16xi32>
          %or3A_326 = arith.ori %shift_left3A_322, %shift_right_logical3A_325 : vector<16xi32>
          %xor3A_327 = arith.xori %or3A_326, %add3A_319 : vector<16xi32>
          %add3A_328 = arith.addi %add3A_319, %xor3A_327 : vector<16xi32>
          %shift_left3A_329 = arith.constant 6 : i32
          %shift_left3A_330 = vector.broadcast %shift_left3A_329 : i32 to vector<16xi32>
          %shift_left3A_331 = arith.shli %xor3A_327, %shift_left3A_330 : vector<16xi32>
          %shift_right_logical3A_332 = arith.constant 26 : i32
          %shift_right_logical3A_333 = vector.broadcast %shift_right_logical3A_332 : i32 to vector<16xi32>
          %shift_right_logical3A_334 = arith.shrui %xor3A_327, %shift_right_logical3A_333 : vector<16xi32>
          %or3A_335 = arith.ori %shift_left3A_331, %shift_right_logical3A_334 : vector<16xi32>
          %xor3A_336 = arith.xori %or3A_335, %add3A_328 : vector<16xi32>
          %add3A_337 = arith.constant 64467757 : i32
          %add3A_338 = vector.broadcast %add3A_337 : i32 to vector<16xi32>
          %add3A_339 = arith.addi %add3A_328, %add3A_338 : vector<16xi32>
          %add3A_340 = arith.constant -1378843660 : i32
          %add3A_341 = vector.broadcast %add3A_340 : i32 to vector<16xi32>
          %add3A_342 = arith.addi %xor3A_336, %add3A_341 : vector<16xi32>
          %add3A_343 = arith.constant 3 : i32
          %add3A_344 = vector.broadcast %add3A_343 : i32 to vector<16xi32>
          %add3A_345 = arith.addi %add3A_342, %add3A_344 : vector<16xi32>
          %add3A_346 = arith.addi %add3A_339, %add3A_345 : vector<16xi32>
          %shift_left3A_347 = arith.constant 17 : i32
          %shift_left3A_348 = vector.broadcast %shift_left3A_347 : i32 to vector<16xi32>
          %shift_left3A_349 = arith.shli %add3A_345, %shift_left3A_348 : vector<16xi32>
          %shift_right_logical3A_350 = arith.constant 15 : i32
          %shift_right_logical3A_351 = vector.broadcast %shift_right_logical3A_350 : i32 to vector<16xi32>
          %shift_right_logical3A_352 = arith.shrui %add3A_345, %shift_right_logical3A_351 : vector<16xi32>
          %or3A_353 = arith.ori %shift_left3A_349, %shift_right_logical3A_352 : vector<16xi32>
          %xor3A_354 = arith.xori %or3A_353, %add3A_346 : vector<16xi32>
          %add3A_355 = arith.addi %add3A_346, %xor3A_354 : vector<16xi32>
          %shift_left3A_356 = arith.constant 29 : i32
          %shift_left3A_357 = vector.broadcast %shift_left3A_356 : i32 to vector<16xi32>
          %shift_left3A_358 = arith.shli %xor3A_354, %shift_left3A_357 : vector<16xi32>
          %shift_right_logical3A_359 = arith.constant 3 : i32
          %shift_right_logical3A_360 = vector.broadcast %shift_right_logical3A_359 : i32 to vector<16xi32>
          %shift_right_logical3A_361 = arith.shrui %xor3A_354, %shift_right_logical3A_360 : vector<16xi32>
          %or3A_362 = arith.ori %shift_left3A_358, %shift_right_logical3A_361 : vector<16xi32>
          %xor3A_363 = arith.xori %or3A_362, %add3A_355 : vector<16xi32>
          %add3A_364 = arith.addi %add3A_355, %xor3A_363 : vector<16xi32>
          %shift_left3A_365 = arith.constant 16 : i32
          %shift_left3A_366 = vector.broadcast %shift_left3A_365 : i32 to vector<16xi32>
          %shift_left3A_367 = arith.shli %xor3A_363, %shift_left3A_366 : vector<16xi32>
          %shift_right_logical3A_368 = arith.constant 16 : i32
          %shift_right_logical3A_369 = vector.broadcast %shift_right_logical3A_368 : i32 to vector<16xi32>
          %shift_right_logical3A_370 = arith.shrui %xor3A_363, %shift_right_logical3A_369 : vector<16xi32>
          %or3A_371 = arith.ori %shift_left3A_367, %shift_right_logical3A_370 : vector<16xi32>
          %xor3A_372 = arith.xori %or3A_371, %add3A_364 : vector<16xi32>
          %add3A_373 = arith.addi %add3A_364, %xor3A_372 : vector<16xi32>
          %shift_left3A_374 = arith.constant 24 : i32
          %shift_left3A_375 = vector.broadcast %shift_left3A_374 : i32 to vector<16xi32>
          %shift_left3A_376 = arith.shli %xor3A_372, %shift_left3A_375 : vector<16xi32>
          %shift_right_logical3A_377 = arith.constant 8 : i32
          %shift_right_logical3A_378 = vector.broadcast %shift_right_logical3A_377 : i32 to vector<16xi32>
          %shift_right_logical3A_379 = arith.shrui %xor3A_372, %shift_right_logical3A_378 : vector<16xi32>
          %or3A_380 = arith.ori %shift_left3A_376, %shift_right_logical3A_379 : vector<16xi32>
          %xor3A_381 = arith.xori %or3A_380, %add3A_373 : vector<16xi32>
          %add3A_382 = arith.constant -1378843660 : i32
          %add3A_383 = vector.broadcast %add3A_382 : i32 to vector<16xi32>
          %add3A_384 = arith.addi %add3A_373, %add3A_383 : vector<16xi32>
          %add3A_385 = arith.constant -1244255485 : i32
          %add3A_386 = vector.broadcast %add3A_385 : i32 to vector<16xi32>
          %add3A_387 = arith.addi %xor3A_381, %add3A_386 : vector<16xi32>
          %add3A_388 = arith.constant 4 : i32
          %add3A_389 = vector.broadcast %add3A_388 : i32 to vector<16xi32>
          %add3A_390 = arith.addi %add3A_387, %add3A_389 : vector<16xi32>
          %add3A_391 = arith.addi %add3A_384, %add3A_390 : vector<16xi32>
          %shift_left3A_392 = arith.constant 13 : i32
          %shift_left3A_393 = vector.broadcast %shift_left3A_392 : i32 to vector<16xi32>
          %shift_left3A_394 = arith.shli %add3A_390, %shift_left3A_393 : vector<16xi32>
          %shift_right_logical3A_395 = arith.constant 19 : i32
          %shift_right_logical3A_396 = vector.broadcast %shift_right_logical3A_395 : i32 to vector<16xi32>
          %shift_right_logical3A_397 = arith.shrui %add3A_390, %shift_right_logical3A_396 : vector<16xi32>
          %or3A_398 = arith.ori %shift_left3A_394, %shift_right_logical3A_397 : vector<16xi32>
          %xor3A_399 = arith.xori %or3A_398, %add3A_391 : vector<16xi32>
          %add3A_400 = arith.addi %add3A_391, %xor3A_399 : vector<16xi32>
          %shift_left3A_401 = arith.constant 15 : i32
          %shift_left3A_402 = vector.broadcast %shift_left3A_401 : i32 to vector<16xi32>
          %shift_left3A_403 = arith.shli %xor3A_399, %shift_left3A_402 : vector<16xi32>
          %shift_right_logical3A_404 = arith.constant 17 : i32
          %shift_right_logical3A_405 = vector.broadcast %shift_right_logical3A_404 : i32 to vector<16xi32>
          %shift_right_logical3A_406 = arith.shrui %xor3A_399, %shift_right_logical3A_405 : vector<16xi32>
          %or3A_407 = arith.ori %shift_left3A_403, %shift_right_logical3A_406 : vector<16xi32>
          %xor3A_408 = arith.xori %or3A_407, %add3A_400 : vector<16xi32>
          %add3A_409 = arith.addi %add3A_400, %xor3A_408 : vector<16xi32>
          %shift_left3A_410 = arith.constant 26 : i32
          %shift_left3A_411 = vector.broadcast %shift_left3A_410 : i32 to vector<16xi32>
          %shift_left3A_412 = arith.shli %xor3A_408, %shift_left3A_411 : vector<16xi32>
          %shift_right_logical3A_413 = arith.constant 6 : i32
          %shift_right_logical3A_414 = vector.broadcast %shift_right_logical3A_413 : i32 to vector<16xi32>
          %shift_right_logical3A_415 = arith.shrui %xor3A_408, %shift_right_logical3A_414 : vector<16xi32>
          %or3A_416 = arith.ori %shift_left3A_412, %shift_right_logical3A_415 : vector<16xi32>
          %xor3A_417 = arith.xori %or3A_416, %add3A_409 : vector<16xi32>
          %add3A_418 = arith.addi %add3A_409, %xor3A_417 : vector<16xi32>
          %shift_left3A_419 = arith.constant 6 : i32
          %shift_left3A_420 = vector.broadcast %shift_left3A_419 : i32 to vector<16xi32>
          %shift_left3A_421 = arith.shli %xor3A_417, %shift_left3A_420 : vector<16xi32>
          %shift_right_logical3A_422 = arith.constant 26 : i32
          %shift_right_logical3A_423 = vector.broadcast %shift_right_logical3A_422 : i32 to vector<16xi32>
          %shift_right_logical3A_424 = arith.shrui %xor3A_417, %shift_right_logical3A_423 : vector<16xi32>
          %or3A_425 = arith.ori %shift_left3A_421, %shift_right_logical3A_424 : vector<16xi32>
          %xor3A_426 = arith.xori %or3A_425, %add3A_418 : vector<16xi32>
          %add3A_427 = arith.constant -1244255485 : i32
          %add3A_428 = vector.broadcast %add3A_427 : i32 to vector<16xi32>
          %add3A_429 = arith.addi %add3A_418, %add3A_428 : vector<16xi32>
          %add3A_430 = arith.constant 64467757 : i32
          %add3A_431 = vector.broadcast %add3A_430 : i32 to vector<16xi32>
          %add3A_432 = arith.addi %xor3A_426, %add3A_431 : vector<16xi32>
          %add3A_433 = arith.constant 5 : i32
          %add3A_434 = vector.broadcast %add3A_433 : i32 to vector<16xi32>
          %add3A_435 = arith.addi %add3A_432, %add3A_434 : vector<16xi32>
          %xor3A_436 = arith.xori %add3A_429, %add3A_435 : vector<16xi32>
          %shift_right_logical3A_437 = arith.constant 9 : i32
          %shift_right_logical3A_438 = vector.broadcast %shift_right_logical3A_437 : i32 to vector<16xi32>
          %shift_right_logical3A_439 = arith.shrui %xor3A_436, %shift_right_logical3A_438 : vector<16xi32>
          %lt3A_440 = arith.constant 1677722 : i32
          %lt3A_441 = vector.broadcast %lt3A_440 : i32 to vector<16xi32>
          %lt3A_442 = arith.cmpi slt, %shift_right_logical3A_439, %lt3A_441 : vector<16xi32>
          %jit3A_443 = arith.constant 0.000000e+00 : f32
          %jit3A_444 = arith.constant 1.000000e+00 : f32
          %broadcast_in_dim3A_445 = vector.broadcast %jit3A_443 : f32 to vector<16xf32>
          %broadcast_in_dim3A_446 = vector.broadcast %jit3A_444 : f32 to vector<16xf32>
          %select_n3A_447 = arith.select %lt3A_442, %broadcast_in_dim3A_445, %broadcast_in_dim3A_446 : vector<16xi1>, vector<16xf32>
          %parallel_loop3A = arith.constant 0 : i32
          %parallel_loop3A_448 = arith.constant 16 : i32
          %parallel_loop3A_449 = arith.constant 1 : i32
          scf.for %parallel_loop3A_450 = %parallel_loop3A to %parallel_loop3A_448 step %parallel_loop3A_449  : i32 {
            %parallel_loop3A_451 = arith.constant 0 : i32
            %parallel_loop3A_452 = vector.broadcast %parallel_loop3A_451 : i32 to vector<16xi32>
            %parallel_loop3A_453 = vector.broadcast %parallel_loop3A_450 : i32 to vector<16xi32>
            %parallel_loop3A_454 = arith.addi %parallel_loop3A_452, %parallel_loop3A_453 : vector<16xi32>
            %parallel_loop3A_455 = vector.shape_cast %parallel_loop3A_454 : vector<16xi32> to vector<16x1xi32>
            %parallel_loop3A_456 = vector.shape_cast %parallel_loop3A_455 : vector<16x1xi32> to vector<16xi32>
            %parallel_loop3A_457 = tpu.dynamic_gather %select_n3A_447[%parallel_loop3A_456] in [0] : vector<16xf32>, vector<16xi32> -> vector<16xf32>
            %parallel_loop3A_458 = arith.constant 16 : i32
            %parallel_loop3A_459 = arith.muli %parallel_loop3A_458, %scan3A_205 : i32
            %parallel_loop3A_460 = arith.addi %parallel_loop3A_459, %parallel_loop3A_450 : i32
            %parallel_loop3A_461 = arith.index_cast %parallel_loop3A_460 : i32 to index
            %parallel_loop3A_462 = arith.constant 0 : index
            %parallel_loop3A_463 = tpu.vector_load %arg4[%parallel_loop3A_461, %parallel_loop3A_462] {strides = array<i32>} : memref<192x128xf32, #tpu.memory_space<vmem>>, vector<1x16xf32>,
            %parallel_loop3A_464 = vector.shape_cast %parallel_loop3A_463 : vector<1x16xf32> to vector<16xf32>
            %parallel_loop3A_465 = arith.mulf %parallel_loop3A_464, %parallel_loop3A_457 : vector<16xf32>
            %parallel_loop3A_466 = arith.index_cast %parallel_loop3A_460 : i32 to index
            %parallel_loop3A_467 = arith.constant 0 : index
            %parallel_loop3A_468 = tpu.vector_load %arg6[%parallel_loop3A_466, %parallel_loop3A_467] {strides = array<i32>} : memref<192x128xf32, #tpu.memory_space<vmem>>, vector<1x16xf32>,
            %parallel_loop3A_469 = vector.shape_cast %parallel_loop3A_468 : vector<1x16xf32> to vector<16xf32>
            %parallel_loop3A_470 = vector.shape_cast %parallel_loop3A_465 : vector<16xf32> to vector<1x16xf32>
            tpu.vector_store %arg6[%parallel_loop3A_466, %parallel_loop3A_467], %parallel_loop3A_470 {strides = array<i32>} : memref<192x128xf32, #tpu.memory_space<vmem>>, vector<1x16xf32>,
            %parallel_loop3A_471 = arith.index_cast %parallel_loop3A_460 : i32 to index
            %parallel_loop3A_472 = arith.constant 16 : index
            %parallel_loop3A_473 = tpu.vector_load %arg4[%parallel_loop3A_471, %parallel_loop3A_472] {strides = array<i32>} : memref<192x128xf32, #tpu.memory_space<vmem>>, vector<1x16xf32>,
            %parallel_loop3A_474 = vector.shape_cast %parallel_loop3A_473 : vector<1x16xf32> to vector<16xf32>
            %parallel_loop3A_475 = arith.mulf %parallel_loop3A_474, %parallel_loop3A_457 : vector<16xf32>
            %parallel_loop3A_476 = arith.index_cast %parallel_loop3A_460 : i32 to index
            %parallel_loop3A_477 = arith.constant 16 : index
            %parallel_loop3A_478 = tpu.vector_load %arg6[%parallel_loop3A_476, %parallel_loop3A_477] {strides = array<i32>} : memref<192x128xf32, #tpu.memory_space<vmem>>, vector<1x16xf32>,
            %parallel_loop3A_479 = vector.shape_cast %parallel_loop3A_478 : vector<1x16xf32> to vector<16xf32>
            %parallel_loop3A_480 = vector.shape_cast %parallel_loop3A_475 : vector<16xf32> to vector<1x16xf32>
            tpu.vector_store %arg6[%parallel_loop3A_476, %parallel_loop3A_477], %parallel_loop3A_480 {strides = array<i32>} : memref<192x128xf32, #tpu.memory_space<vmem>>, vector<1x16xf32>,
            %parallel_loop3A_481 = arith.index_cast %parallel_loop3A_460 : i32 to index
            %parallel_loop3A_482 = arith.constant 32 : index
            %parallel_loop3A_483 = tpu.vector_load %arg4[%parallel_loop3A_481, %parallel_loop3A_482] {strides = array<i32>} : memref<192x128xf32, #tpu.memory_space<vmem>>, vector<1x16xf32>,
            %parallel_loop3A_484 = vector.shape_cast %parallel_loop3A_483 : vector<1x16xf32> to vector<16xf32>
            %parallel_loop3A_485 = arith.mulf %parallel_loop3A_484, %parallel_loop3A_457 : vector<16xf32>
            %parallel_loop3A_486 = arith.index_cast %parallel_loop3A_460 : i32 to index
            %parallel_loop3A_487 = arith.constant 32 : index
            %parallel_loop3A_488 = tpu.vector_load %arg6[%parallel_loop3A_486, %parallel_loop3A_487] {strides = array<i32>} : memref<192x128xf32, #tpu.memory_space<vmem>>, vector<1x16xf32>,
            %parallel_loop3A_489 = vector.shape_cast %parallel_loop3A_488 : vector<1x16xf32> to vector<16xf32>
            %parallel_loop3A_490 = vector.shape_cast %parallel_loop3A_485 : vector<16xf32> to vector<1x16xf32>
            tpu.vector_store %arg6[%parallel_loop3A_486, %parallel_loop3A_487], %parallel_loop3A_490 {strides = array<i32>} : memref<192x128xf32, #tpu.memory_space<vmem>>, vector<1x16xf32>,
            %parallel_loop3A_491 = arith.index_cast %parallel_loop3A_460 : i32 to index
            %parallel_loop3A_492 = arith.constant 48 : index
            %parallel_loop3A_493 = tpu.vector_load %arg4[%parallel_loop3A_491, %parallel_loop3A_492] {strides = array<i32>} : memref<192x128xf32, #tpu.memory_space<vmem>>, vector<1x16xf32>,
            %parallel_loop3A_494 = vector.shape_cast %parallel_loop3A_493 : vector<1x16xf32> to vector<16xf32>
            %parallel_loop3A_495 = arith.mulf %parallel_loop3A_494, %parallel_loop3A_457 : vector<16xf32>
            %parallel_loop3A_496 = arith.index_cast %parallel_loop3A_460 : i32 to index
            %parallel_loop3A_497 = arith.constant 48 : index
            %parallel_loop3A_498 = tpu.vector_load %arg6[%parallel_loop3A_496, %parallel_loop3A_497] {strides = array<i32>} : memref<192x128xf32, #tpu.memory_space<vmem>>, vector<1x16xf32>,
            %parallel_loop3A_499 = vector.shape_cast %parallel_loop3A_498 : vector<1x16xf32> to vector<16xf32>
            %parallel_loop3A_500 = vector.shape_cast %parallel_loop3A_495 : vector<16xf32> to vector<1x16xf32>
            tpu.vector_store %arg6[%parallel_loop3A_496, %parallel_loop3A_497], %parallel_loop3A_500 {strides = array<i32>} : memref<192x128xf32, #tpu.memory_space<vmem>>, vector<1x16xf32>,
            %parallel_loop3A_501 = arith.index_cast %parallel_loop3A_460 : i32 to index
            %parallel_loop3A_502 = arith.constant 64 : index
            %parallel_loop3A_503 = tpu.vector_load %arg4[%parallel_loop3A_501, %parallel_loop3A_502] {strides = array<i32>} : memref<192x128xf32, #tpu.memory_space<vmem>>, vector<1x16xf32>,
            %parallel_loop3A_504 = vector.shape_cast %parallel_loop3A_503 : vector<1x16xf32> to vector<16xf32>
            %parallel_loop3A_505 = arith.mulf %parallel_loop3A_504, %parallel_loop3A_457 : vector<16xf32>
            %parallel_loop3A_506 = arith.index_cast %parallel_loop3A_460 : i32 to index
            %parallel_loop3A_507 = arith.constant 64 : index
            %parallel_loop3A_508 = tpu.vector_load %arg6[%parallel_loop3A_506, %parallel_loop3A_507] {strides = array<i32>} : memref<192x128xf32, #tpu.memory_space<vmem>>, vector<1x16xf32>,
            %parallel_loop3A_509 = vector.shape_cast %parallel_loop3A_508 : vector<1x16xf32> to vector<16xf32>
            %parallel_loop3A_510 = vector.shape_cast %parallel_loop3A_505 : vector<16xf32> to vector<1x16xf32>
            tpu.vector_store %arg6[%parallel_loop3A_506, %parallel_loop3A_507], %parallel_loop3A_510 {strides = array<i32>} : memref<192x128xf32, #tpu.memory_space<vmem>>, vector<1x16xf32>,
            %parallel_loop3A_511 = arith.index_cast %parallel_loop3A_460 : i32 to index
            %parallel_loop3A_512 = arith.constant 80 : index
            %parallel_loop3A_513 = tpu.vector_load %arg4[%parallel_loop3A_511, %parallel_loop3A_512] {strides = array<i32>} : memref<192x128xf32, #tpu.memory_space<vmem>>, vector<1x16xf32>,
            %parallel_loop3A_514 = vector.shape_cast %parallel_loop3A_513 : vector<1x16xf32> to vector<16xf32>
            %parallel_loop3A_515 = arith.mulf %parallel_loop3A_514, %parallel_loop3A_457 : vector<16xf32>
            %parallel_loop3A_516 = arith.index_cast %parallel_loop3A_460 : i32 to index
            %parallel_loop3A_517 = arith.constant 80 : index
            %parallel_loop3A_518 = tpu.vector_load %arg6[%parallel_loop3A_516, %parallel_loop3A_517] {strides = array<i32>} : memref<192x128xf32, #tpu.memory_space<vmem>>, vector<1x16xf32>,
            %parallel_loop3A_519 = vector.shape_cast %parallel_loop3A_518 : vector<1x16xf32> to vector<16xf32>
            %parallel_loop3A_520 = vector.shape_cast %parallel_loop3A_515 : vector<16xf32> to vector<1x16xf32>
            tpu.vector_store %arg6[%parallel_loop3A_516, %parallel_loop3A_517], %parallel_loop3A_520 {strides = array<i32>} : memref<192x128xf32, #tpu.memory_space<vmem>>, vector<1x16xf32>,
            %parallel_loop3A_521 = arith.index_cast %parallel_loop3A_460 : i32 to index
            %parallel_loop3A_522 = arith.constant 96 : index
            %parallel_loop3A_523 = tpu.vector_load %arg4[%parallel_loop3A_521, %parallel_loop3A_522] {strides = array<i32>} : memref<192x128xf32, #tpu.memory_space<vmem>>, vector<1x16xf32>,
            %parallel_loop3A_524 = vector.shape_cast %parallel_loop3A_523 : vector<1x16xf32> to vector<16xf32>
            %parallel_loop3A_525 = arith.mulf %parallel_loop3A_524, %parallel_loop3A_457 : vector<16xf32>
            %parallel_loop3A_526 = arith.index_cast %parallel_loop3A_460 : i32 to index
            %parallel_loop3A_527 = arith.constant 96 : index
            %parallel_loop3A_528 = tpu.vector_load %arg6[%parallel_loop3A_526, %parallel_loop3A_527] {strides = array<i32>} : memref<192x128xf32, #tpu.memory_space<vmem>>, vector<1x16xf32>,
            %parallel_loop3A_529 = vector.shape_cast %parallel_loop3A_528 : vector<1x16xf32> to vector<16xf32>
            %parallel_loop3A_530 = vector.shape_cast %parallel_loop3A_525 : vector<16xf32> to vector<1x16xf32>
            tpu.vector_store %arg6[%parallel_loop3A_526, %parallel_loop3A_527], %parallel_loop3A_530 {strides = array<i32>} : memref<192x128xf32, #tpu.memory_space<vmem>>, vector<1x16xf32>,
            %parallel_loop3A_531 = arith.index_cast %parallel_loop3A_460 : i32 to index
            %parallel_loop3A_532 = arith.constant 112 : index
            %parallel_loop3A_533 = tpu.vector_load %arg4[%parallel_loop3A_531, %parallel_loop3A_532] {strides = array<i32>} : memref<192x128xf32, #tpu.memory_space<vmem>>, vector<1x16xf32>,
            %parallel_loop3A_534 = vector.shape_cast %parallel_loop3A_533 : vector<1x16xf32> to vector<16xf32>
            %parallel_loop3A_535 = arith.mulf %parallel_loop3A_534, %parallel_loop3A_457 : vector<16xf32>
            %parallel_loop3A_536 = arith.index_cast %parallel_loop3A_460 : i32 to index
            %parallel_loop3A_537 = arith.constant 112 : index
            %parallel_loop3A_538 = tpu.vector_load %arg6[%parallel_loop3A_536, %parallel_loop3A_537] {strides = array<i32>} : memref<192x128xf32, #tpu.memory_space<vmem>>, vector<1x16xf32>,
            %parallel_loop3A_539 = vector.shape_cast %parallel_loop3A_538 : vector<1x16xf32> to vector<16xf32>
            %parallel_loop3A_540 = vector.shape_cast %parallel_loop3A_535 : vector<16xf32> to vector<1x16xf32>
            tpu.vector_store %arg6[%parallel_loop3A_536, %parallel_loop3A_537], %parallel_loop3A_540 {strides = array<i32>} : memref<192x128xf32, #tpu.memory_space<vmem>>, vector<1x16xf32>,
          } {sc.loop_unroll_factor = 4 : i64, sc.parallel_access}
        }
        %scan3A_195 = arith.constant 12 : i32
        %mul3A_196 = arith.constant 32 : i32
        %mul3A_197 = arith.muli %while3A_128, %mul3A_196 : i32
        %add3A_198 = arith.addi %add3A, %mul3A_197 : i32
        %mul3A_199 = arith.constant 192 : i32
        %mul3A_200 = arith.muli %add3A_198, %mul3A_199 : i32
        %multiple_of3A_201 = tpu.assume_multiple %mul3A_200, 192 : i32
        %dma_start3A = arith.constant 0 : i32
        %dma_start3A_202 = tpu.memref_slice %arg3[%multiple_of3A_201, %dma_start3A] : memref<100000x128xf32, #tpu.memory_space<hbm>> -> memref<192x128xf32, #tpu.memory_space<hbm>>
        %dma_start3A_203 = arith.constant 0 : i32
        %dma_start3A_204 = tpu.memref_slice %arg3[%multiple_of3A_201, %dma_start3A_203] : memref<100000x128xf32, #tpu.memory_space<hbm>> -> memref<192x128xf32, #tpu.memory_space<hbm>>
        tpu.enqueue_dma source(%arg6 : memref<192x128xf32, #tpu.memory_space<vmem>>) target(%dma_start3A_204 : memref<192x128xf32, #tpu.memory_space<hbm>>) target_semaphore(%arg10 : memref<!tpu.dma_semaphore, #tpu.memory_space<semaphore_mem>>)
      } else {
      }
      %jit3A_150 = arith.constant 2 : i32
      %eq3A_151 = arith.constant 0 : i32
      %eq3A_152 = arith.cmpi eq, %jit3A_150, %eq3A_151 : i32
      %jit3A_153 = arith.constant 1 : i32
      %select_n3A_154 = arith.select %eq3A_152, %jit3A_153, %jit3A_150 : i32
      %rem3A_155 = arith.remsi %while3A_128, %select_n3A_154 : i32
      %ne3A_156 = arith.constant 0 : i32
      %ne3A_157 = arith.cmpi ne, %rem3A_155, %ne3A_156 : i32
      %lt3A_158 = arith.constant 0 : i32
      %lt3A_159 = arith.cmpi slt, %rem3A_155, %lt3A_158 : i32
      %lt3A_160 = arith.constant 0 : i32
      %lt3A_161 = arith.cmpi slt, %select_n3A_154, %lt3A_160 : i32
      %ne3A_162 = arith.xori %lt3A_159, %lt3A_161 : i1
      %and3A_163 = arith.andi %ne3A_162, %ne3A_157 : i1
      %add3A_164 = arith.addi %rem3A_155, %select_n3A_154 : i32
      %select_n3A_165 = arith.select %and3A_163, %add3A_164, %rem3A_155 : i32
      %eq3A_166 = arith.constant 1 : i32
      %eq3A_167 = arith.cmpi eq, %select_n3A_165, %eq3A_166 : i32
      %convert_element_type3A_168 = arith.extui %eq3A_167 : i1 to i32
      %cond3A_169 = arith.constant 0 : i32
      %cond3A_170 = arith.cmpi ne, %convert_element_type3A_168, %cond3A_169 : i32
      scf.if %cond3A_170 {
        %add3A_171 = arith.constant 1 : i32
        %add3A_172 = arith.addi %while3A_128, %add3A_171 : i32
        %lt3A_173 = arith.cmpi slt, %add3A_172, %add3A_4 : i32
        %convert_element_type3A_174 = arith.extui %lt3A_173 : i1 to i32
        %cond3A_175 = arith.constant 0 : i32
        %cond3A_176 = arith.cmpi ne, %convert_element_type3A_174, %cond3A_175 : i32
        scf.if %cond3A_176 {
          %add3A_205 = arith.constant 1 : i32
          %add3A_206 = arith.addi %while3A_128, %add3A_205 : i32
          %mul3A_207 = arith.constant 32 : i32
          %mul3A_208 = arith.muli %add3A_206, %mul3A_207 : i32
          %add3A_209 = arith.addi %add3A, %mul3A_208 : i32
          %mul3A_210 = arith.constant 192 : i32
          %mul3A_211 = arith.muli %add3A_209, %mul3A_210 : i32
          %multiple_of3A_212 = tpu.assume_multiple %mul3A_211, 192 : i32
          %dma_start3A_213 = arith.constant 0 : i32
          %dma_start3A_214 = tpu.memref_slice %arg2[%multiple_of3A_212, %dma_start3A_213] : memref<100000x128xf32, #tpu.memory_space<hbm>> -> memref<192x128xf32, #tpu.memory_space<hbm>>
          %dma_start3A_215 = arith.constant 0 : i32
          %dma_start3A_216 = tpu.memref_slice %arg2[%multiple_of3A_212, %dma_start3A_215] : memref<100000x128xf32, #tpu.memory_space<hbm>> -> memref<192x128xf32, #tpu.memory_space<hbm>>
          tpu.enqueue_dma source(%dma_start3A_216 : memref<192x128xf32, #tpu.memory_space<hbm>>) target(%arg4 : memref<192x128xf32, #tpu.memory_space<vmem>>) target_semaphore(%arg8 : memref<!tpu.dma_semaphore, #tpu.memory_space<semaphore_mem>>)
        } else {
        }
        %dma_wait3A = arith.constant 0 : i32
        %dma_wait3A_177 = arith.constant 0 : i32
        %dma_wait3A_178 = tpu.memref_slice %arg2[%dma_wait3A, %dma_wait3A_177] : memref<100000x128xf32, #tpu.memory_space<hbm>> -> memref<192x128xf32, #tpu.memory_space<hbm>>
        %dma_wait3A_179 = arith.constant 0 : i32
        %dma_wait3A_180 = arith.constant 0 : i32
        %dma_wait3A_181 = tpu.memref_slice %arg2[%dma_wait3A_179, %dma_wait3A_180] : memref<100000x128xf32, #tpu.memory_space<hbm>> -> memref<192x128xf32, #tpu.memory_space<hbm>>
        tpu.wait_dma2 semaphore(%arg9 : memref<!tpu.dma_semaphore, #tpu.memory_space<semaphore_mem>>) src(%dma_wait3A_181 : memref<192x128xf32, #tpu.memory_space<hbm>>) dst(%arg5 : memref<192x128xf32, #tpu.memory_space<vmem>>)
        %ge3A = arith.constant 2 : i32
        %ge3A_182 = arith.cmpi sge, %while3A_128, %ge3A : i32
        %convert_element_type3A_183 = arith.extui %ge3A_182 : i1 to i32
        %cond3A_184 = arith.constant 0 : i32
        %cond3A_185 = arith.cmpi ne, %convert_element_type3A_183, %cond3A_184 : i32
        scf.if %cond3A_185 {
          %dma_wait3A_205 = arith.constant 0 : i32
          %dma_wait3A_206 = arith.constant 0 : i32
          %dma_wait3A_207 = tpu.memref_slice %arg3[%dma_wait3A_205, %dma_wait3A_206] : memref<100000x128xf32, #tpu.memory_space<hbm>> -> memref<192x128xf32, #tpu.memory_space<hbm>>
          %dma_wait3A_208 = arith.constant 0 : i32
          %dma_wait3A_209 = arith.constant 0 : i32
          %dma_wait3A_210 = tpu.memref_slice %arg3[%dma_wait3A_208, %dma_wait3A_209] : memref<100000x128xf32, #tpu.memory_space<hbm>> -> memref<192x128xf32, #tpu.memory_space<hbm>>
          tpu.wait_dma2 semaphore(%arg11 : memref<!tpu.dma_semaphore, #tpu.memory_space<semaphore_mem>>) src(%arg7 : memref<192x128xf32, #tpu.memory_space<vmem>>) dst(%dma_wait3A_210 : memref<192x128xf32, #tpu.memory_space<hbm>>)
        } else {
        }
        %mul3A_186 = arith.constant 32 : i32
        %mul3A_187 = arith.muli %while3A_128, %mul3A_186 : i32
        %add3A_188 = arith.addi %add3A, %mul3A_187 : i32
        %mul3A_189 = arith.constant 192 : i32
        %mul3A_190 = arith.muli %add3A_188, %mul3A_189 : i32
        %multiple_of3A = tpu.assume_multiple %mul3A_190, 192 : i32
        %scan3A = arith.constant 0 : i32
        %scan3A_191 = arith.constant 0 : i32
        %scan3A_192 = arith.constant 12 : i32
        %scan3A_193 = arith.addi %scan3A_191, %scan3A_192 : i32
        %scan3A_194 = arith.constant 1 : i32
        scf.for %scan3A_205 = %scan3A_191 to %scan3A_193 step %scan3A_194  : i32 {
          %mul3A_206 = arith.constant 16 : i32
          %mul3A_207 = arith.muli %mul3A_206, %scan3A_205 : i32
          %add3A_208 = arith.addi %multiple_of3A, %mul3A_207 : i32
          %iota3A = tpu.iota {dimensions = array<i32: 0>} : vector<16xi32>
          %add3A_209 = vector.broadcast %add3A_208 : i32 to vector<16xi32>
          %add3A_210 = arith.addi %add3A_209, %iota3A : vector<16xi32>
          %broadcast_in_dim3A = arith.constant 64467757 : i32
          %broadcast_in_dim3A_211 = vector.broadcast %broadcast_in_dim3A : i32 to vector<16xi32>
          %add3A_212 = arith.constant -1378843660 : i32
          %add3A_213 = vector.broadcast %add3A_212 : i32 to vector<16xi32>
          %add3A_214 = arith.addi %add3A_210, %add3A_213 : vector<16xi32>
          %add3A_215 = arith.addi %broadcast_in_dim3A_211, %add3A_214 : vector<16xi32>
          %shift_left3A = arith.constant 13 : i32
          %shift_left3A_216 = vector.broadcast %shift_left3A : i32 to vector<16xi32>
          %shift_left3A_217 = arith.shli %add3A_214, %shift_left3A_216 : vector<16xi32>
          %shift_right_logical3A = arith.constant 19 : i32
          %shift_right_logical3A_218 = vector.broadcast %shift_right_logical3A : i32 to vector<16xi32>
          %shift_right_logical3A_219 = arith.shrui %add3A_214, %shift_right_logical3A_218 : vector<16xi32>
          %or3A = arith.ori %shift_left3A_217, %shift_right_logical3A_219 : vector<16xi32>
          %xor3A = arith.xori %or3A, %add3A_215 : vector<16xi32>
          %add3A_220 = arith.addi %add3A_215, %xor3A : vector<16xi32>
          %shift_left3A_221 = arith.constant 15 : i32
          %shift_left3A_222 = vector.broadcast %shift_left3A_221 : i32 to vector<16xi32>
          %shift_left3A_223 = arith.shli %xor3A, %shift_left3A_222 : vector<16xi32>
          %shift_right_logical3A_224 = arith.constant 17 : i32
          %shift_right_logical3A_225 = vector.broadcast %shift_right_logical3A_224 : i32 to vector<16xi32>
          %shift_right_logical3A_226 = arith.shrui %xor3A, %shift_right_logical3A_225 : vector<16xi32>
          %or3A_227 = arith.ori %shift_left3A_223, %shift_right_logical3A_226 : vector<16xi32>
          %xor3A_228 = arith.xori %or3A_227, %add3A_220 : vector<16xi32>
          %add3A_229 = arith.addi %add3A_220, %xor3A_228 : vector<16xi32>
          %shift_left3A_230 = arith.constant 26 : i32
          %shift_left3A_231 = vector.broadcast %shift_left3A_230 : i32 to vector<16xi32>
          %shift_left3A_232 = arith.shli %xor3A_228, %shift_left3A_231 : vector<16xi32>
          %shift_right_logical3A_233 = arith.constant 6 : i32
          %shift_right_logical3A_234 = vector.broadcast %shift_right_logical3A_233 : i32 to vector<16xi32>
          %shift_right_logical3A_235 = arith.shrui %xor3A_228, %shift_right_logical3A_234 : vector<16xi32>
          %or3A_236 = arith.ori %shift_left3A_232, %shift_right_logical3A_235 : vector<16xi32>
          %xor3A_237 = arith.xori %or3A_236, %add3A_229 : vector<16xi32>
          %add3A_238 = arith.addi %add3A_229, %xor3A_237 : vector<16xi32>
          %shift_left3A_239 = arith.constant 6 : i32
          %shift_left3A_240 = vector.broadcast %shift_left3A_239 : i32 to vector<16xi32>
          %shift_left3A_241 = arith.shli %xor3A_237, %shift_left3A_240 : vector<16xi32>
          %shift_right_logical3A_242 = arith.constant 26 : i32
          %shift_right_logical3A_243 = vector.broadcast %shift_right_logical3A_242 : i32 to vector<16xi32>
          %shift_right_logical3A_244 = arith.shrui %xor3A_237, %shift_right_logical3A_243 : vector<16xi32>
          %or3A_245 = arith.ori %shift_left3A_241, %shift_right_logical3A_244 : vector<16xi32>
          %xor3A_246 = arith.xori %or3A_245, %add3A_238 : vector<16xi32>
          %add3A_247 = arith.constant -1378843660 : i32
          %add3A_248 = vector.broadcast %add3A_247 : i32 to vector<16xi32>
          %add3A_249 = arith.addi %add3A_238, %add3A_248 : vector<16xi32>
          %add3A_250 = arith.constant -1244255485 : i32
          %add3A_251 = vector.broadcast %add3A_250 : i32 to vector<16xi32>
          %add3A_252 = arith.addi %xor3A_246, %add3A_251 : vector<16xi32>
          %add3A_253 = arith.constant 1 : i32
          %add3A_254 = vector.broadcast %add3A_253 : i32 to vector<16xi32>
          %add3A_255 = arith.addi %add3A_252, %add3A_254 : vector<16xi32>
          %add3A_256 = arith.addi %add3A_249, %add3A_255 : vector<16xi32>
          %shift_left3A_257 = arith.constant 17 : i32
          %shift_left3A_258 = vector.broadcast %shift_left3A_257 : i32 to vector<16xi32>
          %shift_left3A_259 = arith.shli %add3A_255, %shift_left3A_258 : vector<16xi32>
          %shift_right_logical3A_260 = arith.constant 15 : i32
          %shift_right_logical3A_261 = vector.broadcast %shift_right_logical3A_260 : i32 to vector<16xi32>
          %shift_right_logical3A_262 = arith.shrui %add3A_255, %shift_right_logical3A_261 : vector<16xi32>
          %or3A_263 = arith.ori %shift_left3A_259, %shift_right_logical3A_262 : vector<16xi32>
          %xor3A_264 = arith.xori %or3A_263, %add3A_256 : vector<16xi32>
          %add3A_265 = arith.addi %add3A_256, %xor3A_264 : vector<16xi32>
          %shift_left3A_266 = arith.constant 29 : i32
          %shift_left3A_267 = vector.broadcast %shift_left3A_266 : i32 to vector<16xi32>
          %shift_left3A_268 = arith.shli %xor3A_264, %shift_left3A_267 : vector<16xi32>
          %shift_right_logical3A_269 = arith.constant 3 : i32
          %shift_right_logical3A_270 = vector.broadcast %shift_right_logical3A_269 : i32 to vector<16xi32>
          %shift_right_logical3A_271 = arith.shrui %xor3A_264, %shift_right_logical3A_270 : vector<16xi32>
          %or3A_272 = arith.ori %shift_left3A_268, %shift_right_logical3A_271 : vector<16xi32>
          %xor3A_273 = arith.xori %or3A_272, %add3A_265 : vector<16xi32>
          %add3A_274 = arith.addi %add3A_265, %xor3A_273 : vector<16xi32>
          %shift_left3A_275 = arith.constant 16 : i32
          %shift_left3A_276 = vector.broadcast %shift_left3A_275 : i32 to vector<16xi32>
          %shift_left3A_277 = arith.shli %xor3A_273, %shift_left3A_276 : vector<16xi32>
          %shift_right_logical3A_278 = arith.constant 16 : i32
          %shift_right_logical3A_279 = vector.broadcast %shift_right_logical3A_278 : i32 to vector<16xi32>
          %shift_right_logical3A_280 = arith.shrui %xor3A_273, %shift_right_logical3A_279 : vector<16xi32>
          %or3A_281 = arith.ori %shift_left3A_277, %shift_right_logical3A_280 : vector<16xi32>
          %xor3A_282 = arith.xori %or3A_281, %add3A_274 : vector<16xi32>
          %add3A_283 = arith.addi %add3A_274, %xor3A_282 : vector<16xi32>
          %shift_left3A_284 = arith.constant 24 : i32
          %shift_left3A_285 = vector.broadcast %shift_left3A_284 : i32 to vector<16xi32>
          %shift_left3A_286 = arith.shli %xor3A_282, %shift_left3A_285 : vector<16xi32>
          %shift_right_logical3A_287 = arith.constant 8 : i32
          %shift_right_logical3A_288 = vector.broadcast %shift_right_logical3A_287 : i32 to vector<16xi32>
          %shift_right_logical3A_289 = arith.shrui %xor3A_282, %shift_right_logical3A_288 : vector<16xi32>
          %or3A_290 = arith.ori %shift_left3A_286, %shift_right_logical3A_289 : vector<16xi32>
          %xor3A_291 = arith.xori %or3A_290, %add3A_283 : vector<16xi32>
          %add3A_292 = arith.constant -1244255485 : i32
          %add3A_293 = vector.broadcast %add3A_292 : i32 to vector<16xi32>
          %add3A_294 = arith.addi %add3A_283, %add3A_293 : vector<16xi32>
          %add3A_295 = arith.constant 64467757 : i32
          %add3A_296 = vector.broadcast %add3A_295 : i32 to vector<16xi32>
          %add3A_297 = arith.addi %xor3A_291, %add3A_296 : vector<16xi32>
          %add3A_298 = arith.constant 2 : i32
          %add3A_299 = vector.broadcast %add3A_298 : i32 to vector<16xi32>
          %add3A_300 = arith.addi %add3A_297, %add3A_299 : vector<16xi32>
          %add3A_301 = arith.addi %add3A_294, %add3A_300 : vector<16xi32>
          %shift_left3A_302 = arith.constant 13 : i32
          %shift_left3A_303 = vector.broadcast %shift_left3A_302 : i32 to vector<16xi32>
          %shift_left3A_304 = arith.shli %add3A_300, %shift_left3A_303 : vector<16xi32>
          %shift_right_logical3A_305 = arith.constant 19 : i32
          %shift_right_logical3A_306 = vector.broadcast %shift_right_logical3A_305 : i32 to vector<16xi32>
          %shift_right_logical3A_307 = arith.shrui %add3A_300, %shift_right_logical3A_306 : vector<16xi32>
          %or3A_308 = arith.ori %shift_left3A_304, %shift_right_logical3A_307 : vector<16xi32>
          %xor3A_309 = arith.xori %or3A_308, %add3A_301 : vector<16xi32>
          %add3A_310 = arith.addi %add3A_301, %xor3A_309 : vector<16xi32>
          %shift_left3A_311 = arith.constant 15 : i32
          %shift_left3A_312 = vector.broadcast %shift_left3A_311 : i32 to vector<16xi32>
          %shift_left3A_313 = arith.shli %xor3A_309, %shift_left3A_312 : vector<16xi32>
          %shift_right_logical3A_314 = arith.constant 17 : i32
          %shift_right_logical3A_315 = vector.broadcast %shift_right_logical3A_314 : i32 to vector<16xi32>
          %shift_right_logical3A_316 = arith.shrui %xor3A_309, %shift_right_logical3A_315 : vector<16xi32>
          %or3A_317 = arith.ori %shift_left3A_313, %shift_right_logical3A_316 : vector<16xi32>
          %xor3A_318 = arith.xori %or3A_317, %add3A_310 : vector<16xi32>
          %add3A_319 = arith.addi %add3A_310, %xor3A_318 : vector<16xi32>
          %shift_left3A_320 = arith.constant 26 : i32
          %shift_left3A_321 = vector.broadcast %shift_left3A_320 : i32 to vector<16xi32>
          %shift_left3A_322 = arith.shli %xor3A_318, %shift_left3A_321 : vector<16xi32>
          %shift_right_logical3A_323 = arith.constant 6 : i32
          %shift_right_logical3A_324 = vector.broadcast %shift_right_logical3A_323 : i32 to vector<16xi32>
          %shift_right_logical3A_325 = arith.shrui %xor3A_318, %shift_right_logical3A_324 : vector<16xi32>
          %or3A_326 = arith.ori %shift_left3A_322, %shift_right_logical3A_325 : vector<16xi32>
          %xor3A_327 = arith.xori %or3A_326, %add3A_319 : vector<16xi32>
          %add3A_328 = arith.addi %add3A_319, %xor3A_327 : vector<16xi32>
          %shift_left3A_329 = arith.constant 6 : i32
          %shift_left3A_330 = vector.broadcast %shift_left3A_329 : i32 to vector<16xi32>
          %shift_left3A_331 = arith.shli %xor3A_327, %shift_left3A_330 : vector<16xi32>
          %shift_right_logical3A_332 = arith.constant 26 : i32
          %shift_right_logical3A_333 = vector.broadcast %shift_right_logical3A_332 : i32 to vector<16xi32>
          %shift_right_logical3A_334 = arith.shrui %xor3A_327, %shift_right_logical3A_333 : vector<16xi32>
          %or3A_335 = arith.ori %shift_left3A_331, %shift_right_logical3A_334 : vector<16xi32>
          %xor3A_336 = arith.xori %or3A_335, %add3A_328 : vector<16xi32>
          %add3A_337 = arith.constant 64467757 : i32
          %add3A_338 = vector.broadcast %add3A_337 : i32 to vector<16xi32>
          %add3A_339 = arith.addi %add3A_328, %add3A_338 : vector<16xi32>
          %add3A_340 = arith.constant -1378843660 : i32
          %add3A_341 = vector.broadcast %add3A_340 : i32 to vector<16xi32>
          %add3A_342 = arith.addi %xor3A_336, %add3A_341 : vector<16xi32>
          %add3A_343 = arith.constant 3 : i32
          %add3A_344 = vector.broadcast %add3A_343 : i32 to vector<16xi32>
          %add3A_345 = arith.addi %add3A_342, %add3A_344 : vector<16xi32>
          %add3A_346 = arith.addi %add3A_339, %add3A_345 : vector<16xi32>
          %shift_left3A_347 = arith.constant 17 : i32
          %shift_left3A_348 = vector.broadcast %shift_left3A_347 : i32 to vector<16xi32>
          %shift_left3A_349 = arith.shli %add3A_345, %shift_left3A_348 : vector<16xi32>
          %shift_right_logical3A_350 = arith.constant 15 : i32
          %shift_right_logical3A_351 = vector.broadcast %shift_right_logical3A_350 : i32 to vector<16xi32>
          %shift_right_logical3A_352 = arith.shrui %add3A_345, %shift_right_logical3A_351 : vector<16xi32>
          %or3A_353 = arith.ori %shift_left3A_349, %shift_right_logical3A_352 : vector<16xi32>
          %xor3A_354 = arith.xori %or3A_353, %add3A_346 : vector<16xi32>
          %add3A_355 = arith.addi %add3A_346, %xor3A_354 : vector<16xi32>
          %shift_left3A_356 = arith.constant 29 : i32
          %shift_left3A_357 = vector.broadcast %shift_left3A_356 : i32 to vector<16xi32>
          %shift_left3A_358 = arith.shli %xor3A_354, %shift_left3A_357 : vector<16xi32>
          %shift_right_logical3A_359 = arith.constant 3 : i32
          %shift_right_logical3A_360 = vector.broadcast %shift_right_logical3A_359 : i32 to vector<16xi32>
          %shift_right_logical3A_361 = arith.shrui %xor3A_354, %shift_right_logical3A_360 : vector<16xi32>
          %or3A_362 = arith.ori %shift_left3A_358, %shift_right_logical3A_361 : vector<16xi32>
          %xor3A_363 = arith.xori %or3A_362, %add3A_355 : vector<16xi32>
          %add3A_364 = arith.addi %add3A_355, %xor3A_363 : vector<16xi32>
          %shift_left3A_365 = arith.constant 16 : i32
          %shift_left3A_366 = vector.broadcast %shift_left3A_365 : i32 to vector<16xi32>
          %shift_left3A_367 = arith.shli %xor3A_363, %shift_left3A_366 : vector<16xi32>
          %shift_right_logical3A_368 = arith.constant 16 : i32
          %shift_right_logical3A_369 = vector.broadcast %shift_right_logical3A_368 : i32 to vector<16xi32>
          %shift_right_logical3A_370 = arith.shrui %xor3A_363, %shift_right_logical3A_369 : vector<16xi32>
          %or3A_371 = arith.ori %shift_left3A_367, %shift_right_logical3A_370 : vector<16xi32>
          %xor3A_372 = arith.xori %or3A_371, %add3A_364 : vector<16xi32>
          %add3A_373 = arith.addi %add3A_364, %xor3A_372 : vector<16xi32>
          %shift_left3A_374 = arith.constant 24 : i32
          %shift_left3A_375 = vector.broadcast %shift_left3A_374 : i32 to vector<16xi32>
          %shift_left3A_376 = arith.shli %xor3A_372, %shift_left3A_375 : vector<16xi32>
          %shift_right_logical3A_377 = arith.constant 8 : i32
          %shift_right_logical3A_378 = vector.broadcast %shift_right_logical3A_377 : i32 to vector<16xi32>
          %shift_right_logical3A_379 = arith.shrui %xor3A_372, %shift_right_logical3A_378 : vector<16xi32>
          %or3A_380 = arith.ori %shift_left3A_376, %shift_right_logical3A_379 : vector<16xi32>
          %xor3A_381 = arith.xori %or3A_380, %add3A_373 : vector<16xi32>
          %add3A_382 = arith.constant -1378843660 : i32
          %add3A_383 = vector.broadcast %add3A_382 : i32 to vector<16xi32>
          %add3A_384 = arith.addi %add3A_373, %add3A_383 : vector<16xi32>
          %add3A_385 = arith.constant -1244255485 : i32
          %add3A_386 = vector.broadcast %add3A_385 : i32 to vector<16xi32>
          %add3A_387 = arith.addi %xor3A_381, %add3A_386 : vector<16xi32>
          %add3A_388 = arith.constant 4 : i32
          %add3A_389 = vector.broadcast %add3A_388 : i32 to vector<16xi32>
          %add3A_390 = arith.addi %add3A_387, %add3A_389 : vector<16xi32>
          %add3A_391 = arith.addi %add3A_384, %add3A_390 : vector<16xi32>
          %shift_left3A_392 = arith.constant 13 : i32
          %shift_left3A_393 = vector.broadcast %shift_left3A_392 : i32 to vector<16xi32>
          %shift_left3A_394 = arith.shli %add3A_390, %shift_left3A_393 : vector<16xi32>
          %shift_right_logical3A_395 = arith.constant 19 : i32
          %shift_right_logical3A_396 = vector.broadcast %shift_right_logical3A_395 : i32 to vector<16xi32>
          %shift_right_logical3A_397 = arith.shrui %add3A_390, %shift_right_logical3A_396 : vector<16xi32>
          %or3A_398 = arith.ori %shift_left3A_394, %shift_right_logical3A_397 : vector<16xi32>
          %xor3A_399 = arith.xori %or3A_398, %add3A_391 : vector<16xi32>
          %add3A_400 = arith.addi %add3A_391, %xor3A_399 : vector<16xi32>
          %shift_left3A_401 = arith.constant 15 : i32
          %shift_left3A_402 = vector.broadcast %shift_left3A_401 : i32 to vector<16xi32>
          %shift_left3A_403 = arith.shli %xor3A_399, %shift_left3A_402 : vector<16xi32>
          %shift_right_logical3A_404 = arith.constant 17 : i32
          %shift_right_logical3A_405 = vector.broadcast %shift_right_logical3A_404 : i32 to vector<16xi32>
          %shift_right_logical3A_406 = arith.shrui %xor3A_399, %shift_right_logical3A_405 : vector<16xi32>
          %or3A_407 = arith.ori %shift_left3A_403, %shift_right_logical3A_406 : vector<16xi32>
          %xor3A_408 = arith.xori %or3A_407, %add3A_400 : vector<16xi32>
          %add3A_409 = arith.addi %add3A_400, %xor3A_408 : vector<16xi32>
          %shift_left3A_410 = arith.constant 26 : i32
          %shift_left3A_411 = vector.broadcast %shift_left3A_410 : i32 to vector<16xi32>
          %shift_left3A_412 = arith.shli %xor3A_408, %shift_left3A_411 : vector<16xi32>
          %shift_right_logical3A_413 = arith.constant 6 : i32
          %shift_right_logical3A_414 = vector.broadcast %shift_right_logical3A_413 : i32 to vector<16xi32>
          %shift_right_logical3A_415 = arith.shrui %xor3A_408, %shift_right_logical3A_414 : vector<16xi32>
          %or3A_416 = arith.ori %shift_left3A_412, %shift_right_logical3A_415 : vector<16xi32>
          %xor3A_417 = arith.xori %or3A_416, %add3A_409 : vector<16xi32>
          %add3A_418 = arith.addi %add3A_409, %xor3A_417 : vector<16xi32>
          %shift_left3A_419 = arith.constant 6 : i32
          %shift_left3A_420 = vector.broadcast %shift_left3A_419 : i32 to vector<16xi32>
          %shift_left3A_421 = arith.shli %xor3A_417, %shift_left3A_420 : vector<16xi32>
          %shift_right_logical3A_422 = arith.constant 26 : i32
          %shift_right_logical3A_423 = vector.broadcast %shift_right_logical3A_422 : i32 to vector<16xi32>
          %shift_right_logical3A_424 = arith.shrui %xor3A_417, %shift_right_logical3A_423 : vector<16xi32>
          %or3A_425 = arith.ori %shift_left3A_421, %shift_right_logical3A_424 : vector<16xi32>
          %xor3A_426 = arith.xori %or3A_425, %add3A_418 : vector<16xi32>
          %add3A_427 = arith.constant -1244255485 : i32
          %add3A_428 = vector.broadcast %add3A_427 : i32 to vector<16xi32>
          %add3A_429 = arith.addi %add3A_418, %add3A_428 : vector<16xi32>
          %add3A_430 = arith.constant 64467757 : i32
          %add3A_431 = vector.broadcast %add3A_430 : i32 to vector<16xi32>
          %add3A_432 = arith.addi %xor3A_426, %add3A_431 : vector<16xi32>
          %add3A_433 = arith.constant 5 : i32
          %add3A_434 = vector.broadcast %add3A_433 : i32 to vector<16xi32>
          %add3A_435 = arith.addi %add3A_432, %add3A_434 : vector<16xi32>
          %xor3A_436 = arith.xori %add3A_429, %add3A_435 : vector<16xi32>
          %shift_right_logical3A_437 = arith.constant 9 : i32
          %shift_right_logical3A_438 = vector.broadcast %shift_right_logical3A_437 : i32 to vector<16xi32>
          %shift_right_logical3A_439 = arith.shrui %xor3A_436, %shift_right_logical3A_438 : vector<16xi32>
          %lt3A_440 = arith.constant 1677722 : i32
          %lt3A_441 = vector.broadcast %lt3A_440 : i32 to vector<16xi32>
          %lt3A_442 = arith.cmpi slt, %shift_right_logical3A_439, %lt3A_441 : vector<16xi32>
          %jit3A_443 = arith.constant 0.000000e+00 : f32
          %jit3A_444 = arith.constant 1.000000e+00 : f32
          %broadcast_in_dim3A_445 = vector.broadcast %jit3A_443 : f32 to vector<16xf32>
          %broadcast_in_dim3A_446 = vector.broadcast %jit3A_444 : f32 to vector<16xf32>
          %select_n3A_447 = arith.select %lt3A_442, %broadcast_in_dim3A_445, %broadcast_in_dim3A_446 : vector<16xi1>, vector<16xf32>
          %parallel_loop3A = arith.constant 0 : i32
          %parallel_loop3A_448 = arith.constant 16 : i32
          %parallel_loop3A_449 = arith.constant 1 : i32
          scf.for %parallel_loop3A_450 = %parallel_loop3A to %parallel_loop3A_448 step %parallel_loop3A_449  : i32 {
            %parallel_loop3A_451 = arith.constant 0 : i32
            %parallel_loop3A_452 = vector.broadcast %parallel_loop3A_451 : i32 to vector<16xi32>
            %parallel_loop3A_453 = vector.broadcast %parallel_loop3A_450 : i32 to vector<16xi32>
            %parallel_loop3A_454 = arith.addi %parallel_loop3A_452, %parallel_loop3A_453 : vector<16xi32>
            %parallel_loop3A_455 = vector.shape_cast %parallel_loop3A_454 : vector<16xi32> to vector<16x1xi32>
            %parallel_loop3A_456 = vector.shape_cast %parallel_loop3A_455 : vector<16x1xi32> to vector<16xi32>
            %parallel_loop3A_457 = tpu.dynamic_gather %select_n3A_447[%parallel_loop3A_456] in [0] : vector<16xf32>, vector<16xi32> -> vector<16xf32>
            %parallel_loop3A_458 = arith.constant 16 : i32
            %parallel_loop3A_459 = arith.muli %parallel_loop3A_458, %scan3A_205 : i32
            %parallel_loop3A_460 = arith.addi %parallel_loop3A_459, %parallel_loop3A_450 : i32
            %parallel_loop3A_461 = arith.index_cast %parallel_loop3A_460 : i32 to index
            %parallel_loop3A_462 = arith.constant 0 : index
            %parallel_loop3A_463 = tpu.vector_load %arg5[%parallel_loop3A_461, %parallel_loop3A_462] {strides = array<i32>} : memref<192x128xf32, #tpu.memory_space<vmem>>, vector<1x16xf32>,
            %parallel_loop3A_464 = vector.shape_cast %parallel_loop3A_463 : vector<1x16xf32> to vector<16xf32>
            %parallel_loop3A_465 = arith.mulf %parallel_loop3A_464, %parallel_loop3A_457 : vector<16xf32>
            %parallel_loop3A_466 = arith.index_cast %parallel_loop3A_460 : i32 to index
            %parallel_loop3A_467 = arith.constant 0 : index
            %parallel_loop3A_468 = tpu.vector_load %arg7[%parallel_loop3A_466, %parallel_loop3A_467] {strides = array<i32>} : memref<192x128xf32, #tpu.memory_space<vmem>>, vector<1x16xf32>,
            %parallel_loop3A_469 = vector.shape_cast %parallel_loop3A_468 : vector<1x16xf32> to vector<16xf32>
            %parallel_loop3A_470 = vector.shape_cast %parallel_loop3A_465 : vector<16xf32> to vector<1x16xf32>
            tpu.vector_store %arg7[%parallel_loop3A_466, %parallel_loop3A_467], %parallel_loop3A_470 {strides = array<i32>} : memref<192x128xf32, #tpu.memory_space<vmem>>, vector<1x16xf32>,
            %parallel_loop3A_471 = arith.index_cast %parallel_loop3A_460 : i32 to index
            %parallel_loop3A_472 = arith.constant 16 : index
            %parallel_loop3A_473 = tpu.vector_load %arg5[%parallel_loop3A_471, %parallel_loop3A_472] {strides = array<i32>} : memref<192x128xf32, #tpu.memory_space<vmem>>, vector<1x16xf32>,
            %parallel_loop3A_474 = vector.shape_cast %parallel_loop3A_473 : vector<1x16xf32> to vector<16xf32>
            %parallel_loop3A_475 = arith.mulf %parallel_loop3A_474, %parallel_loop3A_457 : vector<16xf32>
            %parallel_loop3A_476 = arith.index_cast %parallel_loop3A_460 : i32 to index
            %parallel_loop3A_477 = arith.constant 16 : index
            %parallel_loop3A_478 = tpu.vector_load %arg7[%parallel_loop3A_476, %parallel_loop3A_477] {strides = array<i32>} : memref<192x128xf32, #tpu.memory_space<vmem>>, vector<1x16xf32>,
            %parallel_loop3A_479 = vector.shape_cast %parallel_loop3A_478 : vector<1x16xf32> to vector<16xf32>
            %parallel_loop3A_480 = vector.shape_cast %parallel_loop3A_475 : vector<16xf32> to vector<1x16xf32>
            tpu.vector_store %arg7[%parallel_loop3A_476, %parallel_loop3A_477], %parallel_loop3A_480 {strides = array<i32>} : memref<192x128xf32, #tpu.memory_space<vmem>>, vector<1x16xf32>,
            %parallel_loop3A_481 = arith.index_cast %parallel_loop3A_460 : i32 to index
            %parallel_loop3A_482 = arith.constant 32 : index
            %parallel_loop3A_483 = tpu.vector_load %arg5[%parallel_loop3A_481, %parallel_loop3A_482] {strides = array<i32>} : memref<192x128xf32, #tpu.memory_space<vmem>>, vector<1x16xf32>,
            %parallel_loop3A_484 = vector.shape_cast %parallel_loop3A_483 : vector<1x16xf32> to vector<16xf32>
            %parallel_loop3A_485 = arith.mulf %parallel_loop3A_484, %parallel_loop3A_457 : vector<16xf32>
            %parallel_loop3A_486 = arith.index_cast %parallel_loop3A_460 : i32 to index
            %parallel_loop3A_487 = arith.constant 32 : index
            %parallel_loop3A_488 = tpu.vector_load %arg7[%parallel_loop3A_486, %parallel_loop3A_487] {strides = array<i32>} : memref<192x128xf32, #tpu.memory_space<vmem>>, vector<1x16xf32>,
            %parallel_loop3A_489 = vector.shape_cast %parallel_loop3A_488 : vector<1x16xf32> to vector<16xf32>
            %parallel_loop3A_490 = vector.shape_cast %parallel_loop3A_485 : vector<16xf32> to vector<1x16xf32>
            tpu.vector_store %arg7[%parallel_loop3A_486, %parallel_loop3A_487], %parallel_loop3A_490 {strides = array<i32>} : memref<192x128xf32, #tpu.memory_space<vmem>>, vector<1x16xf32>,
            %parallel_loop3A_491 = arith.index_cast %parallel_loop3A_460 : i32 to index
            %parallel_loop3A_492 = arith.constant 48 : index
            %parallel_loop3A_493 = tpu.vector_load %arg5[%parallel_loop3A_491, %parallel_loop3A_492] {strides = array<i32>} : memref<192x128xf32, #tpu.memory_space<vmem>>, vector<1x16xf32>,
            %parallel_loop3A_494 = vector.shape_cast %parallel_loop3A_493 : vector<1x16xf32> to vector<16xf32>
            %parallel_loop3A_495 = arith.mulf %parallel_loop3A_494, %parallel_loop3A_457 : vector<16xf32>
            %parallel_loop3A_496 = arith.index_cast %parallel_loop3A_460 : i32 to index
            %parallel_loop3A_497 = arith.constant 48 : index
            %parallel_loop3A_498 = tpu.vector_load %arg7[%parallel_loop3A_496, %parallel_loop3A_497] {strides = array<i32>} : memref<192x128xf32, #tpu.memory_space<vmem>>, vector<1x16xf32>,
            %parallel_loop3A_499 = vector.shape_cast %parallel_loop3A_498 : vector<1x16xf32> to vector<16xf32>
            %parallel_loop3A_500 = vector.shape_cast %parallel_loop3A_495 : vector<16xf32> to vector<1x16xf32>
            tpu.vector_store %arg7[%parallel_loop3A_496, %parallel_loop3A_497], %parallel_loop3A_500 {strides = array<i32>} : memref<192x128xf32, #tpu.memory_space<vmem>>, vector<1x16xf32>,
            %parallel_loop3A_501 = arith.index_cast %parallel_loop3A_460 : i32 to index
            %parallel_loop3A_502 = arith.constant 64 : index
            %parallel_loop3A_503 = tpu.vector_load %arg5[%parallel_loop3A_501, %parallel_loop3A_502] {strides = array<i32>} : memref<192x128xf32, #tpu.memory_space<vmem>>, vector<1x16xf32>,
            %parallel_loop3A_504 = vector.shape_cast %parallel_loop3A_503 : vector<1x16xf32> to vector<16xf32>
            %parallel_loop3A_505 = arith.mulf %parallel_loop3A_504, %parallel_loop3A_457 : vector<16xf32>
            %parallel_loop3A_506 = arith.index_cast %parallel_loop3A_460 : i32 to index
            %parallel_loop3A_507 = arith.constant 64 : index
            %parallel_loop3A_508 = tpu.vector_load %arg7[%parallel_loop3A_506, %parallel_loop3A_507] {strides = array<i32>} : memref<192x128xf32, #tpu.memory_space<vmem>>, vector<1x16xf32>,
            %parallel_loop3A_509 = vector.shape_cast %parallel_loop3A_508 : vector<1x16xf32> to vector<16xf32>
            %parallel_loop3A_510 = vector.shape_cast %parallel_loop3A_505 : vector<16xf32> to vector<1x16xf32>
            tpu.vector_store %arg7[%parallel_loop3A_506, %parallel_loop3A_507], %parallel_loop3A_510 {strides = array<i32>} : memref<192x128xf32, #tpu.memory_space<vmem>>, vector<1x16xf32>,
            %parallel_loop3A_511 = arith.index_cast %parallel_loop3A_460 : i32 to index
            %parallel_loop3A_512 = arith.constant 80 : index
            %parallel_loop3A_513 = tpu.vector_load %arg5[%parallel_loop3A_511, %parallel_loop3A_512] {strides = array<i32>} : memref<192x128xf32, #tpu.memory_space<vmem>>, vector<1x16xf32>,
            %parallel_loop3A_514 = vector.shape_cast %parallel_loop3A_513 : vector<1x16xf32> to vector<16xf32>
            %parallel_loop3A_515 = arith.mulf %parallel_loop3A_514, %parallel_loop3A_457 : vector<16xf32>
            %parallel_loop3A_516 = arith.index_cast %parallel_loop3A_460 : i32 to index
            %parallel_loop3A_517 = arith.constant 80 : index
            %parallel_loop3A_518 = tpu.vector_load %arg7[%parallel_loop3A_516, %parallel_loop3A_517] {strides = array<i32>} : memref<192x128xf32, #tpu.memory_space<vmem>>, vector<1x16xf32>,
            %parallel_loop3A_519 = vector.shape_cast %parallel_loop3A_518 : vector<1x16xf32> to vector<16xf32>
            %parallel_loop3A_520 = vector.shape_cast %parallel_loop3A_515 : vector<16xf32> to vector<1x16xf32>
            tpu.vector_store %arg7[%parallel_loop3A_516, %parallel_loop3A_517], %parallel_loop3A_520 {strides = array<i32>} : memref<192x128xf32, #tpu.memory_space<vmem>>, vector<1x16xf32>,
            %parallel_loop3A_521 = arith.index_cast %parallel_loop3A_460 : i32 to index
            %parallel_loop3A_522 = arith.constant 96 : index
            %parallel_loop3A_523 = tpu.vector_load %arg5[%parallel_loop3A_521, %parallel_loop3A_522] {strides = array<i32>} : memref<192x128xf32, #tpu.memory_space<vmem>>, vector<1x16xf32>,
            %parallel_loop3A_524 = vector.shape_cast %parallel_loop3A_523 : vector<1x16xf32> to vector<16xf32>
            %parallel_loop3A_525 = arith.mulf %parallel_loop3A_524, %parallel_loop3A_457 : vector<16xf32>
            %parallel_loop3A_526 = arith.index_cast %parallel_loop3A_460 : i32 to index
            %parallel_loop3A_527 = arith.constant 96 : index
            %parallel_loop3A_528 = tpu.vector_load %arg7[%parallel_loop3A_526, %parallel_loop3A_527] {strides = array<i32>} : memref<192x128xf32, #tpu.memory_space<vmem>>, vector<1x16xf32>,
            %parallel_loop3A_529 = vector.shape_cast %parallel_loop3A_528 : vector<1x16xf32> to vector<16xf32>
            %parallel_loop3A_530 = vector.shape_cast %parallel_loop3A_525 : vector<16xf32> to vector<1x16xf32>
            tpu.vector_store %arg7[%parallel_loop3A_526, %parallel_loop3A_527], %parallel_loop3A_530 {strides = array<i32>} : memref<192x128xf32, #tpu.memory_space<vmem>>, vector<1x16xf32>,
            %parallel_loop3A_531 = arith.index_cast %parallel_loop3A_460 : i32 to index
            %parallel_loop3A_532 = arith.constant 112 : index
            %parallel_loop3A_533 = tpu.vector_load %arg5[%parallel_loop3A_531, %parallel_loop3A_532] {strides = array<i32>} : memref<192x128xf32, #tpu.memory_space<vmem>>, vector<1x16xf32>,
            %parallel_loop3A_534 = vector.shape_cast %parallel_loop3A_533 : vector<1x16xf32> to vector<16xf32>
            %parallel_loop3A_535 = arith.mulf %parallel_loop3A_534, %parallel_loop3A_457 : vector<16xf32>
            %parallel_loop3A_536 = arith.index_cast %parallel_loop3A_460 : i32 to index
            %parallel_loop3A_537 = arith.constant 112 : index
            %parallel_loop3A_538 = tpu.vector_load %arg7[%parallel_loop3A_536, %parallel_loop3A_537] {strides = array<i32>} : memref<192x128xf32, #tpu.memory_space<vmem>>, vector<1x16xf32>,
            %parallel_loop3A_539 = vector.shape_cast %parallel_loop3A_538 : vector<1x16xf32> to vector<16xf32>
            %parallel_loop3A_540 = vector.shape_cast %parallel_loop3A_535 : vector<16xf32> to vector<1x16xf32>
            tpu.vector_store %arg7[%parallel_loop3A_536, %parallel_loop3A_537], %parallel_loop3A_540 {strides = array<i32>} : memref<192x128xf32, #tpu.memory_space<vmem>>, vector<1x16xf32>,
          } {sc.loop_unroll_factor = 4 : i64, sc.parallel_access}
        }
        %scan3A_195 = arith.constant 12 : i32
        %mul3A_196 = arith.constant 32 : i32
        %mul3A_197 = arith.muli %while3A_128, %mul3A_196 : i32
        %add3A_198 = arith.addi %add3A, %mul3A_197 : i32
        %mul3A_199 = arith.constant 192 : i32
        %mul3A_200 = arith.muli %add3A_198, %mul3A_199 : i32
        %multiple_of3A_201 = tpu.assume_multiple %mul3A_200, 192 : i32
        %dma_start3A = arith.constant 0 : i32
        %dma_start3A_202 = tpu.memref_slice %arg3[%multiple_of3A_201, %dma_start3A] : memref<100000x128xf32, #tpu.memory_space<hbm>> -> memref<192x128xf32, #tpu.memory_space<hbm>>
        %dma_start3A_203 = arith.constant 0 : i32
        %dma_start3A_204 = tpu.memref_slice %arg3[%multiple_of3A_201, %dma_start3A_203] : memref<100000x128xf32, #tpu.memory_space<hbm>> -> memref<192x128xf32, #tpu.memory_space<hbm>>
        tpu.enqueue_dma source(%arg7 : memref<192x128xf32, #tpu.memory_space<vmem>>) target(%dma_start3A_204 : memref<192x128xf32, #tpu.memory_space<hbm>>) target_semaphore(%arg11 : memref<!tpu.dma_semaphore, #tpu.memory_space<semaphore_mem>>)
      } else {
      }
    }
    %gt3A_16 = arith.constant 0 : i32
    %gt3A_17 = arith.cmpi sgt, %add3A_4, %gt3A_16 : i32
    %sub3A = arith.constant 1 : i32
    %sub3A_18 = arith.subi %add3A_4, %sub3A : i32
    %sub3A_19 = arith.constant 0 : i32
    %sub3A_20 = arith.subi %sub3A_18, %sub3A_19 : i32
    %jit3A_21 = arith.constant 2 : i32
    %eq3A = arith.constant 0 : i32
    %eq3A_22 = arith.cmpi eq, %jit3A_21, %eq3A : i32
    %jit3A_23 = arith.constant 1 : i32
    %select_n3A_24 = arith.select %eq3A_22, %jit3A_23, %jit3A_21 : i32
    %rem3A = arith.remsi %sub3A_20, %select_n3A_24 : i32
    %ne3A = arith.constant 0 : i32
    %ne3A_25 = arith.cmpi ne, %rem3A, %ne3A : i32
    %lt3A_26 = arith.constant 0 : i32
    %lt3A_27 = arith.cmpi slt, %rem3A, %lt3A_26 : i32
    %lt3A_28 = arith.constant 0 : i32
    %lt3A_29 = arith.cmpi slt, %select_n3A_24, %lt3A_28 : i32
    %ne3A_30 = arith.xori %lt3A_27, %lt3A_29 : i1
    %and3A = arith.andi %ne3A_30, %ne3A_25 : i1
    %add3A_31 = arith.addi %rem3A, %select_n3A_24 : i32
    %select_n3A_32 = arith.select %and3A, %add3A_31, %rem3A : i32
    %eq3A_33 = arith.constant 0 : i32
    %eq3A_34 = arith.cmpi eq, %select_n3A_32, %eq3A_33 : i32
    %and3A_35 = arith.andi %gt3A_17, %eq3A_34 : i1
    %convert_element_type3A_36 = arith.extui %and3A_35 : i1 to i32
    %cond3A_37 = arith.constant 0 : i32
    %cond3A_38 = arith.cmpi ne, %convert_element_type3A_36, %cond3A_37 : i32
    scf.if %cond3A_38 {
      %dma_wait3A = arith.constant 0 : i32
      %dma_wait3A_128 = arith.constant 0 : i32
      %dma_wait3A_129 = tpu.memref_slice %arg3[%dma_wait3A, %dma_wait3A_128] : memref<100000x128xf32, #tpu.memory_space<hbm>> -> memref<192x128xf32, #tpu.memory_space<hbm>>
      %dma_wait3A_130 = arith.constant 0 : i32
      %dma_wait3A_131 = arith.constant 0 : i32
      %dma_wait3A_132 = tpu.memref_slice %arg3[%dma_wait3A_130, %dma_wait3A_131] : memref<100000x128xf32, #tpu.memory_space<hbm>> -> memref<192x128xf32, #tpu.memory_space<hbm>>
      tpu.wait_dma2 semaphore(%arg10 : memref<!tpu.dma_semaphore, #tpu.memory_space<semaphore_mem>>) src(%arg6 : memref<192x128xf32, #tpu.memory_space<vmem>>) dst(%dma_wait3A_132 : memref<192x128xf32, #tpu.memory_space<hbm>>)
    } else {
    }
    %gt3A_39 = arith.constant 0 : i32
    %gt3A_40 = arith.cmpi sgt, %add3A_4, %gt3A_39 : i32
    %sub3A_41 = arith.constant 1 : i32
    %sub3A_42 = arith.subi %add3A_4, %sub3A_41 : i32
    %sub3A_43 = arith.constant 0 : i32
    %sub3A_44 = arith.subi %sub3A_42, %sub3A_43 : i32
    %jit3A_45 = arith.constant 2 : i32
    %eq3A_46 = arith.constant 0 : i32
    %eq3A_47 = arith.cmpi eq, %jit3A_45, %eq3A_46 : i32
    %jit3A_48 = arith.constant 1 : i32
    %select_n3A_49 = arith.select %eq3A_47, %jit3A_48, %jit3A_45 : i32
    %rem3A_50 = arith.remsi %sub3A_44, %select_n3A_49 : i32
    %ne3A_51 = arith.constant 0 : i32
    %ne3A_52 = arith.cmpi ne, %rem3A_50, %ne3A_51 : i32
    %lt3A_53 = arith.constant 0 : i32
    %lt3A_54 = arith.cmpi slt, %rem3A_50, %lt3A_53 : i32
    %lt3A_55 = arith.constant 0 : i32
    %lt3A_56 = arith.cmpi slt, %select_n3A_49, %lt3A_55 : i32
    %ne3A_57 = arith.xori %lt3A_54, %lt3A_56 : i1
    %and3A_58 = arith.andi %ne3A_57, %ne3A_52 : i1
    %add3A_59 = arith.addi %rem3A_50, %select_n3A_49 : i32
    %select_n3A_60 = arith.select %and3A_58, %add3A_59, %rem3A_50 : i32
    %eq3A_61 = arith.constant 1 : i32
    %eq3A_62 = arith.cmpi eq, %select_n3A_60, %eq3A_61 : i32
    %and3A_63 = arith.andi %gt3A_40, %eq3A_62 : i1
    %convert_element_type3A_64 = arith.extui %and3A_63 : i1 to i32
    %cond3A_65 = arith.constant 0 : i32
    %cond3A_66 = arith.cmpi ne, %convert_element_type3A_64, %cond3A_65 : i32
    scf.if %cond3A_66 {
      %dma_wait3A = arith.constant 0 : i32
      %dma_wait3A_128 = arith.constant 0 : i32
      %dma_wait3A_129 = tpu.memref_slice %arg3[%dma_wait3A, %dma_wait3A_128] : memref<100000x128xf32, #tpu.memory_space<hbm>> -> memref<192x128xf32, #tpu.memory_space<hbm>>
      %dma_wait3A_130 = arith.constant 0 : i32
      %dma_wait3A_131 = arith.constant 0 : i32
      %dma_wait3A_132 = tpu.memref_slice %arg3[%dma_wait3A_130, %dma_wait3A_131] : memref<100000x128xf32, #tpu.memory_space<hbm>> -> memref<192x128xf32, #tpu.memory_space<hbm>>
      tpu.wait_dma2 semaphore(%arg11 : memref<!tpu.dma_semaphore, #tpu.memory_space<semaphore_mem>>) src(%arg7 : memref<192x128xf32, #tpu.memory_space<vmem>>) dst(%dma_wait3A_132 : memref<192x128xf32, #tpu.memory_space<hbm>>)
    } else {
    }
    %gt3A_67 = arith.constant 1 : i32
    %gt3A_68 = arith.cmpi sgt, %add3A_4, %gt3A_67 : i32
    %sub3A_69 = arith.constant 1 : i32
    %sub3A_70 = arith.subi %add3A_4, %sub3A_69 : i32
    %sub3A_71 = arith.constant 1 : i32
    %sub3A_72 = arith.subi %sub3A_70, %sub3A_71 : i32
    %jit3A_73 = arith.constant 2 : i32
    %eq3A_74 = arith.constant 0 : i32
    %eq3A_75 = arith.cmpi eq, %jit3A_73, %eq3A_74 : i32
    %jit3A_76 = arith.constant 1 : i32
    %select_n3A_77 = arith.select %eq3A_75, %jit3A_76, %jit3A_73 : i32
    %rem3A_78 = arith.remsi %sub3A_72, %select_n3A_77 : i32
    %ne3A_79 = arith.constant 0 : i32
    %ne3A_80 = arith.cmpi ne, %rem3A_78, %ne3A_79 : i32
    %lt3A_81 = arith.constant 0 : i32
    %lt3A_82 = arith.cmpi slt, %rem3A_78, %lt3A_81 : i32
    %lt3A_83 = arith.constant 0 : i32
    %lt3A_84 = arith.cmpi slt, %select_n3A_77, %lt3A_83 : i32
    %ne3A_85 = arith.xori %lt3A_82, %lt3A_84 : i1
    %and3A_86 = arith.andi %ne3A_85, %ne3A_80 : i1
    %add3A_87 = arith.addi %rem3A_78, %select_n3A_77 : i32
    %select_n3A_88 = arith.select %and3A_86, %add3A_87, %rem3A_78 : i32
    %eq3A_89 = arith.constant 0 : i32
    %eq3A_90 = arith.cmpi eq, %select_n3A_88, %eq3A_89 : i32
    %and3A_91 = arith.andi %gt3A_68, %eq3A_90 : i1
    %convert_element_type3A_92 = arith.extui %and3A_91 : i1 to i32
    %cond3A_93 = arith.constant 0 : i32
    %cond3A_94 = arith.cmpi ne, %convert_element_type3A_92, %cond3A_93 : i32
    scf.if %cond3A_94 {
      %dma_wait3A = arith.constant 0 : i32
      %dma_wait3A_128 = arith.constant 0 : i32
      %dma_wait3A_129 = tpu.memref_slice %arg3[%dma_wait3A, %dma_wait3A_128] : memref<100000x128xf32, #tpu.memory_space<hbm>> -> memref<192x128xf32, #tpu.memory_space<hbm>>
      %dma_wait3A_130 = arith.constant 0 : i32
      %dma_wait3A_131 = arith.constant 0 : i32
      %dma_wait3A_132 = tpu.memref_slice %arg3[%dma_wait3A_130, %dma_wait3A_131] : memref<100000x128xf32, #tpu.memory_space<hbm>> -> memref<192x128xf32, #tpu.memory_space<hbm>>
      tpu.wait_dma2 semaphore(%arg10 : memref<!tpu.dma_semaphore, #tpu.memory_space<semaphore_mem>>) src(%arg6 : memref<192x128xf32, #tpu.memory_space<vmem>>) dst(%dma_wait3A_132 : memref<192x128xf32, #tpu.memory_space<hbm>>)
    } else {
    }
    %gt3A_95 = arith.constant 1 : i32
    %gt3A_96 = arith.cmpi sgt, %add3A_4, %gt3A_95 : i32
    %sub3A_97 = arith.constant 1 : i32
    %sub3A_98 = arith.subi %add3A_4, %sub3A_97 : i32
    %sub3A_99 = arith.constant 1 : i32
    %sub3A_100 = arith.subi %sub3A_98, %sub3A_99 : i32
    %jit3A_101 = arith.constant 2 : i32
    %eq3A_102 = arith.constant 0 : i32
    %eq3A_103 = arith.cmpi eq, %jit3A_101, %eq3A_102 : i32
    %jit3A_104 = arith.constant 1 : i32
    %select_n3A_105 = arith.select %eq3A_103, %jit3A_104, %jit3A_101 : i32
    %rem3A_106 = arith.remsi %sub3A_100, %select_n3A_105 : i32
    %ne3A_107 = arith.constant 0 : i32
    %ne3A_108 = arith.cmpi ne, %rem3A_106, %ne3A_107 : i32
    %lt3A_109 = arith.constant 0 : i32
    %lt3A_110 = arith.cmpi slt, %rem3A_106, %lt3A_109 : i32
    %lt3A_111 = arith.constant 0 : i32
    %lt3A_112 = arith.cmpi slt, %select_n3A_105, %lt3A_111 : i32
    %ne3A_113 = arith.xori %lt3A_110, %lt3A_112 : i1
    %and3A_114 = arith.andi %ne3A_113, %ne3A_108 : i1
    %add3A_115 = arith.addi %rem3A_106, %select_n3A_105 : i32
    %select_n3A_116 = arith.select %and3A_114, %add3A_115, %rem3A_106 : i32
    %eq3A_117 = arith.constant 1 : i32
    %eq3A_118 = arith.cmpi eq, %select_n3A_116, %eq3A_117 : i32
    %and3A_119 = arith.andi %gt3A_96, %eq3A_118 : i1
    %convert_element_type3A_120 = arith.extui %and3A_119 : i1 to i32
    %cond3A_121 = arith.constant 0 : i32
    %cond3A_122 = arith.cmpi ne, %convert_element_type3A_120, %cond3A_121 : i32
    scf.if %cond3A_122 {
      %dma_wait3A = arith.constant 0 : i32
      %dma_wait3A_128 = arith.constant 0 : i32
      %dma_wait3A_129 = tpu.memref_slice %arg3[%dma_wait3A, %dma_wait3A_128] : memref<100000x128xf32, #tpu.memory_space<hbm>> -> memref<192x128xf32, #tpu.memory_space<hbm>>
      %dma_wait3A_130 = arith.constant 0 : i32
      %dma_wait3A_131 = arith.constant 0 : i32
      %dma_wait3A_132 = tpu.memref_slice %arg3[%dma_wait3A_130, %dma_wait3A_131] : memref<100000x128xf32, #tpu.memory_space<hbm>> -> memref<192x128xf32, #tpu.memory_space<hbm>>
      tpu.wait_dma2 semaphore(%arg11 : memref<!tpu.dma_semaphore, #tpu.memory_space<semaphore_mem>>) src(%arg7 : memref<192x128xf32, #tpu.memory_space<vmem>>) dst(%dma_wait3A_132 : memref<192x128xf32, #tpu.memory_space<hbm>>)
    } else {
    }
    %eq3A_123 = arith.constant 0 : i32
    %eq3A_124 = arith.cmpi eq, %add3A, %eq3A_123 : i32
    %convert_element_type3A_125 = arith.extui %eq3A_124 : i1 to i32
    %cond3A_126 = arith.constant 0 : i32
    %cond3A_127 = arith.cmpi ne, %convert_element_type3A_125, %cond3A_126 : i32
    scf.if %cond3A_127 {
      "tpu.region"() ({
        %run_scoped3A = tpu.sem_alloc : memref<!tpu.dma_semaphore, #tpu.memory_space<semaphore_mem>>
        %dma_start3A = arith.constant 0 : i32
        %dma_start3A_133 = arith.constant 0 : i32
        %dma_start3A_134 = tpu.memref_slice %arg4[%dma_start3A, %dma_start3A_133] : memref<192x128xf32, #tpu.memory_space<vmem>> -> memref<160x128xf32, #tpu.memory_space<vmem>>
        %dma_start3A_135 = arith.constant 99840 : i32
        %dma_start3A_136 = arith.constant 0 : i32
        %dma_start3A_137 = tpu.memref_slice %arg2[%dma_start3A_135, %dma_start3A_136] : memref<100000x128xf32, #tpu.memory_space<hbm>> -> memref<160x128xf32, #tpu.memory_space<hbm>>
        %dma_start3A_138 = arith.constant 0 : i32
        %dma_start3A_139 = arith.constant 0 : i32
        %dma_start3A_140 = tpu.memref_slice %arg4[%dma_start3A_138, %dma_start3A_139] : memref<192x128xf32, #tpu.memory_space<vmem>> -> memref<160x128xf32, #tpu.memory_space<vmem>>
        %dma_start3A_141 = arith.constant 99840 : i32
        %dma_start3A_142 = arith.constant 0 : i32
        %dma_start3A_143 = tpu.memref_slice %arg2[%dma_start3A_141, %dma_start3A_142] : memref<100000x128xf32, #tpu.memory_space<hbm>> -> memref<160x128xf32, #tpu.memory_space<hbm>>
        tpu.enqueue_dma source(%dma_start3A_143 : memref<160x128xf32, #tpu.memory_space<hbm>>) target(%dma_start3A_140 : memref<160x128xf32, #tpu.memory_space<vmem>>) target_semaphore(%run_scoped3A : memref<!tpu.dma_semaphore, #tpu.memory_space<semaphore_mem>>)
        %dma_wait3A = arith.constant 0 : i32
        %dma_wait3A_144 = arith.constant 0 : i32
        %dma_wait3A_145 = tpu.memref_slice %arg4[%dma_wait3A, %dma_wait3A_144] : memref<192x128xf32, #tpu.memory_space<vmem>> -> memref<160x128xf32, #tpu.memory_space<vmem>>
        %dma_wait3A_146 = arith.constant 99840 : i32
        %dma_wait3A_147 = arith.constant 0 : i32
        %dma_wait3A_148 = tpu.memref_slice %arg2[%dma_wait3A_146, %dma_wait3A_147] : memref<100000x128xf32, #tpu.memory_space<hbm>> -> memref<160x128xf32, #tpu.memory_space<hbm>>
        %dma_wait3A_149 = arith.constant 0 : i32
        %dma_wait3A_150 = arith.constant 0 : i32
        %dma_wait3A_151 = tpu.memref_slice %arg4[%dma_wait3A_149, %dma_wait3A_150] : memref<192x128xf32, #tpu.memory_space<vmem>> -> memref<160x128xf32, #tpu.memory_space<vmem>>
        %dma_wait3A_152 = arith.constant 99840 : i32
        %dma_wait3A_153 = arith.constant 0 : i32
        %dma_wait3A_154 = tpu.memref_slice %arg2[%dma_wait3A_152, %dma_wait3A_153] : memref<100000x128xf32, #tpu.memory_space<hbm>> -> memref<160x128xf32, #tpu.memory_space<hbm>>
        tpu.wait_dma2 semaphore(%run_scoped3A : memref<!tpu.dma_semaphore, #tpu.memory_space<semaphore_mem>>) src(%dma_wait3A_154 : memref<160x128xf32, #tpu.memory_space<hbm>>) dst(%dma_wait3A_151 : memref<160x128xf32, #tpu.memory_space<vmem>>)
        tpu.yield
      }) : () -> ()
      %scan3A = arith.constant 0 : i32
      %scan3A_128 = arith.constant 0 : i32
      %scan3A_129 = arith.constant 10 : i32
      %scan3A_130 = arith.addi %scan3A_128, %scan3A_129 : i32
      %scan3A_131 = arith.constant 1 : i32
      scf.for %scan3A_133 = %scan3A_128 to %scan3A_130 step %scan3A_131  : i32 {
        %mul3A_134 = arith.constant 16 : i32
        %mul3A_135 = arith.muli %mul3A_134, %scan3A_133 : i32
        %add3A_136 = arith.constant 99840 : i32
        %add3A_137 = arith.addi %add3A_136, %mul3A_135 : i32
        %iota3A = tpu.iota {dimensions = array<i32: 0>} : vector<16xi32>
        %add3A_138 = vector.broadcast %add3A_137 : i32 to vector<16xi32>
        %add3A_139 = arith.addi %add3A_138, %iota3A : vector<16xi32>
        %broadcast_in_dim3A = arith.constant 64467757 : i32
        %broadcast_in_dim3A_140 = vector.broadcast %broadcast_in_dim3A : i32 to vector<16xi32>
        %add3A_141 = arith.constant -1378843660 : i32
        %add3A_142 = vector.broadcast %add3A_141 : i32 to vector<16xi32>
        %add3A_143 = arith.addi %add3A_139, %add3A_142 : vector<16xi32>
        %add3A_144 = arith.addi %broadcast_in_dim3A_140, %add3A_143 : vector<16xi32>
        %shift_left3A = arith.constant 13 : i32
        %shift_left3A_145 = vector.broadcast %shift_left3A : i32 to vector<16xi32>
        %shift_left3A_146 = arith.shli %add3A_143, %shift_left3A_145 : vector<16xi32>
        %shift_right_logical3A = arith.constant 19 : i32
        %shift_right_logical3A_147 = vector.broadcast %shift_right_logical3A : i32 to vector<16xi32>
        %shift_right_logical3A_148 = arith.shrui %add3A_143, %shift_right_logical3A_147 : vector<16xi32>
        %or3A = arith.ori %shift_left3A_146, %shift_right_logical3A_148 : vector<16xi32>
        %xor3A = arith.xori %or3A, %add3A_144 : vector<16xi32>
        %add3A_149 = arith.addi %add3A_144, %xor3A : vector<16xi32>
        %shift_left3A_150 = arith.constant 15 : i32
        %shift_left3A_151 = vector.broadcast %shift_left3A_150 : i32 to vector<16xi32>
        %shift_left3A_152 = arith.shli %xor3A, %shift_left3A_151 : vector<16xi32>
        %shift_right_logical3A_153 = arith.constant 17 : i32
        %shift_right_logical3A_154 = vector.broadcast %shift_right_logical3A_153 : i32 to vector<16xi32>
        %shift_right_logical3A_155 = arith.shrui %xor3A, %shift_right_logical3A_154 : vector<16xi32>
        %or3A_156 = arith.ori %shift_left3A_152, %shift_right_logical3A_155 : vector<16xi32>
        %xor3A_157 = arith.xori %or3A_156, %add3A_149 : vector<16xi32>
        %add3A_158 = arith.addi %add3A_149, %xor3A_157 : vector<16xi32>
        %shift_left3A_159 = arith.constant 26 : i32
        %shift_left3A_160 = vector.broadcast %shift_left3A_159 : i32 to vector<16xi32>
        %shift_left3A_161 = arith.shli %xor3A_157, %shift_left3A_160 : vector<16xi32>
        %shift_right_logical3A_162 = arith.constant 6 : i32
        %shift_right_logical3A_163 = vector.broadcast %shift_right_logical3A_162 : i32 to vector<16xi32>
        %shift_right_logical3A_164 = arith.shrui %xor3A_157, %shift_right_logical3A_163 : vector<16xi32>
        %or3A_165 = arith.ori %shift_left3A_161, %shift_right_logical3A_164 : vector<16xi32>
        %xor3A_166 = arith.xori %or3A_165, %add3A_158 : vector<16xi32>
        %add3A_167 = arith.addi %add3A_158, %xor3A_166 : vector<16xi32>
        %shift_left3A_168 = arith.constant 6 : i32
        %shift_left3A_169 = vector.broadcast %shift_left3A_168 : i32 to vector<16xi32>
        %shift_left3A_170 = arith.shli %xor3A_166, %shift_left3A_169 : vector<16xi32>
        %shift_right_logical3A_171 = arith.constant 26 : i32
        %shift_right_logical3A_172 = vector.broadcast %shift_right_logical3A_171 : i32 to vector<16xi32>
        %shift_right_logical3A_173 = arith.shrui %xor3A_166, %shift_right_logical3A_172 : vector<16xi32>
        %or3A_174 = arith.ori %shift_left3A_170, %shift_right_logical3A_173 : vector<16xi32>
        %xor3A_175 = arith.xori %or3A_174, %add3A_167 : vector<16xi32>
        %add3A_176 = arith.constant -1378843660 : i32
        %add3A_177 = vector.broadcast %add3A_176 : i32 to vector<16xi32>
        %add3A_178 = arith.addi %add3A_167, %add3A_177 : vector<16xi32>
        %add3A_179 = arith.constant -1244255485 : i32
        %add3A_180 = vector.broadcast %add3A_179 : i32 to vector<16xi32>
        %add3A_181 = arith.addi %xor3A_175, %add3A_180 : vector<16xi32>
        %add3A_182 = arith.constant 1 : i32
        %add3A_183 = vector.broadcast %add3A_182 : i32 to vector<16xi32>
        %add3A_184 = arith.addi %add3A_181, %add3A_183 : vector<16xi32>
        %add3A_185 = arith.addi %add3A_178, %add3A_184 : vector<16xi32>
        %shift_left3A_186 = arith.constant 17 : i32
        %shift_left3A_187 = vector.broadcast %shift_left3A_186 : i32 to vector<16xi32>
        %shift_left3A_188 = arith.shli %add3A_184, %shift_left3A_187 : vector<16xi32>
        %shift_right_logical3A_189 = arith.constant 15 : i32
        %shift_right_logical3A_190 = vector.broadcast %shift_right_logical3A_189 : i32 to vector<16xi32>
        %shift_right_logical3A_191 = arith.shrui %add3A_184, %shift_right_logical3A_190 : vector<16xi32>
        %or3A_192 = arith.ori %shift_left3A_188, %shift_right_logical3A_191 : vector<16xi32>
        %xor3A_193 = arith.xori %or3A_192, %add3A_185 : vector<16xi32>
        %add3A_194 = arith.addi %add3A_185, %xor3A_193 : vector<16xi32>
        %shift_left3A_195 = arith.constant 29 : i32
        %shift_left3A_196 = vector.broadcast %shift_left3A_195 : i32 to vector<16xi32>
        %shift_left3A_197 = arith.shli %xor3A_193, %shift_left3A_196 : vector<16xi32>
        %shift_right_logical3A_198 = arith.constant 3 : i32
        %shift_right_logical3A_199 = vector.broadcast %shift_right_logical3A_198 : i32 to vector<16xi32>
        %shift_right_logical3A_200 = arith.shrui %xor3A_193, %shift_right_logical3A_199 : vector<16xi32>
        %or3A_201 = arith.ori %shift_left3A_197, %shift_right_logical3A_200 : vector<16xi32>
        %xor3A_202 = arith.xori %or3A_201, %add3A_194 : vector<16xi32>
        %add3A_203 = arith.addi %add3A_194, %xor3A_202 : vector<16xi32>
        %shift_left3A_204 = arith.constant 16 : i32
        %shift_left3A_205 = vector.broadcast %shift_left3A_204 : i32 to vector<16xi32>
        %shift_left3A_206 = arith.shli %xor3A_202, %shift_left3A_205 : vector<16xi32>
        %shift_right_logical3A_207 = arith.constant 16 : i32
        %shift_right_logical3A_208 = vector.broadcast %shift_right_logical3A_207 : i32 to vector<16xi32>
        %shift_right_logical3A_209 = arith.shrui %xor3A_202, %shift_right_logical3A_208 : vector<16xi32>
        %or3A_210 = arith.ori %shift_left3A_206, %shift_right_logical3A_209 : vector<16xi32>
        %xor3A_211 = arith.xori %or3A_210, %add3A_203 : vector<16xi32>
        %add3A_212 = arith.addi %add3A_203, %xor3A_211 : vector<16xi32>
        %shift_left3A_213 = arith.constant 24 : i32
        %shift_left3A_214 = vector.broadcast %shift_left3A_213 : i32 to vector<16xi32>
        %shift_left3A_215 = arith.shli %xor3A_211, %shift_left3A_214 : vector<16xi32>
        %shift_right_logical3A_216 = arith.constant 8 : i32
        %shift_right_logical3A_217 = vector.broadcast %shift_right_logical3A_216 : i32 to vector<16xi32>
        %shift_right_logical3A_218 = arith.shrui %xor3A_211, %shift_right_logical3A_217 : vector<16xi32>
        %or3A_219 = arith.ori %shift_left3A_215, %shift_right_logical3A_218 : vector<16xi32>
        %xor3A_220 = arith.xori %or3A_219, %add3A_212 : vector<16xi32>
        %add3A_221 = arith.constant -1244255485 : i32
        %add3A_222 = vector.broadcast %add3A_221 : i32 to vector<16xi32>
        %add3A_223 = arith.addi %add3A_212, %add3A_222 : vector<16xi32>
        %add3A_224 = arith.constant 64467757 : i32
        %add3A_225 = vector.broadcast %add3A_224 : i32 to vector<16xi32>
        %add3A_226 = arith.addi %xor3A_220, %add3A_225 : vector<16xi32>
        %add3A_227 = arith.constant 2 : i32
        %add3A_228 = vector.broadcast %add3A_227 : i32 to vector<16xi32>
        %add3A_229 = arith.addi %add3A_226, %add3A_228 : vector<16xi32>
        %add3A_230 = arith.addi %add3A_223, %add3A_229 : vector<16xi32>
        %shift_left3A_231 = arith.constant 13 : i32
        %shift_left3A_232 = vector.broadcast %shift_left3A_231 : i32 to vector<16xi32>
        %shift_left3A_233 = arith.shli %add3A_229, %shift_left3A_232 : vector<16xi32>
        %shift_right_logical3A_234 = arith.constant 19 : i32
        %shift_right_logical3A_235 = vector.broadcast %shift_right_logical3A_234 : i32 to vector<16xi32>
        %shift_right_logical3A_236 = arith.shrui %add3A_229, %shift_right_logical3A_235 : vector<16xi32>
        %or3A_237 = arith.ori %shift_left3A_233, %shift_right_logical3A_236 : vector<16xi32>
        %xor3A_238 = arith.xori %or3A_237, %add3A_230 : vector<16xi32>
        %add3A_239 = arith.addi %add3A_230, %xor3A_238 : vector<16xi32>
        %shift_left3A_240 = arith.constant 15 : i32
        %shift_left3A_241 = vector.broadcast %shift_left3A_240 : i32 to vector<16xi32>
        %shift_left3A_242 = arith.shli %xor3A_238, %shift_left3A_241 : vector<16xi32>
        %shift_right_logical3A_243 = arith.constant 17 : i32
        %shift_right_logical3A_244 = vector.broadcast %shift_right_logical3A_243 : i32 to vector<16xi32>
        %shift_right_logical3A_245 = arith.shrui %xor3A_238, %shift_right_logical3A_244 : vector<16xi32>
        %or3A_246 = arith.ori %shift_left3A_242, %shift_right_logical3A_245 : vector<16xi32>
        %xor3A_247 = arith.xori %or3A_246, %add3A_239 : vector<16xi32>
        %add3A_248 = arith.addi %add3A_239, %xor3A_247 : vector<16xi32>
        %shift_left3A_249 = arith.constant 26 : i32
        %shift_left3A_250 = vector.broadcast %shift_left3A_249 : i32 to vector<16xi32>
        %shift_left3A_251 = arith.shli %xor3A_247, %shift_left3A_250 : vector<16xi32>
        %shift_right_logical3A_252 = arith.constant 6 : i32
        %shift_right_logical3A_253 = vector.broadcast %shift_right_logical3A_252 : i32 to vector<16xi32>
        %shift_right_logical3A_254 = arith.shrui %xor3A_247, %shift_right_logical3A_253 : vector<16xi32>
        %or3A_255 = arith.ori %shift_left3A_251, %shift_right_logical3A_254 : vector<16xi32>
        %xor3A_256 = arith.xori %or3A_255, %add3A_248 : vector<16xi32>
        %add3A_257 = arith.addi %add3A_248, %xor3A_256 : vector<16xi32>
        %shift_left3A_258 = arith.constant 6 : i32
        %shift_left3A_259 = vector.broadcast %shift_left3A_258 : i32 to vector<16xi32>
        %shift_left3A_260 = arith.shli %xor3A_256, %shift_left3A_259 : vector<16xi32>
        %shift_right_logical3A_261 = arith.constant 26 : i32
        %shift_right_logical3A_262 = vector.broadcast %shift_right_logical3A_261 : i32 to vector<16xi32>
        %shift_right_logical3A_263 = arith.shrui %xor3A_256, %shift_right_logical3A_262 : vector<16xi32>
        %or3A_264 = arith.ori %shift_left3A_260, %shift_right_logical3A_263 : vector<16xi32>
        %xor3A_265 = arith.xori %or3A_264, %add3A_257 : vector<16xi32>
        %add3A_266 = arith.constant 64467757 : i32
        %add3A_267 = vector.broadcast %add3A_266 : i32 to vector<16xi32>
        %add3A_268 = arith.addi %add3A_257, %add3A_267 : vector<16xi32>
        %add3A_269 = arith.constant -1378843660 : i32
        %add3A_270 = vector.broadcast %add3A_269 : i32 to vector<16xi32>
        %add3A_271 = arith.addi %xor3A_265, %add3A_270 : vector<16xi32>
        %add3A_272 = arith.constant 3 : i32
        %add3A_273 = vector.broadcast %add3A_272 : i32 to vector<16xi32>
        %add3A_274 = arith.addi %add3A_271, %add3A_273 : vector<16xi32>
        %add3A_275 = arith.addi %add3A_268, %add3A_274 : vector<16xi32>
        %shift_left3A_276 = arith.constant 17 : i32
        %shift_left3A_277 = vector.broadcast %shift_left3A_276 : i32 to vector<16xi32>
        %shift_left3A_278 = arith.shli %add3A_274, %shift_left3A_277 : vector<16xi32>
        %shift_right_logical3A_279 = arith.constant 15 : i32
        %shift_right_logical3A_280 = vector.broadcast %shift_right_logical3A_279 : i32 to vector<16xi32>
        %shift_right_logical3A_281 = arith.shrui %add3A_274, %shift_right_logical3A_280 : vector<16xi32>
        %or3A_282 = arith.ori %shift_left3A_278, %shift_right_logical3A_281 : vector<16xi32>
        %xor3A_283 = arith.xori %or3A_282, %add3A_275 : vector<16xi32>
        %add3A_284 = arith.addi %add3A_275, %xor3A_283 : vector<16xi32>
        %shift_left3A_285 = arith.constant 29 : i32
        %shift_left3A_286 = vector.broadcast %shift_left3A_285 : i32 to vector<16xi32>
        %shift_left3A_287 = arith.shli %xor3A_283, %shift_left3A_286 : vector<16xi32>
        %shift_right_logical3A_288 = arith.constant 3 : i32
        %shift_right_logical3A_289 = vector.broadcast %shift_right_logical3A_288 : i32 to vector<16xi32>
        %shift_right_logical3A_290 = arith.shrui %xor3A_283, %shift_right_logical3A_289 : vector<16xi32>
        %or3A_291 = arith.ori %shift_left3A_287, %shift_right_logical3A_290 : vector<16xi32>
        %xor3A_292 = arith.xori %or3A_291, %add3A_284 : vector<16xi32>
        %add3A_293 = arith.addi %add3A_284, %xor3A_292 : vector<16xi32>
        %shift_left3A_294 = arith.constant 16 : i32
        %shift_left3A_295 = vector.broadcast %shift_left3A_294 : i32 to vector<16xi32>
        %shift_left3A_296 = arith.shli %xor3A_292, %shift_left3A_295 : vector<16xi32>
        %shift_right_logical3A_297 = arith.constant 16 : i32
        %shift_right_logical3A_298 = vector.broadcast %shift_right_logical3A_297 : i32 to vector<16xi32>
        %shift_right_logical3A_299 = arith.shrui %xor3A_292, %shift_right_logical3A_298 : vector<16xi32>
        %or3A_300 = arith.ori %shift_left3A_296, %shift_right_logical3A_299 : vector<16xi32>
        %xor3A_301 = arith.xori %or3A_300, %add3A_293 : vector<16xi32>
        %add3A_302 = arith.addi %add3A_293, %xor3A_301 : vector<16xi32>
        %shift_left3A_303 = arith.constant 24 : i32
        %shift_left3A_304 = vector.broadcast %shift_left3A_303 : i32 to vector<16xi32>
        %shift_left3A_305 = arith.shli %xor3A_301, %shift_left3A_304 : vector<16xi32>
        %shift_right_logical3A_306 = arith.constant 8 : i32
        %shift_right_logical3A_307 = vector.broadcast %shift_right_logical3A_306 : i32 to vector<16xi32>
        %shift_right_logical3A_308 = arith.shrui %xor3A_301, %shift_right_logical3A_307 : vector<16xi32>
        %or3A_309 = arith.ori %shift_left3A_305, %shift_right_logical3A_308 : vector<16xi32>
        %xor3A_310 = arith.xori %or3A_309, %add3A_302 : vector<16xi32>
        %add3A_311 = arith.constant -1378843660 : i32
        %add3A_312 = vector.broadcast %add3A_311 : i32 to vector<16xi32>
        %add3A_313 = arith.addi %add3A_302, %add3A_312 : vector<16xi32>
        %add3A_314 = arith.constant -1244255485 : i32
        %add3A_315 = vector.broadcast %add3A_314 : i32 to vector<16xi32>
        %add3A_316 = arith.addi %xor3A_310, %add3A_315 : vector<16xi32>
        %add3A_317 = arith.constant 4 : i32
        %add3A_318 = vector.broadcast %add3A_317 : i32 to vector<16xi32>
        %add3A_319 = arith.addi %add3A_316, %add3A_318 : vector<16xi32>
        %add3A_320 = arith.addi %add3A_313, %add3A_319 : vector<16xi32>
        %shift_left3A_321 = arith.constant 13 : i32
        %shift_left3A_322 = vector.broadcast %shift_left3A_321 : i32 to vector<16xi32>
        %shift_left3A_323 = arith.shli %add3A_319, %shift_left3A_322 : vector<16xi32>
        %shift_right_logical3A_324 = arith.constant 19 : i32
        %shift_right_logical3A_325 = vector.broadcast %shift_right_logical3A_324 : i32 to vector<16xi32>
        %shift_right_logical3A_326 = arith.shrui %add3A_319, %shift_right_logical3A_325 : vector<16xi32>
        %or3A_327 = arith.ori %shift_left3A_323, %shift_right_logical3A_326 : vector<16xi32>
        %xor3A_328 = arith.xori %or3A_327, %add3A_320 : vector<16xi32>
        %add3A_329 = arith.addi %add3A_320, %xor3A_328 : vector<16xi32>
        %shift_left3A_330 = arith.constant 15 : i32
        %shift_left3A_331 = vector.broadcast %shift_left3A_330 : i32 to vector<16xi32>
        %shift_left3A_332 = arith.shli %xor3A_328, %shift_left3A_331 : vector<16xi32>
        %shift_right_logical3A_333 = arith.constant 17 : i32
        %shift_right_logical3A_334 = vector.broadcast %shift_right_logical3A_333 : i32 to vector<16xi32>
        %shift_right_logical3A_335 = arith.shrui %xor3A_328, %shift_right_logical3A_334 : vector<16xi32>
        %or3A_336 = arith.ori %shift_left3A_332, %shift_right_logical3A_335 : vector<16xi32>
        %xor3A_337 = arith.xori %or3A_336, %add3A_329 : vector<16xi32>
        %add3A_338 = arith.addi %add3A_329, %xor3A_337 : vector<16xi32>
        %shift_left3A_339 = arith.constant 26 : i32
        %shift_left3A_340 = vector.broadcast %shift_left3A_339 : i32 to vector<16xi32>
        %shift_left3A_341 = arith.shli %xor3A_337, %shift_left3A_340 : vector<16xi32>
        %shift_right_logical3A_342 = arith.constant 6 : i32
        %shift_right_logical3A_343 = vector.broadcast %shift_right_logical3A_342 : i32 to vector<16xi32>
        %shift_right_logical3A_344 = arith.shrui %xor3A_337, %shift_right_logical3A_343 : vector<16xi32>
        %or3A_345 = arith.ori %shift_left3A_341, %shift_right_logical3A_344 : vector<16xi32>
        %xor3A_346 = arith.xori %or3A_345, %add3A_338 : vector<16xi32>
        %add3A_347 = arith.addi %add3A_338, %xor3A_346 : vector<16xi32>
        %shift_left3A_348 = arith.constant 6 : i32
        %shift_left3A_349 = vector.broadcast %shift_left3A_348 : i32 to vector<16xi32>
        %shift_left3A_350 = arith.shli %xor3A_346, %shift_left3A_349 : vector<16xi32>
        %shift_right_logical3A_351 = arith.constant 26 : i32
        %shift_right_logical3A_352 = vector.broadcast %shift_right_logical3A_351 : i32 to vector<16xi32>
        %shift_right_logical3A_353 = arith.shrui %xor3A_346, %shift_right_logical3A_352 : vector<16xi32>
        %or3A_354 = arith.ori %shift_left3A_350, %shift_right_logical3A_353 : vector<16xi32>
        %xor3A_355 = arith.xori %or3A_354, %add3A_347 : vector<16xi32>
        %add3A_356 = arith.constant -1244255485 : i32
        %add3A_357 = vector.broadcast %add3A_356 : i32 to vector<16xi32>
        %add3A_358 = arith.addi %add3A_347, %add3A_357 : vector<16xi32>
        %add3A_359 = arith.constant 64467757 : i32
        %add3A_360 = vector.broadcast %add3A_359 : i32 to vector<16xi32>
        %add3A_361 = arith.addi %xor3A_355, %add3A_360 : vector<16xi32>
        %add3A_362 = arith.constant 5 : i32
        %add3A_363 = vector.broadcast %add3A_362 : i32 to vector<16xi32>
        %add3A_364 = arith.addi %add3A_361, %add3A_363 : vector<16xi32>
        %xor3A_365 = arith.xori %add3A_358, %add3A_364 : vector<16xi32>
        %shift_right_logical3A_366 = arith.constant 9 : i32
        %shift_right_logical3A_367 = vector.broadcast %shift_right_logical3A_366 : i32 to vector<16xi32>
        %shift_right_logical3A_368 = arith.shrui %xor3A_365, %shift_right_logical3A_367 : vector<16xi32>
        %lt3A_369 = arith.constant 1677722 : i32
        %lt3A_370 = vector.broadcast %lt3A_369 : i32 to vector<16xi32>
        %lt3A_371 = arith.cmpi slt, %shift_right_logical3A_368, %lt3A_370 : vector<16xi32>
        %jit3A_372 = arith.constant 0.000000e+00 : f32
        %jit3A_373 = arith.constant 1.000000e+00 : f32
        %broadcast_in_dim3A_374 = vector.broadcast %jit3A_372 : f32 to vector<16xf32>
        %broadcast_in_dim3A_375 = vector.broadcast %jit3A_373 : f32 to vector<16xf32>
        %select_n3A_376 = arith.select %lt3A_371, %broadcast_in_dim3A_374, %broadcast_in_dim3A_375 : vector<16xi1>, vector<16xf32>
        %parallel_loop3A = arith.constant 0 : i32
        %parallel_loop3A_377 = arith.constant 16 : i32
        %parallel_loop3A_378 = arith.constant 1 : i32
        scf.for %parallel_loop3A_379 = %parallel_loop3A to %parallel_loop3A_377 step %parallel_loop3A_378  : i32 {
          %parallel_loop3A_380 = arith.constant 0 : i32
          %parallel_loop3A_381 = vector.broadcast %parallel_loop3A_380 : i32 to vector<16xi32>
          %parallel_loop3A_382 = vector.broadcast %parallel_loop3A_379 : i32 to vector<16xi32>
          %parallel_loop3A_383 = arith.addi %parallel_loop3A_381, %parallel_loop3A_382 : vector<16xi32>
          %parallel_loop3A_384 = vector.shape_cast %parallel_loop3A_383 : vector<16xi32> to vector<16x1xi32>
          %parallel_loop3A_385 = vector.shape_cast %parallel_loop3A_384 : vector<16x1xi32> to vector<16xi32>
          %parallel_loop3A_386 = tpu.dynamic_gather %select_n3A_376[%parallel_loop3A_385] in [0] : vector<16xf32>, vector<16xi32> -> vector<16xf32>
          %parallel_loop3A_387 = arith.constant 16 : i32
          %parallel_loop3A_388 = arith.muli %parallel_loop3A_387, %scan3A_133 : i32
          %parallel_loop3A_389 = arith.addi %parallel_loop3A_388, %parallel_loop3A_379 : i32
          %parallel_loop3A_390 = arith.index_cast %parallel_loop3A_389 : i32 to index
          %parallel_loop3A_391 = arith.constant 0 : index
          %parallel_loop3A_392 = tpu.vector_load %arg4[%parallel_loop3A_390, %parallel_loop3A_391] {strides = array<i32>} : memref<192x128xf32, #tpu.memory_space<vmem>>, vector<1x16xf32>,
          %parallel_loop3A_393 = vector.shape_cast %parallel_loop3A_392 : vector<1x16xf32> to vector<16xf32>
          %parallel_loop3A_394 = arith.mulf %parallel_loop3A_393, %parallel_loop3A_386 : vector<16xf32>
          %parallel_loop3A_395 = arith.index_cast %parallel_loop3A_389 : i32 to index
          %parallel_loop3A_396 = arith.constant 0 : index
          %parallel_loop3A_397 = tpu.vector_load %arg6[%parallel_loop3A_395, %parallel_loop3A_396] {strides = array<i32>} : memref<192x128xf32, #tpu.memory_space<vmem>>, vector<1x16xf32>,
          %parallel_loop3A_398 = vector.shape_cast %parallel_loop3A_397 : vector<1x16xf32> to vector<16xf32>
          %parallel_loop3A_399 = vector.shape_cast %parallel_loop3A_394 : vector<16xf32> to vector<1x16xf32>
          tpu.vector_store %arg6[%parallel_loop3A_395, %parallel_loop3A_396], %parallel_loop3A_399 {strides = array<i32>} : memref<192x128xf32, #tpu.memory_space<vmem>>, vector<1x16xf32>,
          %parallel_loop3A_400 = arith.index_cast %parallel_loop3A_389 : i32 to index
          %parallel_loop3A_401 = arith.constant 16 : index
          %parallel_loop3A_402 = tpu.vector_load %arg4[%parallel_loop3A_400, %parallel_loop3A_401] {strides = array<i32>} : memref<192x128xf32, #tpu.memory_space<vmem>>, vector<1x16xf32>,
          %parallel_loop3A_403 = vector.shape_cast %parallel_loop3A_402 : vector<1x16xf32> to vector<16xf32>
          %parallel_loop3A_404 = arith.mulf %parallel_loop3A_403, %parallel_loop3A_386 : vector<16xf32>
          %parallel_loop3A_405 = arith.index_cast %parallel_loop3A_389 : i32 to index
          %parallel_loop3A_406 = arith.constant 16 : index
          %parallel_loop3A_407 = tpu.vector_load %arg6[%parallel_loop3A_405, %parallel_loop3A_406] {strides = array<i32>} : memref<192x128xf32, #tpu.memory_space<vmem>>, vector<1x16xf32>,
          %parallel_loop3A_408 = vector.shape_cast %parallel_loop3A_407 : vector<1x16xf32> to vector<16xf32>
          %parallel_loop3A_409 = vector.shape_cast %parallel_loop3A_404 : vector<16xf32> to vector<1x16xf32>
          tpu.vector_store %arg6[%parallel_loop3A_405, %parallel_loop3A_406], %parallel_loop3A_409 {strides = array<i32>} : memref<192x128xf32, #tpu.memory_space<vmem>>, vector<1x16xf32>,
          %parallel_loop3A_410 = arith.index_cast %parallel_loop3A_389 : i32 to index
          %parallel_loop3A_411 = arith.constant 32 : index
          %parallel_loop3A_412 = tpu.vector_load %arg4[%parallel_loop3A_410, %parallel_loop3A_411] {strides = array<i32>} : memref<192x128xf32, #tpu.memory_space<vmem>>, vector<1x16xf32>,
          %parallel_loop3A_413 = vector.shape_cast %parallel_loop3A_412 : vector<1x16xf32> to vector<16xf32>
          %parallel_loop3A_414 = arith.mulf %parallel_loop3A_413, %parallel_loop3A_386 : vector<16xf32>
          %parallel_loop3A_415 = arith.index_cast %parallel_loop3A_389 : i32 to index
          %parallel_loop3A_416 = arith.constant 32 : index
          %parallel_loop3A_417 = tpu.vector_load %arg6[%parallel_loop3A_415, %parallel_loop3A_416] {strides = array<i32>} : memref<192x128xf32, #tpu.memory_space<vmem>>, vector<1x16xf32>,
          %parallel_loop3A_418 = vector.shape_cast %parallel_loop3A_417 : vector<1x16xf32> to vector<16xf32>
          %parallel_loop3A_419 = vector.shape_cast %parallel_loop3A_414 : vector<16xf32> to vector<1x16xf32>
          tpu.vector_store %arg6[%parallel_loop3A_415, %parallel_loop3A_416], %parallel_loop3A_419 {strides = array<i32>} : memref<192x128xf32, #tpu.memory_space<vmem>>, vector<1x16xf32>,
          %parallel_loop3A_420 = arith.index_cast %parallel_loop3A_389 : i32 to index
          %parallel_loop3A_421 = arith.constant 48 : index
          %parallel_loop3A_422 = tpu.vector_load %arg4[%parallel_loop3A_420, %parallel_loop3A_421] {strides = array<i32>} : memref<192x128xf32, #tpu.memory_space<vmem>>, vector<1x16xf32>,
          %parallel_loop3A_423 = vector.shape_cast %parallel_loop3A_422 : vector<1x16xf32> to vector<16xf32>
          %parallel_loop3A_424 = arith.mulf %parallel_loop3A_423, %parallel_loop3A_386 : vector<16xf32>
          %parallel_loop3A_425 = arith.index_cast %parallel_loop3A_389 : i32 to index
          %parallel_loop3A_426 = arith.constant 48 : index
          %parallel_loop3A_427 = tpu.vector_load %arg6[%parallel_loop3A_425, %parallel_loop3A_426] {strides = array<i32>} : memref<192x128xf32, #tpu.memory_space<vmem>>, vector<1x16xf32>,
          %parallel_loop3A_428 = vector.shape_cast %parallel_loop3A_427 : vector<1x16xf32> to vector<16xf32>
          %parallel_loop3A_429 = vector.shape_cast %parallel_loop3A_424 : vector<16xf32> to vector<1x16xf32>
          tpu.vector_store %arg6[%parallel_loop3A_425, %parallel_loop3A_426], %parallel_loop3A_429 {strides = array<i32>} : memref<192x128xf32, #tpu.memory_space<vmem>>, vector<1x16xf32>,
          %parallel_loop3A_430 = arith.index_cast %parallel_loop3A_389 : i32 to index
          %parallel_loop3A_431 = arith.constant 64 : index
          %parallel_loop3A_432 = tpu.vector_load %arg4[%parallel_loop3A_430, %parallel_loop3A_431] {strides = array<i32>} : memref<192x128xf32, #tpu.memory_space<vmem>>, vector<1x16xf32>,
          %parallel_loop3A_433 = vector.shape_cast %parallel_loop3A_432 : vector<1x16xf32> to vector<16xf32>
          %parallel_loop3A_434 = arith.mulf %parallel_loop3A_433, %parallel_loop3A_386 : vector<16xf32>
          %parallel_loop3A_435 = arith.index_cast %parallel_loop3A_389 : i32 to index
          %parallel_loop3A_436 = arith.constant 64 : index
          %parallel_loop3A_437 = tpu.vector_load %arg6[%parallel_loop3A_435, %parallel_loop3A_436] {strides = array<i32>} : memref<192x128xf32, #tpu.memory_space<vmem>>, vector<1x16xf32>,
          %parallel_loop3A_438 = vector.shape_cast %parallel_loop3A_437 : vector<1x16xf32> to vector<16xf32>
          %parallel_loop3A_439 = vector.shape_cast %parallel_loop3A_434 : vector<16xf32> to vector<1x16xf32>
          tpu.vector_store %arg6[%parallel_loop3A_435, %parallel_loop3A_436], %parallel_loop3A_439 {strides = array<i32>} : memref<192x128xf32, #tpu.memory_space<vmem>>, vector<1x16xf32>,
          %parallel_loop3A_440 = arith.index_cast %parallel_loop3A_389 : i32 to index
          %parallel_loop3A_441 = arith.constant 80 : index
          %parallel_loop3A_442 = tpu.vector_load %arg4[%parallel_loop3A_440, %parallel_loop3A_441] {strides = array<i32>} : memref<192x128xf32, #tpu.memory_space<vmem>>, vector<1x16xf32>,
          %parallel_loop3A_443 = vector.shape_cast %parallel_loop3A_442 : vector<1x16xf32> to vector<16xf32>
          %parallel_loop3A_444 = arith.mulf %parallel_loop3A_443, %parallel_loop3A_386 : vector<16xf32>
          %parallel_loop3A_445 = arith.index_cast %parallel_loop3A_389 : i32 to index
          %parallel_loop3A_446 = arith.constant 80 : index
          %parallel_loop3A_447 = tpu.vector_load %arg6[%parallel_loop3A_445, %parallel_loop3A_446] {strides = array<i32>} : memref<192x128xf32, #tpu.memory_space<vmem>>, vector<1x16xf32>,
          %parallel_loop3A_448 = vector.shape_cast %parallel_loop3A_447 : vector<1x16xf32> to vector<16xf32>
          %parallel_loop3A_449 = vector.shape_cast %parallel_loop3A_444 : vector<16xf32> to vector<1x16xf32>
          tpu.vector_store %arg6[%parallel_loop3A_445, %parallel_loop3A_446], %parallel_loop3A_449 {strides = array<i32>} : memref<192x128xf32, #tpu.memory_space<vmem>>, vector<1x16xf32>,
          %parallel_loop3A_450 = arith.index_cast %parallel_loop3A_389 : i32 to index
          %parallel_loop3A_451 = arith.constant 96 : index
          %parallel_loop3A_452 = tpu.vector_load %arg4[%parallel_loop3A_450, %parallel_loop3A_451] {strides = array<i32>} : memref<192x128xf32, #tpu.memory_space<vmem>>, vector<1x16xf32>,
          %parallel_loop3A_453 = vector.shape_cast %parallel_loop3A_452 : vector<1x16xf32> to vector<16xf32>
          %parallel_loop3A_454 = arith.mulf %parallel_loop3A_453, %parallel_loop3A_386 : vector<16xf32>
          %parallel_loop3A_455 = arith.index_cast %parallel_loop3A_389 : i32 to index
          %parallel_loop3A_456 = arith.constant 96 : index
          %parallel_loop3A_457 = tpu.vector_load %arg6[%parallel_loop3A_455, %parallel_loop3A_456] {strides = array<i32>} : memref<192x128xf32, #tpu.memory_space<vmem>>, vector<1x16xf32>,
          %parallel_loop3A_458 = vector.shape_cast %parallel_loop3A_457 : vector<1x16xf32> to vector<16xf32>
          %parallel_loop3A_459 = vector.shape_cast %parallel_loop3A_454 : vector<16xf32> to vector<1x16xf32>
          tpu.vector_store %arg6[%parallel_loop3A_455, %parallel_loop3A_456], %parallel_loop3A_459 {strides = array<i32>} : memref<192x128xf32, #tpu.memory_space<vmem>>, vector<1x16xf32>,
          %parallel_loop3A_460 = arith.index_cast %parallel_loop3A_389 : i32 to index
          %parallel_loop3A_461 = arith.constant 112 : index
          %parallel_loop3A_462 = tpu.vector_load %arg4[%parallel_loop3A_460, %parallel_loop3A_461] {strides = array<i32>} : memref<192x128xf32, #tpu.memory_space<vmem>>, vector<1x16xf32>,
          %parallel_loop3A_463 = vector.shape_cast %parallel_loop3A_462 : vector<1x16xf32> to vector<16xf32>
          %parallel_loop3A_464 = arith.mulf %parallel_loop3A_463, %parallel_loop3A_386 : vector<16xf32>
          %parallel_loop3A_465 = arith.index_cast %parallel_loop3A_389 : i32 to index
          %parallel_loop3A_466 = arith.constant 112 : index
          %parallel_loop3A_467 = tpu.vector_load %arg6[%parallel_loop3A_465, %parallel_loop3A_466] {strides = array<i32>} : memref<192x128xf32, #tpu.memory_space<vmem>>, vector<1x16xf32>,
          %parallel_loop3A_468 = vector.shape_cast %parallel_loop3A_467 : vector<1x16xf32> to vector<16xf32>
          %parallel_loop3A_469 = vector.shape_cast %parallel_loop3A_464 : vector<16xf32> to vector<1x16xf32>
          tpu.vector_store %arg6[%parallel_loop3A_465, %parallel_loop3A_466], %parallel_loop3A_469 {strides = array<i32>} : memref<192x128xf32, #tpu.memory_space<vmem>>, vector<1x16xf32>,
        } {sc.loop_unroll_factor = 4 : i64, sc.parallel_access}
      }
      %scan3A_132 = arith.constant 10 : i32
      "tpu.region"() ({
        %run_scoped3A = tpu.sem_alloc : memref<!tpu.dma_semaphore, #tpu.memory_space<semaphore_mem>>
        %dma_start3A = arith.constant 0 : i32
        %dma_start3A_133 = arith.constant 0 : i32
        %dma_start3A_134 = tpu.memref_slice %arg6[%dma_start3A, %dma_start3A_133] : memref<192x128xf32, #tpu.memory_space<vmem>> -> memref<160x128xf32, #tpu.memory_space<vmem>>
        %dma_start3A_135 = arith.constant 99840 : i32
        %dma_start3A_136 = arith.constant 0 : i32
        %dma_start3A_137 = tpu.memref_slice %arg3[%dma_start3A_135, %dma_start3A_136] : memref<100000x128xf32, #tpu.memory_space<hbm>> -> memref<160x128xf32, #tpu.memory_space<hbm>>
        %dma_start3A_138 = arith.constant 99840 : i32
        %dma_start3A_139 = arith.constant 0 : i32
        %dma_start3A_140 = tpu.memref_slice %arg3[%dma_start3A_138, %dma_start3A_139] : memref<100000x128xf32, #tpu.memory_space<hbm>> -> memref<160x128xf32, #tpu.memory_space<hbm>>
        %dma_start3A_141 = arith.constant 0 : i32
        %dma_start3A_142 = arith.constant 0 : i32
        %dma_start3A_143 = tpu.memref_slice %arg6[%dma_start3A_141, %dma_start3A_142] : memref<192x128xf32, #tpu.memory_space<vmem>> -> memref<160x128xf32, #tpu.memory_space<vmem>>
        tpu.enqueue_dma source(%dma_start3A_143 : memref<160x128xf32, #tpu.memory_space<vmem>>) target(%dma_start3A_140 : memref<160x128xf32, #tpu.memory_space<hbm>>) target_semaphore(%run_scoped3A : memref<!tpu.dma_semaphore, #tpu.memory_space<semaphore_mem>>)
        %dma_wait3A = arith.constant 0 : i32
        %dma_wait3A_144 = arith.constant 0 : i32
        %dma_wait3A_145 = tpu.memref_slice %arg6[%dma_wait3A, %dma_wait3A_144] : memref<192x128xf32, #tpu.memory_space<vmem>> -> memref<160x128xf32, #tpu.memory_space<vmem>>
        %dma_wait3A_146 = arith.constant 99840 : i32
        %dma_wait3A_147 = arith.constant 0 : i32
        %dma_wait3A_148 = tpu.memref_slice %arg3[%dma_wait3A_146, %dma_wait3A_147] : memref<100000x128xf32, #tpu.memory_space<hbm>> -> memref<160x128xf32, #tpu.memory_space<hbm>>
        %dma_wait3A_149 = arith.constant 99840 : i32
        %dma_wait3A_150 = arith.constant 0 : i32
        %dma_wait3A_151 = tpu.memref_slice %arg3[%dma_wait3A_149, %dma_wait3A_150] : memref<100000x128xf32, #tpu.memory_space<hbm>> -> memref<160x128xf32, #tpu.memory_space<hbm>>
        %dma_wait3A_152 = arith.constant 0 : i32
        %dma_wait3A_153 = arith.constant 0 : i32
        %dma_wait3A_154 = tpu.memref_slice %arg6[%dma_wait3A_152, %dma_wait3A_153] : memref<192x128xf32, #tpu.memory_space<vmem>> -> memref<160x128xf32, #tpu.memory_space<vmem>>
        tpu.wait_dma2 semaphore(%run_scoped3A : memref<!tpu.dma_semaphore, #tpu.memory_space<semaphore_mem>>) src(%dma_wait3A_154 : memref<160x128xf32, #tpu.memory_space<vmem>>) dst(%dma_wait3A_151 : memref<160x128xf32, #tpu.memory_space<hbm>>)
        tpu.yield
      }) : () -> ()
    } else {
    }
    return
  }
}

module attributes {stable_mosaic.version = 14 : i64} {
  func.func @_attrs_kernel(%arg0: i32, %arg1: memref<8192xi32, #tpu.memory_space<vmem>>, %arg2: memref<8192xf32, #tpu.memory_space<vmem>>, %arg3: memref<8192xi32, #tpu.memory_space<vmem>>, %arg4: memref<8192xi32, #tpu.memory_space<vmem>>, %arg5: memref<8192xf32, #tpu.memory_space<vmem>>, %arg6: memref<8192xi32, #tpu.memory_space<vmem>>, %arg7: memref<8192xi32, #tpu.memory_space<vmem>>, %arg8: memref<8192xi32, #tpu.memory_space<vmem>>, %arg9: memref<8192xi32, #tpu.memory_space<vmem>>, %arg10: memref<8192xi32, #tpu.memory_space<vmem>>) attributes {dimension_semantics = [#tpu.dimension_semantics<arbitrary>], iteration_bounds = array<i64: 13>, scalar_prefetch = 0 : i64, scratch_operands = 0 : i64, tpu.core_type = #tpu.core_type<tc>, window_params = [{transform_indices = @transform_0, window_bounds = array<i64: 8192>}, {transform_indices = @transform_1, window_bounds = array<i64: 8192>}, {transform_indices = @transform_2, window_bounds = array<i64: 8192>}, {transform_indices = @transform_3, window_bounds = array<i64: 8192>}, {transform_indices = @transform_4, window_bounds = array<i64: 8192>}, {transform_indices = @transform_5, window_bounds = array<i64: 8192>}, {transform_indices = @transform_6, window_bounds = array<i64: 8192>}, {transform_indices = @transform_7, window_bounds = array<i64: 8192>}, {transform_indices = @transform_8, window_bounds = array<i64: 8192>}, {transform_indices = @transform_9, window_bounds = array<i64: 8192>}]} {
    %iota3A = tpu.iota {dimensions = array<i32: 0>} : vector<8x1024xi32>
    %iota3A_0 = tpu.iota {dimensions = array<i32: 1>} : vector<8x1024xi32>
    %mul3A = arith.constant 8192 : i32
    %mul3A_1 = arith.muli %arg0, %mul3A : i32
    %mul3A_2 = arith.constant 1024 : i32
    %mul3A_3 = vector.broadcast %mul3A_2 : i32 to vector<8x1024xi32>
    %mul3A_4 = arith.muli %iota3A, %mul3A_3 : vector<8x1024xi32>
    %add3A = vector.broadcast %mul3A_1 : i32 to vector<8x1024xi32>
    %add3A_5 = arith.addi %add3A, %mul3A_4 : vector<8x1024xi32>
    %add3A_6 = arith.addi %add3A_5, %iota3A_0 : vector<8x1024xi32>
    %broadcast_in_dim3A = arith.constant 1832780943 : i32
    %broadcast_in_dim3A_7 = vector.broadcast %broadcast_in_dim3A : i32 to vector<8x1024xi32>
    %add3A_8 = arith.constant 270669613 : i32
    %add3A_9 = vector.broadcast %add3A_8 : i32 to vector<8x1024xi32>
    %add3A_10 = arith.addi %add3A_6, %add3A_9 : vector<8x1024xi32>
    %add3A_11 = arith.addi %broadcast_in_dim3A_7, %add3A_10 : vector<8x1024xi32>
    %shift_left3A = arith.constant 13 : i32
    %shift_left3A_12 = vector.broadcast %shift_left3A : i32 to vector<8x1024xi32>
    %shift_left3A_13 = arith.shli %add3A_10, %shift_left3A_12 : vector<8x1024xi32>
    %shift_right_logical3A = arith.constant 19 : i32
    %shift_right_logical3A_14 = vector.broadcast %shift_right_logical3A : i32 to vector<8x1024xi32>
    %shift_right_logical3A_15 = arith.shrui %add3A_10, %shift_right_logical3A_14 : vector<8x1024xi32>
    %or3A = arith.ori %shift_left3A_13, %shift_right_logical3A_15 : vector<8x1024xi32>
    %xor3A = arith.xori %or3A, %add3A_11 : vector<8x1024xi32>
    %add3A_16 = arith.addi %add3A_11, %xor3A : vector<8x1024xi32>
    %shift_left3A_17 = arith.constant 15 : i32
    %shift_left3A_18 = vector.broadcast %shift_left3A_17 : i32 to vector<8x1024xi32>
    %shift_left3A_19 = arith.shli %xor3A, %shift_left3A_18 : vector<8x1024xi32>
    %shift_right_logical3A_20 = arith.constant 17 : i32
    %shift_right_logical3A_21 = vector.broadcast %shift_right_logical3A_20 : i32 to vector<8x1024xi32>
    %shift_right_logical3A_22 = arith.shrui %xor3A, %shift_right_logical3A_21 : vector<8x1024xi32>
    %or3A_23 = arith.ori %shift_left3A_19, %shift_right_logical3A_22 : vector<8x1024xi32>
    %xor3A_24 = arith.xori %or3A_23, %add3A_16 : vector<8x1024xi32>
    %add3A_25 = arith.addi %add3A_16, %xor3A_24 : vector<8x1024xi32>
    %shift_left3A_26 = arith.constant 26 : i32
    %shift_left3A_27 = vector.broadcast %shift_left3A_26 : i32 to vector<8x1024xi32>
    %shift_left3A_28 = arith.shli %xor3A_24, %shift_left3A_27 : vector<8x1024xi32>
    %shift_right_logical3A_29 = arith.constant 6 : i32
    %shift_right_logical3A_30 = vector.broadcast %shift_right_logical3A_29 : i32 to vector<8x1024xi32>
    %shift_right_logical3A_31 = arith.shrui %xor3A_24, %shift_right_logical3A_30 : vector<8x1024xi32>
    %or3A_32 = arith.ori %shift_left3A_28, %shift_right_logical3A_31 : vector<8x1024xi32>
    %xor3A_33 = arith.xori %or3A_32, %add3A_25 : vector<8x1024xi32>
    %add3A_34 = arith.addi %add3A_25, %xor3A_33 : vector<8x1024xi32>
    %shift_left3A_35 = arith.constant 6 : i32
    %shift_left3A_36 = vector.broadcast %shift_left3A_35 : i32 to vector<8x1024xi32>
    %shift_left3A_37 = arith.shli %xor3A_33, %shift_left3A_36 : vector<8x1024xi32>
    %shift_right_logical3A_38 = arith.constant 26 : i32
    %shift_right_logical3A_39 = vector.broadcast %shift_right_logical3A_38 : i32 to vector<8x1024xi32>
    %shift_right_logical3A_40 = arith.shrui %xor3A_33, %shift_right_logical3A_39 : vector<8x1024xi32>
    %or3A_41 = arith.ori %shift_left3A_37, %shift_right_logical3A_40 : vector<8x1024xi32>
    %xor3A_42 = arith.xori %or3A_41, %add3A_34 : vector<8x1024xi32>
    %add3A_43 = arith.constant 270669613 : i32
    %add3A_44 = vector.broadcast %add3A_43 : i32 to vector<8x1024xi32>
    %add3A_45 = arith.addi %add3A_34, %add3A_44 : vector<8x1024xi32>
    %add3A_46 = arith.constant 1724713080 : i32
    %add3A_47 = vector.broadcast %add3A_46 : i32 to vector<8x1024xi32>
    %add3A_48 = arith.addi %xor3A_42, %add3A_47 : vector<8x1024xi32>
    %add3A_49 = arith.constant 1 : i32
    %add3A_50 = vector.broadcast %add3A_49 : i32 to vector<8x1024xi32>
    %add3A_51 = arith.addi %add3A_48, %add3A_50 : vector<8x1024xi32>
    %add3A_52 = arith.addi %add3A_45, %add3A_51 : vector<8x1024xi32>
    %shift_left3A_53 = arith.constant 17 : i32
    %shift_left3A_54 = vector.broadcast %shift_left3A_53 : i32 to vector<8x1024xi32>
    %shift_left3A_55 = arith.shli %add3A_51, %shift_left3A_54 : vector<8x1024xi32>
    %shift_right_logical3A_56 = arith.constant 15 : i32
    %shift_right_logical3A_57 = vector.broadcast %shift_right_logical3A_56 : i32 to vector<8x1024xi32>
    %shift_right_logical3A_58 = arith.shrui %add3A_51, %shift_right_logical3A_57 : vector<8x1024xi32>
    %or3A_59 = arith.ori %shift_left3A_55, %shift_right_logical3A_58 : vector<8x1024xi32>
    %xor3A_60 = arith.xori %or3A_59, %add3A_52 : vector<8x1024xi32>
    %add3A_61 = arith.addi %add3A_52, %xor3A_60 : vector<8x1024xi32>
    %shift_left3A_62 = arith.constant 29 : i32
    %shift_left3A_63 = vector.broadcast %shift_left3A_62 : i32 to vector<8x1024xi32>
    %shift_left3A_64 = arith.shli %xor3A_60, %shift_left3A_63 : vector<8x1024xi32>
    %shift_right_logical3A_65 = arith.constant 3 : i32
    %shift_right_logical3A_66 = vector.broadcast %shift_right_logical3A_65 : i32 to vector<8x1024xi32>
    %shift_right_logical3A_67 = arith.shrui %xor3A_60, %shift_right_logical3A_66 : vector<8x1024xi32>
    %or3A_68 = arith.ori %shift_left3A_64, %shift_right_logical3A_67 : vector<8x1024xi32>
    %xor3A_69 = arith.xori %or3A_68, %add3A_61 : vector<8x1024xi32>
    %add3A_70 = arith.addi %add3A_61, %xor3A_69 : vector<8x1024xi32>
    %shift_left3A_71 = arith.constant 16 : i32
    %shift_left3A_72 = vector.broadcast %shift_left3A_71 : i32 to vector<8x1024xi32>
    %shift_left3A_73 = arith.shli %xor3A_69, %shift_left3A_72 : vector<8x1024xi32>
    %shift_right_logical3A_74 = arith.constant 16 : i32
    %shift_right_logical3A_75 = vector.broadcast %shift_right_logical3A_74 : i32 to vector<8x1024xi32>
    %shift_right_logical3A_76 = arith.shrui %xor3A_69, %shift_right_logical3A_75 : vector<8x1024xi32>
    %or3A_77 = arith.ori %shift_left3A_73, %shift_right_logical3A_76 : vector<8x1024xi32>
    %xor3A_78 = arith.xori %or3A_77, %add3A_70 : vector<8x1024xi32>
    %add3A_79 = arith.addi %add3A_70, %xor3A_78 : vector<8x1024xi32>
    %shift_left3A_80 = arith.constant 24 : i32
    %shift_left3A_81 = vector.broadcast %shift_left3A_80 : i32 to vector<8x1024xi32>
    %shift_left3A_82 = arith.shli %xor3A_78, %shift_left3A_81 : vector<8x1024xi32>
    %shift_right_logical3A_83 = arith.constant 8 : i32
    %shift_right_logical3A_84 = vector.broadcast %shift_right_logical3A_83 : i32 to vector<8x1024xi32>
    %shift_right_logical3A_85 = arith.shrui %xor3A_78, %shift_right_logical3A_84 : vector<8x1024xi32>
    %or3A_86 = arith.ori %shift_left3A_82, %shift_right_logical3A_85 : vector<8x1024xi32>
    %xor3A_87 = arith.xori %or3A_86, %add3A_79 : vector<8x1024xi32>
    %add3A_88 = arith.constant 1724713080 : i32
    %add3A_89 = vector.broadcast %add3A_88 : i32 to vector<8x1024xi32>
    %add3A_90 = arith.addi %add3A_79, %add3A_89 : vector<8x1024xi32>
    %add3A_91 = arith.constant 1832780943 : i32
    %add3A_92 = vector.broadcast %add3A_91 : i32 to vector<8x1024xi32>
    %add3A_93 = arith.addi %xor3A_87, %add3A_92 : vector<8x1024xi32>
    %add3A_94 = arith.constant 2 : i32
    %add3A_95 = vector.broadcast %add3A_94 : i32 to vector<8x1024xi32>
    %add3A_96 = arith.addi %add3A_93, %add3A_95 : vector<8x1024xi32>
    %add3A_97 = arith.addi %add3A_90, %add3A_96 : vector<8x1024xi32>
    %shift_left3A_98 = arith.constant 13 : i32
    %shift_left3A_99 = vector.broadcast %shift_left3A_98 : i32 to vector<8x1024xi32>
    %shift_left3A_100 = arith.shli %add3A_96, %shift_left3A_99 : vector<8x1024xi32>
    %shift_right_logical3A_101 = arith.constant 19 : i32
    %shift_right_logical3A_102 = vector.broadcast %shift_right_logical3A_101 : i32 to vector<8x1024xi32>
    %shift_right_logical3A_103 = arith.shrui %add3A_96, %shift_right_logical3A_102 : vector<8x1024xi32>
    %or3A_104 = arith.ori %shift_left3A_100, %shift_right_logical3A_103 : vector<8x1024xi32>
    %xor3A_105 = arith.xori %or3A_104, %add3A_97 : vector<8x1024xi32>
    %add3A_106 = arith.addi %add3A_97, %xor3A_105 : vector<8x1024xi32>
    %shift_left3A_107 = arith.constant 15 : i32
    %shift_left3A_108 = vector.broadcast %shift_left3A_107 : i32 to vector<8x1024xi32>
    %shift_left3A_109 = arith.shli %xor3A_105, %shift_left3A_108 : vector<8x1024xi32>
    %shift_right_logical3A_110 = arith.constant 17 : i32
    %shift_right_logical3A_111 = vector.broadcast %shift_right_logical3A_110 : i32 to vector<8x1024xi32>
    %shift_right_logical3A_112 = arith.shrui %xor3A_105, %shift_right_logical3A_111 : vector<8x1024xi32>
    %or3A_113 = arith.ori %shift_left3A_109, %shift_right_logical3A_112 : vector<8x1024xi32>
    %xor3A_114 = arith.xori %or3A_113, %add3A_106 : vector<8x1024xi32>
    %add3A_115 = arith.addi %add3A_106, %xor3A_114 : vector<8x1024xi32>
    %shift_left3A_116 = arith.constant 26 : i32
    %shift_left3A_117 = vector.broadcast %shift_left3A_116 : i32 to vector<8x1024xi32>
    %shift_left3A_118 = arith.shli %xor3A_114, %shift_left3A_117 : vector<8x1024xi32>
    %shift_right_logical3A_119 = arith.constant 6 : i32
    %shift_right_logical3A_120 = vector.broadcast %shift_right_logical3A_119 : i32 to vector<8x1024xi32>
    %shift_right_logical3A_121 = arith.shrui %xor3A_114, %shift_right_logical3A_120 : vector<8x1024xi32>
    %or3A_122 = arith.ori %shift_left3A_118, %shift_right_logical3A_121 : vector<8x1024xi32>
    %xor3A_123 = arith.xori %or3A_122, %add3A_115 : vector<8x1024xi32>
    %add3A_124 = arith.addi %add3A_115, %xor3A_123 : vector<8x1024xi32>
    %shift_left3A_125 = arith.constant 6 : i32
    %shift_left3A_126 = vector.broadcast %shift_left3A_125 : i32 to vector<8x1024xi32>
    %shift_left3A_127 = arith.shli %xor3A_123, %shift_left3A_126 : vector<8x1024xi32>
    %shift_right_logical3A_128 = arith.constant 26 : i32
    %shift_right_logical3A_129 = vector.broadcast %shift_right_logical3A_128 : i32 to vector<8x1024xi32>
    %shift_right_logical3A_130 = arith.shrui %xor3A_123, %shift_right_logical3A_129 : vector<8x1024xi32>
    %or3A_131 = arith.ori %shift_left3A_127, %shift_right_logical3A_130 : vector<8x1024xi32>
    %xor3A_132 = arith.xori %or3A_131, %add3A_124 : vector<8x1024xi32>
    %add3A_133 = arith.constant 1832780943 : i32
    %add3A_134 = vector.broadcast %add3A_133 : i32 to vector<8x1024xi32>
    %add3A_135 = arith.addi %add3A_124, %add3A_134 : vector<8x1024xi32>
    %add3A_136 = arith.constant 270669613 : i32
    %add3A_137 = vector.broadcast %add3A_136 : i32 to vector<8x1024xi32>
    %add3A_138 = arith.addi %xor3A_132, %add3A_137 : vector<8x1024xi32>
    %add3A_139 = arith.constant 3 : i32
    %add3A_140 = vector.broadcast %add3A_139 : i32 to vector<8x1024xi32>
    %add3A_141 = arith.addi %add3A_138, %add3A_140 : vector<8x1024xi32>
    %add3A_142 = arith.addi %add3A_135, %add3A_141 : vector<8x1024xi32>
    %shift_left3A_143 = arith.constant 17 : i32
    %shift_left3A_144 = vector.broadcast %shift_left3A_143 : i32 to vector<8x1024xi32>
    %shift_left3A_145 = arith.shli %add3A_141, %shift_left3A_144 : vector<8x1024xi32>
    %shift_right_logical3A_146 = arith.constant 15 : i32
    %shift_right_logical3A_147 = vector.broadcast %shift_right_logical3A_146 : i32 to vector<8x1024xi32>
    %shift_right_logical3A_148 = arith.shrui %add3A_141, %shift_right_logical3A_147 : vector<8x1024xi32>
    %or3A_149 = arith.ori %shift_left3A_145, %shift_right_logical3A_148 : vector<8x1024xi32>
    %xor3A_150 = arith.xori %or3A_149, %add3A_142 : vector<8x1024xi32>
    %add3A_151 = arith.addi %add3A_142, %xor3A_150 : vector<8x1024xi32>
    %shift_left3A_152 = arith.constant 29 : i32
    %shift_left3A_153 = vector.broadcast %shift_left3A_152 : i32 to vector<8x1024xi32>
    %shift_left3A_154 = arith.shli %xor3A_150, %shift_left3A_153 : vector<8x1024xi32>
    %shift_right_logical3A_155 = arith.constant 3 : i32
    %shift_right_logical3A_156 = vector.broadcast %shift_right_logical3A_155 : i32 to vector<8x1024xi32>
    %shift_right_logical3A_157 = arith.shrui %xor3A_150, %shift_right_logical3A_156 : vector<8x1024xi32>
    %or3A_158 = arith.ori %shift_left3A_154, %shift_right_logical3A_157 : vector<8x1024xi32>
    %xor3A_159 = arith.xori %or3A_158, %add3A_151 : vector<8x1024xi32>
    %add3A_160 = arith.addi %add3A_151, %xor3A_159 : vector<8x1024xi32>
    %shift_left3A_161 = arith.constant 16 : i32
    %shift_left3A_162 = vector.broadcast %shift_left3A_161 : i32 to vector<8x1024xi32>
    %shift_left3A_163 = arith.shli %xor3A_159, %shift_left3A_162 : vector<8x1024xi32>
    %shift_right_logical3A_164 = arith.constant 16 : i32
    %shift_right_logical3A_165 = vector.broadcast %shift_right_logical3A_164 : i32 to vector<8x1024xi32>
    %shift_right_logical3A_166 = arith.shrui %xor3A_159, %shift_right_logical3A_165 : vector<8x1024xi32>
    %or3A_167 = arith.ori %shift_left3A_163, %shift_right_logical3A_166 : vector<8x1024xi32>
    %xor3A_168 = arith.xori %or3A_167, %add3A_160 : vector<8x1024xi32>
    %add3A_169 = arith.addi %add3A_160, %xor3A_168 : vector<8x1024xi32>
    %shift_left3A_170 = arith.constant 24 : i32
    %shift_left3A_171 = vector.broadcast %shift_left3A_170 : i32 to vector<8x1024xi32>
    %shift_left3A_172 = arith.shli %xor3A_168, %shift_left3A_171 : vector<8x1024xi32>
    %shift_right_logical3A_173 = arith.constant 8 : i32
    %shift_right_logical3A_174 = vector.broadcast %shift_right_logical3A_173 : i32 to vector<8x1024xi32>
    %shift_right_logical3A_175 = arith.shrui %xor3A_168, %shift_right_logical3A_174 : vector<8x1024xi32>
    %or3A_176 = arith.ori %shift_left3A_172, %shift_right_logical3A_175 : vector<8x1024xi32>
    %xor3A_177 = arith.xori %or3A_176, %add3A_169 : vector<8x1024xi32>
    %add3A_178 = arith.constant 270669613 : i32
    %add3A_179 = vector.broadcast %add3A_178 : i32 to vector<8x1024xi32>
    %add3A_180 = arith.addi %add3A_169, %add3A_179 : vector<8x1024xi32>
    %add3A_181 = arith.constant 1724713080 : i32
    %add3A_182 = vector.broadcast %add3A_181 : i32 to vector<8x1024xi32>
    %add3A_183 = arith.addi %xor3A_177, %add3A_182 : vector<8x1024xi32>
    %add3A_184 = arith.constant 4 : i32
    %add3A_185 = vector.broadcast %add3A_184 : i32 to vector<8x1024xi32>
    %add3A_186 = arith.addi %add3A_183, %add3A_185 : vector<8x1024xi32>
    %add3A_187 = arith.addi %add3A_180, %add3A_186 : vector<8x1024xi32>
    %shift_left3A_188 = arith.constant 13 : i32
    %shift_left3A_189 = vector.broadcast %shift_left3A_188 : i32 to vector<8x1024xi32>
    %shift_left3A_190 = arith.shli %add3A_186, %shift_left3A_189 : vector<8x1024xi32>
    %shift_right_logical3A_191 = arith.constant 19 : i32
    %shift_right_logical3A_192 = vector.broadcast %shift_right_logical3A_191 : i32 to vector<8x1024xi32>
    %shift_right_logical3A_193 = arith.shrui %add3A_186, %shift_right_logical3A_192 : vector<8x1024xi32>
    %or3A_194 = arith.ori %shift_left3A_190, %shift_right_logical3A_193 : vector<8x1024xi32>
    %xor3A_195 = arith.xori %or3A_194, %add3A_187 : vector<8x1024xi32>
    %add3A_196 = arith.addi %add3A_187, %xor3A_195 : vector<8x1024xi32>
    %shift_left3A_197 = arith.constant 15 : i32
    %shift_left3A_198 = vector.broadcast %shift_left3A_197 : i32 to vector<8x1024xi32>
    %shift_left3A_199 = arith.shli %xor3A_195, %shift_left3A_198 : vector<8x1024xi32>
    %shift_right_logical3A_200 = arith.constant 17 : i32
    %shift_right_logical3A_201 = vector.broadcast %shift_right_logical3A_200 : i32 to vector<8x1024xi32>
    %shift_right_logical3A_202 = arith.shrui %xor3A_195, %shift_right_logical3A_201 : vector<8x1024xi32>
    %or3A_203 = arith.ori %shift_left3A_199, %shift_right_logical3A_202 : vector<8x1024xi32>
    %xor3A_204 = arith.xori %or3A_203, %add3A_196 : vector<8x1024xi32>
    %add3A_205 = arith.addi %add3A_196, %xor3A_204 : vector<8x1024xi32>
    %shift_left3A_206 = arith.constant 26 : i32
    %shift_left3A_207 = vector.broadcast %shift_left3A_206 : i32 to vector<8x1024xi32>
    %shift_left3A_208 = arith.shli %xor3A_204, %shift_left3A_207 : vector<8x1024xi32>
    %shift_right_logical3A_209 = arith.constant 6 : i32
    %shift_right_logical3A_210 = vector.broadcast %shift_right_logical3A_209 : i32 to vector<8x1024xi32>
    %shift_right_logical3A_211 = arith.shrui %xor3A_204, %shift_right_logical3A_210 : vector<8x1024xi32>
    %or3A_212 = arith.ori %shift_left3A_208, %shift_right_logical3A_211 : vector<8x1024xi32>
    %xor3A_213 = arith.xori %or3A_212, %add3A_205 : vector<8x1024xi32>
    %add3A_214 = arith.addi %add3A_205, %xor3A_213 : vector<8x1024xi32>
    %shift_left3A_215 = arith.constant 6 : i32
    %shift_left3A_216 = vector.broadcast %shift_left3A_215 : i32 to vector<8x1024xi32>
    %shift_left3A_217 = arith.shli %xor3A_213, %shift_left3A_216 : vector<8x1024xi32>
    %shift_right_logical3A_218 = arith.constant 26 : i32
    %shift_right_logical3A_219 = vector.broadcast %shift_right_logical3A_218 : i32 to vector<8x1024xi32>
    %shift_right_logical3A_220 = arith.shrui %xor3A_213, %shift_right_logical3A_219 : vector<8x1024xi32>
    %or3A_221 = arith.ori %shift_left3A_217, %shift_right_logical3A_220 : vector<8x1024xi32>
    %xor3A_222 = arith.xori %or3A_221, %add3A_214 : vector<8x1024xi32>
    %add3A_223 = arith.constant 1724713080 : i32
    %add3A_224 = vector.broadcast %add3A_223 : i32 to vector<8x1024xi32>
    %add3A_225 = arith.addi %add3A_214, %add3A_224 : vector<8x1024xi32>
    %add3A_226 = arith.constant 1832780943 : i32
    %add3A_227 = vector.broadcast %add3A_226 : i32 to vector<8x1024xi32>
    %add3A_228 = arith.addi %xor3A_222, %add3A_227 : vector<8x1024xi32>
    %add3A_229 = arith.constant 5 : i32
    %add3A_230 = vector.broadcast %add3A_229 : i32 to vector<8x1024xi32>
    %add3A_231 = arith.addi %add3A_228, %add3A_230 : vector<8x1024xi32>
    %xor3A_232 = arith.xori %add3A_225, %add3A_231 : vector<8x1024xi32>
    %shift_right_logical3A_233 = arith.constant 9 : i32
    %shift_right_logical3A_234 = vector.broadcast %shift_right_logical3A_233 : i32 to vector<8x1024xi32>
    %shift_right_logical3A_235 = arith.shrui %xor3A_232, %shift_right_logical3A_234 : vector<8x1024xi32>
    %lt3A = arith.constant 2516583 : i32
    %lt3A_236 = vector.broadcast %lt3A : i32 to vector<8x1024xi32>
    %lt3A_237 = arith.cmpi slt, %shift_right_logical3A_235, %lt3A_236 : vector<8x1024xi32>
    %broadcast_in_dim3A_238 = arith.constant 64467757 : i32
    %broadcast_in_dim3A_239 = vector.broadcast %broadcast_in_dim3A_238 : i32 to vector<8x1024xi32>
    %add3A_240 = arith.constant -1378843660 : i32
    %add3A_241 = vector.broadcast %add3A_240 : i32 to vector<8x1024xi32>
    %add3A_242 = arith.addi %add3A_6, %add3A_241 : vector<8x1024xi32>
    %add3A_243 = arith.addi %broadcast_in_dim3A_239, %add3A_242 : vector<8x1024xi32>
    %shift_left3A_244 = arith.constant 13 : i32
    %shift_left3A_245 = vector.broadcast %shift_left3A_244 : i32 to vector<8x1024xi32>
    %shift_left3A_246 = arith.shli %add3A_242, %shift_left3A_245 : vector<8x1024xi32>
    %shift_right_logical3A_247 = arith.constant 19 : i32
    %shift_right_logical3A_248 = vector.broadcast %shift_right_logical3A_247 : i32 to vector<8x1024xi32>
    %shift_right_logical3A_249 = arith.shrui %add3A_242, %shift_right_logical3A_248 : vector<8x1024xi32>
    %or3A_250 = arith.ori %shift_left3A_246, %shift_right_logical3A_249 : vector<8x1024xi32>
    %xor3A_251 = arith.xori %or3A_250, %add3A_243 : vector<8x1024xi32>
    %add3A_252 = arith.addi %add3A_243, %xor3A_251 : vector<8x1024xi32>
    %shift_left3A_253 = arith.constant 15 : i32
    %shift_left3A_254 = vector.broadcast %shift_left3A_253 : i32 to vector<8x1024xi32>
    %shift_left3A_255 = arith.shli %xor3A_251, %shift_left3A_254 : vector<8x1024xi32>
    %shift_right_logical3A_256 = arith.constant 17 : i32
    %shift_right_logical3A_257 = vector.broadcast %shift_right_logical3A_256 : i32 to vector<8x1024xi32>
    %shift_right_logical3A_258 = arith.shrui %xor3A_251, %shift_right_logical3A_257 : vector<8x1024xi32>
    %or3A_259 = arith.ori %shift_left3A_255, %shift_right_logical3A_258 : vector<8x1024xi32>
    %xor3A_260 = arith.xori %or3A_259, %add3A_252 : vector<8x1024xi32>
    %add3A_261 = arith.addi %add3A_252, %xor3A_260 : vector<8x1024xi32>
    %shift_left3A_262 = arith.constant 26 : i32
    %shift_left3A_263 = vector.broadcast %shift_left3A_262 : i32 to vector<8x1024xi32>
    %shift_left3A_264 = arith.shli %xor3A_260, %shift_left3A_263 : vector<8x1024xi32>
    %shift_right_logical3A_265 = arith.constant 6 : i32
    %shift_right_logical3A_266 = vector.broadcast %shift_right_logical3A_265 : i32 to vector<8x1024xi32>
    %shift_right_logical3A_267 = arith.shrui %xor3A_260, %shift_right_logical3A_266 : vector<8x1024xi32>
    %or3A_268 = arith.ori %shift_left3A_264, %shift_right_logical3A_267 : vector<8x1024xi32>
    %xor3A_269 = arith.xori %or3A_268, %add3A_261 : vector<8x1024xi32>
    %add3A_270 = arith.addi %add3A_261, %xor3A_269 : vector<8x1024xi32>
    %shift_left3A_271 = arith.constant 6 : i32
    %shift_left3A_272 = vector.broadcast %shift_left3A_271 : i32 to vector<8x1024xi32>
    %shift_left3A_273 = arith.shli %xor3A_269, %shift_left3A_272 : vector<8x1024xi32>
    %shift_right_logical3A_274 = arith.constant 26 : i32
    %shift_right_logical3A_275 = vector.broadcast %shift_right_logical3A_274 : i32 to vector<8x1024xi32>
    %shift_right_logical3A_276 = arith.shrui %xor3A_269, %shift_right_logical3A_275 : vector<8x1024xi32>
    %or3A_277 = arith.ori %shift_left3A_273, %shift_right_logical3A_276 : vector<8x1024xi32>
    %xor3A_278 = arith.xori %or3A_277, %add3A_270 : vector<8x1024xi32>
    %add3A_279 = arith.constant -1378843660 : i32
    %add3A_280 = vector.broadcast %add3A_279 : i32 to vector<8x1024xi32>
    %add3A_281 = arith.addi %add3A_270, %add3A_280 : vector<8x1024xi32>
    %add3A_282 = arith.constant -1244255485 : i32
    %add3A_283 = vector.broadcast %add3A_282 : i32 to vector<8x1024xi32>
    %add3A_284 = arith.addi %xor3A_278, %add3A_283 : vector<8x1024xi32>
    %add3A_285 = arith.constant 1 : i32
    %add3A_286 = vector.broadcast %add3A_285 : i32 to vector<8x1024xi32>
    %add3A_287 = arith.addi %add3A_284, %add3A_286 : vector<8x1024xi32>
    %add3A_288 = arith.addi %add3A_281, %add3A_287 : vector<8x1024xi32>
    %shift_left3A_289 = arith.constant 17 : i32
    %shift_left3A_290 = vector.broadcast %shift_left3A_289 : i32 to vector<8x1024xi32>
    %shift_left3A_291 = arith.shli %add3A_287, %shift_left3A_290 : vector<8x1024xi32>
    %shift_right_logical3A_292 = arith.constant 15 : i32
    %shift_right_logical3A_293 = vector.broadcast %shift_right_logical3A_292 : i32 to vector<8x1024xi32>
    %shift_right_logical3A_294 = arith.shrui %add3A_287, %shift_right_logical3A_293 : vector<8x1024xi32>
    %or3A_295 = arith.ori %shift_left3A_291, %shift_right_logical3A_294 : vector<8x1024xi32>
    %xor3A_296 = arith.xori %or3A_295, %add3A_288 : vector<8x1024xi32>
    %add3A_297 = arith.addi %add3A_288, %xor3A_296 : vector<8x1024xi32>
    %shift_left3A_298 = arith.constant 29 : i32
    %shift_left3A_299 = vector.broadcast %shift_left3A_298 : i32 to vector<8x1024xi32>
    %shift_left3A_300 = arith.shli %xor3A_296, %shift_left3A_299 : vector<8x1024xi32>
    %shift_right_logical3A_301 = arith.constant 3 : i32
    %shift_right_logical3A_302 = vector.broadcast %shift_right_logical3A_301 : i32 to vector<8x1024xi32>
    %shift_right_logical3A_303 = arith.shrui %xor3A_296, %shift_right_logical3A_302 : vector<8x1024xi32>
    %or3A_304 = arith.ori %shift_left3A_300, %shift_right_logical3A_303 : vector<8x1024xi32>
    %xor3A_305 = arith.xori %or3A_304, %add3A_297 : vector<8x1024xi32>
    %add3A_306 = arith.addi %add3A_297, %xor3A_305 : vector<8x1024xi32>
    %shift_left3A_307 = arith.constant 16 : i32
    %shift_left3A_308 = vector.broadcast %shift_left3A_307 : i32 to vector<8x1024xi32>
    %shift_left3A_309 = arith.shli %xor3A_305, %shift_left3A_308 : vector<8x1024xi32>
    %shift_right_logical3A_310 = arith.constant 16 : i32
    %shift_right_logical3A_311 = vector.broadcast %shift_right_logical3A_310 : i32 to vector<8x1024xi32>
    %shift_right_logical3A_312 = arith.shrui %xor3A_305, %shift_right_logical3A_311 : vector<8x1024xi32>
    %or3A_313 = arith.ori %shift_left3A_309, %shift_right_logical3A_312 : vector<8x1024xi32>
    %xor3A_314 = arith.xori %or3A_313, %add3A_306 : vector<8x1024xi32>
    %add3A_315 = arith.addi %add3A_306, %xor3A_314 : vector<8x1024xi32>
    %shift_left3A_316 = arith.constant 24 : i32
    %shift_left3A_317 = vector.broadcast %shift_left3A_316 : i32 to vector<8x1024xi32>
    %shift_left3A_318 = arith.shli %xor3A_314, %shift_left3A_317 : vector<8x1024xi32>
    %shift_right_logical3A_319 = arith.constant 8 : i32
    %shift_right_logical3A_320 = vector.broadcast %shift_right_logical3A_319 : i32 to vector<8x1024xi32>
    %shift_right_logical3A_321 = arith.shrui %xor3A_314, %shift_right_logical3A_320 : vector<8x1024xi32>
    %or3A_322 = arith.ori %shift_left3A_318, %shift_right_logical3A_321 : vector<8x1024xi32>
    %xor3A_323 = arith.xori %or3A_322, %add3A_315 : vector<8x1024xi32>
    %add3A_324 = arith.constant -1244255485 : i32
    %add3A_325 = vector.broadcast %add3A_324 : i32 to vector<8x1024xi32>
    %add3A_326 = arith.addi %add3A_315, %add3A_325 : vector<8x1024xi32>
    %add3A_327 = arith.constant 64467757 : i32
    %add3A_328 = vector.broadcast %add3A_327 : i32 to vector<8x1024xi32>
    %add3A_329 = arith.addi %xor3A_323, %add3A_328 : vector<8x1024xi32>
    %add3A_330 = arith.constant 2 : i32
    %add3A_331 = vector.broadcast %add3A_330 : i32 to vector<8x1024xi32>
    %add3A_332 = arith.addi %add3A_329, %add3A_331 : vector<8x1024xi32>
    %add3A_333 = arith.addi %add3A_326, %add3A_332 : vector<8x1024xi32>
    %shift_left3A_334 = arith.constant 13 : i32
    %shift_left3A_335 = vector.broadcast %shift_left3A_334 : i32 to vector<8x1024xi32>
    %shift_left3A_336 = arith.shli %add3A_332, %shift_left3A_335 : vector<8x1024xi32>
    %shift_right_logical3A_337 = arith.constant 19 : i32
    %shift_right_logical3A_338 = vector.broadcast %shift_right_logical3A_337 : i32 to vector<8x1024xi32>
    %shift_right_logical3A_339 = arith.shrui %add3A_332, %shift_right_logical3A_338 : vector<8x1024xi32>
    %or3A_340 = arith.ori %shift_left3A_336, %shift_right_logical3A_339 : vector<8x1024xi32>
    %xor3A_341 = arith.xori %or3A_340, %add3A_333 : vector<8x1024xi32>
    %add3A_342 = arith.addi %add3A_333, %xor3A_341 : vector<8x1024xi32>
    %shift_left3A_343 = arith.constant 15 : i32
    %shift_left3A_344 = vector.broadcast %shift_left3A_343 : i32 to vector<8x1024xi32>
    %shift_left3A_345 = arith.shli %xor3A_341, %shift_left3A_344 : vector<8x1024xi32>
    %shift_right_logical3A_346 = arith.constant 17 : i32
    %shift_right_logical3A_347 = vector.broadcast %shift_right_logical3A_346 : i32 to vector<8x1024xi32>
    %shift_right_logical3A_348 = arith.shrui %xor3A_341, %shift_right_logical3A_347 : vector<8x1024xi32>
    %or3A_349 = arith.ori %shift_left3A_345, %shift_right_logical3A_348 : vector<8x1024xi32>
    %xor3A_350 = arith.xori %or3A_349, %add3A_342 : vector<8x1024xi32>
    %add3A_351 = arith.addi %add3A_342, %xor3A_350 : vector<8x1024xi32>
    %shift_left3A_352 = arith.constant 26 : i32
    %shift_left3A_353 = vector.broadcast %shift_left3A_352 : i32 to vector<8x1024xi32>
    %shift_left3A_354 = arith.shli %xor3A_350, %shift_left3A_353 : vector<8x1024xi32>
    %shift_right_logical3A_355 = arith.constant 6 : i32
    %shift_right_logical3A_356 = vector.broadcast %shift_right_logical3A_355 : i32 to vector<8x1024xi32>
    %shift_right_logical3A_357 = arith.shrui %xor3A_350, %shift_right_logical3A_356 : vector<8x1024xi32>
    %or3A_358 = arith.ori %shift_left3A_354, %shift_right_logical3A_357 : vector<8x1024xi32>
    %xor3A_359 = arith.xori %or3A_358, %add3A_351 : vector<8x1024xi32>
    %add3A_360 = arith.addi %add3A_351, %xor3A_359 : vector<8x1024xi32>
    %shift_left3A_361 = arith.constant 6 : i32
    %shift_left3A_362 = vector.broadcast %shift_left3A_361 : i32 to vector<8x1024xi32>
    %shift_left3A_363 = arith.shli %xor3A_359, %shift_left3A_362 : vector<8x1024xi32>
    %shift_right_logical3A_364 = arith.constant 26 : i32
    %shift_right_logical3A_365 = vector.broadcast %shift_right_logical3A_364 : i32 to vector<8x1024xi32>
    %shift_right_logical3A_366 = arith.shrui %xor3A_359, %shift_right_logical3A_365 : vector<8x1024xi32>
    %or3A_367 = arith.ori %shift_left3A_363, %shift_right_logical3A_366 : vector<8x1024xi32>
    %xor3A_368 = arith.xori %or3A_367, %add3A_360 : vector<8x1024xi32>
    %add3A_369 = arith.constant 64467757 : i32
    %add3A_370 = vector.broadcast %add3A_369 : i32 to vector<8x1024xi32>
    %add3A_371 = arith.addi %add3A_360, %add3A_370 : vector<8x1024xi32>
    %add3A_372 = arith.constant -1378843660 : i32
    %add3A_373 = vector.broadcast %add3A_372 : i32 to vector<8x1024xi32>
    %add3A_374 = arith.addi %xor3A_368, %add3A_373 : vector<8x1024xi32>
    %add3A_375 = arith.constant 3 : i32
    %add3A_376 = vector.broadcast %add3A_375 : i32 to vector<8x1024xi32>
    %add3A_377 = arith.addi %add3A_374, %add3A_376 : vector<8x1024xi32>
    %add3A_378 = arith.addi %add3A_371, %add3A_377 : vector<8x1024xi32>
    %shift_left3A_379 = arith.constant 17 : i32
    %shift_left3A_380 = vector.broadcast %shift_left3A_379 : i32 to vector<8x1024xi32>
    %shift_left3A_381 = arith.shli %add3A_377, %shift_left3A_380 : vector<8x1024xi32>
    %shift_right_logical3A_382 = arith.constant 15 : i32
    %shift_right_logical3A_383 = vector.broadcast %shift_right_logical3A_382 : i32 to vector<8x1024xi32>
    %shift_right_logical3A_384 = arith.shrui %add3A_377, %shift_right_logical3A_383 : vector<8x1024xi32>
    %or3A_385 = arith.ori %shift_left3A_381, %shift_right_logical3A_384 : vector<8x1024xi32>
    %xor3A_386 = arith.xori %or3A_385, %add3A_378 : vector<8x1024xi32>
    %add3A_387 = arith.addi %add3A_378, %xor3A_386 : vector<8x1024xi32>
    %shift_left3A_388 = arith.constant 29 : i32
    %shift_left3A_389 = vector.broadcast %shift_left3A_388 : i32 to vector<8x1024xi32>
    %shift_left3A_390 = arith.shli %xor3A_386, %shift_left3A_389 : vector<8x1024xi32>
    %shift_right_logical3A_391 = arith.constant 3 : i32
    %shift_right_logical3A_392 = vector.broadcast %shift_right_logical3A_391 : i32 to vector<8x1024xi32>
    %shift_right_logical3A_393 = arith.shrui %xor3A_386, %shift_right_logical3A_392 : vector<8x1024xi32>
    %or3A_394 = arith.ori %shift_left3A_390, %shift_right_logical3A_393 : vector<8x1024xi32>
    %xor3A_395 = arith.xori %or3A_394, %add3A_387 : vector<8x1024xi32>
    %add3A_396 = arith.addi %add3A_387, %xor3A_395 : vector<8x1024xi32>
    %shift_left3A_397 = arith.constant 16 : i32
    %shift_left3A_398 = vector.broadcast %shift_left3A_397 : i32 to vector<8x1024xi32>
    %shift_left3A_399 = arith.shli %xor3A_395, %shift_left3A_398 : vector<8x1024xi32>
    %shift_right_logical3A_400 = arith.constant 16 : i32
    %shift_right_logical3A_401 = vector.broadcast %shift_right_logical3A_400 : i32 to vector<8x1024xi32>
    %shift_right_logical3A_402 = arith.shrui %xor3A_395, %shift_right_logical3A_401 : vector<8x1024xi32>
    %or3A_403 = arith.ori %shift_left3A_399, %shift_right_logical3A_402 : vector<8x1024xi32>
    %xor3A_404 = arith.xori %or3A_403, %add3A_396 : vector<8x1024xi32>
    %add3A_405 = arith.addi %add3A_396, %xor3A_404 : vector<8x1024xi32>
    %shift_left3A_406 = arith.constant 24 : i32
    %shift_left3A_407 = vector.broadcast %shift_left3A_406 : i32 to vector<8x1024xi32>
    %shift_left3A_408 = arith.shli %xor3A_404, %shift_left3A_407 : vector<8x1024xi32>
    %shift_right_logical3A_409 = arith.constant 8 : i32
    %shift_right_logical3A_410 = vector.broadcast %shift_right_logical3A_409 : i32 to vector<8x1024xi32>
    %shift_right_logical3A_411 = arith.shrui %xor3A_404, %shift_right_logical3A_410 : vector<8x1024xi32>
    %or3A_412 = arith.ori %shift_left3A_408, %shift_right_logical3A_411 : vector<8x1024xi32>
    %xor3A_413 = arith.xori %or3A_412, %add3A_405 : vector<8x1024xi32>
    %add3A_414 = arith.constant -1378843660 : i32
    %add3A_415 = vector.broadcast %add3A_414 : i32 to vector<8x1024xi32>
    %add3A_416 = arith.addi %add3A_405, %add3A_415 : vector<8x1024xi32>
    %add3A_417 = arith.constant -1244255485 : i32
    %add3A_418 = vector.broadcast %add3A_417 : i32 to vector<8x1024xi32>
    %add3A_419 = arith.addi %xor3A_413, %add3A_418 : vector<8x1024xi32>
    %add3A_420 = arith.constant 4 : i32
    %add3A_421 = vector.broadcast %add3A_420 : i32 to vector<8x1024xi32>
    %add3A_422 = arith.addi %add3A_419, %add3A_421 : vector<8x1024xi32>
    %add3A_423 = arith.addi %add3A_416, %add3A_422 : vector<8x1024xi32>
    %shift_left3A_424 = arith.constant 13 : i32
    %shift_left3A_425 = vector.broadcast %shift_left3A_424 : i32 to vector<8x1024xi32>
    %shift_left3A_426 = arith.shli %add3A_422, %shift_left3A_425 : vector<8x1024xi32>
    %shift_right_logical3A_427 = arith.constant 19 : i32
    %shift_right_logical3A_428 = vector.broadcast %shift_right_logical3A_427 : i32 to vector<8x1024xi32>
    %shift_right_logical3A_429 = arith.shrui %add3A_422, %shift_right_logical3A_428 : vector<8x1024xi32>
    %or3A_430 = arith.ori %shift_left3A_426, %shift_right_logical3A_429 : vector<8x1024xi32>
    %xor3A_431 = arith.xori %or3A_430, %add3A_423 : vector<8x1024xi32>
    %add3A_432 = arith.addi %add3A_423, %xor3A_431 : vector<8x1024xi32>
    %shift_left3A_433 = arith.constant 15 : i32
    %shift_left3A_434 = vector.broadcast %shift_left3A_433 : i32 to vector<8x1024xi32>
    %shift_left3A_435 = arith.shli %xor3A_431, %shift_left3A_434 : vector<8x1024xi32>
    %shift_right_logical3A_436 = arith.constant 17 : i32
    %shift_right_logical3A_437 = vector.broadcast %shift_right_logical3A_436 : i32 to vector<8x1024xi32>
    %shift_right_logical3A_438 = arith.shrui %xor3A_431, %shift_right_logical3A_437 : vector<8x1024xi32>
    %or3A_439 = arith.ori %shift_left3A_435, %shift_right_logical3A_438 : vector<8x1024xi32>
    %xor3A_440 = arith.xori %or3A_439, %add3A_432 : vector<8x1024xi32>
    %add3A_441 = arith.addi %add3A_432, %xor3A_440 : vector<8x1024xi32>
    %shift_left3A_442 = arith.constant 26 : i32
    %shift_left3A_443 = vector.broadcast %shift_left3A_442 : i32 to vector<8x1024xi32>
    %shift_left3A_444 = arith.shli %xor3A_440, %shift_left3A_443 : vector<8x1024xi32>
    %shift_right_logical3A_445 = arith.constant 6 : i32
    %shift_right_logical3A_446 = vector.broadcast %shift_right_logical3A_445 : i32 to vector<8x1024xi32>
    %shift_right_logical3A_447 = arith.shrui %xor3A_440, %shift_right_logical3A_446 : vector<8x1024xi32>
    %or3A_448 = arith.ori %shift_left3A_444, %shift_right_logical3A_447 : vector<8x1024xi32>
    %xor3A_449 = arith.xori %or3A_448, %add3A_441 : vector<8x1024xi32>
    %add3A_450 = arith.addi %add3A_441, %xor3A_449 : vector<8x1024xi32>
    %shift_left3A_451 = arith.constant 6 : i32
    %shift_left3A_452 = vector.broadcast %shift_left3A_451 : i32 to vector<8x1024xi32>
    %shift_left3A_453 = arith.shli %xor3A_449, %shift_left3A_452 : vector<8x1024xi32>
    %shift_right_logical3A_454 = arith.constant 26 : i32
    %shift_right_logical3A_455 = vector.broadcast %shift_right_logical3A_454 : i32 to vector<8x1024xi32>
    %shift_right_logical3A_456 = arith.shrui %xor3A_449, %shift_right_logical3A_455 : vector<8x1024xi32>
    %or3A_457 = arith.ori %shift_left3A_453, %shift_right_logical3A_456 : vector<8x1024xi32>
    %xor3A_458 = arith.xori %or3A_457, %add3A_450 : vector<8x1024xi32>
    %add3A_459 = arith.constant -1244255485 : i32
    %add3A_460 = vector.broadcast %add3A_459 : i32 to vector<8x1024xi32>
    %add3A_461 = arith.addi %add3A_450, %add3A_460 : vector<8x1024xi32>
    %add3A_462 = arith.constant 64467757 : i32
    %add3A_463 = vector.broadcast %add3A_462 : i32 to vector<8x1024xi32>
    %add3A_464 = arith.addi %xor3A_458, %add3A_463 : vector<8x1024xi32>
    %add3A_465 = arith.constant 5 : i32
    %add3A_466 = vector.broadcast %add3A_465 : i32 to vector<8x1024xi32>
    %add3A_467 = arith.addi %add3A_464, %add3A_466 : vector<8x1024xi32>
    %xor3A_468 = arith.xori %add3A_461, %add3A_467 : vector<8x1024xi32>
    %shift_right_logical3A_469 = arith.constant 9 : i32
    %shift_right_logical3A_470 = vector.broadcast %shift_right_logical3A_469 : i32 to vector<8x1024xi32>
    %shift_right_logical3A_471 = arith.shrui %xor3A_468, %shift_right_logical3A_470 : vector<8x1024xi32>
    %lt3A_472 = arith.constant 1677722 : i32
    %lt3A_473 = vector.broadcast %lt3A_472 : i32 to vector<8x1024xi32>
    %lt3A_474 = arith.cmpi slt, %shift_right_logical3A_471, %lt3A_473 : vector<8x1024xi32>
    %broadcast_in_dim3A_475 = arith.constant -1829035798 : i32
    %broadcast_in_dim3A_476 = vector.broadcast %broadcast_in_dim3A_475 : i32 to vector<8x1024xi32>
    %add3A_477 = arith.constant 255383827 : i32
    %add3A_478 = vector.broadcast %add3A_477 : i32 to vector<8x1024xi32>
    %add3A_479 = arith.addi %add3A_6, %add3A_478 : vector<8x1024xi32>
    %add3A_480 = arith.addi %broadcast_in_dim3A_476, %add3A_479 : vector<8x1024xi32>
    %shift_left3A_481 = arith.constant 13 : i32
    %shift_left3A_482 = vector.broadcast %shift_left3A_481 : i32 to vector<8x1024xi32>
    %shift_left3A_483 = arith.shli %add3A_479, %shift_left3A_482 : vector<8x1024xi32>
    %shift_right_logical3A_484 = arith.constant 19 : i32
    %shift_right_logical3A_485 = vector.broadcast %shift_right_logical3A_484 : i32 to vector<8x1024xi32>
    %shift_right_logical3A_486 = arith.shrui %add3A_479, %shift_right_logical3A_485 : vector<8x1024xi32>
    %or3A_487 = arith.ori %shift_left3A_483, %shift_right_logical3A_486 : vector<8x1024xi32>
    %xor3A_488 = arith.xori %or3A_487, %add3A_480 : vector<8x1024xi32>
    %add3A_489 = arith.addi %add3A_480, %xor3A_488 : vector<8x1024xi32>
    %shift_left3A_490 = arith.constant 15 : i32
    %shift_left3A_491 = vector.broadcast %shift_left3A_490 : i32 to vector<8x1024xi32>
    %shift_left3A_492 = arith.shli %xor3A_488, %shift_left3A_491 : vector<8x1024xi32>
    %shift_right_logical3A_493 = arith.constant 17 : i32
    %shift_right_logical3A_494 = vector.broadcast %shift_right_logical3A_493 : i32 to vector<8x1024xi32>
    %shift_right_logical3A_495 = arith.shrui %xor3A_488, %shift_right_logical3A_494 : vector<8x1024xi32>
    %or3A_496 = arith.ori %shift_left3A_492, %shift_right_logical3A_495 : vector<8x1024xi32>
    %xor3A_497 = arith.xori %or3A_496, %add3A_489 : vector<8x1024xi32>
    %add3A_498 = arith.addi %add3A_489, %xor3A_497 : vector<8x1024xi32>
    %shift_left3A_499 = arith.constant 26 : i32
    %shift_left3A_500 = vector.broadcast %shift_left3A_499 : i32 to vector<8x1024xi32>
    %shift_left3A_501 = arith.shli %xor3A_497, %shift_left3A_500 : vector<8x1024xi32>
    %shift_right_logical3A_502 = arith.constant 6 : i32
    %shift_right_logical3A_503 = vector.broadcast %shift_right_logical3A_502 : i32 to vector<8x1024xi32>
    %shift_right_logical3A_504 = arith.shrui %xor3A_497, %shift_right_logical3A_503 : vector<8x1024xi32>
    %or3A_505 = arith.ori %shift_left3A_501, %shift_right_logical3A_504 : vector<8x1024xi32>
    %xor3A_506 = arith.xori %or3A_505, %add3A_498 : vector<8x1024xi32>
    %add3A_507 = arith.addi %add3A_498, %xor3A_506 : vector<8x1024xi32>
    %shift_left3A_508 = arith.constant 6 : i32
    %shift_left3A_509 = vector.broadcast %shift_left3A_508 : i32 to vector<8x1024xi32>
    %shift_left3A_510 = arith.shli %xor3A_506, %shift_left3A_509 : vector<8x1024xi32>
    %shift_right_logical3A_511 = arith.constant 26 : i32
    %shift_right_logical3A_512 = vector.broadcast %shift_right_logical3A_511 : i32 to vector<8x1024xi32>
    %shift_right_logical3A_513 = arith.shrui %xor3A_506, %shift_right_logical3A_512 : vector<8x1024xi32>
    %or3A_514 = arith.ori %shift_left3A_510, %shift_right_logical3A_513 : vector<8x1024xi32>
    %xor3A_515 = arith.xori %or3A_514, %add3A_507 : vector<8x1024xi32>
    %add3A_516 = arith.constant 255383827 : i32
    %add3A_517 = vector.broadcast %add3A_516 : i32 to vector<8x1024xi32>
    %add3A_518 = arith.addi %add3A_507, %add3A_517 : vector<8x1024xi32>
    %add3A_519 = arith.constant -2045582813 : i32
    %add3A_520 = vector.broadcast %add3A_519 : i32 to vector<8x1024xi32>
    %add3A_521 = arith.addi %xor3A_515, %add3A_520 : vector<8x1024xi32>
    %add3A_522 = arith.constant 1 : i32
    %add3A_523 = vector.broadcast %add3A_522 : i32 to vector<8x1024xi32>
    %add3A_524 = arith.addi %add3A_521, %add3A_523 : vector<8x1024xi32>
    %add3A_525 = arith.addi %add3A_518, %add3A_524 : vector<8x1024xi32>
    %shift_left3A_526 = arith.constant 17 : i32
    %shift_left3A_527 = vector.broadcast %shift_left3A_526 : i32 to vector<8x1024xi32>
    %shift_left3A_528 = arith.shli %add3A_524, %shift_left3A_527 : vector<8x1024xi32>
    %shift_right_logical3A_529 = arith.constant 15 : i32
    %shift_right_logical3A_530 = vector.broadcast %shift_right_logical3A_529 : i32 to vector<8x1024xi32>
    %shift_right_logical3A_531 = arith.shrui %add3A_524, %shift_right_logical3A_530 : vector<8x1024xi32>
    %or3A_532 = arith.ori %shift_left3A_528, %shift_right_logical3A_531 : vector<8x1024xi32>
    %xor3A_533 = arith.xori %or3A_532, %add3A_525 : vector<8x1024xi32>
    %add3A_534 = arith.addi %add3A_525, %xor3A_533 : vector<8x1024xi32>
    %shift_left3A_535 = arith.constant 29 : i32
    %shift_left3A_536 = vector.broadcast %shift_left3A_535 : i32 to vector<8x1024xi32>
    %shift_left3A_537 = arith.shli %xor3A_533, %shift_left3A_536 : vector<8x1024xi32>
    %shift_right_logical3A_538 = arith.constant 3 : i32
    %shift_right_logical3A_539 = vector.broadcast %shift_right_logical3A_538 : i32 to vector<8x1024xi32>
    %shift_right_logical3A_540 = arith.shrui %xor3A_533, %shift_right_logical3A_539 : vector<8x1024xi32>
    %or3A_541 = arith.ori %shift_left3A_537, %shift_right_logical3A_540 : vector<8x1024xi32>
    %xor3A_542 = arith.xori %or3A_541, %add3A_534 : vector<8x1024xi32>
    %add3A_543 = arith.addi %add3A_534, %xor3A_542 : vector<8x1024xi32>
    %shift_left3A_544 = arith.constant 16 : i32
    %shift_left3A_545 = vector.broadcast %shift_left3A_544 : i32 to vector<8x1024xi32>
    %shift_left3A_546 = arith.shli %xor3A_542, %shift_left3A_545 : vector<8x1024xi32>
    %shift_right_logical3A_547 = arith.constant 16 : i32
    %shift_right_logical3A_548 = vector.broadcast %shift_right_logical3A_547 : i32 to vector<8x1024xi32>
    %shift_right_logical3A_549 = arith.shrui %xor3A_542, %shift_right_logical3A_548 : vector<8x1024xi32>
    %or3A_550 = arith.ori %shift_left3A_546, %shift_right_logical3A_549 : vector<8x1024xi32>
    %xor3A_551 = arith.xori %or3A_550, %add3A_543 : vector<8x1024xi32>
    %add3A_552 = arith.addi %add3A_543, %xor3A_551 : vector<8x1024xi32>
    %shift_left3A_553 = arith.constant 24 : i32
    %shift_left3A_554 = vector.broadcast %shift_left3A_553 : i32 to vector<8x1024xi32>
    %shift_left3A_555 = arith.shli %xor3A_551, %shift_left3A_554 : vector<8x1024xi32>
    %shift_right_logical3A_556 = arith.constant 8 : i32
    %shift_right_logical3A_557 = vector.broadcast %shift_right_logical3A_556 : i32 to vector<8x1024xi32>
    %shift_right_logical3A_558 = arith.shrui %xor3A_551, %shift_right_logical3A_557 : vector<8x1024xi32>
    %or3A_559 = arith.ori %shift_left3A_555, %shift_right_logical3A_558 : vector<8x1024xi32>
    %xor3A_560 = arith.xori %or3A_559, %add3A_552 : vector<8x1024xi32>
    %add3A_561 = arith.constant -2045582813 : i32
    %add3A_562 = vector.broadcast %add3A_561 : i32 to vector<8x1024xi32>
    %add3A_563 = arith.addi %add3A_552, %add3A_562 : vector<8x1024xi32>
    %add3A_564 = arith.constant -1829035798 : i32
    %add3A_565 = vector.broadcast %add3A_564 : i32 to vector<8x1024xi32>
    %add3A_566 = arith.addi %xor3A_560, %add3A_565 : vector<8x1024xi32>
    %add3A_567 = arith.constant 2 : i32
    %add3A_568 = vector.broadcast %add3A_567 : i32 to vector<8x1024xi32>
    %add3A_569 = arith.addi %add3A_566, %add3A_568 : vector<8x1024xi32>
    %add3A_570 = arith.addi %add3A_563, %add3A_569 : vector<8x1024xi32>
    %shift_left3A_571 = arith.constant 13 : i32
    %shift_left3A_572 = vector.broadcast %shift_left3A_571 : i32 to vector<8x1024xi32>
    %shift_left3A_573 = arith.shli %add3A_569, %shift_left3A_572 : vector<8x1024xi32>
    %shift_right_logical3A_574 = arith.constant 19 : i32
    %shift_right_logical3A_575 = vector.broadcast %shift_right_logical3A_574 : i32 to vector<8x1024xi32>
    %shift_right_logical3A_576 = arith.shrui %add3A_569, %shift_right_logical3A_575 : vector<8x1024xi32>
    %or3A_577 = arith.ori %shift_left3A_573, %shift_right_logical3A_576 : vector<8x1024xi32>
    %xor3A_578 = arith.xori %or3A_577, %add3A_570 : vector<8x1024xi32>
    %add3A_579 = arith.addi %add3A_570, %xor3A_578 : vector<8x1024xi32>
    %shift_left3A_580 = arith.constant 15 : i32
    %shift_left3A_581 = vector.broadcast %shift_left3A_580 : i32 to vector<8x1024xi32>
    %shift_left3A_582 = arith.shli %xor3A_578, %shift_left3A_581 : vector<8x1024xi32>
    %shift_right_logical3A_583 = arith.constant 17 : i32
    %shift_right_logical3A_584 = vector.broadcast %shift_right_logical3A_583 : i32 to vector<8x1024xi32>
    %shift_right_logical3A_585 = arith.shrui %xor3A_578, %shift_right_logical3A_584 : vector<8x1024xi32>
    %or3A_586 = arith.ori %shift_left3A_582, %shift_right_logical3A_585 : vector<8x1024xi32>
    %xor3A_587 = arith.xori %or3A_586, %add3A_579 : vector<8x1024xi32>
    %add3A_588 = arith.addi %add3A_579, %xor3A_587 : vector<8x1024xi32>
    %shift_left3A_589 = arith.constant 26 : i32
    %shift_left3A_590 = vector.broadcast %shift_left3A_589 : i32 to vector<8x1024xi32>
    %shift_left3A_591 = arith.shli %xor3A_587, %shift_left3A_590 : vector<8x1024xi32>
    %shift_right_logical3A_592 = arith.constant 6 : i32
    %shift_right_logical3A_593 = vector.broadcast %shift_right_logical3A_592 : i32 to vector<8x1024xi32>
    %shift_right_logical3A_594 = arith.shrui %xor3A_587, %shift_right_logical3A_593 : vector<8x1024xi32>
    %or3A_595 = arith.ori %shift_left3A_591, %shift_right_logical3A_594 : vector<8x1024xi32>
    %xor3A_596 = arith.xori %or3A_595, %add3A_588 : vector<8x1024xi32>
    %add3A_597 = arith.addi %add3A_588, %xor3A_596 : vector<8x1024xi32>
    %shift_left3A_598 = arith.constant 6 : i32
    %shift_left3A_599 = vector.broadcast %shift_left3A_598 : i32 to vector<8x1024xi32>
    %shift_left3A_600 = arith.shli %xor3A_596, %shift_left3A_599 : vector<8x1024xi32>
    %shift_right_logical3A_601 = arith.constant 26 : i32
    %shift_right_logical3A_602 = vector.broadcast %shift_right_logical3A_601 : i32 to vector<8x1024xi32>
    %shift_right_logical3A_603 = arith.shrui %xor3A_596, %shift_right_logical3A_602 : vector<8x1024xi32>
    %or3A_604 = arith.ori %shift_left3A_600, %shift_right_logical3A_603 : vector<8x1024xi32>
    %xor3A_605 = arith.xori %or3A_604, %add3A_597 : vector<8x1024xi32>
    %add3A_606 = arith.constant -1829035798 : i32
    %add3A_607 = vector.broadcast %add3A_606 : i32 to vector<8x1024xi32>
    %add3A_608 = arith.addi %add3A_597, %add3A_607 : vector<8x1024xi32>
    %add3A_609 = arith.constant 255383827 : i32
    %add3A_610 = vector.broadcast %add3A_609 : i32 to vector<8x1024xi32>
    %add3A_611 = arith.addi %xor3A_605, %add3A_610 : vector<8x1024xi32>
    %add3A_612 = arith.constant 3 : i32
    %add3A_613 = vector.broadcast %add3A_612 : i32 to vector<8x1024xi32>
    %add3A_614 = arith.addi %add3A_611, %add3A_613 : vector<8x1024xi32>
    %add3A_615 = arith.addi %add3A_608, %add3A_614 : vector<8x1024xi32>
    %shift_left3A_616 = arith.constant 17 : i32
    %shift_left3A_617 = vector.broadcast %shift_left3A_616 : i32 to vector<8x1024xi32>
    %shift_left3A_618 = arith.shli %add3A_614, %shift_left3A_617 : vector<8x1024xi32>
    %shift_right_logical3A_619 = arith.constant 15 : i32
    %shift_right_logical3A_620 = vector.broadcast %shift_right_logical3A_619 : i32 to vector<8x1024xi32>
    %shift_right_logical3A_621 = arith.shrui %add3A_614, %shift_right_logical3A_620 : vector<8x1024xi32>
    %or3A_622 = arith.ori %shift_left3A_618, %shift_right_logical3A_621 : vector<8x1024xi32>
    %xor3A_623 = arith.xori %or3A_622, %add3A_615 : vector<8x1024xi32>
    %add3A_624 = arith.addi %add3A_615, %xor3A_623 : vector<8x1024xi32>
    %shift_left3A_625 = arith.constant 29 : i32
    %shift_left3A_626 = vector.broadcast %shift_left3A_625 : i32 to vector<8x1024xi32>
    %shift_left3A_627 = arith.shli %xor3A_623, %shift_left3A_626 : vector<8x1024xi32>
    %shift_right_logical3A_628 = arith.constant 3 : i32
    %shift_right_logical3A_629 = vector.broadcast %shift_right_logical3A_628 : i32 to vector<8x1024xi32>
    %shift_right_logical3A_630 = arith.shrui %xor3A_623, %shift_right_logical3A_629 : vector<8x1024xi32>
    %or3A_631 = arith.ori %shift_left3A_627, %shift_right_logical3A_630 : vector<8x1024xi32>
    %xor3A_632 = arith.xori %or3A_631, %add3A_624 : vector<8x1024xi32>
    %add3A_633 = arith.addi %add3A_624, %xor3A_632 : vector<8x1024xi32>
    %shift_left3A_634 = arith.constant 16 : i32
    %shift_left3A_635 = vector.broadcast %shift_left3A_634 : i32 to vector<8x1024xi32>
    %shift_left3A_636 = arith.shli %xor3A_632, %shift_left3A_635 : vector<8x1024xi32>
    %shift_right_logical3A_637 = arith.constant 16 : i32
    %shift_right_logical3A_638 = vector.broadcast %shift_right_logical3A_637 : i32 to vector<8x1024xi32>
    %shift_right_logical3A_639 = arith.shrui %xor3A_632, %shift_right_logical3A_638 : vector<8x1024xi32>
    %or3A_640 = arith.ori %shift_left3A_636, %shift_right_logical3A_639 : vector<8x1024xi32>
    %xor3A_641 = arith.xori %or3A_640, %add3A_633 : vector<8x1024xi32>
    %add3A_642 = arith.addi %add3A_633, %xor3A_641 : vector<8x1024xi32>
    %shift_left3A_643 = arith.constant 24 : i32
    %shift_left3A_644 = vector.broadcast %shift_left3A_643 : i32 to vector<8x1024xi32>
    %shift_left3A_645 = arith.shli %xor3A_641, %shift_left3A_644 : vector<8x1024xi32>
    %shift_right_logical3A_646 = arith.constant 8 : i32
    %shift_right_logical3A_647 = vector.broadcast %shift_right_logical3A_646 : i32 to vector<8x1024xi32>
    %shift_right_logical3A_648 = arith.shrui %xor3A_641, %shift_right_logical3A_647 : vector<8x1024xi32>
    %or3A_649 = arith.ori %shift_left3A_645, %shift_right_logical3A_648 : vector<8x1024xi32>
    %xor3A_650 = arith.xori %or3A_649, %add3A_642 : vector<8x1024xi32>
    %add3A_651 = arith.constant 255383827 : i32
    %add3A_652 = vector.broadcast %add3A_651 : i32 to vector<8x1024xi32>
    %add3A_653 = arith.addi %add3A_642, %add3A_652 : vector<8x1024xi32>
    %add3A_654 = arith.constant -2045582813 : i32
    %add3A_655 = vector.broadcast %add3A_654 : i32 to vector<8x1024xi32>
    %add3A_656 = arith.addi %xor3A_650, %add3A_655 : vector<8x1024xi32>
    %add3A_657 = arith.constant 4 : i32
    %add3A_658 = vector.broadcast %add3A_657 : i32 to vector<8x1024xi32>
    %add3A_659 = arith.addi %add3A_656, %add3A_658 : vector<8x1024xi32>
    %add3A_660 = arith.addi %add3A_653, %add3A_659 : vector<8x1024xi32>
    %shift_left3A_661 = arith.constant 13 : i32
    %shift_left3A_662 = vector.broadcast %shift_left3A_661 : i32 to vector<8x1024xi32>
    %shift_left3A_663 = arith.shli %add3A_659, %shift_left3A_662 : vector<8x1024xi32>
    %shift_right_logical3A_664 = arith.constant 19 : i32
    %shift_right_logical3A_665 = vector.broadcast %shift_right_logical3A_664 : i32 to vector<8x1024xi32>
    %shift_right_logical3A_666 = arith.shrui %add3A_659, %shift_right_logical3A_665 : vector<8x1024xi32>
    %or3A_667 = arith.ori %shift_left3A_663, %shift_right_logical3A_666 : vector<8x1024xi32>
    %xor3A_668 = arith.xori %or3A_667, %add3A_660 : vector<8x1024xi32>
    %add3A_669 = arith.addi %add3A_660, %xor3A_668 : vector<8x1024xi32>
    %shift_left3A_670 = arith.constant 15 : i32
    %shift_left3A_671 = vector.broadcast %shift_left3A_670 : i32 to vector<8x1024xi32>
    %shift_left3A_672 = arith.shli %xor3A_668, %shift_left3A_671 : vector<8x1024xi32>
    %shift_right_logical3A_673 = arith.constant 17 : i32
    %shift_right_logical3A_674 = vector.broadcast %shift_right_logical3A_673 : i32 to vector<8x1024xi32>
    %shift_right_logical3A_675 = arith.shrui %xor3A_668, %shift_right_logical3A_674 : vector<8x1024xi32>
    %or3A_676 = arith.ori %shift_left3A_672, %shift_right_logical3A_675 : vector<8x1024xi32>
    %xor3A_677 = arith.xori %or3A_676, %add3A_669 : vector<8x1024xi32>
    %add3A_678 = arith.addi %add3A_669, %xor3A_677 : vector<8x1024xi32>
    %shift_left3A_679 = arith.constant 26 : i32
    %shift_left3A_680 = vector.broadcast %shift_left3A_679 : i32 to vector<8x1024xi32>
    %shift_left3A_681 = arith.shli %xor3A_677, %shift_left3A_680 : vector<8x1024xi32>
    %shift_right_logical3A_682 = arith.constant 6 : i32
    %shift_right_logical3A_683 = vector.broadcast %shift_right_logical3A_682 : i32 to vector<8x1024xi32>
    %shift_right_logical3A_684 = arith.shrui %xor3A_677, %shift_right_logical3A_683 : vector<8x1024xi32>
    %or3A_685 = arith.ori %shift_left3A_681, %shift_right_logical3A_684 : vector<8x1024xi32>
    %xor3A_686 = arith.xori %or3A_685, %add3A_678 : vector<8x1024xi32>
    %add3A_687 = arith.addi %add3A_678, %xor3A_686 : vector<8x1024xi32>
    %shift_left3A_688 = arith.constant 6 : i32
    %shift_left3A_689 = vector.broadcast %shift_left3A_688 : i32 to vector<8x1024xi32>
    %shift_left3A_690 = arith.shli %xor3A_686, %shift_left3A_689 : vector<8x1024xi32>
    %shift_right_logical3A_691 = arith.constant 26 : i32
    %shift_right_logical3A_692 = vector.broadcast %shift_right_logical3A_691 : i32 to vector<8x1024xi32>
    %shift_right_logical3A_693 = arith.shrui %xor3A_686, %shift_right_logical3A_692 : vector<8x1024xi32>
    %or3A_694 = arith.ori %shift_left3A_690, %shift_right_logical3A_693 : vector<8x1024xi32>
    %xor3A_695 = arith.xori %or3A_694, %add3A_687 : vector<8x1024xi32>
    %add3A_696 = arith.constant -2045582813 : i32
    %add3A_697 = vector.broadcast %add3A_696 : i32 to vector<8x1024xi32>
    %add3A_698 = arith.addi %add3A_687, %add3A_697 : vector<8x1024xi32>
    %add3A_699 = arith.constant -1829035798 : i32
    %add3A_700 = vector.broadcast %add3A_699 : i32 to vector<8x1024xi32>
    %add3A_701 = arith.addi %xor3A_695, %add3A_700 : vector<8x1024xi32>
    %add3A_702 = arith.constant 5 : i32
    %add3A_703 = vector.broadcast %add3A_702 : i32 to vector<8x1024xi32>
    %add3A_704 = arith.addi %add3A_701, %add3A_703 : vector<8x1024xi32>
    %xor3A_705 = arith.xori %add3A_698, %add3A_704 : vector<8x1024xi32>
    %shift_right_logical3A_706 = arith.constant 9 : i32
    %shift_right_logical3A_707 = vector.broadcast %shift_right_logical3A_706 : i32 to vector<8x1024xi32>
    %shift_right_logical3A_708 = arith.shrui %xor3A_705, %shift_right_logical3A_707 : vector<8x1024xi32>
    %lt3A_709 = arith.constant 3355444 : i32
    %lt3A_710 = vector.broadcast %lt3A_709 : i32 to vector<8x1024xi32>
    %lt3A_711 = arith.cmpi slt, %shift_right_logical3A_708, %lt3A_710 : vector<8x1024xi32>
    %broadcast_in_dim3A_712 = arith.constant -1160419002 : i32
    %broadcast_in_dim3A_713 = vector.broadcast %broadcast_in_dim3A_712 : i32 to vector<8x1024xi32>
    %add3A_714 = arith.constant 894150801 : i32
    %add3A_715 = vector.broadcast %add3A_714 : i32 to vector<8x1024xi32>
    %add3A_716 = arith.addi %add3A_6, %add3A_715 : vector<8x1024xi32>
    %add3A_717 = arith.addi %broadcast_in_dim3A_713, %add3A_716 : vector<8x1024xi32>
    %shift_left3A_718 = arith.constant 13 : i32
    %shift_left3A_719 = vector.broadcast %shift_left3A_718 : i32 to vector<8x1024xi32>
    %shift_left3A_720 = arith.shli %add3A_716, %shift_left3A_719 : vector<8x1024xi32>
    %shift_right_logical3A_721 = arith.constant 19 : i32
    %shift_right_logical3A_722 = vector.broadcast %shift_right_logical3A_721 : i32 to vector<8x1024xi32>
    %shift_right_logical3A_723 = arith.shrui %add3A_716, %shift_right_logical3A_722 : vector<8x1024xi32>
    %or3A_724 = arith.ori %shift_left3A_720, %shift_right_logical3A_723 : vector<8x1024xi32>
    %xor3A_725 = arith.xori %or3A_724, %add3A_717 : vector<8x1024xi32>
    %add3A_726 = arith.addi %add3A_717, %xor3A_725 : vector<8x1024xi32>
    %shift_left3A_727 = arith.constant 15 : i32
    %shift_left3A_728 = vector.broadcast %shift_left3A_727 : i32 to vector<8x1024xi32>
    %shift_left3A_729 = arith.shli %xor3A_725, %shift_left3A_728 : vector<8x1024xi32>
    %shift_right_logical3A_730 = arith.constant 17 : i32
    %shift_right_logical3A_731 = vector.broadcast %shift_right_logical3A_730 : i32 to vector<8x1024xi32>
    %shift_right_logical3A_732 = arith.shrui %xor3A_725, %shift_right_logical3A_731 : vector<8x1024xi32>
    %or3A_733 = arith.ori %shift_left3A_729, %shift_right_logical3A_732 : vector<8x1024xi32>
    %xor3A_734 = arith.xori %or3A_733, %add3A_726 : vector<8x1024xi32>
    %add3A_735 = arith.addi %add3A_726, %xor3A_734 : vector<8x1024xi32>
    %shift_left3A_736 = arith.constant 26 : i32
    %shift_left3A_737 = vector.broadcast %shift_left3A_736 : i32 to vector<8x1024xi32>
    %shift_left3A_738 = arith.shli %xor3A_734, %shift_left3A_737 : vector<8x1024xi32>
    %shift_right_logical3A_739 = arith.constant 6 : i32
    %shift_right_logical3A_740 = vector.broadcast %shift_right_logical3A_739 : i32 to vector<8x1024xi32>
    %shift_right_logical3A_741 = arith.shrui %xor3A_734, %shift_right_logical3A_740 : vector<8x1024xi32>
    %or3A_742 = arith.ori %shift_left3A_738, %shift_right_logical3A_741 : vector<8x1024xi32>
    %xor3A_743 = arith.xori %or3A_742, %add3A_735 : vector<8x1024xi32>
    %add3A_744 = arith.addi %add3A_735, %xor3A_743 : vector<8x1024xi32>
    %shift_left3A_745 = arith.constant 6 : i32
    %shift_left3A_746 = vector.broadcast %shift_left3A_745 : i32 to vector<8x1024xi32>
    %shift_left3A_747 = arith.shli %xor3A_743, %shift_left3A_746 : vector<8x1024xi32>
    %shift_right_logical3A_748 = arith.constant 26 : i32
    %shift_right_logical3A_749 = vector.broadcast %shift_right_logical3A_748 : i32 to vector<8x1024xi32>
    %shift_right_logical3A_750 = arith.shrui %xor3A_743, %shift_right_logical3A_749 : vector<8x1024xi32>
    %or3A_751 = arith.ori %shift_left3A_747, %shift_right_logical3A_750 : vector<8x1024xi32>
    %xor3A_752 = arith.xori %or3A_751, %add3A_744 : vector<8x1024xi32>
    %add3A_753 = arith.constant 894150801 : i32
    %add3A_754 = vector.broadcast %add3A_753 : i32 to vector<8x1024xi32>
    %add3A_755 = arith.addi %add3A_744, %add3A_754 : vector<8x1024xi32>
    %add3A_756 = arith.constant -1806706163 : i32
    %add3A_757 = vector.broadcast %add3A_756 : i32 to vector<8x1024xi32>
    %add3A_758 = arith.addi %xor3A_752, %add3A_757 : vector<8x1024xi32>
    %add3A_759 = arith.constant 1 : i32
    %add3A_760 = vector.broadcast %add3A_759 : i32 to vector<8x1024xi32>
    %add3A_761 = arith.addi %add3A_758, %add3A_760 : vector<8x1024xi32>
    %add3A_762 = arith.addi %add3A_755, %add3A_761 : vector<8x1024xi32>
    %shift_left3A_763 = arith.constant 17 : i32
    %shift_left3A_764 = vector.broadcast %shift_left3A_763 : i32 to vector<8x1024xi32>
    %shift_left3A_765 = arith.shli %add3A_761, %shift_left3A_764 : vector<8x1024xi32>
    %shift_right_logical3A_766 = arith.constant 15 : i32
    %shift_right_logical3A_767 = vector.broadcast %shift_right_logical3A_766 : i32 to vector<8x1024xi32>
    %shift_right_logical3A_768 = arith.shrui %add3A_761, %shift_right_logical3A_767 : vector<8x1024xi32>
    %or3A_769 = arith.ori %shift_left3A_765, %shift_right_logical3A_768 : vector<8x1024xi32>
    %xor3A_770 = arith.xori %or3A_769, %add3A_762 : vector<8x1024xi32>
    %add3A_771 = arith.addi %add3A_762, %xor3A_770 : vector<8x1024xi32>
    %shift_left3A_772 = arith.constant 29 : i32
    %shift_left3A_773 = vector.broadcast %shift_left3A_772 : i32 to vector<8x1024xi32>
    %shift_left3A_774 = arith.shli %xor3A_770, %shift_left3A_773 : vector<8x1024xi32>
    %shift_right_logical3A_775 = arith.constant 3 : i32
    %shift_right_logical3A_776 = vector.broadcast %shift_right_logical3A_775 : i32 to vector<8x1024xi32>
    %shift_right_logical3A_777 = arith.shrui %xor3A_770, %shift_right_logical3A_776 : vector<8x1024xi32>
    %or3A_778 = arith.ori %shift_left3A_774, %shift_right_logical3A_777 : vector<8x1024xi32>
    %xor3A_779 = arith.xori %or3A_778, %add3A_771 : vector<8x1024xi32>
    %add3A_780 = arith.addi %add3A_771, %xor3A_779 : vector<8x1024xi32>
    %shift_left3A_781 = arith.constant 16 : i32
    %shift_left3A_782 = vector.broadcast %shift_left3A_781 : i32 to vector<8x1024xi32>
    %shift_left3A_783 = arith.shli %xor3A_779, %shift_left3A_782 : vector<8x1024xi32>
    %shift_right_logical3A_784 = arith.constant 16 : i32
    %shift_right_logical3A_785 = vector.broadcast %shift_right_logical3A_784 : i32 to vector<8x1024xi32>
    %shift_right_logical3A_786 = arith.shrui %xor3A_779, %shift_right_logical3A_785 : vector<8x1024xi32>
    %or3A_787 = arith.ori %shift_left3A_783, %shift_right_logical3A_786 : vector<8x1024xi32>
    %xor3A_788 = arith.xori %or3A_787, %add3A_780 : vector<8x1024xi32>
    %add3A_789 = arith.addi %add3A_780, %xor3A_788 : vector<8x1024xi32>
    %shift_left3A_790 = arith.constant 24 : i32
    %shift_left3A_791 = vector.broadcast %shift_left3A_790 : i32 to vector<8x1024xi32>
    %shift_left3A_792 = arith.shli %xor3A_788, %shift_left3A_791 : vector<8x1024xi32>
    %shift_right_logical3A_793 = arith.constant 8 : i32
    %shift_right_logical3A_794 = vector.broadcast %shift_right_logical3A_793 : i32 to vector<8x1024xi32>
    %shift_right_logical3A_795 = arith.shrui %xor3A_788, %shift_right_logical3A_794 : vector<8x1024xi32>
    %or3A_796 = arith.ori %shift_left3A_792, %shift_right_logical3A_795 : vector<8x1024xi32>
    %xor3A_797 = arith.xori %or3A_796, %add3A_789 : vector<8x1024xi32>
    %add3A_798 = arith.constant -1806706163 : i32
    %add3A_799 = vector.broadcast %add3A_798 : i32 to vector<8x1024xi32>
    %add3A_800 = arith.addi %add3A_789, %add3A_799 : vector<8x1024xi32>
    %add3A_801 = arith.constant -1160419002 : i32
    %add3A_802 = vector.broadcast %add3A_801 : i32 to vector<8x1024xi32>
    %add3A_803 = arith.addi %xor3A_797, %add3A_802 : vector<8x1024xi32>
    %add3A_804 = arith.constant 2 : i32
    %add3A_805 = vector.broadcast %add3A_804 : i32 to vector<8x1024xi32>
    %add3A_806 = arith.addi %add3A_803, %add3A_805 : vector<8x1024xi32>
    %add3A_807 = arith.addi %add3A_800, %add3A_806 : vector<8x1024xi32>
    %shift_left3A_808 = arith.constant 13 : i32
    %shift_left3A_809 = vector.broadcast %shift_left3A_808 : i32 to vector<8x1024xi32>
    %shift_left3A_810 = arith.shli %add3A_806, %shift_left3A_809 : vector<8x1024xi32>
    %shift_right_logical3A_811 = arith.constant 19 : i32
    %shift_right_logical3A_812 = vector.broadcast %shift_right_logical3A_811 : i32 to vector<8x1024xi32>
    %shift_right_logical3A_813 = arith.shrui %add3A_806, %shift_right_logical3A_812 : vector<8x1024xi32>
    %or3A_814 = arith.ori %shift_left3A_810, %shift_right_logical3A_813 : vector<8x1024xi32>
    %xor3A_815 = arith.xori %or3A_814, %add3A_807 : vector<8x1024xi32>
    %add3A_816 = arith.addi %add3A_807, %xor3A_815 : vector<8x1024xi32>
    %shift_left3A_817 = arith.constant 15 : i32
    %shift_left3A_818 = vector.broadcast %shift_left3A_817 : i32 to vector<8x1024xi32>
    %shift_left3A_819 = arith.shli %xor3A_815, %shift_left3A_818 : vector<8x1024xi32>
    %shift_right_logical3A_820 = arith.constant 17 : i32
    %shift_right_logical3A_821 = vector.broadcast %shift_right_logical3A_820 : i32 to vector<8x1024xi32>
    %shift_right_logical3A_822 = arith.shrui %xor3A_815, %shift_right_logical3A_821 : vector<8x1024xi32>
    %or3A_823 = arith.ori %shift_left3A_819, %shift_right_logical3A_822 : vector<8x1024xi32>
    %xor3A_824 = arith.xori %or3A_823, %add3A_816 : vector<8x1024xi32>
    %add3A_825 = arith.addi %add3A_816, %xor3A_824 : vector<8x1024xi32>
    %shift_left3A_826 = arith.constant 26 : i32
    %shift_left3A_827 = vector.broadcast %shift_left3A_826 : i32 to vector<8x1024xi32>
    %shift_left3A_828 = arith.shli %xor3A_824, %shift_left3A_827 : vector<8x1024xi32>
    %shift_right_logical3A_829 = arith.constant 6 : i32
    %shift_right_logical3A_830 = vector.broadcast %shift_right_logical3A_829 : i32 to vector<8x1024xi32>
    %shift_right_logical3A_831 = arith.shrui %xor3A_824, %shift_right_logical3A_830 : vector<8x1024xi32>
    %or3A_832 = arith.ori %shift_left3A_828, %shift_right_logical3A_831 : vector<8x1024xi32>
    %xor3A_833 = arith.xori %or3A_832, %add3A_825 : vector<8x1024xi32>
    %add3A_834 = arith.addi %add3A_825, %xor3A_833 : vector<8x1024xi32>
    %shift_left3A_835 = arith.constant 6 : i32
    %shift_left3A_836 = vector.broadcast %shift_left3A_835 : i32 to vector<8x1024xi32>
    %shift_left3A_837 = arith.shli %xor3A_833, %shift_left3A_836 : vector<8x1024xi32>
    %shift_right_logical3A_838 = arith.constant 26 : i32
    %shift_right_logical3A_839 = vector.broadcast %shift_right_logical3A_838 : i32 to vector<8x1024xi32>
    %shift_right_logical3A_840 = arith.shrui %xor3A_833, %shift_right_logical3A_839 : vector<8x1024xi32>
    %or3A_841 = arith.ori %shift_left3A_837, %shift_right_logical3A_840 : vector<8x1024xi32>
    %xor3A_842 = arith.xori %or3A_841, %add3A_834 : vector<8x1024xi32>
    %add3A_843 = arith.constant -1160419002 : i32
    %add3A_844 = vector.broadcast %add3A_843 : i32 to vector<8x1024xi32>
    %add3A_845 = arith.addi %add3A_834, %add3A_844 : vector<8x1024xi32>
    %add3A_846 = arith.constant 894150801 : i32
    %add3A_847 = vector.broadcast %add3A_846 : i32 to vector<8x1024xi32>
    %add3A_848 = arith.addi %xor3A_842, %add3A_847 : vector<8x1024xi32>
    %add3A_849 = arith.constant 3 : i32
    %add3A_850 = vector.broadcast %add3A_849 : i32 to vector<8x1024xi32>
    %add3A_851 = arith.addi %add3A_848, %add3A_850 : vector<8x1024xi32>
    %add3A_852 = arith.addi %add3A_845, %add3A_851 : vector<8x1024xi32>
    %shift_left3A_853 = arith.constant 17 : i32
    %shift_left3A_854 = vector.broadcast %shift_left3A_853 : i32 to vector<8x1024xi32>
    %shift_left3A_855 = arith.shli %add3A_851, %shift_left3A_854 : vector<8x1024xi32>
    %shift_right_logical3A_856 = arith.constant 15 : i32
    %shift_right_logical3A_857 = vector.broadcast %shift_right_logical3A_856 : i32 to vector<8x1024xi32>
    %shift_right_logical3A_858 = arith.shrui %add3A_851, %shift_right_logical3A_857 : vector<8x1024xi32>
    %or3A_859 = arith.ori %shift_left3A_855, %shift_right_logical3A_858 : vector<8x1024xi32>
    %xor3A_860 = arith.xori %or3A_859, %add3A_852 : vector<8x1024xi32>
    %add3A_861 = arith.addi %add3A_852, %xor3A_860 : vector<8x1024xi32>
    %shift_left3A_862 = arith.constant 29 : i32
    %shift_left3A_863 = vector.broadcast %shift_left3A_862 : i32 to vector<8x1024xi32>
    %shift_left3A_864 = arith.shli %xor3A_860, %shift_left3A_863 : vector<8x1024xi32>
    %shift_right_logical3A_865 = arith.constant 3 : i32
    %shift_right_logical3A_866 = vector.broadcast %shift_right_logical3A_865 : i32 to vector<8x1024xi32>
    %shift_right_logical3A_867 = arith.shrui %xor3A_860, %shift_right_logical3A_866 : vector<8x1024xi32>
    %or3A_868 = arith.ori %shift_left3A_864, %shift_right_logical3A_867 : vector<8x1024xi32>
    %xor3A_869 = arith.xori %or3A_868, %add3A_861 : vector<8x1024xi32>
    %add3A_870 = arith.addi %add3A_861, %xor3A_869 : vector<8x1024xi32>
    %shift_left3A_871 = arith.constant 16 : i32
    %shift_left3A_872 = vector.broadcast %shift_left3A_871 : i32 to vector<8x1024xi32>
    %shift_left3A_873 = arith.shli %xor3A_869, %shift_left3A_872 : vector<8x1024xi32>
    %shift_right_logical3A_874 = arith.constant 16 : i32
    %shift_right_logical3A_875 = vector.broadcast %shift_right_logical3A_874 : i32 to vector<8x1024xi32>
    %shift_right_logical3A_876 = arith.shrui %xor3A_869, %shift_right_logical3A_875 : vector<8x1024xi32>
    %or3A_877 = arith.ori %shift_left3A_873, %shift_right_logical3A_876 : vector<8x1024xi32>
    %xor3A_878 = arith.xori %or3A_877, %add3A_870 : vector<8x1024xi32>
    %add3A_879 = arith.addi %add3A_870, %xor3A_878 : vector<8x1024xi32>
    %shift_left3A_880 = arith.constant 24 : i32
    %shift_left3A_881 = vector.broadcast %shift_left3A_880 : i32 to vector<8x1024xi32>
    %shift_left3A_882 = arith.shli %xor3A_878, %shift_left3A_881 : vector<8x1024xi32>
    %shift_right_logical3A_883 = arith.constant 8 : i32
    %shift_right_logical3A_884 = vector.broadcast %shift_right_logical3A_883 : i32 to vector<8x1024xi32>
    %shift_right_logical3A_885 = arith.shrui %xor3A_878, %shift_right_logical3A_884 : vector<8x1024xi32>
    %or3A_886 = arith.ori %shift_left3A_882, %shift_right_logical3A_885 : vector<8x1024xi32>
    %xor3A_887 = arith.xori %or3A_886, %add3A_879 : vector<8x1024xi32>
    %add3A_888 = arith.constant 894150801 : i32
    %add3A_889 = vector.broadcast %add3A_888 : i32 to vector<8x1024xi32>
    %add3A_890 = arith.addi %add3A_879, %add3A_889 : vector<8x1024xi32>
    %add3A_891 = arith.constant -1806706163 : i32
    %add3A_892 = vector.broadcast %add3A_891 : i32 to vector<8x1024xi32>
    %add3A_893 = arith.addi %xor3A_887, %add3A_892 : vector<8x1024xi32>
    %add3A_894 = arith.constant 4 : i32
    %add3A_895 = vector.broadcast %add3A_894 : i32 to vector<8x1024xi32>
    %add3A_896 = arith.addi %add3A_893, %add3A_895 : vector<8x1024xi32>
    %add3A_897 = arith.addi %add3A_890, %add3A_896 : vector<8x1024xi32>
    %shift_left3A_898 = arith.constant 13 : i32
    %shift_left3A_899 = vector.broadcast %shift_left3A_898 : i32 to vector<8x1024xi32>
    %shift_left3A_900 = arith.shli %add3A_896, %shift_left3A_899 : vector<8x1024xi32>
    %shift_right_logical3A_901 = arith.constant 19 : i32
    %shift_right_logical3A_902 = vector.broadcast %shift_right_logical3A_901 : i32 to vector<8x1024xi32>
    %shift_right_logical3A_903 = arith.shrui %add3A_896, %shift_right_logical3A_902 : vector<8x1024xi32>
    %or3A_904 = arith.ori %shift_left3A_900, %shift_right_logical3A_903 : vector<8x1024xi32>
    %xor3A_905 = arith.xori %or3A_904, %add3A_897 : vector<8x1024xi32>
    %add3A_906 = arith.addi %add3A_897, %xor3A_905 : vector<8x1024xi32>
    %shift_left3A_907 = arith.constant 15 : i32
    %shift_left3A_908 = vector.broadcast %shift_left3A_907 : i32 to vector<8x1024xi32>
    %shift_left3A_909 = arith.shli %xor3A_905, %shift_left3A_908 : vector<8x1024xi32>
    %shift_right_logical3A_910 = arith.constant 17 : i32
    %shift_right_logical3A_911 = vector.broadcast %shift_right_logical3A_910 : i32 to vector<8x1024xi32>
    %shift_right_logical3A_912 = arith.shrui %xor3A_905, %shift_right_logical3A_911 : vector<8x1024xi32>
    %or3A_913 = arith.ori %shift_left3A_909, %shift_right_logical3A_912 : vector<8x1024xi32>
    %xor3A_914 = arith.xori %or3A_913, %add3A_906 : vector<8x1024xi32>
    %add3A_915 = arith.addi %add3A_906, %xor3A_914 : vector<8x1024xi32>
    %shift_left3A_916 = arith.constant 26 : i32
    %shift_left3A_917 = vector.broadcast %shift_left3A_916 : i32 to vector<8x1024xi32>
    %shift_left3A_918 = arith.shli %xor3A_914, %shift_left3A_917 : vector<8x1024xi32>
    %shift_right_logical3A_919 = arith.constant 6 : i32
    %shift_right_logical3A_920 = vector.broadcast %shift_right_logical3A_919 : i32 to vector<8x1024xi32>
    %shift_right_logical3A_921 = arith.shrui %xor3A_914, %shift_right_logical3A_920 : vector<8x1024xi32>
    %or3A_922 = arith.ori %shift_left3A_918, %shift_right_logical3A_921 : vector<8x1024xi32>
    %xor3A_923 = arith.xori %or3A_922, %add3A_915 : vector<8x1024xi32>
    %add3A_924 = arith.addi %add3A_915, %xor3A_923 : vector<8x1024xi32>
    %shift_left3A_925 = arith.constant 6 : i32
    %shift_left3A_926 = vector.broadcast %shift_left3A_925 : i32 to vector<8x1024xi32>
    %shift_left3A_927 = arith.shli %xor3A_923, %shift_left3A_926 : vector<8x1024xi32>
    %shift_right_logical3A_928 = arith.constant 26 : i32
    %shift_right_logical3A_929 = vector.broadcast %shift_right_logical3A_928 : i32 to vector<8x1024xi32>
    %shift_right_logical3A_930 = arith.shrui %xor3A_923, %shift_right_logical3A_929 : vector<8x1024xi32>
    %or3A_931 = arith.ori %shift_left3A_927, %shift_right_logical3A_930 : vector<8x1024xi32>
    %xor3A_932 = arith.xori %or3A_931, %add3A_924 : vector<8x1024xi32>
    %add3A_933 = arith.constant -1806706163 : i32
    %add3A_934 = vector.broadcast %add3A_933 : i32 to vector<8x1024xi32>
    %add3A_935 = arith.addi %add3A_924, %add3A_934 : vector<8x1024xi32>
    %add3A_936 = arith.constant -1160419002 : i32
    %add3A_937 = vector.broadcast %add3A_936 : i32 to vector<8x1024xi32>
    %add3A_938 = arith.addi %xor3A_932, %add3A_937 : vector<8x1024xi32>
    %add3A_939 = arith.constant 5 : i32
    %add3A_940 = vector.broadcast %add3A_939 : i32 to vector<8x1024xi32>
    %add3A_941 = arith.addi %add3A_938, %add3A_940 : vector<8x1024xi32>
    %xor3A_942 = arith.xori %add3A_935, %add3A_941 : vector<8x1024xi32>
    %shift_right_logical3A_943 = arith.constant 9 : i32
    %shift_right_logical3A_944 = vector.broadcast %shift_right_logical3A_943 : i32 to vector<8x1024xi32>
    %shift_right_logical3A_945 = arith.shrui %xor3A_942, %shift_right_logical3A_944 : vector<8x1024xi32>
    %lt3A_946 = arith.constant 838861 : i32
    %lt3A_947 = vector.broadcast %lt3A_946 : i32 to vector<8x1024xi32>
    %lt3A_948 = arith.cmpi slt, %shift_right_logical3A_945, %lt3A_947 : vector<8x1024xi32>
    %get3A = arith.constant 0 : index
    %get3A_949 = vector.load %arg1[%get3A] : memref<8192xi32, #tpu.memory_space<vmem>>, vector<8192xi32>
    %reshape3A = vector.shape_cast %get3A_949 : vector<8192xi32> to vector<8x1024xi32>
    %get3A_950 = arith.constant 0 : index
    %get3A_951 = vector.load %arg2[%get3A_950] : memref<8192xf32, #tpu.memory_space<vmem>>, vector<8192xf32>
    %reshape3A_952 = vector.shape_cast %get3A_951 : vector<8192xf32> to vector<8x1024xf32>
    %get3A_953 = arith.constant 0 : index
    %get3A_954 = vector.load %arg3[%get3A_953] : memref<8192xi32, #tpu.memory_space<vmem>>, vector<8192xi32>
    %reshape3A_955 = vector.shape_cast %get3A_954 : vector<8192xi32> to vector<8x1024xi32>
    %jit3A = arith.constant 0 : i32
    %broadcast_in_dim3A_956 = vector.broadcast %jit3A : i32 to vector<8x1024xi32>
    %select_n3A = arith.select %lt3A_237, %broadcast_in_dim3A_956, %reshape3A : vector<8x1024xi1>, vector<8x1024xi32>
    %reshape3A_957 = vector.shape_cast %select_n3A : vector<8x1024xi32> to vector<8192xi32>
    %swap3A = arith.constant 0 : index
    %swap3A_958 = vector.load %arg4[%swap3A] : memref<8192xi32, #tpu.memory_space<vmem>>, vector<8192xi32>
    tpu.vector_store %arg4[%swap3A], %reshape3A_957 {strides = array<i32>} : memref<8192xi32, #tpu.memory_space<vmem>>, vector<8192xi32>,
    %jit3A_959 = arith.constant 0.000000e+00 : f32
    %broadcast_in_dim3A_960 = vector.broadcast %jit3A_959 : f32 to vector<8x1024xf32>
    %select_n3A_961 = arith.select %lt3A_711, %broadcast_in_dim3A_960, %reshape3A_952 : vector<8x1024xi1>, vector<8x1024xf32>
    %reshape3A_962 = vector.shape_cast %select_n3A_961 : vector<8x1024xf32> to vector<8192xf32>
    %swap3A_963 = arith.constant 0 : index
    %swap3A_964 = vector.load %arg5[%swap3A_963] : memref<8192xf32, #tpu.memory_space<vmem>>, vector<8192xf32>
    tpu.vector_store %arg5[%swap3A_963], %reshape3A_962 {strides = array<i32>} : memref<8192xf32, #tpu.memory_space<vmem>>, vector<8192xf32>,
    %jit3A_965 = arith.constant 0 : i32
    %broadcast_in_dim3A_966 = vector.broadcast %jit3A_965 : i32 to vector<8x1024xi32>
    %select_n3A_967 = arith.select %lt3A_948, %broadcast_in_dim3A_966, %reshape3A_955 : vector<8x1024xi1>, vector<8x1024xi32>
    %reshape3A_968 = vector.shape_cast %select_n3A_967 : vector<8x1024xi32> to vector<8192xi32>
    %swap3A_969 = arith.constant 0 : index
    %swap3A_970 = vector.load %arg6[%swap3A_969] : memref<8192xi32, #tpu.memory_space<vmem>>, vector<8192xi32>
    tpu.vector_store %arg6[%swap3A_969], %reshape3A_968 {strides = array<i32>} : memref<8192xi32, #tpu.memory_space<vmem>>, vector<8192xi32>,
    %reshape3A_971 = vector.shape_cast %lt3A_237 : vector<8x1024xi1> to vector<8192xi1>
    %swap3A_972 = arith.constant 0 : index
    %swap3A_973 = vector.load %arg7[%swap3A_972] : memref<8192xi32, #tpu.memory_space<vmem>>, vector<8192xi32>
    %swap3A_974 = arith.extui %reshape3A_971 : vector<8192xi1> to vector<8192xi32>
    %swap3A_975 = arith.constant dense<0> : vector<8192xi32>
    %swap3A_976 = arith.cmpi ne, %swap3A_973, %swap3A_975 : vector<8192xi32>
    tpu.vector_store %arg7[%swap3A_972], %swap3A_974 {strides = array<i32>} : memref<8192xi32, #tpu.memory_space<vmem>>, vector<8192xi32>,
    %reshape3A_977 = vector.shape_cast %lt3A_474 : vector<8x1024xi1> to vector<8192xi1>
    %swap3A_978 = arith.constant 0 : index
    %swap3A_979 = vector.load %arg8[%swap3A_978] : memref<8192xi32, #tpu.memory_space<vmem>>, vector<8192xi32>
    %swap3A_980 = arith.extui %reshape3A_977 : vector<8192xi1> to vector<8192xi32>
    %swap3A_981 = arith.constant dense<0> : vector<8192xi32>
    %swap3A_982 = arith.cmpi ne, %swap3A_979, %swap3A_981 : vector<8192xi32>
    tpu.vector_store %arg8[%swap3A_978], %swap3A_980 {strides = array<i32>} : memref<8192xi32, #tpu.memory_space<vmem>>, vector<8192xi32>,
    %reshape3A_983 = vector.shape_cast %lt3A_711 : vector<8x1024xi1> to vector<8192xi1>
    %swap3A_984 = arith.constant 0 : index
    %swap3A_985 = vector.load %arg9[%swap3A_984] : memref<8192xi32, #tpu.memory_space<vmem>>, vector<8192xi32>
    %swap3A_986 = arith.extui %reshape3A_983 : vector<8192xi1> to vector<8192xi32>
    %swap3A_987 = arith.constant dense<0> : vector<8192xi32>
    %swap3A_988 = arith.cmpi ne, %swap3A_985, %swap3A_987 : vector<8192xi32>
    tpu.vector_store %arg9[%swap3A_984], %swap3A_986 {strides = array<i32>} : memref<8192xi32, #tpu.memory_space<vmem>>, vector<8192xi32>,
    %reshape3A_989 = vector.shape_cast %lt3A_948 : vector<8x1024xi1> to vector<8192xi1>
    %swap3A_990 = arith.constant 0 : index
    %swap3A_991 = vector.load %arg10[%swap3A_990] : memref<8192xi32, #tpu.memory_space<vmem>>, vector<8192xi32>
    %swap3A_992 = arith.extui %reshape3A_989 : vector<8192xi1> to vector<8192xi32>
    %swap3A_993 = arith.constant dense<0> : vector<8192xi32>
    %swap3A_994 = arith.cmpi ne, %swap3A_991, %swap3A_993 : vector<8192xi32>
    tpu.vector_store %arg10[%swap3A_990], %swap3A_992 {strides = array<i32>} : memref<8192xi32, #tpu.memory_space<vmem>>, vector<8192xi32>,
    return
  }
  func.func @transform_0(%arg0: i32) -> i32 {
    %c0_i32 = arith.constant 0 : i32
    return %arg0 : i32
  }
  func.func @transform_1(%arg0: i32) -> i32 {
    %c0_i32 = arith.constant 0 : i32
    return %arg0 : i32
  }
  func.func @transform_2(%arg0: i32) -> i32 {
    %c0_i32 = arith.constant 0 : i32
    return %arg0 : i32
  }
  func.func @transform_3(%arg0: i32) -> i32 {
    %c0_i32 = arith.constant 0 : i32
    return %arg0 : i32
  }
  func.func @transform_4(%arg0: i32) -> i32 {
    %c0_i32 = arith.constant 0 : i32
    return %arg0 : i32
  }
  func.func @transform_5(%arg0: i32) -> i32 {
    %c0_i32 = arith.constant 0 : i32
    return %arg0 : i32
  }
  func.func @transform_6(%arg0: i32) -> i32 {
    %c0_i32 = arith.constant 0 : i32
    return %arg0 : i32
  }
  func.func @transform_7(%arg0: i32) -> i32 {
    %c0_i32 = arith.constant 0 : i32
    return %arg0 : i32
  }
  func.func @transform_8(%arg0: i32) -> i32 {
    %c0_i32 = arith.constant 0 : i32
    return %arg0 : i32
  }
  func.func @transform_9(%arg0: i32) -> i32 {
    %c0_i32 = arith.constant 0 : i32
    return %arg0 : i32
  }
}

</mosaic_0001>

<sc_bundles>
// kernel: kernel.4.cloned.1.call-start
scs
__scs_entry_jumppad:
0x0: {  	(pc) =	sbr.rel $0x88, $3  }
0x1: {  	(tag) =	ssettag $0x0;
	lr =	simm.s32 $0x1  }
0x2: {  	[smem:$0x3F9D] =	sst lr;
	_ =	strace $0xD0000000  }
0x3: {  	_ = 	snop  }
0x4: {  	_ = 	snop  }
0x5: {  	_ = 	snop  }
0x6: {  	_ = 	snop  }
0x7: {  	_ = 	snop  }
__scs_overlays_trampoline_lowered:
0x8: {  	[smem:$0x3FAC] =	sst s0  }
0x9: {  	[smem:$0x3FAD] =	sst s1  }
0xa: {  	[smem:$0x3FAE] =	sst s2  }
0xb: {  	[smem:$0x3FAF] =	sst s3  }
0xc: {  	[smem:$0x3FB0] =	sst s4  }
0xd: {  	[smem:$0x3FB1] =	sst s5  }
0xe: {  	[smem:$0x3FB2] =	sst s6  }
0xf: {  	[smem:$0x3FB3] =	sst s7  }
0x10: {  	[smem:$0x3FB4] =	sst s8  }
0x11: {  	[smem:$0x3FB5] =	sst s9;
	s0 =	simm.s32 @!p0 $0x0  }
0x12: {  	s1 =	sld [smem:$0x3F9B];
	s0 =	simm.s32 @p0 $0x1  }
0x13: {  	[smem:$0x3FB6] =	sst s0;
	s0 =	simm.s32 @!p1 $0x0  }
0x14: {  	s2 =	sld [smem:$0x3F9A];
	s0 =	simm.s32 @p1 $0x1  }
0x15: {  	[smem:$0x3FB7] =	sst s0;
	s0 =	simm.s32 @!p2 $0x0  }
0x16: {  	s3 =	sld [smem:$0x3FDB];
	s0 =	simm.s32 @p2 $0x1  }
0x17: {  	s4 =	simm.s32 $0x1BF5;
	[smem:$0x3FB9] =	sst s0  }
0x18: {  	s0 =	sld [smem:$0x3F9C];
	_ =	swait.ge [sflag:s4], $0x0  }
0x19: {  	s7 =	sld [smem:$0x3F9D]  }
0x1a: {  	s8 =	sadd.s32 $0xFFFFE003, lr  }
0x1b: {  	s9 =	sadd.s32 $0xFFFFFEF7, lr;
	s5 =	simm.s32 $0xFFFFFFFF;
	p2 =	slt.u32 s8, $0xFFFFF086  }
0x1c: {  	p1 =	slt.u32 s9, $0xF7A;
	s5 =	simm.s32 @!p2 $0x0  }
0x1d: {  	s5 =	simm.s32 @p1 $0x1;
	p0 =	seq.s32 s7, s2  }
0x1e: {  	s7 =	smul.u32 @!p0 $0xF7A, s2;
	p2 =	seq.s32 @!p0 s5, $0x0  }
0x1f: {  	s9 =	smul.u32 $0xF7A, s1;
	s8 =	simm.s32 @!p0 $0x1BF5;
	p2 =	por !p2, p0  }
0x20: {  	[sflag:s8] =	ssyncset.s32 @!p0 $0xFFFFF086;
	s6 =	sadd.s32 @!p0 s3, s7;
	s7 =	simm.s32 @!p0 $0x108  }
0x21: {  	s3 =	sadd.s32 s3, s9;
	s6 =	sadd.s32 @!p0 $0x88, s6;
	s7 =	simm.s32 @p2 $0x1082  }
0x22: {  	[simem:s7], [sflag:s8] =	dma.local @!p0 [hbm:s6], $0xF7A  }
0x23: {  	s9 =	sor.u32 $0xD0000000, s2;
	s6 =	simm.s32 $0x108;
	_ =	swait.ge @!p0 [sflag:s8], $0x0  }
0x24: {  	s3 =	sadd.s32 $0x88, s3;
	s6 =	simm.s32 @!p1 $0x1082;
	[sflag:s4] =	ssyncset.s32 $0xFFFFF086  }
0x25: {  	[simem:s6], [sflag:s4] =	dma.local [hbm:s3], $0xF7A  }
0x26: {  	[smem:$0x3F9D] =	sst s1;
	(tag) =	ssettag s2;
	_ =	strace s9  }
0x27: {  	s1 =	sld [smem:$0x3FAD]  }
0x28: {  	s2 =	sld [smem:$0x3FAE]  }
0x29: {  	s4 =	sld [smem:$0x3FB0]  }
0x2a: {  	p0 =	seq.s32 s5, $0x0;
	s5 =	sld [smem:$0x3FB1]  }
0x2b: {  	s6 =	sld [smem:$0x3FB2]  }
0x2c: {  	s7 =	sld [smem:$0x3FB3]  }
0x2d: {  	s3 =	simm.s32 $0x108;
	s8 =	sld [smem:$0x3FB4]  }
0x2e: {  	s3 =	simm.s32 @!p0 $0x1082;
	s9 =	sld [smem:$0x3FB5]  }
0x2f: {  	lr =	sadd.s32 s0, s3;
	s0 =	sld [smem:$0x3FAC]  }
0x30: {  	s3 =	sld [smem:$0x3FAF]  }
0x31: {  	[smem:$0x3FB8] =	sst s10  }
0x32: {  	s10 =	sld [smem:$0x3FB6];
	_ =	sdelay $0x3  }
0x33: {  	p0 =	seq.s32 s10, $0x1;
	s10 =	sld [smem:$0x3FB8];
	_ =	sdelay $0x3  }
0x34: {  	[smem:$0x3FB8] =	sst s10  }
0x35: {  	s10 =	sld [smem:$0x3FB7];
	_ =	sdelay $0x3  }
0x36: {  	p1 =	seq.s32 s10, $0x1;
	s10 =	sld [smem:$0x3FB8];
	_ =	sdelay $0x3  }
0x37: {  	[smem:$0x3FB8] =	sst s10  }
0x38: {  	s10 =	sld [smem:$0x3FB9]  }
0x39: {  	_ = 	snop;
	(pc) =	sbr.ind lr, $3  }
0x3a: {  	_ = 	snop  }
0x3b: {  	_ = 	snop  }
0x3c: {  	p2 =	seq.s32 s10, $0x1;
	s10 =	sld [smem:$0x3FB8]  }
0x3d: {  	_ =	shalt  }
0x3e: {  	_ =	shalt  }
0x3f: {  	_ =	shalt  }
0x40: {  	_ =	shalt  }
0x41: {  	_ =	shalt  }
0x42: {  	_ =	shalt  }
0x43: {  	_ =	shalt  }
0x44: {  	_ =	shalt  }
0x45: {  	_ =	shalt  }
0x46: {  	_ =	shalt  }
0x47: {  	_ =	shalt  }
0x48: {  	_ =	shalt  }
0x49: {  	_ =	shalt  }
0x4a: {  	_ =	shalt  }
0x4b: {  	_ =	shalt  }
0x4c: {  	_ =	shalt  }
0x4d: {  	_ =	shalt  }
0x4e: {  	_ =	shalt  }
0x4f: {  	_ =	shalt  }
0x50: {  	_ =	shalt  }
0x51: {  	_ =	shalt  }
0x52: {  	_ =	shalt  }
0x53: {  	_ =	shalt  }
0x54: {  	_ =	shalt  }
0x55: {  	_ =	shalt  }
0x56: {  	_ =	shalt  }
0x57: {  	_ =	shalt  }
0x58: {  	_ =	shalt  }
0x59: {  	_ =	shalt  }
0x5a: {  	_ =	shalt  }
0x5b: {  	_ =	shalt  }
0x5c: {  	_ =	shalt  }
0x5d: {  	_ =	shalt  }
0x5e: {  	_ =	shalt  }
0x5f: {  	_ =	shalt  }
0x60: {  	_ =	shalt  }
0x61: {  	_ =	shalt  }
0x62: {  	_ =	shalt  }
0x63: {  	_ =	shalt  }
0x64: {  	_ =	shalt  }
0x65: {  	_ =	shalt  }
0x66: {  	_ =	shalt  }
0x67: {  	_ =	shalt  }
0x68: {  	_ =	shalt  }
0x69: {  	_ =	shalt  }
0x6a: {  	_ =	shalt  }
0x6b: {  	_ =	shalt  }
0x6c: {  	_ =	shalt  }
0x6d: {  	_ =	shalt  }
0x6e: {  	_ =	shalt  }
0x6f: {  	_ =	shalt  }
0x70: {  	_ =	shalt  }
0x71: {  	_ =	shalt  }
0x72: {  	_ =	shalt  }
0x73: {  	_ =	shalt  }
0x74: {  	_ =	shalt  }
0x75: {  	_ =	shalt  }
0x76: {  	_ =	shalt  }
0x77: {  	_ =	shalt  }
0x78: {  	_ =	shalt  }
0x79: {  	_ =	shalt  }
0x7a: {  	_ =	shalt  }
0x7b: {  	_ =	shalt  }
0x7c: {  	_ =	shalt  }
0x7d: {  	_ =	shalt  }
0x7e: {  	_ =	shalt  }
0x7f: {  	_ =	shalt  }
0x80: {  	_ =	shalt  }
0x81: {  	_ =	shalt  }
0x82: {  	_ =	shalt  }
0x83: {  	_ =	shalt  }
0x84: {  	_ =	shalt  }
0x85: {  	_ =	shalt  }
0x86: {  	_ =	shalt  }
0x87: {  	_ =	shalt  }
.Lfunc_end0:
.L_simem_size_0:
called_computation_lowered:
.L_overlay_start_0:
0x88: {  	s2 =	sld [smem:$0x3FD9]  }
0x89: {  	s3 =	sld [smem:$0x3FFE];
	_ =	sdelay $0x1  }
0x8a: {  	s1 =	srdreg.scid  }
0x8b: {  	s0 =	sand.u32 $0x1, s1  }
0x8c: {  	s15 =	sshll.u32 s0, $0xA;
	s2 =	sadd.s32 s3, s2  }
0x8d: {  	s2 =	sadd.s32 s2, s15  }
0x8e: {  	[smem:$0x3FC4] =	sst s2  }
0x8f: {  	_ = 	snop  }
0x90: {  	s2 =	sld [smem:$0x3FD0];
	_ =	sdelay $0x2  }
0x91: {  	s4 =	simm.s32 $0xA;
	s5 =	simm.s32 $0x10;
	s16 =	sld [smem:$0x3FC8]  }
0x92: {  	[smem:s5], [sflag:s4] =	dma.local [hbm:s2], $0x1  }
0x93: {  	_ =	swait.eq [sflag:s4], $0x1  }
0x94: {  	[sflag:s4] =	ssyncset.done $0x0  }
0x95: {  	[sflag:s4] =	ssyncadd.s32 $0xFFFFFFFF  }
0x96: {  	s17 =	sld [smem:$0x11];
	(tm) =	ssettm $0x1  }
0x97: {  	s18 =	sld [smem:$0x3FFB];
	_ =	sdelay $0x3  }
0x98: {  	_ =	strace s18  }
0x99: {  	s4 =	sld [smem:$0x3FFC];
	_ =	sdelay $0x3  }
0x9a: {  	_ =	strace s4  }
0x9b: {  	s4 =	sld [smem:$0x3FFD];
	_ =	sdelay $0x3  }
0x9c: {  	_ =	strace s4  }
0x9d: {  	_ =	strace $0x8FFFFFFF  }
0x9e: {  	s19 =	sld [smem:$0x3FDB];
	_ =	sdelay $0x1  }
0x9f: {  	s20 =	simm.s32 $_scs_section_size  }
0xa0: {  	s6 =	simm.s32 $_size__tile_overlayer_lowered;
	s7 =	simm.s32 $_tile_overlayer_lowered  }
0xa1: {  	s23 =	simm.s32 $0x1BFF;
	s22 =	sshll.u32 s7, $0x1;
	s4 =	sadd.s32 s20, s19  }
0xa2: {  	s8 =	simm.s32 $0x0;
	s21 =	sshll.u32 s6, $0x1;
	s6 =	sadd.s32 s22, s4  }
0xa3: {  	[timem:s8], [sflag:s23] =	dma.local [hbm:s6], s21  }
0xa4: {  	_ =	swait.ge [sflag:s23], s21  }
0xa5: {  	s5 =	ssub.s32 $0x0, s21;
	[sflag:s23] =	ssyncset.done $0x0  }
0xa6: {  	[sflag:s23] =	ssyncadd.s32 s5;
	_ =	sdelay $0x1  }
0xa7: {  	s24 =	simm.s32 $0x1B8B  }
0xa8: {  	_ =	swait.ge [sflag:s24], $0x1  }
0xa9: {  	[sflag:s24] =	ssyncset.done $0x0  }
0xaa: {  	s25 =	simm.s32 $0x1B8E;
	[sflag:s24] =	ssyncadd.s32 $0xFFFFFFFF  }
0xab: {  	s26 =	simm.s32 $execute0_lowered;
	[smem:$0x3FD2] =	sst s25  }
0xac: {  	s5 =	sshll.u32 s26, $0x1;
	_ =	strace $0x80000046;
	[dreg:$0x1] =	wrdreg $0xFFFFFFFF  }
0xad: {  	s28 =	simm.s32 $_size_execute0_lowered;
	s4 =	sadd.s32 s4, s5;
	[dreg:$0x0] =	wrdreg $0x0  }
0xae: {  	s5 =	sshll.u32 s28, $0x1;
	[dreg:$0x2] =	wrdreg s4  }
0xaf: {  	[dreg:$0x3] =	wrdreg s5  }
0xb0: {  	[dreg:$0x4] =	wrdreg $0xC0  }
0xb1: {  	_ =	task [dreg:s8], $0x5FFFF  }
0xb2: {  	[dreg:$0x1] =	wrdreg $0xFFFFFFFF  }
0xb3: {  	[dreg:$0x0] =	wrdreg $0x60  }
0xb4: {  	[dreg:$0x2] =	wrdreg s16  }
0xb5: {  	[dreg:$0x3] =	wrdreg s17  }
0xb6: {  	[dreg:$0x4] =	wrdreg $0x9  }
0xb7: {  	_ =	task.clear_ibuf [dreg:s8], $0x5FFFF;
	_ =	strace $0x90000046  }
0xb8: {  	s29 =	simm.s32 $0x9;
	_ =	strace $0x80000048  }
0xb9: {  	_ =	swait.ge [sflag:s29], $0x1  }
0xba: {  	[sflag:s29] =	ssyncadd.s32 $0xFFFFFFFF  }
0xbb: {  	_ =	strace $0x90000048  }
0xbc: {  	_ =	sfence  }
0xbd: {  	s30 =	sld [smem:$0x0];
	_ =	sdelay $0x2  }
0xbe: {  	s31 =	sshll.u32 s1, $0xD;
	s1 =	sshrl.u32 s1, $0x2  }
0xbf: {  	s3 =	sand.u32 $0x4000, s31;
	s1 =	sadd.s32 s1, s30  }
0xc0: {  	s0 =	sor.u32 s3, s0;
	s1 =	sshll.u32 s1, $0x11  }
0xc1: {  	s0 =	sor.u32 s1, s0  }
0xc2: {  	s0 =	sadd.s32 $0x8F2B, s0  }
0xc3: {  	[sflag:s0] =	ssyncadd.remote.s32 $0x1  }
0xc4: {  	_ =	sfence.sel $0xFFFF  }
0xc5: {  	[dreg:$0x0] =	wrdreg $0xFFFFFFFF;
	(pc) =	sbr.abs _section_cstart, $3  }
0xc6: {  	[dreg:$0x1] =	wrdreg $0xFFFFFFFF  }
0xc7: {  	_ =	task.clear_ibuf [dreg:s8], $0x2FFFF;
	_ =	strace $0x9FFFFFFF  }
0xc8: {  	(tm) =	ssettm $0x7FFFFFFF  }
0xc9: {  	_ =	shalt  }
tec
execute0_lowered:
.L_overlay_start_1:
0x0: {  	(tag) =	ssettag $0x1  }
0x1: {  	s2 =	rddreg [dreg:$0x0]  }
0x2: {  	s3 =	rddreg [dreg:$0x1];
	s0 =	srdreg.scid  }
0x3: {  	s6 =	stileid.u32;
	s4 =	simm.s32 $0x0;
	s11 =	simm.s32 $0x3  }
0x4: {  	s12 =	simm.s32 $0x4;
	s13 =	simm.s32 $0x2;
	s14 =	simm.s32 $0x12000  }
0x5: {  	s16 =	simm.s32 $0xC000;
	s17 =	simm.s32 $0x1;
	s18 =	simm.s32 $0x0  }
0x6: {  	s0 =	sand.u32 $0x1, s0;
	s5 =	sshll.u32 s6, $0x1;
	[smem:$0x7FF] =	sst s4  }
0x7: {  	p0 =	slt.u32 s6, $0x4;
	s6 =	simm.s32 $0x11;
	s5 =	sor.u32 s0, s5  }
0x8: {  	s29 =	sadd.s32 $0x186000, s2;
	s1 =	ssub.s32 $0x2, s0;
	s0 =	smul.u32 $0xC00, s5  }
.Ltmp0:
0x9: {  	s30 =	sadd.s32 $0x186000, s3;
	_ =	strace $0x80000047;
	(pc) =	sbr.rel .LBB2_1-.Ltmp0, $4  }
0xa: {  	s6 =	simm.s32 @!p0 $0x10;
	[dreg:$0x4] =	wrdreg s29;
	s7 =	sshrl.u32 s1, $0x1  }
0xb: {  	[dreg:$0x5] =	wrdreg s30;
	s1 =	ssub.s32 s1, s7;
	s0 =	sadd.s32 s2, s0  }
0xc: {  	v1 =	vlaneseq.u32;
	s11 =	simm.s32 @!p0 $0x4;
	s31 =	smax.u32 s1, $0x1;
	[dreg:$0x3] =	wrdreg s0  }
0xd: {  	v2 =	vimm.f32 $1.000000000e+00;
	v0 =	vadd.s32 $0xADD083F4, v1;
	v1 =	vadd.s32 $0xB1A83721, v1;
	s12 =	simm.s32 @!p0 $0x3;
	p0 =	sne.s32 s5, $0x0;
	[dreg:$0x6] =	wrdreg s31  }
.LBB2_14:
0xe: {  	_ =	swait.ge [sflag:s11], $0x6000  }
.Ltmp1:
0xf: {  	[sflag:s11] =	ssyncset.done $0x0;
	(pc) =	sbr.rel @!p0 .LBB2_15-.Ltmp1, $4  }
0x10: {  	[sflag:s11] =	ssyncadd.s32 $0xFFFFA000  }
0x11: {  	_ =	swait.ge [sflag:s12], $0x6000  }
0x12: {  	[sflag:s12] =	ssyncset.done $0x0  }
0x13: {  	[sflag:s12] =	ssyncadd.s32 $0xFFFFA000  }
.LBB2_20:
0x14: {  	s18 =	sadd.s32 $0x1, s18;
	s0 =	rddreg [dreg:$0x6]  }
0x15: {  	p1 =	sne.s32 s18, s0  }
.Ltmp2:
0x16: {  	_ = 	snop;
	(pc) =	sbr.rel @!p1 .LBB2_21-.Ltmp2, $1  }
0x17: {  	_ =	sdelay $0x3  }
.LBB2_1:
.Ltmp3:
0x18: {  	(pc) =	sbr.rel .LBB2_2-.Ltmp3, $3  }
0x19: {  	_ =	sdelay $0x1  }
0x1a: {  	s0 =	rddreg [dreg:$0x3];
	s20 =	simm.s32 $0x0  }
0x1b: {  	[tilespmem:s4], [sflag:$0x1] =	stream.linear.gather [hbm4b:s0+s4], $0x6000, $0x38;
	[tilespmem:$0x18000] =	vst v63  }
.LBB2_13:
0x1c: {  	p1 =	sne.s32 s19, s6  }
.Ltmp4:
0x1d: {  	_ = 	snop;
	(pc) =	sbr.rel @!p1 .LBB2_14-.Ltmp4, $2  }
0x1e: {  	_ =	sdelay $0x2  }
0x1f: {  	s20 =	smov.u32 s19  }
.LBB2_2:
0x20: {  	s21 =	sand.u32 $0x1, s20  }
0x21: {  	p1 =	seq.s32 s21, $0x1  }
.Ltmp5:
0x22: {  	_ = 	snop;
	(pc) =	sbr.rel @p1 .LBB2_8-.Ltmp5, $1  }
0x23: {  	_ =	sdelay $0x3  }
0x24: {  	s19 =	sor.u32 $0x1, s20  }
0x25: {  	p1 =	sge.u32 s19, s6  }
0x26: {  	s0 =	sshll.u32 @!p1 s19, $0x5  }
0x27: {  	s0 =	sor.u32 @!p1 s5, s0  }
0x28: {  	s0 =	smul.u32 @!p1 $0xC00, s0;
	_ =	sdelay $0x1  }
0x29: {  	s1 =	simm.s32 @!p1 $0x0;
	s8 =	simm.s32 @!p1 $0x6000;
	s0 =	sadd.s32 @!p1 s2, s0  }
0x2a: {  	[tilespmem:s8], [sflag:$0x2] =	stream.linear.gather @!p1 [hbm4b:s0+s1], $0x6000, $0x38;
	[tilespmem:$0x18000] =	vst v63  }
0x2b: {  	_ =	swait.ge [sflag:s17], $0x6000  }
0x2c: {  	p1 =	slt.u32 s20, $0x2;
	[sflag:s17] =	ssyncset.done $0x0  }
0x2d: {  	s31 =	sshll.u32 s20, $0x5;
	s0 =	simm.s32 @!p1 $0x3;
	[sflag:s17] =	ssyncadd.s32 $0xFFFFA000  }
0x2e: {  	s24 =	simm.s32 $0x0;
	s22 =	sor.u32 s5, s31;
	_ =	swait.ge @!p1 [sflag:s0], $0x6000  }
0x2f: {  	s28 =	simm.s32 $0x0;
	s23 =	smul.u32 $0xC0, s22;
	[sflag:s0] =	ssyncset.done @!p1 $0x0  }
0x30: {  	s1 =	simm.s32 $0x100;
	[sflag:s0] =	ssyncadd.s32 @!p1 $0xFFFFA000;
	s0 =	simm.s32 $0xC100  }
.LBB2_4:
0x31: {  	s8 =	sshll.u32 s28, $0x4  }
0x32: {  	s8 =	sadd.s32 s23, s8  }
0x33: {  	v3 =	vadd.s32 s8, v0  }
0x34: {  	v4 =	vshrl.u32 v3, $0x13;
	v3 =	vshll.u32 v3, $0xD  }
0x35: {  	v5 =	vadd.s32 s8, v1;
	v3 =	vor.u32 v4, v3  }
0x36: {  	v3 =	vxor.u32 v5, v3  }
0x37: {  	v4 =	vshrl.u32 v3, $0x11;
	v6 =	vshll.u32 v3, $0xF  }
0x38: {  	v3 =	vadd.s32 v5, v3;
	v4 =	vor.u32 v4, v6  }
0x39: {  	v4 =	vxor.u32 v3, v4  }
0x3a: {  	v5 =	vshrl.u32 v4, $0x6;
	v6 =	vshll.u32 v4, $0x1A  }
0x3b: {  	v3 =	vadd.s32 v3, v4;
	v4 =	vor.u32 v5, v6  }
0x3c: {  	v4 =	vxor.u32 v3, v4  }
0x3d: {  	v5 =	vshrl.u32 v4, $0x1A;
	v6 =	vshll.u32 v4, $0x6  }
0x3e: {  	v3 =	vadd.s32 v3, v4;
	v4 =	vor.u32 v5, v6  }
0x3f: {  	v4 =	vxor.u32 v3, v4  }
0x40: {  	v4 =	vadd.s32 $0xB5D62B04, v4  }
0x41: {  	v3 =	vadd.s32 v4, v3;
	v5 =	vshrl.u32 v4, $0xF;
	v4 =	vshll.u32 v4, $0x11  }
0x42: {  	v3 =	vadd.s32 $0xADD083F4, v3;
	v4 =	vor.u32 v5, v4  }
0x43: {  	v4 =	vxor.u32 v3, v4  }
0x44: {  	v5 =	vshrl.u32 v4, $0x3;
	v6 =	vshll.u32 v4, $0x1D  }
0x45: {  	v3 =	vadd.s32 v3, v4;
	v4 =	vor.u32 v5, v6  }
0x46: {  	v4 =	vxor.u32 v3, v4  }
0x47: {  	v5 =	vshrl.u32 v4, $0x10;
	v6 =	vshll.u32 v4, $0x10  }
0x48: {  	v3 =	vadd.s32 v3, v4;
	v4 =	vor.u32 v5, v6  }
0x49: {  	v4 =	vxor.u32 v3, v4  }
0x4a: {  	v5 =	vshrl.u32 v4, $0x8;
	v6 =	vshll.u32 v4, $0x18  }
0x4b: {  	v3 =	vadd.s32 v3, v4;
	v4 =	vor.u32 v5, v6  }
0x4c: {  	v4 =	vxor.u32 v3, v4  }
0x4d: {  	v4 =	vadd.s32 $0x3D7B32F, v4  }
0x4e: {  	v3 =	vadd.s32 v4, v3;
	v5 =	vshrl.u32 v4, $0x13;
	v4 =	vshll.u32 v4, $0xD  }
0x4f: {  	v3 =	vadd.s32 $0xB5D62B03, v3;
	v4 =	vor.u32 v5, v4  }
0x50: {  	v4 =	vxor.u32 v3, v4  }
0x51: {  	v5 =	vshrl.u32 v4, $0x11;
	v6 =	vshll.u32 v4, $0xF  }
0x52: {  	v3 =	vadd.s32 v3, v4;
	v4 =	vor.u32 v5, v6  }
0x53: {  	v4 =	vxor.u32 v3, v4  }
0x54: {  	v5 =	vshrl.u32 v4, $0x6;
	v6 =	vshll.u32 v4, $0x1A  }
0x55: {  	v3 =	vadd.s32 v3, v4;
	v4 =	vor.u32 v5, v6  }
0x56: {  	v4 =	vxor.u32 v3, v4  }
0x57: {  	v5 =	vshrl.u32 v4, $0x1A;
	v6 =	vshll.u32 v4, $0x6  }
0x58: {  	v3 =	vadd.s32 v3, v4;
	v4 =	vor.u32 v5, v6  }
0x59: {  	v4 =	vxor.u32 v3, v4  }
0x5a: {  	v4 =	vadd.s32 $0xADD083F7, v4  }
0x5b: {  	v3 =	vadd.s32 v4, v3;
	v5 =	vshrl.u32 v4, $0xF;
	v4 =	vshll.u32 v4, $0x11  }
0x5c: {  	v3 =	vadd.s32 $0x3D7B32D, v3;
	v4 =	vor.u32 v5, v4  }
0x5d: {  	v4 =	vxor.u32 v3, v4  }
0x5e: {  	v5 =	vshrl.u32 v4, $0x3;
	v6 =	vshll.u32 v4, $0x1D  }
0x5f: {  	v3 =	vadd.s32 v3, v4;
	v4 =	vor.u32 v5, v6  }
0x60: {  	v4 =	vxor.u32 v3, v4  }
0x61: {  	v5 =	vshrl.u32 v4, $0x10;
	v6 =	vshll.u32 v4, $0x10  }
0x62: {  	v3 =	vadd.s32 v3, v4;
	v4 =	vor.u32 v5, v6  }
0x63: {  	v4 =	vxor.u32 v3, v4  }
0x64: {  	v5 =	vshrl.u32 v4, $0x8;
	v6 =	vshll.u32 v4, $0x18  }
0x65: {  	v3 =	vadd.s32 v3, v4;
	v4 =	vor.u32 v5, v6  }
0x66: {  	v4 =	vxor.u32 v3, v4  }
0x67: {  	v4 =	vadd.s32 $0xB5D62B07, v4  }
0x68: {  	v3 =	vadd.s32 v4, v3;
	v5 =	vshrl.u32 v4, $0x13;
	v4 =	vshll.u32 v4, $0xD  }
0x69: {  	v3 =	vadd.s32 $0xADD083F4, v3;
	v4 =	vor.u32 v5, v4  }
0x6a: {  	v4 =	vxor.u32 v3, v4  }
0x6b: {  	v5 =	vshrl.u32 v4, $0x11;
	v6 =	vshll.u32 v4, $0xF  }
0x6c: {  	v3 =	vadd.s32 v3, v4;
	v4 =	vor.u32 v5, v6  }
0x6d: {  	v4 =	vxor.u32 v3, v4  }
0x6e: {  	v5 =	vshrl.u32 v4, $0x6;
	v6 =	vshll.u32 v4, $0x1A  }
0x6f: {  	v3 =	vadd.s32 v3, v4;
	v4 =	vor.u32 v5, v6  }
0x70: {  	v4 =	vxor.u32 v3, v4  }
0x71: {  	v5 =	vshrl.u32 v4, $0x1A;
	v6 =	vshll.u32 v4, $0x6  }
0x72: {  	v3 =	vadd.s32 v3, v4;
	v4 =	vor.u32 v5, v6  }
0x73: {  	v4 =	vxor.u32 v3, v4  }
0x74: {  	v3 =	vadd.s32 $0xB5D62B03, v3;
	v4 =	vadd.s32 $0x3D7B332, v4  }
0x75: {  	v3 =	vxor.u32 v3, v4;
	v4 =	vld [tilespmem:s1+$0x0]  }
0x76: {  	s26 =	simm.s32 $0x2;
	vm0 =	vlt.u32 v3, $0x33333400  }
0x77: {  	v6 =	vld [tilespmem:s1+$0xFFFFFF00];
	v3 =	vmov s26;
	v7 =	vsel vm0, $0x0, v2  }
0x78: {  	v3 =	vperm.xlane v7, v3  }
0x79: {  	v8 =	vld [tilespmem:s1+$0xFFFFFF80];
	v5 =	vmov s24  }
0x7a: {  	s7 =	simm.s32 $0x1;
	v10 =	vld [tilespmem:s1+$0x80];
	v9 =	vmul.f32 v4, v3;
	v4 =	vperm.xlane v7, v5  }
0x7b: {  	s9 =	simm.s32 $0x3;
	v5 =	vmov s7  }
0x7c: {  	v11 =	vmov s9;
	v5 =	vperm.xlane v7, v5;
	[tilespmem:s0+$0x0] =	vst v9;
	v9 =	vmul.f32 v6, v4  }
0x7d: {  	v6 =	vperm.xlane v7, v11;
	v11 =	vld [tilespmem:s1+$0x10]  }
0x7e: {  	v8 =	vmul.f32 v8, v5;
	[tilespmem:s0+$0xFFFFFF00] =	vst v9  }
0x7f: {  	v10 =	vmul.f32 v10, v6;
	v9 =	vld [tilespmem:s1+$0xFFFFFF10]  }
0x80: {  	[tilespmem:s0+$0xFFFFFF80] =	vst v8  }
0x81: {  	v8 =	vld [tilespmem:s1+$0xFFFFFF90];
	[tilespmem:s0+$0x80] =	vst v10  }
0x82: {  	v10 =	vmul.f32 v11, v3;
	v11 =	vld [tilespmem:s1+$0x90];
	_ =	sdelay $0x1  }
0x83: {  	v9 =	vmul.f32 v9, v4;
	[tilespmem:s0+$0x10] =	vst v10  }
0x84: {  	v10 =	vld [tilespmem:s1+$0x20]  }
0x85: {  	v8 =	vmul.f32 v8, v5;
	[tilespmem:s0+$0xFFFFFF10] =	vst v9  }
0x86: {  	v9 =	vld [tilespmem:s1+$0xFFFFFF20];
	v11 =	vmul.f32 v11, v6  }
0x87: {  	[tilespmem:s0+$0xFFFFFF90] =	vst v8  }
0x88: {  	v8 =	vld [tilespmem:s1+$0xFFFFFFA0];
	[tilespmem:s0+$0x90] =	vst v11  }
0x89: {  	v10 =	vmul.f32 v10, v3;
	v11 =	vld [tilespmem:s1+$0xA0];
	_ =	sdelay $0x1  }
0x8a: {  	v9 =	vmul.f32 v9, v4;
	[tilespmem:s0+$0x20] =	vst v10  }
0x8b: {  	v10 =	vld [tilespmem:s1+$0x30]  }
0x8c: {  	v8 =	vmul.f32 v8, v5;
	[tilespmem:s0+$0xFFFFFF20] =	vst v9  }
0x8d: {  	v9 =	vld [tilespmem:s1+$0xFFFFFF30];
	v11 =	vmul.f32 v11, v6  }
0x8e: {  	[tilespmem:s0+$0xFFFFFFA0] =	vst v8  }
0x8f: {  	v8 =	vld [tilespmem:s1+$0xFFFFFFB0];
	[tilespmem:s0+$0xA0] =	vst v11  }
0x90: {  	v10 =	vmul.f32 v10, v3;
	v11 =	vld [tilespmem:s1+$0xB0]  }
0x91: {  	s29 =	sadd.s32 $0x200, s1  }
0x92: {  	v12 =	vld [tilespmem:s29+$0x0];
	v9 =	vmul.f32 v9, v4;
	[tilespmem:s0+$0x30] =	vst v10  }
0x93: {  	s10 =	simm.s32 $0x6;
	v13 =	vld [tilespmem:s1+$0x40]  }
0x94: {  	v10 =	vmov s10;
	v8 =	vmul.f32 v8, v5;
	[tilespmem:s0+$0xFFFFFF30] =	vst v9;
	v9 =	vld [tilespmem:s29+$0xFFFFFF00]  }
0x95: {  	s15 =	simm.s32 $0x4;
	v10 =	vperm.xlane v7, v10;
	v14 =	vld [tilespmem:s1+$0xFFFFFF40];
	v15 =	vmul.f32 v11, v6  }
0x96: {  	v16 =	vld [tilespmem:s29+$0xFFFFFF80];
	[tilespmem:s0+$0xFFFFFFB0] =	vst v8;
	v8 =	vmov s15  }
0x97: {  	s25 =	simm.s32 $0x5;
	v12 =	vmul.f32 v12, v10;
	v17 =	vld [tilespmem:s1+$0xFFFFFFC0];
	v11 =	vperm.xlane v7, v8;
	[tilespmem:s0+$0xB0] =	vst v15  }
0x98: {  	s30 =	sadd.s32 $0x200, s0;
	v8 =	vmov s25;
	v13 =	vmul.f32 v13, v3;
	v15 =	vld [tilespmem:s1+$0xC0]  }
0x99: {  	v18 =	vld [tilespmem:s29+$0x80];
	v8 =	vperm.xlane v7, v8;
	[tilespmem:s30+$0x0] =	vst v12;
	v9 =	vmul.f32 v9, v11  }
0x9a: {  	s26 =	simm.s32 $0x7;
	v12 =	vld [tilespmem:s29+$0x10];
	[tilespmem:s0+$0x40] =	vst v13;
	v13 =	vmul.f32 v14, v4  }
0x9b: {  	v16 =	vmul.f32 v16, v8;
	v14 =	vmov s26;
	v19 =	vld [tilespmem:s1+$0x50];
	[tilespmem:s30+$0xFFFFFF00] =	vst v9  }
0x9c: {  	v9 =	vperm.xlane v7, v14;
	v14 =	vmul.f32 v17, v5;
	v17 =	vld [tilespmem:s29+$0xFFFFFF10];
	[tilespmem:s0+$0xFFFFFF40] =	vst v13  }
0x9d: {  	[tilespmem:s30+$0xFFFFFF80] =	vst v16;
	v13 =	vld [tilespmem:s1+$0xFFFFFF50];
	v15 =	vmul.f32 v15, v6  }
0x9e: {  	v16 =	vld [tilespmem:s29+$0xFFFFFF90];
	v18 =	vmul.f32 v18, v9;
	[tilespmem:s0+$0xFFFFFFC0] =	vst v14  }
0x9f: {  	v12 =	vmul.f32 v12, v10;
	v14 =	vld [tilespmem:s1+$0xFFFFFFD0];
	[tilespmem:s0+$0xC0] =	vst v15  }
0xa0: {  	[tilespmem:s30+$0x80] =	vst v18;
	v15 =	vmul.f32 v19, v3;
	v18 =	vld [tilespmem:s1+$0xD0]  }
0xa1: {  	[tilespmem:s30+$0x10] =	vst v12;
	v19 =	vld [tilespmem:s29+$0x90];
	v17 =	vmul.f32 v17, v11  }
0xa2: {  	v12 =	vld [tilespmem:s29+$0x20];
	v13 =	vmul.f32 v13, v4;
	[tilespmem:s0+$0x50] =	vst v15  }
0xa3: {  	v15 =	vmul.f32 v16, v8;
	[tilespmem:s30+$0xFFFFFF10] =	vst v17;
	v16 =	vld [tilespmem:s1+$0x60]  }
0xa4: {  	v14 =	vmul.f32 v14, v5;
	v17 =	vld [tilespmem:s29+$0xFFFFFF20];
	[tilespmem:s0+$0xFFFFFF50] =	vst v13  }
0xa5: {  	[tilespmem:s30+$0xFFFFFF90] =	vst v15;
	v13 =	vld [tilespmem:s1+$0xFFFFFF60];
	v15 =	vmul.f32 v18, v6  }
0xa6: {  	v18 =	vmul.f32 v19, v9;
	v19 =	vld [tilespmem:s29+$0xFFFFFFA0];
	[tilespmem:s0+$0xFFFFFFD0] =	vst v14  }
0xa7: {  	v12 =	vmul.f32 v12, v10;
	v14 =	vld [tilespmem:s1+$0xFFFFFFE0];
	[tilespmem:s0+$0xD0] =	vst v15  }
0xa8: {  	[tilespmem:s30+$0x90] =	vst v18;
	v15 =	vmul.f32 v16, v3;
	v18 =	vld [tilespmem:s1+$0xE0]  }
0xa9: {  	[tilespmem:s30+$0x20] =	vst v12;
	v20 =	vld [tilespmem:s29+$0xA0];
	v16 =	vmul.f32 v17, v11  }
0xaa: {  	v17 =	vld [tilespmem:s29+$0x30];
	v12 =	vmul.f32 v13, v4;
	[tilespmem:s0+$0x60] =	vst v15  }
0xab: {  	v15 =	vmul.f32 v19, v8;
	[tilespmem:s30+$0xFFFFFF20] =	vst v16;
	v13 =	vld [tilespmem:s1+$0x70]  }
0xac: {  	v19 =	vmul.f32 v14, v5;
	v16 =	vld [tilespmem:s29+$0xFFFFFF30];
	[tilespmem:s0+$0xFFFFFF60] =	vst v12  }
0xad: {  	s9 =	sadd.s32 $0x200, s29;
	s31 =	smov.u32 s30;
	[tilespmem:s30+$0xFFFFFFA0] =	vst v15;
	v12 =	vld [tilespmem:s1+$0xFFFFFF70];
	v14 =	vmul.f32 v18, v6  }
0xae: {  	s8 =	simm.s32 $0x8;
	s25 =	smov.u32 s0;
	s26 =	smov.u32 s1;
	v15 =	vld [tilespmem:s29+$0xFFFFFFB0];
	v18 =	vmul.f32 v20, v9;
	[tilespmem:s0+$0xFFFFFFE0] =	vst v19  }
.LBB2_5:
0xaf: {  	p1 =	slt.u32 s8, $0xC;
	v17 =	vmul.f32 v17, v10;
	v19 =	vld [tilespmem:s26+$0xFFFFFFF0];
	[tilespmem:s25+$0xE0] =	vst v14;
	s7 =	smov.u32 s8;
	s8 =	sadd.s32 $0x4, s8  }
0xb0: {  	s10 =	sadd.s32 $0x3, s7;
	[tilespmem:s30+$0xA0] =	vst v18;
	v13 =	vmul.f32 v13, v3;
	v14 =	vld [tilespmem:s26+$0xF0];
	v3 =	vmov v10;
	s26 =	smov.u32 s29;
	s29 =	smov.u32 s9  }
0xb1: {  	v10 =	vmov s10;
	v16 =	vmul.f32 v16, v11;
	[tilespmem:s30+$0x30] =	vst v17;
	v17 =	vld [tilespmem:s26+$0xB0]  }
0xb2: {  	s15 =	sadd.s32 $0x2, s7;
	s10 =	sadd.s32 $0x1, s7;
	v18 =	vld [tilespmem:s9+$0x0];
	v20 =	vperm.xlane v7, v10;
	v10 =	vmul.f32 v12, v4;
	[tilespmem:s25+$0x70] =	vst v13;
	v4 =	vmov v11  }
0xb3: {  	v11 =	vmov s10;
	v12 =	vmov s15;
	[tilespmem:s30+$0xFFFFFF30] =	vst v16;
	v13 =	vmul.f32 v15, v8;
	v15 =	vld [tilespmem:s26+$0x40]  }
0xb4: {  	v16 =	vld [tilespmem:s9+$0xFFFFFF80];
	[tilespmem:s25+$0xFFFFFF70] =	vst v10;
	v19 =	vmul.f32 v19, v5;
	v5 =	vmov v8;
	v8 =	vperm.xlane v7, v11  }
0xb5: {  	s30 =	sadd.s32 $0x200, s30;
	v10 =	vperm.xlane v7, v12;
	v21 =	vld [tilespmem:s9+$0xFFFFFF00];
	[tilespmem:s31+$0xFFFFFFB0] =	vst v13;
	v11 =	vmul.f32 v14, v6;
	v6 =	vmovc v9;
	v9 =	vmov v20  }
0xb6: {  	v12 =	vld [tilespmem:s26+$0xFFFFFF40];
	v13 =	vmul.f32 v17, v6;
	[tilespmem:s25+$0xFFFFFFF0] =	vst v19  }
0xb7: {  	v14 =	vmov s7;
	v17 =	vmul.f32 v18, v10;
	v18 =	vld [tilespmem:s26+$0xFFFFFFC0];
	[tilespmem:s25+$0xF0] =	vst v11;
	s25 =	smov.u32 s31;
	s31 =	smov.u32 s30  }
0xb8: {  	v11 =	vperm.xlane v7, v14;
	v14 =	vld [tilespmem:s9+$0x80];
	v15 =	vmul.f32 v15, v3;
	[tilespmem:s25+$0xB0] =	vst v13  }
0xb9: {  	v13 =	vmul.f32 v16, v8;
	[tilespmem:s30+$0x0] =	vst v17;
	v16 =	vld [tilespmem:s26+$0xC0]  }
0xba: {  	v17 =	vmul.f32 v21, v11;
	v19 =	vld [tilespmem:s9+$0x10];
	[tilespmem:s25+$0x40] =	vst v15  }
0xbb: {  	[tilespmem:s30+$0xFFFFFF80] =	vst v13;
	v12 =	vmul.f32 v12, v4;
	v13 =	vld [tilespmem:s26+$0x50]  }
0xbc: {  	[tilespmem:s30+$0xFFFFFF00] =	vst v17;
	v15 =	vld [tilespmem:s9+$0xFFFFFF90];
	v17 =	vmul.f32 v18, v5  }
0xbd: {  	v18 =	vld [tilespmem:s9+$0xFFFFFF10];
	v14 =	vmul.f32 v14, v9;
	[tilespmem:s25+$0xFFFFFF40] =	vst v12  }
0xbe: {  	v12 =	vld [tilespmem:s26+$0xFFFFFF50];
	[tilespmem:s25+$0xFFFFFFC0] =	vst v17;
	v16 =	vmul.f32 v16, v6  }
0xbf: {  	[tilespmem:s30+$0x80] =	vst v14;
	v14 =	vld [tilespmem:s26+$0xFFFFFFD0]  }
0xc0: {  	v17 =	vmul.f32 v19, v10;
	v19 =	vld [tilespmem:s9+$0x90];
	[tilespmem:s25+$0xC0] =	vst v16  }
0xc1: {  	v13 =	vmul.f32 v13, v3;
	v16 =	vld [tilespmem:s26+$0xD0]  }
0xc2: {  	v18 =	vmul.f32 v18, v11;
	[tilespmem:s30+$0x10] =	vst v17  }
0xc3: {  	v17 =	vld [tilespmem:s9+$0x20];
	v12 =	vmul.f32 v12, v4;
	[tilespmem:s25+$0x50] =	vst v13  }
0xc4: {  	v13 =	vmul.f32 v15, v8;
	[tilespmem:s30+$0xFFFFFF10] =	vst v18;
	v14 =	vmul.f32 v14, v5;
	v15 =	vld [tilespmem:s26+$0x60]  }
0xc5: {  	v18 =	vld [tilespmem:s9+$0xFFFFFF20];
	v19 =	vmul.f32 v19, v9;
	[tilespmem:s25+$0xFFFFFF50] =	vst v12  }
0xc6: {  	[tilespmem:s30+$0xFFFFFF90] =	vst v13;
	v12 =	vld [tilespmem:s26+$0xFFFFFF60];
	v13 =	vmul.f32 v16, v6  }
0xc7: {  	v16 =	vld [tilespmem:s9+$0xFFFFFFA0];
	[tilespmem:s25+$0xFFFFFFD0] =	vst v14  }
0xc8: {  	v14 =	vmul.f32 v17, v10;
	v20 =	vld [tilespmem:s26+$0xFFFFFFE0];
	[tilespmem:s25+$0xD0] =	vst v13  }
0xc9: {  	[tilespmem:s30+$0x90] =	vst v19;
	v13 =	vmul.f32 v15, v3;
	v15 =	vld [tilespmem:s26+$0xE0]  }
0xca: {  	v18 =	vmul.f32 v18, v11;
	[tilespmem:s30+$0x20] =	vst v14;
	v19 =	vld [tilespmem:s9+$0xA0]  }
.Ltmp6:
0xcb: {  	v17 =	vld [tilespmem:s9+$0x30];
	v12 =	vmul.f32 v12, v4;
	[tilespmem:s25+$0x60] =	vst v13;
	(pc) =	sbr.rel @p1 .LBB2_5-.Ltmp6, $4  }
0xcc: {  	[tilespmem:s30+$0xFFFFFF20] =	vst v18;
	v14 =	vmul.f32 v16, v8;
	v13 =	vld [tilespmem:s26+$0x70]  }
0xcd: {  	v16 =	vld [tilespmem:s9+$0xFFFFFF30];
	[tilespmem:s25+$0xFFFFFF60] =	vst v12;
	v20 =	vmul.f32 v20, v5  }
0xce: {  	[tilespmem:s30+$0xFFFFFFA0] =	vst v14;
	v12 =	vld [tilespmem:s26+$0xFFFFFF70];
	v14 =	vmul.f32 v15, v6  }
0xcf: {  	s9 =	sadd.s32 $0x200, s9;
	v15 =	vld [tilespmem:s29+$0xFFFFFFB0];
	v18 =	vmul.f32 v19, v9;
	[tilespmem:s25+$0xFFFFFFE0] =	vst v20  }
0xd0: {  	_ = 	snop  }
0xd1: {  	[tilespmem:s30+$0xA0] =	vst v18  }
0xd2: {  	v7 =	vld [tilespmem:s29+$0xB0];
	_ =	sdelay $0x1  }
0xd3: {  	v17 =	vmul.f32 v17, v10  }
0xd4: {  	v16 =	vmul.f32 v16, v11  }
0xd5: {  	[tilespmem:s30+$0x30] =	vst v17;
	v15 =	vmul.f32 v15, v8  }
0xd6: {  	v50 =	vld [tilespmem:s29+$0x40];
	[tilespmem:s30+$0xFFFFFF30] =	vst v16;
	v7 =	vmul.f32 v7, v9  }
0xd7: {  	v51 =	vld [tilespmem:s29+$0xFFFFFF40];
	[tilespmem:s31+$0xFFFFFFB0] =	vst v15  }
0xd8: {  	v52 =	vld [tilespmem:s29+$0xFFFFFFC0];
	[tilespmem:s31+$0xB0] =	vst v7  }
0xd9: {  	v7 =	vld [tilespmem:s29+$0xC0];
	_ =	sdelay $0x1  }
0xda: {  	v16 =	vmul.f32 v50, v10  }
0xdb: {  	v15 =	vmul.f32 v51, v11  }
0xdc: {  	[tilespmem:s31+$0x40] =	vst v16;
	v53 =	vmul.f32 v52, v8  }
0xdd: {  	v54 =	vld [tilespmem:s29+$0x50];
	[tilespmem:s31+$0xFFFFFF40] =	vst v15;
	v7 =	vmul.f32 v7, v9  }
0xde: {  	v15 =	vld [tilespmem:s29+$0xFFFFFF50];
	[tilespmem:s31+$0xFFFFFFC0] =	vst v53  }
0xdf: {  	v16 =	vld [tilespmem:s29+$0xFFFFFFD0];
	[tilespmem:s31+$0xC0] =	vst v7  }
0xe0: {  	v7 =	vld [tilespmem:s29+$0xD0];
	_ =	sdelay $0x1  }
0xe1: {  	v17 =	vmul.f32 v54, v10  }
0xe2: {  	v15 =	vmul.f32 v15, v11  }
0xe3: {  	[tilespmem:s31+$0x50] =	vst v17;
	v16 =	vmul.f32 v16, v8  }
0xe4: {  	v17 =	vld [tilespmem:s29+$0x60];
	[tilespmem:s31+$0xFFFFFF50] =	vst v15;
	v7 =	vmul.f32 v7, v9  }
0xe5: {  	v15 =	vld [tilespmem:s29+$0xFFFFFF60];
	[tilespmem:s31+$0xFFFFFFD0] =	vst v16  }
0xe6: {  	v16 =	vld [tilespmem:s29+$0xFFFFFFE0];
	[tilespmem:s31+$0xD0] =	vst v7  }
0xe7: {  	v7 =	vld [tilespmem:s29+$0xE0];
	_ =	sdelay $0x1  }
0xe8: {  	v17 =	vmul.f32 v17, v10  }
0xe9: {  	v55 =	vld [tilespmem:s26+$0xFFFFFFF0];
	[tilespmem:s25+$0xE0] =	vst v14;
	v56 =	vmul.f32 v15, v11  }
0xea: {  	v57 =	vld [tilespmem:s26+$0xF0];
	[tilespmem:s31+$0x60] =	vst v17;
	v16 =	vmul.f32 v16, v8  }
0xeb: {  	v17 =	vld [tilespmem:s29+$0x70];
	[tilespmem:s31+$0xFFFFFF60] =	vst v56;
	v7 =	vmul.f32 v7, v9  }
0xec: {  	v3 =	vmul.f32 v13, v3;
	v58 =	vld [tilespmem:s29+$0xFFFFFF70];
	[tilespmem:s31+$0xFFFFFFE0] =	vst v16  }
0xed: {  	v4 =	vmul.f32 v12, v4;
	v59 =	vld [tilespmem:s29+$0xFFFFFFF0];
	[tilespmem:s31+$0xE0] =	vst v7  }
0xee: {  	[tilespmem:s25+$0x70] =	vst v3;
	v3 =	vmul.f32 v55, v5;
	v60 =	vld [tilespmem:s29+$0xF0]  }
0xef: {  	s28 =	sadd.s32 $0x1, s28;
	[tilespmem:s25+$0xFFFFFF70] =	vst v4;
	v61 =	vmul.f32 v57, v6  }
0xf0: {  	p1 =	sne.s32 s28, $0xC;
	[tilespmem:s25+$0xFFFFFFF0] =	vst v3;
	v3 =	vmul.f32 v17, v10  }
.Ltmp7:
0xf1: {  	[tilespmem:s25+$0xF0] =	vst v61;
	v62 =	vmul.f32 v58, v11;
	(pc) =	sbr.rel @p1 .LBB2_4-.Ltmp7, $4  }
0xf2: {  	[tilespmem:s31+$0x70] =	vst v3;
	v3 =	vmul.f32 v59, v8  }
0xf3: {  	[tilespmem:s31+$0xFFFFFF70] =	vst v62;
	v63 =	vmul.f32 v60, v9  }
0xf4: {  	[tilespmem:s31+$0xFFFFFFF0] =	vst v3  }
0xf5: {  	s0 =	sadd.s32 $0x800, s0;
	s1 =	sadd.s32 $0x800, s1;
	[tilespmem:s31+$0xF0] =	vst v63  }
0xf6: {  	s0 =	smul.u32 $0x6000, s22;
	p1 =	seq.s32 s21, $0x0  }
.Ltmp8:
0xf7: {  	_ = 	snop;
	(pc) =	sbr.rel @p1 .LBB2_13-.Ltmp8, $4  }
0xf8: {  	_ = 	snop  }
0xf9: {  	s0 =	sshrl.u32 s0, $0x3  }
0xfa: {  	s0 =	sadd.s32 s3, s0  }
0xfb: {  	[hbm4b:s0+s4] =	stream.linear.scatter [tilespmem:s16], [sflag:$0x3], $0x6000, $0x38;
	[tilespmem:$0x18000] =	vst v63  }
.LBB2_8:
0xfc: {  	s19 =	sadd.s32 $0x1, s20  }
0xfd: {  	p1 =	sge.u32 s19, s6  }
0xfe: {  	s0 =	sshll.u32 @!p1 s19, $0x5  }
0xff: {  	s0 =	sor.u32 @!p1 s5, s0  }
0x100: {  	s0 =	smul.u32 @!p1 $0xC00, s0;
	_ =	sdelay $0x1  }
0x101: {  	s1 =	simm.s32 @!p1 $0x0;
	s0 =	sadd.s32 @!p1 s2, s0  }
0x102: {  	[tilespmem:s1], [sflag:$0x1] =	stream.linear.gather @!p1 [hbm4b:s0+s1], $0x6000, $0x38;
	[tilespmem:$0x18000] =	vst v63  }
0x103: {  	_ =	swait.ge [sflag:s13], $0x6000  }
0x104: {  	p1 =	slt.u32 s20, $0x2;
	[sflag:s13] =	ssyncset.done $0x0  }
0x105: {  	s31 =	sshll.u32 s20, $0x5;
	s0 =	simm.s32 @!p1 $0x4;
	[sflag:s13] =	ssyncadd.s32 $0xFFFFA000  }
0x106: {  	s22 =	simm.s32 $0x0;
	s23 =	simm.s32 $0x12100;
	_ =	swait.ge @!p1 [sflag:s0], $0x6000  }
0x107: {  	s24 =	simm.s32 $0x6100;
	s20 =	sor.u32 s5, s31;
	[sflag:s0] =	ssyncset.done @!p1 $0x0  }
0x108: {  	s25 =	simm.s32 $0x0;
	s21 =	smul.u32 $0xC0, s20;
	[sflag:s0] =	ssyncadd.s32 @!p1 $0xFFFFA000  }
.LBB2_9:
0x109: {  	s0 =	sshll.u32 s25, $0x4  }
0x10a: {  	s0 =	sadd.s32 s21, s0  }
0x10b: {  	v3 =	vadd.s32 s0, v0  }
0x10c: {  	v4 =	vshrl.u32 v3, $0x13;
	v3 =	vshll.u32 v3, $0xD  }
0x10d: {  	v5 =	vadd.s32 s0, v1;
	v3 =	vor.u32 v4, v3  }
0x10e: {  	v3 =	vxor.u32 v5, v3  }
0x10f: {  	v4 =	vshrl.u32 v3, $0x11;
	v6 =	vshll.u32 v3, $0xF  }
0x110: {  	v3 =	vadd.s32 v5, v3;
	v4 =	vor.u32 v4, v6  }
0x111: {  	v4 =	vxor.u32 v3, v4  }
0x112: {  	v5 =	vshrl.u32 v4, $0x6;
	v6 =	vshll.u32 v4, $0x1A  }
0x113: {  	v3 =	vadd.s32 v3, v4;
	v4 =	vor.u32 v5, v6  }
0x114: {  	v4 =	vxor.u32 v3, v4  }
0x115: {  	v5 =	vshrl.u32 v4, $0x1A;
	v6 =	vshll.u32 v4, $0x6  }
0x116: {  	v3 =	vadd.s32 v3, v4;
	v4 =	vor.u32 v5, v6  }
0x117: {  	v4 =	vxor.u32 v3, v4  }
0x118: {  	v4 =	vadd.s32 $0xB5D62B04, v4  }
0x119: {  	v3 =	vadd.s32 v4, v3;
	v5 =	vshrl.u32 v4, $0xF;
	v4 =	vshll.u32 v4, $0x11  }
0x11a: {  	v3 =	vadd.s32 $0xADD083F4, v3;
	v4 =	vor.u32 v5, v4  }
0x11b: {  	v4 =	vxor.u32 v3, v4  }
0x11c: {  	v5 =	vshrl.u32 v4, $0x3;
	v6 =	vshll.u32 v4, $0x1D  }
0x11d: {  	v3 =	vadd.s32 v3, v4;
	v4 =	vor.u32 v5, v6  }
0x11e: {  	v4 =	vxor.u32 v3, v4  }
0x11f: {  	v5 =	vshrl.u32 v4, $0x10;
	v6 =	vshll.u32 v4, $0x10  }
0x120: {  	v3 =	vadd.s32 v3, v4;
	v4 =	vor.u32 v5, v6  }
0x121: {  	v4 =	vxor.u32 v3, v4  }
0x122: {  	v5 =	vshrl.u32 v4, $0x8;
	v6 =	vshll.u32 v4, $0x18  }
0x123: {  	v3 =	vadd.s32 v3, v4;
	v4 =	vor.u32 v5, v6  }
0x124: {  	v4 =	vxor.u32 v3, v4  }
0x125: {  	v4 =	vadd.s32 $0x3D7B32F, v4  }
0x126: {  	v3 =	vadd.s32 v4, v3;
	v5 =	vshrl.u32 v4, $0x13;
	v4 =	vshll.u32 v4, $0xD  }
0x127: {  	v3 =	vadd.s32 $0xB5D62B03, v3;
	v4 =	vor.u32 v5, v4  }
0x128: {  	v4 =	vxor.u32 v3, v4  }
0x129: {  	v5 =	vshrl.u32 v4, $0x11;
	v6 =	vshll.u32 v4, $0xF  }
0x12a: {  	v3 =	vadd.s32 v3, v4;
	v4 =	vor.u32 v5, v6  }
0x12b: {  	v4 =	vxor.u32 v3, v4  }
0x12c: {  	v5 =	vshrl.u32 v4, $0x6;
	v6 =	vshll.u32 v4, $0x1A  }
0x12d: {  	v3 =	vadd.s32 v3, v4;
	v4 =	vor.u32 v5, v6  }
0x12e: {  	v4 =	vxor.u32 v3, v4  }
0x12f: {  	v5 =	vshrl.u32 v4, $0x1A;
	v6 =	vshll.u32 v4, $0x6  }
0x130: {  	v3 =	vadd.s32 v3, v4;
	v4 =	vor.u32 v5, v6  }
0x131: {  	v4 =	vxor.u32 v3, v4  }
0x132: {  	v4 =	vadd.s32 $0xADD083F7, v4  }
0x133: {  	v3 =	vadd.s32 v4, v3;
	v5 =	vshrl.u32 v4, $0xF;
	v4 =	vshll.u32 v4, $0x11  }
0x134: {  	v3 =	vadd.s32 $0x3D7B32D, v3;
	v4 =	vor.u32 v5, v4  }
0x135: {  	v4 =	vxor.u32 v3, v4  }
0x136: {  	v5 =	vshrl.u32 v4, $0x3;
	v6 =	vshll.u32 v4, $0x1D  }
0x137: {  	v3 =	vadd.s32 v3, v4;
	v4 =	vor.u32 v5, v6  }
0x138: {  	v4 =	vxor.u32 v3, v4  }
0x139: {  	v5 =	vshrl.u32 v4, $0x10;
	v6 =	vshll.u32 v4, $0x10  }
0x13a: {  	v3 =	vadd.s32 v3, v4;
	v4 =	vor.u32 v5, v6  }
0x13b: {  	v4 =	vxor.u32 v3, v4  }
0x13c: {  	v5 =	vshrl.u32 v4, $0x8;
	v6 =	vshll.u32 v4, $0x18  }
0x13d: {  	v3 =	vadd.s32 v3, v4;
	v4 =	vor.u32 v5, v6  }
0x13e: {  	v4 =	vxor.u32 v3, v4  }
0x13f: {  	v4 =	vadd.s32 $0xB5D62B07, v4  }
0x140: {  	v3 =	vadd.s32 v4, v3;
	v5 =	vshrl.u32 v4, $0x13;
	v4 =	vshll.u32 v4, $0xD  }
0x141: {  	v3 =	vadd.s32 $0xADD083F4, v3;
	v4 =	vor.u32 v5, v4  }
0x142: {  	v4 =	vxor.u32 v3, v4  }
0x143: {  	v5 =	vshrl.u32 v4, $0x11;
	v6 =	vshll.u32 v4, $0xF  }
0x144: {  	v3 =	vadd.s32 v3, v4;
	v4 =	vor.u32 v5, v6  }
0x145: {  	v4 =	vxor.u32 v3, v4  }
0x146: {  	v5 =	vshrl.u32 v4, $0x6;
	v6 =	vshll.u32 v4, $0x1A  }
0x147: {  	v3 =	vadd.s32 v3, v4;
	v4 =	vor.u32 v5, v6  }
0x148: {  	v4 =	vxor.u32 v3, v4  }
0x149: {  	v5 =	vshrl.u32 v4, $0x1A;
	v6 =	vshll.u32 v4, $0x6  }
0x14a: {  	v3 =	vadd.s32 v3, v4;
	v4 =	vor.u32 v5, v6  }
0x14b: {  	v4 =	vxor.u32 v3, v4  }
0x14c: {  	v3 =	vadd.s32 $0xB5D62B03, v3;
	v4 =	vadd.s32 $0x3D7B332, v4  }
0x14d: {  	v3 =	vxor.u32 v3, v4;
	v4 =	vld [tilespmem:s24+$0x0]  }
0x14e: {  	s8 =	simm.s32 $0x2;
	vm0 =	vlt.u32 v3, $0x33333400  }
0x14f: {  	v6 =	vld [tilespmem:s24+$0xFFFFFF00];
	v3 =	vmov s8;
	v7 =	vsel vm0, $0x0, v2  }
0x150: {  	v3 =	vperm.xlane v7, v3  }
0x151: {  	v8 =	vld [tilespmem:s24+$0xFFFFFF80];
	v5 =	vmov s22  }
0x152: {  	s9 =	simm.s32 $0x1;
	v10 =	vld [tilespmem:s24+$0x80];
	v9 =	vmul.f32 v4, v3;
	v4 =	vperm.xlane v7, v5  }
0x153: {  	s1 =	simm.s32 $0x3;
	v5 =	vmov s9  }
0x154: {  	v11 =	vmov s1;
	v5 =	vperm.xlane v7, v5;
	[tilespmem:s23+$0x0] =	vst v9;
	v9 =	vmul.f32 v6, v4  }
0x155: {  	v6 =	vperm.xlane v7, v11;
	v11 =	vld [tilespmem:s24+$0x10]  }
0x156: {  	v8 =	vmul.f32 v8, v5;
	[tilespmem:s23+$0xFFFFFF00] =	vst v9  }
0x157: {  	v10 =	vmul.f32 v10, v6;
	v9 =	vld [tilespmem:s24+$0xFFFFFF10]  }
0x158: {  	[tilespmem:s23+$0xFFFFFF80] =	vst v8  }
0x159: {  	v8 =	vld [tilespmem:s24+$0xFFFFFF90];
	[tilespmem:s23+$0x80] =	vst v10  }
0x15a: {  	v10 =	vmul.f32 v11, v3;
	v11 =	vld [tilespmem:s24+$0x90];
	_ =	sdelay $0x1  }
0x15b: {  	v9 =	vmul.f32 v9, v4;
	[tilespmem:s23+$0x10] =	vst v10  }
0x15c: {  	v10 =	vld [tilespmem:s24+$0x20]  }
0x15d: {  	v8 =	vmul.f32 v8, v5;
	[tilespmem:s23+$0xFFFFFF10] =	vst v9  }
0x15e: {  	v9 =	vld [tilespmem:s24+$0xFFFFFF20];
	v11 =	vmul.f32 v11, v6  }
0x15f: {  	[tilespmem:s23+$0xFFFFFF90] =	vst v8  }
0x160: {  	v8 =	vld [tilespmem:s24+$0xFFFFFFA0];
	[tilespmem:s23+$0x90] =	vst v11  }
0x161: {  	v10 =	vmul.f32 v10, v3;
	v11 =	vld [tilespmem:s24+$0xA0];
	_ =	sdelay $0x1  }
0x162: {  	v9 =	vmul.f32 v9, v4;
	[tilespmem:s23+$0x20] =	vst v10  }
0x163: {  	v10 =	vld [tilespmem:s24+$0x30]  }
0x164: {  	v8 =	vmul.f32 v8, v5;
	[tilespmem:s23+$0xFFFFFF20] =	vst v9  }
0x165: {  	v9 =	vld [tilespmem:s24+$0xFFFFFF30];
	v11 =	vmul.f32 v11, v6  }
0x166: {  	[tilespmem:s23+$0xFFFFFFA0] =	vst v8  }
0x167: {  	v8 =	vld [tilespmem:s24+$0xFFFFFFB0];
	[tilespmem:s23+$0xA0] =	vst v11  }
0x168: {  	v10 =	vmul.f32 v10, v3;
	v11 =	vld [tilespmem:s24+$0xB0]  }
0x169: {  	s26 =	sadd.s32 $0x200, s24  }
0x16a: {  	v12 =	vld [tilespmem:s26+$0x0];
	v9 =	vmul.f32 v9, v4;
	[tilespmem:s23+$0x30] =	vst v10  }
0x16b: {  	s10 =	simm.s32 $0x6;
	v13 =	vld [tilespmem:s24+$0x40]  }
0x16c: {  	v10 =	vmov s10;
	v8 =	vmul.f32 v8, v5;
	[tilespmem:s23+$0xFFFFFF30] =	vst v9;
	v9 =	vld [tilespmem:s26+$0xFFFFFF00]  }
0x16d: {  	s15 =	simm.s32 $0x4;
	v10 =	vperm.xlane v7, v10;
	v14 =	vld [tilespmem:s24+$0xFFFFFF40];
	v15 =	vmul.f32 v11, v6  }
0x16e: {  	v16 =	vld [tilespmem:s26+$0xFFFFFF80];
	[tilespmem:s23+$0xFFFFFFB0] =	vst v8;
	v8 =	vmov s15  }
0x16f: {  	s30 =	simm.s32 $0x5;
	v12 =	vmul.f32 v12, v10;
	v17 =	vld [tilespmem:s24+$0xFFFFFFC0];
	v11 =	vperm.xlane v7, v8;
	[tilespmem:s23+$0xB0] =	vst v15  }
0x170: {  	s28 =	sadd.s32 $0x200, s23;
	v8 =	vmov s30;
	v13 =	vmul.f32 v13, v3;
	v15 =	vld [tilespmem:s24+$0xC0]  }
0x171: {  	v18 =	vld [tilespmem:s26+$0x80];
	v8 =	vperm.xlane v7, v8;
	[tilespmem:s28+$0x0] =	vst v12;
	v9 =	vmul.f32 v9, v11  }
0x172: {  	s31 =	simm.s32 $0x7;
	v12 =	vld [tilespmem:s26+$0x10];
	[tilespmem:s23+$0x40] =	vst v13;
	v13 =	vmul.f32 v14, v4  }
0x173: {  	v16 =	vmul.f32 v16, v8;
	v14 =	vmov s31;
	v19 =	vld [tilespmem:s24+$0x50];
	[tilespmem:s28+$0xFFFFFF00] =	vst v9  }
0x174: {  	v9 =	vperm.xlane v7, v14;
	v14 =	vmul.f32 v17, v5;
	v17 =	vld [tilespmem:s26+$0xFFFFFF10];
	[tilespmem:s23+$0xFFFFFF40] =	vst v13  }
0x175: {  	[tilespmem:s28+$0xFFFFFF80] =	vst v16;
	v13 =	vld [tilespmem:s24+$0xFFFFFF50];
	v15 =	vmul.f32 v15, v6  }
0x176: {  	v16 =	vld [tilespmem:s26+$0xFFFFFF90];
	v18 =	vmul.f32 v18, v9;
	[tilespmem:s23+$0xFFFFFFC0] =	vst v14  }
0x177: {  	v12 =	vmul.f32 v12, v10;
	v14 =	vld [tilespmem:s24+$0xFFFFFFD0];
	[tilespmem:s23+$0xC0] =	vst v15  }
0x178: {  	[tilespmem:s28+$0x80] =	vst v18;
	v15 =	vmul.f32 v19, v3;
	v18 =	vld [tilespmem:s24+$0xD0]  }
0x179: {  	[tilespmem:s28+$0x10] =	vst v12;
	v19 =	vld [tilespmem:s26+$0x90];
	v17 =	vmul.f32 v17, v11  }
0x17a: {  	v12 =	vld [tilespmem:s26+$0x20];
	v13 =	vmul.f32 v13, v4;
	[tilespmem:s23+$0x50] =	vst v15  }
0x17b: {  	v15 =	vmul.f32 v16, v8;
	[tilespmem:s28+$0xFFFFFF10] =	vst v17;
	v16 =	vld [tilespmem:s24+$0x60]  }
0x17c: {  	v14 =	vmul.f32 v14, v5;
	v17 =	vld [tilespmem:s26+$0xFFFFFF20];
	[tilespmem:s23+$0xFFFFFF50] =	vst v13  }
0x17d: {  	[tilespmem:s28+$0xFFFFFF90] =	vst v15;
	v13 =	vld [tilespmem:s24+$0xFFFFFF60];
	v15 =	vmul.f32 v18, v6  }
0x17e: {  	v18 =	vmul.f32 v19, v9;
	v19 =	vld [tilespmem:s26+$0xFFFFFFA0];
	[tilespmem:s23+$0xFFFFFFD0] =	vst v14  }
0x17f: {  	v12 =	vmul.f32 v12, v10;
	v14 =	vld [tilespmem:s24+$0xFFFFFFE0];
	[tilespmem:s23+$0xD0] =	vst v15  }
0x180: {  	[tilespmem:s28+$0x90] =	vst v18;
	v15 =	vmul.f32 v16, v3;
	v18 =	vld [tilespmem:s24+$0xE0]  }
0x181: {  	[tilespmem:s28+$0x20] =	vst v12;
	v20 =	vld [tilespmem:s26+$0xA0];
	v16 =	vmul.f32 v17, v11  }
0x182: {  	v17 =	vld [tilespmem:s26+$0x30];
	v12 =	vmul.f32 v13, v4;
	[tilespmem:s23+$0x60] =	vst v15  }
0x183: {  	v15 =	vmul.f32 v19, v8;
	[tilespmem:s28+$0xFFFFFF20] =	vst v16;
	v13 =	vld [tilespmem:s24+$0x70]  }
0x184: {  	v19 =	vmul.f32 v14, v5;
	v16 =	vld [tilespmem:s26+$0xFFFFFF30];
	[tilespmem:s23+$0xFFFFFF60] =	vst v12  }
0x185: {  	s1 =	smov.u32 s24;
	s29 =	smov.u32 s28;
	[tilespmem:s28+$0xFFFFFFA0] =	vst v15;
	v12 =	vld [tilespmem:s24+$0xFFFFFF70];
	v14 =	vmul.f32 v18, v6  }
0x186: {  	s0 =	smov.u32 s23;
	s8 =	simm.s32 $0x8;
	s9 =	sadd.s32 $0x200, s26;
	v15 =	vld [tilespmem:s26+$0xFFFFFFB0];
	v18 =	vmul.f32 v20, v9;
	[tilespmem:s23+$0xFFFFFFE0] =	vst v19  }
.LBB2_10:
0x187: {  	p1 =	slt.u32 s8, $0xC;
	v17 =	vmul.f32 v17, v10;
	v19 =	vld [tilespmem:s1+$0xFFFFFFF0];
	[tilespmem:s0+$0xE0] =	vst v14;
	s7 =	smov.u32 s8;
	s8 =	sadd.s32 $0x4, s8  }
0x188: {  	s10 =	sadd.s32 $0x3, s7;
	[tilespmem:s28+$0xA0] =	vst v18;
	v13 =	vmul.f32 v13, v3;
	v14 =	vld [tilespmem:s1+$0xF0];
	v3 =	vmov v10;
	s1 =	smov.u32 s26;
	s26 =	smov.u32 s9  }
0x189: {  	v10 =	vmov s10;
	v16 =	vmul.f32 v16, v11;
	[tilespmem:s28+$0x30] =	vst v17;
	v17 =	vld [tilespmem:s1+$0xB0]  }
0x18a: {  	s15 =	sadd.s32 $0x2, s7;
	s10 =	sadd.s32 $0x1, s7;
	v18 =	vld [tilespmem:s9+$0x0];
	v20 =	vperm.xlane v7, v10;
	v10 =	vmul.f32 v12, v4;
	[tilespmem:s0+$0x70] =	vst v13;
	v4 =	vmov v11  }
0x18b: {  	v11 =	vmov s10;
	v12 =	vmov s15;
	[tilespmem:s28+$0xFFFFFF30] =	vst v16;
	v13 =	vmul.f32 v15, v8;
	v15 =	vld [tilespmem:s1+$0x40]  }
0x18c: {  	v16 =	vld [tilespmem:s9+$0xFFFFFF80];
	[tilespmem:s0+$0xFFFFFF70] =	vst v10;
	v19 =	vmul.f32 v19, v5;
	v5 =	vmov v8;
	v8 =	vperm.xlane v7, v11  }
0x18d: {  	s28 =	sadd.s32 $0x200, s28;
	v10 =	vperm.xlane v7, v12;
	v21 =	vld [tilespmem:s9+$0xFFFFFF00];
	[tilespmem:s29+$0xFFFFFFB0] =	vst v13;
	v11 =	vmul.f32 v14, v6;
	v6 =	vmovc v9;
	v9 =	vmov v20  }
0x18e: {  	v12 =	vld [tilespmem:s1+$0xFFFFFF40];
	v13 =	vmul.f32 v17, v6;
	[tilespmem:s0+$0xFFFFFFF0] =	vst v19  }
0x18f: {  	v14 =	vmov s7;
	v17 =	vmul.f32 v18, v10;
	v18 =	vld [tilespmem:s1+$0xFFFFFFC0];
	[tilespmem:s0+$0xF0] =	vst v11;
	s0 =	smov.u32 s29;
	s29 =	smov.u32 s28  }
0x190: {  	v11 =	vperm.xlane v7, v14;
	v14 =	vld [tilespmem:s9+$0x80];
	v15 =	vmul.f32 v15, v3;
	[tilespmem:s0+$0xB0] =	vst v13  }
0x191: {  	v13 =	vmul.f32 v16, v8;
	[tilespmem:s28+$0x0] =	vst v17;
	v16 =	vld [tilespmem:s1+$0xC0]  }
0x192: {  	v17 =	vmul.f32 v21, v11;
	v19 =	vld [tilespmem:s9+$0x10];
	[tilespmem:s0+$0x40] =	vst v15  }
0x193: {  	[tilespmem:s28+$0xFFFFFF80] =	vst v13;
	v12 =	vmul.f32 v12, v4;
	v13 =	vld [tilespmem:s1+$0x50]  }
0x194: {  	[tilespmem:s28+$0xFFFFFF00] =	vst v17;
	v15 =	vld [tilespmem:s9+$0xFFFFFF90];
	v17 =	vmul.f32 v18, v5  }
0x195: {  	v18 =	vld [tilespmem:s9+$0xFFFFFF10];
	v14 =	vmul.f32 v14, v9;
	[tilespmem:s0+$0xFFFFFF40] =	vst v12  }
0x196: {  	v12 =	vld [tilespmem:s1+$0xFFFFFF50];
	[tilespmem:s0+$0xFFFFFFC0] =	vst v17;
	v16 =	vmul.f32 v16, v6  }
0x197: {  	[tilespmem:s28+$0x80] =	vst v14;
	v14 =	vld [tilespmem:s1+$0xFFFFFFD0]  }
0x198: {  	v17 =	vmul.f32 v19, v10;
	v19 =	vld [tilespmem:s9+$0x90];
	[tilespmem:s0+$0xC0] =	vst v16  }
0x199: {  	v13 =	vmul.f32 v13, v3;
	v16 =	vld [tilespmem:s1+$0xD0]  }
0x19a: {  	v18 =	vmul.f32 v18, v11;
	[tilespmem:s28+$0x10] =	vst v17  }
0x19b: {  	v17 =	vld [tilespmem:s9+$0x20];
	v12 =	vmul.f32 v12, v4;
	[tilespmem:s0+$0x50] =	vst v13  }
0x19c: {  	v13 =	vmul.f32 v15, v8;
	[tilespmem:s28+$0xFFFFFF10] =	vst v18;
	v14 =	vmul.f32 v14, v5;
	v15 =	vld [tilespmem:s1+$0x60]  }
0x19d: {  	v18 =	vld [tilespmem:s9+$0xFFFFFF20];
	v19 =	vmul.f32 v19, v9;
	[tilespmem:s0+$0xFFFFFF50] =	vst v12  }
0x19e: {  	[tilespmem:s28+$0xFFFFFF90] =	vst v13;
	v12 =	vld [tilespmem:s1+$0xFFFFFF60];
	v13 =	vmul.f32 v16, v6  }
0x19f: {  	v16 =	vld [tilespmem:s9+$0xFFFFFFA0];
	[tilespmem:s0+$0xFFFFFFD0] =	vst v14  }
0x1a0: {  	v14 =	vmul.f32 v17, v10;
	v20 =	vld [tilespmem:s1+$0xFFFFFFE0];
	[tilespmem:s0+$0xD0] =	vst v13  }
0x1a1: {  	[tilespmem:s28+$0x90] =	vst v19;
	v13 =	vmul.f32 v15, v3;
	v15 =	vld [tilespmem:s1+$0xE0]  }
0x1a2: {  	v18 =	vmul.f32 v18, v11;
	[tilespmem:s28+$0x20] =	vst v14;
	v19 =	vld [tilespmem:s9+$0xA0]  }
.Ltmp9:
0x1a3: {  	v17 =	vld [tilespmem:s9+$0x30];
	v12 =	vmul.f32 v12, v4;
	[tilespmem:s0+$0x60] =	vst v13;
	(pc) =	sbr.rel @p1 .LBB2_10-.Ltmp9, $4  }
0x1a4: {  	[tilespmem:s28+$0xFFFFFF20] =	vst v18;
	v14 =	vmul.f32 v16, v8;
	v13 =	vld [tilespmem:s1+$0x70]  }
0x1a5: {  	v16 =	vld [tilespmem:s9+$0xFFFFFF30];
	[tilespmem:s0+$0xFFFFFF60] =	vst v12;
	v20 =	vmul.f32 v20, v5  }
0x1a6: {  	[tilespmem:s28+$0xFFFFFFA0] =	vst v14;
	v12 =	vld [tilespmem:s1+$0xFFFFFF70];
	v14 =	vmul.f32 v15, v6  }
0x1a7: {  	s9 =	sadd.s32 $0x200, s9;
	v15 =	vld [tilespmem:s26+$0xFFFFFFB0];
	v18 =	vmul.f32 v19, v9;
	[tilespmem:s0+$0xFFFFFFE0] =	vst v20  }
0x1a8: {  	_ = 	snop  }
0x1a9: {  	[tilespmem:s28+$0xA0] =	vst v18  }
0x1aa: {  	v7 =	vld [tilespmem:s26+$0xB0];
	_ =	sdelay $0x1  }
0x1ab: {  	v17 =	vmul.f32 v17, v10  }
0x1ac: {  	v16 =	vmul.f32 v16, v11  }
0x1ad: {  	[tilespmem:s28+$0x30] =	vst v17;
	v15 =	vmul.f32 v15, v8  }
0x1ae: {  	v50 =	vld [tilespmem:s26+$0x40];
	[tilespmem:s28+$0xFFFFFF30] =	vst v16;
	v7 =	vmul.f32 v7, v9  }
0x1af: {  	v51 =	vld [tilespmem:s26+$0xFFFFFF40];
	[tilespmem:s29+$0xFFFFFFB0] =	vst v15  }
0x1b0: {  	v52 =	vld [tilespmem:s26+$0xFFFFFFC0];
	[tilespmem:s29+$0xB0] =	vst v7  }
0x1b1: {  	v7 =	vld [tilespmem:s26+$0xC0];
	_ =	sdelay $0x1  }
0x1b2: {  	v16 =	vmul.f32 v50, v10  }
0x1b3: {  	v15 =	vmul.f32 v51, v11  }
0x1b4: {  	[tilespmem:s29+$0x40] =	vst v16;
	v53 =	vmul.f32 v52, v8  }
0x1b5: {  	v54 =	vld [tilespmem:s26+$0x50];
	[tilespmem:s29+$0xFFFFFF40] =	vst v15;
	v7 =	vmul.f32 v7, v9  }
0x1b6: {  	v15 =	vld [tilespmem:s26+$0xFFFFFF50];
	[tilespmem:s29+$0xFFFFFFC0] =	vst v53  }
0x1b7: {  	v16 =	vld [tilespmem:s26+$0xFFFFFFD0];
	[tilespmem:s29+$0xC0] =	vst v7  }
0x1b8: {  	v7 =	vld [tilespmem:s26+$0xD0];
	_ =	sdelay $0x1  }
0x1b9: {  	v17 =	vmul.f32 v54, v10  }
0x1ba: {  	v15 =	vmul.f32 v15, v11  }
0x1bb: {  	[tilespmem:s29+$0x50] =	vst v17;
	v16 =	vmul.f32 v16, v8  }
0x1bc: {  	v17 =	vld [tilespmem:s26+$0x60];
	[tilespmem:s29+$0xFFFFFF50] =	vst v15;
	v7 =	vmul.f32 v7, v9  }
0x1bd: {  	v15 =	vld [tilespmem:s26+$0xFFFFFF60];
	[tilespmem:s29+$0xFFFFFFD0] =	vst v16  }
0x1be: {  	v16 =	vld [tilespmem:s26+$0xFFFFFFE0];
	[tilespmem:s29+$0xD0] =	vst v7  }
0x1bf: {  	v7 =	vld [tilespmem:s26+$0xE0];
	_ =	sdelay $0x1  }
0x1c0: {  	v17 =	vmul.f32 v17, v10  }
0x1c1: {  	v55 =	vld [tilespmem:s1+$0xFFFFFFF0];
	[tilespmem:s0+$0xE0] =	vst v14;
	v56 =	vmul.f32 v15, v11  }
0x1c2: {  	v57 =	vld [tilespmem:s1+$0xF0];
	[tilespmem:s29+$0x60] =	vst v17;
	v16 =	vmul.f32 v16, v8  }
0x1c3: {  	v17 =	vld [tilespmem:s26+$0x70];
	[tilespmem:s29+$0xFFFFFF60] =	vst v56;
	v7 =	vmul.f32 v7, v9  }
0x1c4: {  	v3 =	vmul.f32 v13, v3;
	v58 =	vld [tilespmem:s26+$0xFFFFFF70];
	[tilespmem:s29+$0xFFFFFFE0] =	vst v16  }
0x1c5: {  	v4 =	vmul.f32 v12, v4;
	v59 =	vld [tilespmem:s26+$0xFFFFFFF0];
	[tilespmem:s29+$0xE0] =	vst v7  }
0x1c6: {  	[tilespmem:s0+$0x70] =	vst v3;
	v3 =	vmul.f32 v55, v5;
	v60 =	vld [tilespmem:s26+$0xF0]  }
0x1c7: {  	s25 =	sadd.s32 $0x1, s25;
	[tilespmem:s0+$0xFFFFFF70] =	vst v4;
	v61 =	vmul.f32 v57, v6  }
0x1c8: {  	p1 =	sne.s32 s25, $0xC;
	[tilespmem:s0+$0xFFFFFFF0] =	vst v3;
	v3 =	vmul.f32 v17, v10  }
.Ltmp10:
0x1c9: {  	[tilespmem:s0+$0xF0] =	vst v61;
	v62 =	vmul.f32 v58, v11;
	(pc) =	sbr.rel @p1 .LBB2_9-.Ltmp10, $4  }
0x1ca: {  	[tilespmem:s29+$0x70] =	vst v3;
	v3 =	vmul.f32 v59, v8  }
0x1cb: {  	[tilespmem:s29+$0xFFFFFF70] =	vst v62;
	v63 =	vmul.f32 v60, v9  }
0x1cc: {  	[tilespmem:s29+$0xFFFFFFF0] =	vst v3  }
0x1cd: {  	s23 =	sadd.s32 $0x800, s23;
	s24 =	sadd.s32 $0x800, s24;
	[tilespmem:s29+$0xF0] =	vst v63  }
0x1ce: {  	s0 =	smul.u32 $0x6000, s20  }
.Ltmp11:
0x1cf: {  	_ = 	snop;
	(pc) =	sbr.rel .LBB2_13-.Ltmp11, $4  }
0x1d0: {  	_ = 	snop  }
0x1d1: {  	s0 =	sshrl.u32 s0, $0x3  }
0x1d2: {  	s0 =	sadd.s32 s3, s0  }
0x1d3: {  	[hbm4b:s0+s4] =	stream.linear.scatter [tilespmem:s14], [sflag:$0x4], $0x6000, $0x38;
	[tilespmem:$0x18000] =	vst v63  }
.LBB2_15:
0x1d4: {  	s19 =	simm.s32 $0x0;
	s0 =	rddreg [dreg:$0x4];
	s31 =	simm.s32 $0x5  }
0x1d5: {  	[tilespmem:s19], [sflag:$0x5] =	stream.linear.gather [hbm4b:s0+s19], $0x5000, $0x38;
	[tilespmem:$0x18000] =	vst v63  }
0x1d6: {  	_ =	swait.ge [sflag:s31], $0x5000  }
0x1d7: {  	s20 =	simm.s32 $0xC100;
	[sflag:s31] =	ssyncset.done $0x0  }
0x1d8: {  	s21 =	simm.s32 $0x100;
	s22 =	simm.s32 $0x0;
	[sflag:s31] =	ssyncadd.s32 $0xFFFFB000  }
.LBB2_16:
0x1d9: {  	s0 =	sshll.u32 s22, $0x4  }
0x1da: {  	s0 =	sor.u32 $0x18600, s0  }
0x1db: {  	v3 =	vadd.s32 s0, v0  }
0x1dc: {  	v3 =	vshll.u32 v3, $0xD  }
0x1dd: {  	v4 =	vadd.s32 s0, v1;
	v3 =	vor.u32 $0x15BA, v3  }
0x1de: {  	v3 =	vxor.u32 v4, v3  }
0x1df: {  	v5 =	vshrl.u32 v3, $0x11;
	v6 =	vshll.u32 v3, $0xF  }
0x1e0: {  	v3 =	vadd.s32 v4, v3;
	v4 =	vor.u32 v5, v6  }
0x1e1: {  	v4 =	vxor.u32 v3, v4  }
0x1e2: {  	v5 =	vshrl.u32 v4, $0x6;
	v6 =	vshll.u32 v4, $0x1A  }
0x1e3: {  	v3 =	vadd.s32 v3, v4;
	v4 =	vor.u32 v5, v6  }
0x1e4: {  	v4 =	vxor.u32 v3, v4  }
0x1e5: {  	v5 =	vshrl.u32 v4, $0x1A;
	v6 =	vshll.u32 v4, $0x6  }
0x1e6: {  	v3 =	vadd.s32 v3, v4;
	v4 =	vor.u32 v5, v6  }
0x1e7: {  	v4 =	vxor.u32 v3, v4  }
0x1e8: {  	v4 =	vadd.s32 $0xB5D62B04, v4  }
0x1e9: {  	v3 =	vadd.s32 v4, v3;
	v5 =	vshrl.u32 v4, $0xF;
	v4 =	vshll.u32 v4, $0x11  }
0x1ea: {  	v3 =	vadd.s32 $0xADD083F4, v3;
	v4 =	vor.u32 v5, v4  }
0x1eb: {  	v4 =	vxor.u32 v3, v4  }
0x1ec: {  	v5 =	vshrl.u32 v4, $0x3;
	v6 =	vshll.u32 v4, $0x1D  }
0x1ed: {  	v3 =	vadd.s32 v3, v4;
	v4 =	vor.u32 v5, v6  }
0x1ee: {  	v4 =	vxor.u32 v3, v4  }
0x1ef: {  	v5 =	vshrl.u32 v4, $0x10;
	v6 =	vshll.u32 v4, $0x10  }
0x1f0: {  	v3 =	vadd.s32 v3, v4;
	v4 =	vor.u32 v5, v6  }
0x1f1: {  	v4 =	vxor.u32 v3, v4  }
0x1f2: {  	v5 =	vshrl.u32 v4, $0x8;
	v6 =	vshll.u32 v4, $0x18  }
0x1f3: {  	v3 =	vadd.s32 v3, v4;
	v4 =	vor.u32 v5, v6  }
0x1f4: {  	v4 =	vxor.u32 v3, v4  }
0x1f5: {  	v4 =	vadd.s32 $0x3D7B32F, v4  }
0x1f6: {  	v3 =	vadd.s32 v4, v3;
	v5 =	vshrl.u32 v4, $0x13;
	v4 =	vshll.u32 v4, $0xD  }
0x1f7: {  	v3 =	vadd.s32 $0xB5D62B03, v3;
	v4 =	vor.u32 v5, v4  }
0x1f8: {  	v4 =	vxor.u32 v3, v4  }
0x1f9: {  	v5 =	vshrl.u32 v4, $0x11;
	v6 =	vshll.u32 v4, $0xF  }
0x1fa: {  	v3 =	vadd.s32 v3, v4;
	v4 =	vor.u32 v5, v6  }
0x1fb: {  	v4 =	vxor.u32 v3, v4  }
0x1fc: {  	v5 =	vshrl.u32 v4, $0x6;
	v6 =	vshll.u32 v4, $0x1A  }
0x1fd: {  	v3 =	vadd.s32 v3, v4;
	v4 =	vor.u32 v5, v6  }
0x1fe: {  	v4 =	vxor.u32 v3, v4  }
0x1ff: {  	v5 =	vshrl.u32 v4, $0x1A;
	v6 =	vshll.u32 v4, $0x6  }
0x200: {  	v3 =	vadd.s32 v3, v4;
	v4 =	vor.u32 v5, v6  }
0x201: {  	v4 =	vxor.u32 v3, v4  }
0x202: {  	v4 =	vadd.s32 $0xADD083F7, v4  }
0x203: {  	v3 =	vadd.s32 v4, v3;
	v5 =	vshrl.u32 v4, $0xF;
	v4 =	vshll.u32 v4, $0x11  }
0x204: {  	v3 =	vadd.s32 $0x3D7B32D, v3;
	v4 =	vor.u32 v5, v4  }
0x205: {  	v4 =	vxor.u32 v3, v4  }
0x206: {  	v5 =	vshrl.u32 v4, $0x3;
	v6 =	vshll.u32 v4, $0x1D  }
0x207: {  	v3 =	vadd.s32 v3, v4;
	v4 =	vor.u32 v5, v6  }
0x208: {  	v4 =	vxor.u32 v3, v4  }
0x209: {  	v5 =	vshrl.u32 v4, $0x10;
	v6 =	vshll.u32 v4, $0x10  }
0x20a: {  	v3 =	vadd.s32 v3, v4;
	v4 =	vor.u32 v5, v6  }
0x20b: {  	v4 =	vxor.u32 v3, v4  }
0x20c: {  	v5 =	vshrl.u32 v4, $0x8;
	v6 =	vshll.u32 v4, $0x18  }
0x20d: {  	v3 =	vadd.s32 v3, v4;
	v4 =	vor.u32 v5, v6  }
0x20e: {  	v4 =	vxor.u32 v3, v4  }
0x20f: {  	v4 =	vadd.s32 $0xB5D62B07, v4  }
0x210: {  	v3 =	vadd.s32 v4, v3;
	v5 =	vshrl.u32 v4, $0x13;
	v4 =	vshll.u32 v4, $0xD  }
0x211: {  	v3 =	vadd.s32 $0xADD083F4, v3;
	v4 =	vor.u32 v5, v4  }
0x212: {  	v4 =	vxor.u32 v3, v4  }
0x213: {  	v5 =	vshrl.u32 v4, $0x11;
	v6 =	vshll.u32 v4, $0xF  }
0x214: {  	v3 =	vadd.s32 v3, v4;
	v4 =	vor.u32 v5, v6  }
0x215: {  	v4 =	vxor.u32 v3, v4  }
0x216: {  	v5 =	vshrl.u32 v4, $0x6;
	v6 =	vshll.u32 v4, $0x1A  }
0x217: {  	v3 =	vadd.s32 v3, v4;
	v4 =	vor.u32 v5, v6  }
0x218: {  	v4 =	vxor.u32 v3, v4  }
0x219: {  	v5 =	vshrl.u32 v4, $0x1A;
	v6 =	vshll.u32 v4, $0x6  }
0x21a: {  	v3 =	vadd.s32 v3, v4;
	v4 =	vor.u32 v5, v6  }
0x21b: {  	v4 =	vxor.u32 v3, v4  }
0x21c: {  	v3 =	vadd.s32 $0xB5D62B03, v3;
	v4 =	vadd.s32 $0x3D7B332, v4  }
0x21d: {  	v3 =	vxor.u32 v3, v4;
	v4 =	vld [tilespmem:s21+$0x0]  }
0x21e: {  	s25 =	simm.s32 $0x2;
	vm0 =	vlt.u32 v3, $0x33333400  }
0x21f: {  	v6 =	vld [tilespmem:s21+$0xFFFFFF00];
	v3 =	vmov s25;
	v7 =	vsel vm0, $0x0, v2  }
0x220: {  	v3 =	vperm.xlane v7, v3  }
0x221: {  	v8 =	vld [tilespmem:s21+$0xFFFFFF80];
	v5 =	vmov s19  }
0x222: {  	s26 =	simm.s32 $0x1;
	v10 =	vld [tilespmem:s21+$0x80];
	v9 =	vmul.f32 v4, v3;
	v4 =	vperm.xlane v7, v5  }
0x223: {  	s1 =	simm.s32 $0x3;
	v5 =	vmov s26  }
0x224: {  	v11 =	vmov s1;
	v5 =	vperm.xlane v7, v5;
	[tilespmem:s20+$0x0] =	vst v9;
	v9 =	vmul.f32 v6, v4  }
0x225: {  	v6 =	vperm.xlane v7, v11;
	v11 =	vld [tilespmem:s21+$0x10]  }
0x226: {  	v8 =	vmul.f32 v8, v5;
	[tilespmem:s20+$0xFFFFFF00] =	vst v9  }
0x227: {  	v10 =	vmul.f32 v10, v6;
	v9 =	vld [tilespmem:s21+$0xFFFFFF10]  }
0x228: {  	[tilespmem:s20+$0xFFFFFF80] =	vst v8  }
0x229: {  	v8 =	vld [tilespmem:s21+$0xFFFFFF90];
	[tilespmem:s20+$0x80] =	vst v10  }
0x22a: {  	v10 =	vmul.f32 v11, v3;
	v11 =	vld [tilespmem:s21+$0x90];
	_ =	sdelay $0x1  }
0x22b: {  	v9 =	vmul.f32 v9, v4;
	[tilespmem:s20+$0x10] =	vst v10  }
0x22c: {  	v10 =	vld [tilespmem:s21+$0x20]  }
0x22d: {  	v8 =	vmul.f32 v8, v5;
	[tilespmem:s20+$0xFFFFFF10] =	vst v9  }
0x22e: {  	v9 =	vld [tilespmem:s21+$0xFFFFFF20];
	v11 =	vmul.f32 v11, v6  }
0x22f: {  	[tilespmem:s20+$0xFFFFFF90] =	vst v8  }
0x230: {  	v8 =	vld [tilespmem:s21+$0xFFFFFFA0];
	[tilespmem:s20+$0x90] =	vst v11  }
0x231: {  	v10 =	vmul.f32 v10, v3;
	v11 =	vld [tilespmem:s21+$0xA0];
	_ =	sdelay $0x1  }
0x232: {  	v9 =	vmul.f32 v9, v4;
	[tilespmem:s20+$0x20] =	vst v10  }
0x233: {  	v10 =	vld [tilespmem:s21+$0x30]  }
0x234: {  	v8 =	vmul.f32 v8, v5;
	[tilespmem:s20+$0xFFFFFF20] =	vst v9  }
0x235: {  	v9 =	vld [tilespmem:s21+$0xFFFFFF30];
	v11 =	vmul.f32 v11, v6  }
0x236: {  	[tilespmem:s20+$0xFFFFFFA0] =	vst v8  }
0x237: {  	v8 =	vld [tilespmem:s21+$0xFFFFFFB0];
	[tilespmem:s20+$0xA0] =	vst v11  }
0x238: {  	v10 =	vmul.f32 v10, v3;
	v11 =	vld [tilespmem:s21+$0xB0]  }
0x239: {  	s23 =	sadd.s32 $0x200, s21  }
0x23a: {  	v12 =	vld [tilespmem:s23+$0x0];
	v9 =	vmul.f32 v9, v4;
	[tilespmem:s20+$0x30] =	vst v10  }
0x23b: {  	s28 =	simm.s32 $0x6;
	v13 =	vld [tilespmem:s21+$0x40]  }
0x23c: {  	v10 =	vmov s28;
	v8 =	vmul.f32 v8, v5;
	[tilespmem:s20+$0xFFFFFF30] =	vst v9;
	v9 =	vld [tilespmem:s23+$0xFFFFFF00]  }
0x23d: {  	s29 =	simm.s32 $0x4;
	v10 =	vperm.xlane v7, v10;
	v14 =	vld [tilespmem:s21+$0xFFFFFF40];
	v15 =	vmul.f32 v11, v6  }
0x23e: {  	v16 =	vld [tilespmem:s23+$0xFFFFFF80];
	[tilespmem:s20+$0xFFFFFFB0] =	vst v8;
	v8 =	vmov s29  }
0x23f: {  	s30 =	simm.s32 $0x5;
	v12 =	vmul.f32 v12, v10;
	v17 =	vld [tilespmem:s21+$0xFFFFFFC0];
	v11 =	vperm.xlane v7, v8;
	[tilespmem:s20+$0xB0] =	vst v15  }
0x240: {  	s24 =	sadd.s32 $0x200, s20;
	v8 =	vmov s30;
	v13 =	vmul.f32 v13, v3;
	v15 =	vld [tilespmem:s21+$0xC0]  }
0x241: {  	v18 =	vld [tilespmem:s23+$0x80];
	v8 =	vperm.xlane v7, v8;
	[tilespmem:s24+$0x0] =	vst v12;
	v9 =	vmul.f32 v9, v11  }
0x242: {  	s31 =	simm.s32 $0x7;
	v12 =	vld [tilespmem:s23+$0x10];
	[tilespmem:s20+$0x40] =	vst v13;
	v13 =	vmul.f32 v14, v4  }
0x243: {  	v16 =	vmul.f32 v16, v8;
	v14 =	vmov s31;
	v19 =	vld [tilespmem:s21+$0x50];
	[tilespmem:s24+$0xFFFFFF00] =	vst v9  }
0x244: {  	v9 =	vperm.xlane v7, v14;
	v14 =	vmul.f32 v17, v5;
	v17 =	vld [tilespmem:s23+$0xFFFFFF10];
	[tilespmem:s20+$0xFFFFFF40] =	vst v13  }
0x245: {  	[tilespmem:s24+$0xFFFFFF80] =	vst v16;
	v13 =	vld [tilespmem:s21+$0xFFFFFF50];
	v15 =	vmul.f32 v15, v6  }
0x246: {  	v16 =	vld [tilespmem:s23+$0xFFFFFF90];
	v18 =	vmul.f32 v18, v9;
	[tilespmem:s20+$0xFFFFFFC0] =	vst v14  }
0x247: {  	v12 =	vmul.f32 v12, v10;
	v14 =	vld [tilespmem:s21+$0xFFFFFFD0];
	[tilespmem:s20+$0xC0] =	vst v15  }
0x248: {  	[tilespmem:s24+$0x80] =	vst v18;
	v15 =	vmul.f32 v19, v3;
	v18 =	vld [tilespmem:s21+$0xD0]  }
0x249: {  	[tilespmem:s24+$0x10] =	vst v12;
	v19 =	vld [tilespmem:s23+$0x90];
	v17 =	vmul.f32 v17, v11  }
0x24a: {  	v12 =	vld [tilespmem:s23+$0x20];
	v13 =	vmul.f32 v13, v4;
	[tilespmem:s20+$0x50] =	vst v15  }
0x24b: {  	v15 =	vmul.f32 v16, v8;
	[tilespmem:s24+$0xFFFFFF10] =	vst v17;
	v16 =	vld [tilespmem:s21+$0x60]  }
0x24c: {  	v14 =	vmul.f32 v14, v5;
	v17 =	vld [tilespmem:s23+$0xFFFFFF20];
	[tilespmem:s20+$0xFFFFFF50] =	vst v13  }
0x24d: {  	[tilespmem:s24+$0xFFFFFF90] =	vst v15;
	v13 =	vld [tilespmem:s21+$0xFFFFFF60];
	v15 =	vmul.f32 v18, v6  }
0x24e: {  	v18 =	vmul.f32 v19, v9;
	v19 =	vld [tilespmem:s23+$0xFFFFFFA0];
	[tilespmem:s20+$0xFFFFFFD0] =	vst v14  }
0x24f: {  	v12 =	vmul.f32 v12, v10;
	v14 =	vld [tilespmem:s21+$0xFFFFFFE0];
	[tilespmem:s20+$0xD0] =	vst v15  }
0x250: {  	[tilespmem:s24+$0x90] =	vst v18;
	v15 =	vmul.f32 v16, v3;
	v18 =	vld [tilespmem:s21+$0xE0]  }
0x251: {  	[tilespmem:s24+$0x20] =	vst v12;
	v20 =	vld [tilespmem:s23+$0xA0];
	v16 =	vmul.f32 v17, v11  }
0x252: {  	v17 =	vld [tilespmem:s23+$0x30];
	v12 =	vmul.f32 v13, v4;
	[tilespmem:s20+$0x60] =	vst v15  }
0x253: {  	v15 =	vmul.f32 v19, v8;
	[tilespmem:s24+$0xFFFFFF20] =	vst v16;
	v13 =	vld [tilespmem:s21+$0x70]  }
0x254: {  	v19 =	vmul.f32 v14, v5;
	v16 =	vld [tilespmem:s23+$0xFFFFFF30];
	[tilespmem:s20+$0xFFFFFF60] =	vst v12  }
0x255: {  	s8 =	simm.s32 $0x8;
	s9 =	sadd.s32 $0x200, s23;
	[tilespmem:s24+$0xFFFFFFA0] =	vst v15;
	v12 =	vld [tilespmem:s21+$0xFFFFFF70];
	v14 =	vmul.f32 v18, v6  }
0x256: {  	s1 =	smov.u32 s21;
	s0 =	smov.u32 s20;
	s25 =	smov.u32 s24;
	v15 =	vld [tilespmem:s23+$0xFFFFFFB0];
	v18 =	vmul.f32 v20, v9;
	[tilespmem:s20+$0xFFFFFFE0] =	vst v19  }
.LBB2_17:
0x257: {  	p1 =	slt.u32 s8, $0xC;
	v17 =	vmul.f32 v17, v10;
	v19 =	vld [tilespmem:s1+$0xFFFFFFF0];
	[tilespmem:s0+$0xE0] =	vst v14;
	s7 =	smov.u32 s8;
	s8 =	sadd.s32 $0x4, s8  }
0x258: {  	s10 =	sadd.s32 $0x3, s7;
	[tilespmem:s24+$0xA0] =	vst v18;
	v13 =	vmul.f32 v13, v3;
	v14 =	vld [tilespmem:s1+$0xF0];
	v3 =	vmov v10;
	s1 =	smov.u32 s23;
	s23 =	smov.u32 s9  }
0x259: {  	v10 =	vmov s10;
	v16 =	vmul.f32 v16, v11;
	[tilespmem:s24+$0x30] =	vst v17;
	v17 =	vld [tilespmem:s1+$0xB0]  }
0x25a: {  	s15 =	sadd.s32 $0x2, s7;
	s10 =	sadd.s32 $0x1, s7;
	v18 =	vld [tilespmem:s9+$0x0];
	v20 =	vperm.xlane v7, v10;
	v10 =	vmul.f32 v12, v4;
	[tilespmem:s0+$0x70] =	vst v13;
	v4 =	vmov v11  }
0x25b: {  	v11 =	vmov s10;
	v12 =	vmov s15;
	[tilespmem:s24+$0xFFFFFF30] =	vst v16;
	v13 =	vmul.f32 v15, v8;
	v15 =	vld [tilespmem:s1+$0x40]  }
0x25c: {  	v16 =	vld [tilespmem:s9+$0xFFFFFF80];
	[tilespmem:s0+$0xFFFFFF70] =	vst v10;
	v19 =	vmul.f32 v19, v5;
	v5 =	vmov v8;
	v8 =	vperm.xlane v7, v11  }
0x25d: {  	s24 =	sadd.s32 $0x200, s24;
	v10 =	vperm.xlane v7, v12;
	v21 =	vld [tilespmem:s9+$0xFFFFFF00];
	[tilespmem:s25+$0xFFFFFFB0] =	vst v13;
	v11 =	vmul.f32 v14, v6;
	v6 =	vmovc v9;
	v9 =	vmov v20  }
0x25e: {  	v12 =	vld [tilespmem:s1+$0xFFFFFF40];
	v13 =	vmul.f32 v17, v6;
	[tilespmem:s0+$0xFFFFFFF0] =	vst v19  }
0x25f: {  	v14 =	vmov s7;
	v17 =	vmul.f32 v18, v10;
	v18 =	vld [tilespmem:s1+$0xFFFFFFC0];
	[tilespmem:s0+$0xF0] =	vst v11;
	s0 =	smov.u32 s25;
	s25 =	smov.u32 s24  }
0x260: {  	v11 =	vperm.xlane v7, v14;
	v14 =	vld [tilespmem:s9+$0x80];
	v15 =	vmul.f32 v15, v3;
	[tilespmem:s0+$0xB0] =	vst v13  }
0x261: {  	v13 =	vmul.f32 v16, v8;
	[tilespmem:s24+$0x0] =	vst v17;
	v16 =	vld [tilespmem:s1+$0xC0]  }
0x262: {  	v17 =	vmul.f32 v21, v11;
	v19 =	vld [tilespmem:s9+$0x10];
	[tilespmem:s0+$0x40] =	vst v15  }
0x263: {  	[tilespmem:s24+$0xFFFFFF80] =	vst v13;
	v12 =	vmul.f32 v12, v4;
	v13 =	vld [tilespmem:s1+$0x50]  }
0x264: {  	[tilespmem:s24+$0xFFFFFF00] =	vst v17;
	v15 =	vld [tilespmem:s9+$0xFFFFFF90];
	v17 =	vmul.f32 v18, v5  }
0x265: {  	v18 =	vld [tilespmem:s9+$0xFFFFFF10];
	v14 =	vmul.f32 v14, v9;
	[tilespmem:s0+$0xFFFFFF40] =	vst v12  }
0x266: {  	v12 =	vld [tilespmem:s1+$0xFFFFFF50];
	[tilespmem:s0+$0xFFFFFFC0] =	vst v17;
	v16 =	vmul.f32 v16, v6  }
0x267: {  	[tilespmem:s24+$0x80] =	vst v14;
	v14 =	vld [tilespmem:s1+$0xFFFFFFD0]  }
0x268: {  	v17 =	vmul.f32 v19, v10;
	v19 =	vld [tilespmem:s9+$0x90];
	[tilespmem:s0+$0xC0] =	vst v16  }
0x269: {  	v13 =	vmul.f32 v13, v3;
	v16 =	vld [tilespmem:s1+$0xD0]  }
0x26a: {  	v18 =	vmul.f32 v18, v11;
	[tilespmem:s24+$0x10] =	vst v17  }
0x26b: {  	v17 =	vld [tilespmem:s9+$0x20];
	v12 =	vmul.f32 v12, v4;
	[tilespmem:s0+$0x50] =	vst v13  }
0x26c: {  	v13 =	vmul.f32 v15, v8;
	[tilespmem:s24+$0xFFFFFF10] =	vst v18;
	v14 =	vmul.f32 v14, v5;
	v15 =	vld [tilespmem:s1+$0x60]  }
0x26d: {  	v18 =	vld [tilespmem:s9+$0xFFFFFF20];
	v19 =	vmul.f32 v19, v9;
	[tilespmem:s0+$0xFFFFFF50] =	vst v12  }
0x26e: {  	[tilespmem:s24+$0xFFFFFF90] =	vst v13;
	v12 =	vld [tilespmem:s1+$0xFFFFFF60];
	v13 =	vmul.f32 v16, v6  }
0x26f: {  	v16 =	vld [tilespmem:s9+$0xFFFFFFA0];
	[tilespmem:s0+$0xFFFFFFD0] =	vst v14  }
0x270: {  	v14 =	vmul.f32 v17, v10;
	v20 =	vld [tilespmem:s1+$0xFFFFFFE0];
	[tilespmem:s0+$0xD0] =	vst v13  }
0x271: {  	[tilespmem:s24+$0x90] =	vst v19;
	v13 =	vmul.f32 v15, v3;
	v15 =	vld [tilespmem:s1+$0xE0]  }
0x272: {  	v18 =	vmul.f32 v18, v11;
	[tilespmem:s24+$0x20] =	vst v14;
	v19 =	vld [tilespmem:s9+$0xA0]  }
.Ltmp12:
0x273: {  	v17 =	vld [tilespmem:s9+$0x30];
	v12 =	vmul.f32 v12, v4;
	[tilespmem:s0+$0x60] =	vst v13;
	(pc) =	sbr.rel @p1 .LBB2_17-.Ltmp12, $4  }
0x274: {  	[tilespmem:s24+$0xFFFFFF20] =	vst v18;
	v14 =	vmul.f32 v16, v8;
	v13 =	vld [tilespmem:s1+$0x70]  }
0x275: {  	v16 =	vld [tilespmem:s9+$0xFFFFFF30];
	[tilespmem:s0+$0xFFFFFF60] =	vst v12;
	v20 =	vmul.f32 v20, v5  }
0x276: {  	[tilespmem:s24+$0xFFFFFFA0] =	vst v14;
	v12 =	vld [tilespmem:s1+$0xFFFFFF70];
	v14 =	vmul.f32 v15, v6  }
0x277: {  	s9 =	sadd.s32 $0x200, s9;
	v15 =	vld [tilespmem:s23+$0xFFFFFFB0];
	v18 =	vmul.f32 v19, v9;
	[tilespmem:s0+$0xFFFFFFE0] =	vst v20  }
0x278: {  	_ = 	snop  }
0x279: {  	[tilespmem:s24+$0xA0] =	vst v18  }
0x27a: {  	v7 =	vld [tilespmem:s23+$0xB0];
	_ =	sdelay $0x1  }
0x27b: {  	v17 =	vmul.f32 v17, v10  }
0x27c: {  	v16 =	vmul.f32 v16, v11  }
0x27d: {  	[tilespmem:s24+$0x30] =	vst v17;
	v15 =	vmul.f32 v15, v8  }
0x27e: {  	v50 =	vld [tilespmem:s23+$0x40];
	[tilespmem:s24+$0xFFFFFF30] =	vst v16;
	v7 =	vmul.f32 v7, v9  }
0x27f: {  	v51 =	vld [tilespmem:s23+$0xFFFFFF40];
	[tilespmem:s25+$0xFFFFFFB0] =	vst v15  }
0x280: {  	v52 =	vld [tilespmem:s23+$0xFFFFFFC0];
	[tilespmem:s25+$0xB0] =	vst v7  }
0x281: {  	v7 =	vld [tilespmem:s23+$0xC0];
	_ =	sdelay $0x1  }
0x282: {  	v16 =	vmul.f32 v50, v10  }
0x283: {  	v15 =	vmul.f32 v51, v11  }
0x284: {  	[tilespmem:s25+$0x40] =	vst v16;
	v53 =	vmul.f32 v52, v8  }
0x285: {  	v54 =	vld [tilespmem:s23+$0x50];
	[tilespmem:s25+$0xFFFFFF40] =	vst v15;
	v7 =	vmul.f32 v7, v9  }
0x286: {  	v15 =	vld [tilespmem:s23+$0xFFFFFF50];
	[tilespmem:s25+$0xFFFFFFC0] =	vst v53  }
0x287: {  	v16 =	vld [tilespmem:s23+$0xFFFFFFD0];
	[tilespmem:s25+$0xC0] =	vst v7  }
0x288: {  	v7 =	vld [tilespmem:s23+$0xD0];
	_ =	sdelay $0x1  }
0x289: {  	v17 =	vmul.f32 v54, v10  }
0x28a: {  	v15 =	vmul.f32 v15, v11  }
0x28b: {  	[tilespmem:s25+$0x50] =	vst v17;
	v16 =	vmul.f32 v16, v8  }
0x28c: {  	v17 =	vld [tilespmem:s23+$0x60];
	[tilespmem:s25+$0xFFFFFF50] =	vst v15;
	v7 =	vmul.f32 v7, v9  }
0x28d: {  	v15 =	vld [tilespmem:s23+$0xFFFFFF60];
	[tilespmem:s25+$0xFFFFFFD0] =	vst v16  }
0x28e: {  	v16 =	vld [tilespmem:s23+$0xFFFFFFE0];
	[tilespmem:s25+$0xD0] =	vst v7  }
0x28f: {  	v7 =	vld [tilespmem:s23+$0xE0];
	_ =	sdelay $0x1  }
0x290: {  	v17 =	vmul.f32 v17, v10  }
0x291: {  	v55 =	vld [tilespmem:s1+$0xFFFFFFF0];
	[tilespmem:s0+$0xE0] =	vst v14;
	v56 =	vmul.f32 v15, v11  }
0x292: {  	v57 =	vld [tilespmem:s1+$0xF0];
	[tilespmem:s25+$0x60] =	vst v17;
	v16 =	vmul.f32 v16, v8  }
0x293: {  	v17 =	vld [tilespmem:s23+$0x70];
	[tilespmem:s25+$0xFFFFFF60] =	vst v56;
	v7 =	vmul.f32 v7, v9  }
0x294: {  	v3 =	vmul.f32 v13, v3;
	v58 =	vld [tilespmem:s23+$0xFFFFFF70];
	[tilespmem:s25+$0xFFFFFFE0] =	vst v16  }
0x295: {  	v4 =	vmul.f32 v12, v4;
	v59 =	vld [tilespmem:s23+$0xFFFFFFF0];
	[tilespmem:s25+$0xE0] =	vst v7  }
0x296: {  	[tilespmem:s0+$0x70] =	vst v3;
	v3 =	vmul.f32 v55, v5;
	v60 =	vld [tilespmem:s23+$0xF0]  }
0x297: {  	s22 =	sadd.s32 $0x1, s22;
	[tilespmem:s0+$0xFFFFFF70] =	vst v4;
	v61 =	vmul.f32 v57, v6  }
0x298: {  	p1 =	sne.s32 s22, $0xA;
	[tilespmem:s0+$0xFFFFFFF0] =	vst v3;
	v3 =	vmul.f32 v17, v10  }
.Ltmp13:
0x299: {  	[tilespmem:s0+$0xF0] =	vst v61;
	v62 =	vmul.f32 v58, v11;
	(pc) =	sbr.rel @p1 .LBB2_16-.Ltmp13, $4  }
0x29a: {  	[tilespmem:s25+$0x70] =	vst v3;
	v3 =	vmul.f32 v59, v8  }
0x29b: {  	[tilespmem:s25+$0xFFFFFF70] =	vst v62;
	v63 =	vmul.f32 v60, v9  }
0x29c: {  	[tilespmem:s25+$0xFFFFFFF0] =	vst v3  }
0x29d: {  	s20 =	sadd.s32 $0x800, s20;
	s21 =	sadd.s32 $0x800, s21;
	[tilespmem:s25+$0xF0] =	vst v63  }
.Ltmp14:
0x29e: {  	s0 =	rddreg [dreg:$0x5];
	s31 =	simm.s32 $0x5;
	(pc) =	sbr.rel .LBB2_20-.Ltmp14, $4  }
0x29f: {  	[hbm4b:s0+s4] =	stream.linear.scatter [tilespmem:s16], [sflag:$0x5], $0x5000, $0x38;
	[tilespmem:$0x18000] =	vst v63  }
0x2a0: {  	_ =	swait.ge [sflag:s31], $0x5000  }
0x2a1: {  	[sflag:s31] =	ssyncset.done $0x0  }
0x2a2: {  	[sflag:s31] =	ssyncadd.s32 $0xFFFFB000  }
.LBB2_21:
0x2a3: {  	_ =	sfence.sel $0x180000  }
0x2a4: {  	[bflag:$0x0] =	sbarrier.arrive $0xFFFF  }
0x2a5: {  	_ =	strace $0x90000047  }
0x2a6: {  	s0 =	stileid.u32;
	[bflag:$0x2] =	sbarrier.arrive $0xFFFF  }
0x2a7: {  	p0 =	sne.s32 s0, $0x0;
	s0 =	rddreg [dreg:$0x2]  }
0x2a8: {  	s0 =	sadd.s32 @!p0 $0x100000, s0  }
0x2a9: {  	[sflag:s0] =	ssyncadd.tile.s32 @!p0 $0x1;
	_ =	shalt  }
.Lfunc_end2:
_tile_overlayer_lowered:
.L_overlay_start_2:
0x2aa: {  	(tag) =	ssettag $0x2  }
0x2ab: {  	s0 =	rddreg [dreg:$0x0];
	s2 =	stileid.u32  }
0x2ac: {  	s1 =	rddreg [dreg:$0x1];
	p0 =	sne.s32 s2, $0x0  }
0x2ad: {  	s3 =	rddreg [dreg:$0x2];
	[bflag:$0x3] =	sbarrier.arrive $0xFFFF;
	s2 =	simm.s32 @!p0 $0x1C05  }
0x2ae: {  	[timem:s3], [sflag:s2] =	dma.local @!p0 [hbm:s0], s1  }
0x2af: {  	s0 =	simm.s32 @!p0 $0x5  }
0x2b0: {  	_ =	swait.ge @!p0 [sflag:s0], s1  }
0x2b1: {  	s1 =	ssub.s32 @!p0 $0x0, s1;
	[sflag:s0] =	ssyncset.done @!p0 $0x0  }
0x2b2: {  	[sflag:s0] =	ssyncadd.s32 @!p0 s1  }
0x2b3: {  	[bflag:$0x3] =	sbarrier.arrive $0xFFFF  }
0x2b4: {  	_ =	shalt  }

</sc_bundles>
